<compile_context>
chip_gen: v7x
topology: tpu7x:2x2x1
jax: 0.10.2.dev20260603
libtpu: 0.0.44.dev20260713+nightly
codegen_flags: <defaults>
</compile_context>

<pallas_src>
import jax
import jax.numpy as jnp
from jax import lax
from jax.experimental import pallas as pl
from jax.experimental.pallas import tpu as pltpu
from jax.experimental.pallas import tpu_sc as plsc

_N = 10000
_B = 256
_DZ = 128
_DU = 64
_DH = 256

_NS = 16

_CHUNK = 80
_WCHUNKS = 8
_RPW = _WCHUNKS * _CHUNK
_TAIL_CHUNKS = _N // _CHUNK - (_NS - 1) * _WCHUNKS


def _seg_sum_body(z_hbm, bidx_hbm, glob_hbm, out_hbm,
                  idx_v, rows_v, zeros_v, acc_sh, sem):
    s = lax.axis_index("s")

    def work(nchunks):
        nrows = nchunks * _CHUNK
        zcp = pltpu.async_copy(
            z_hbm.at[pl.ds(s * _RPW, nrows)], rows_v.at[pl.ds(0, nrows)], sem
        )
        pltpu.sync_copy(
            glob_hbm.at[pl.ds(s * 16, 16)],
            out_hbm.at[pl.ds(s * 16, 16), pl.ds(_DZ, _DZ)],
        )
        for j in range(nchunks):
            pltpu.sync_copy(
                bidx_hbm.at[pl.ds(s * _RPW + j * _CHUNK, _CHUNK)], idx_v.at[j]
            )
        for i in range(16):
            for j in range(_DZ // 16):
                zeros_v[i, pl.ds(j * 16, 16)] = jnp.zeros((16,), jnp.float32)
        pltpu.sync_copy(zeros_v, acc_sh.at[pl.ds(s * 16, 16)])
        plsc.subcore_barrier()
        zcp.wait()
        for j in range(nchunks):
            pltpu.sync_copy(
                rows_v.at[pl.ds(j * _CHUNK, _CHUNK)],
                acc_sh.at[idx_v.at[j]],
                add=True,
            )

    @pl.when(s < _NS - 1)
    def _full():
        work(_WCHUNKS)

    @pl.when(s == _NS - 1)
    def _tail():
        work(_TAIL_CHUNKS)

    plsc.subcore_barrier()
    pltpu.sync_copy(
        acc_sh.at[pl.ds(s * 16, 16)],
        out_hbm.at[pl.ds(s * 16, 16), pl.ds(0, _DZ)],
    )


_seg_sum_fuse = pl.kernel(
    _seg_sum_body,
    out_type=jax.ShapeDtypeStruct((_B, 2 * _DZ), jnp.float32),
    mesh=plsc.VectorSubcoreMesh(
        core_axis_name="c", subcore_axis_name="s", num_cores=1
    ),
    scratch_types=[
        pltpu.VMEM((_WCHUNKS, _CHUNK), jnp.int32),
        pltpu.VMEM((_RPW, _DZ), jnp.float32),
        pltpu.VMEM((16, _DZ), jnp.float32),
        pltpu.VMEM_SHARED((_B, _DZ), jnp.float32),
        pltpu.SemaphoreType.DMA,
    ],
)


def _glob_block(u_ref, wg_ref, bg_ref, out_ref):
    out_ref[...] = jax.nn.relu(
        jnp.dot(u_ref[...], wg_ref[...], preferred_element_type=jnp.float32)
        + bg_ref[...]
    )


def _glob(u, wg, bg):
    return pl.pallas_call(
        _glob_block,
        out_shape=jax.ShapeDtypeStruct((_B, _DZ), jnp.float32),
    )(u, wg, bg)


def _gru_block(z_ref, x_ref, h_ref, wxz, whz, wxr, whr, wxh, whh,
               bxz, bhz, bxr, bhr, bxh, bhh,
               out_ref):
    xi = jnp.concatenate([z_ref[...], x_ref[...]], axis=1)
    h = h_ref[...]
    zg = jax.nn.sigmoid(
        jnp.dot(xi, wxz[...], preferred_element_type=jnp.float32)
        + jnp.dot(h, whz[...], preferred_element_type=jnp.float32)
        + (bxz[...] + bhz[...])
    )
    rg = jax.nn.sigmoid(
        jnp.dot(xi, wxr[...], preferred_element_type=jnp.float32)
        + jnp.dot(h, whr[...], preferred_element_type=jnp.float32)
        + (bxr[...] + bhr[...])
    )
    ht = jnp.tanh(
        jnp.dot(xi, wxh[...], preferred_element_type=jnp.float32)
        + jnp.dot(h * rg, whh[...], preferred_element_type=jnp.float32)
        + (bxh[...] + bhh[...])
    )
    out_ref[...] = zg * h + (1.0 - zg) * ht


_GRU_R = 2000


def _gru(z, x, h, wxz, whz, wxr, whr, wxh, whh,
         bxz, bhz, bxr, bhr, bxh, bhh):
    n = z.shape[0]
    grid = (n // _GRU_R,)
    row_spec = lambda d: pl.BlockSpec((_GRU_R, d), lambda i: (i, 0))
    fix = lambda r, c: pl.BlockSpec((r, c), lambda i: (0, 0))
    return pl.pallas_call(
        _gru_block,
        grid=grid,
        in_specs=[
            row_spec(_DZ), row_spec(_DZ), row_spec(_DH),
            fix(_DH, _DH), fix(_DH, _DH), fix(_DH, _DH),
            fix(_DH, _DH), fix(_DH, _DH), fix(_DH, _DH),
            fix(1, _DH), fix(1, _DH), fix(1, _DH),
            fix(1, _DH), fix(1, _DH), fix(1, _DH),
        ],
        out_specs=row_spec(_DH),
        out_shape=jax.ShapeDtypeStruct((n, _DH), jnp.float32),
        compiler_params=pltpu.CompilerParams(
            dimension_semantics=("parallel",),
        ),
    )(z, x, h, wxz, whz, wxr, whr, wxh, whh,
      bxz, bhz, bxr, bhr, bxh, bhh)


def kernel(z, u, x, edge_index, batch, batch_size, prev_h,
           W_xz, b_xz, W_hz, b_hz, W_xr, b_xr, W_hr, b_hr,
           W_xh, b_xh, W_hh, b_hh, Wg, bg):
    r2 = lambda b: b.reshape(1, -1)
    glob_emb = _glob(u, Wg, r2(bg))
    fused = _seg_sum_fuse(z, batch, glob_emb)
    H = _gru(
        z, x, prev_h, W_xz, W_hz, W_xr, W_hr, W_xh, W_hh,
        r2(b_xz), r2(b_hz), r2(b_xr), r2(b_hr), r2(b_xh), r2(b_hh),
    )
    return fused, H

# --- scband reference (transcript-rebuilt; emitter-appended) ---
"""Pipeline reference for scband-temporal-graph-and-global-fusion-16509854285880 (READ-ONLY COPY).

The authoritative reference and input builder live on the scoring server;
editing this copy changes nothing except your own understanding.
"""

import jax, jax.numpy as jnp
import numpy as np

N = 10000
E = 320000
B = 256
D_Z = 128   # backbone_dout (dim of z)
D_X = 128   # node_dim (dim of x)
D_U = 64    # glob_din
D_HID = 256 # cfg.dhid
D_IN = D_Z + D_X  # GConvGRU input dim


def setup_inputs(seed: int = 0) -> dict:
    key = jax.random.key(seed)
    ks = jax.random.split(key, 24)
    inp = {}
    inp['z'] = jax.random.normal(ks[0], (N, D_Z), dtype=jnp.float32)
    inp['u'] = jax.random.normal(ks[1], (B, D_U), dtype=jnp.float32)
    inp['x'] = jax.random.normal(ks[2], (N, D_X), dtype=jnp.float32)
    inp['edge_index'] = jax.random.randint(ks[3], (2, E), 0, N, dtype=jnp.int32)
    inp['batch'] = jnp.sort(jax.random.randint(ks[4], (N,), 0, B, dtype=jnp.int32))
    inp['batch_size'] = B
    inp['prev_h'] = jax.random.normal(ks[5], (N, D_HID), dtype=jnp.float32)
    s_in = 1.0 / np.sqrt(D_IN)
    s_h = 1.0 / np.sqrt(D_HID)
    s_u = 1.0 / np.sqrt(D_U)
    # GConvGRU with K=1: each ChebConv reduces to a single linear layer (T_0 = I),
    # so edge_index/edge_weight do not enter the math.
    inp['W_xz'] = jax.random.uniform(ks[6], (D_IN, D_HID), jnp.float32, -s_in, s_in)
    inp['b_xz'] = jax.random.uniform(ks[7], (D_HID,), jnp.float32, -s_in, s_in)
    inp['W_hz'] = jax.random.uniform(ks[8], (D_HID, D_HID), jnp.float32, -s_h, s_h)
    inp['b_hz'] = jax.random.uniform(ks[9], (D_HID,), jnp.float32, -s_h, s_h)
    inp['W_xr'] = jax.random.uniform(ks[10], (D_IN, D_HID), jnp.float32, -s_in, s_in)
    inp['b_xr'] = jax.random.uniform(ks[11], (D_HID,), jnp.float32, -s_in, s_in)
    inp['W_hr'] = jax.random.uniform(ks[12], (D_HID, D_HID), jnp.float32, -s_h, s_h)
    inp['b_hr'] = jax.random.uniform(ks[13], (D_HID,), jnp.float32, -s_h, s_h)
    inp['W_xh'] = jax.random.uniform(ks[14], (D_IN, D_HID), jnp.float32, -s_in, s_in)
    inp['b_xh'] = jax.random.uniform(ks[15], (D_HID,), jnp.float32, -s_in, s_in)
    inp['W_hh'] = jax.random.uniform(ks[16], (D_HID, D_HID), jnp.float32, -s_h, s_h)
    inp['b_hh'] = jax.random.uniform(ks[17], (D_HID,), jnp.float32, -s_h, s_h)
    # global projection: glob_din -> backbone_dout
    inp['Wg'] = jax.random.uniform(ks[18], (D_U, D_Z), jnp.float32, -s_u, s_u)
    inp['bg'] = jax.random.uniform(ks[19], (D_Z,), jnp.float32, -s_u, s_u)
    return inp


def reference(z, u, x, edge_index, batch, batch_size, prev_h,
              W_xz, b_xz, W_hz, b_hz, W_xr, b_xr, W_hr, b_hr,
              W_xh, b_xh, W_hh, b_hh, Wg, bg):
    # --- GConvGRU (K=1 Chebyshev => per-node linear maps) ---
    xi = jnp.concatenate([z, x], axis=-1)  # [N, D_IN]
    Zg = jax.nn.sigmoid(xi @ W_xz + b_xz + prev_h @ W_hz + b_hz)
    Rg = jax.nn.sigmoid(xi @ W_xr + b_xr + prev_h @ W_hr + b_hr)
    H_tilde = jnp.tanh(xi @ W_xh + b_xh + (prev_h * Rg) @ W_hh + b_hh)
    H = Zg * prev_h + (1.0 - Zg) * H_tilde  # [N, D_HID]
    # --- GraphAndGlobalFusion ---
    seg_ids = jnp.minimum(batch, batch_size - 1)
    graph_emb = jax.ops.segment_sum(z, seg_ids, num_segments=u.shape[0])  # [B, D_Z]
    glob_emb = jax.nn.relu(u @ Wg + bg)  # [B, D_Z]
    fused_emb = jnp.concatenate([graph_emb, glob_emb], axis=-1)  # [B, 2*D_Z]
    return (fused_emb, H)

if __name__ == "__main__":
    import jax
    _d = setup_inputs()
    print(jax.jit(kernel)(*tuple(_d.values())))

</pallas_src>

<mosaic_0001>
#map = affine_map<(d0, d1) -> (0, 0)>
#map1 = affine_map<(d0, d1) -> (0)>
module attributes {stable_mosaic.version = 14 : i64} {
  func.func @_seg_sum_body(%arg0: i32, %arg1: i32, %arg2: memref<10000x128xf32, #tpu.memory_space<hbm>>, %arg3: memref<10000xi32, #tpu.memory_space<hbm>>, %arg4: memref<256x128xf32, #tpu.memory_space<hbm>>, %arg5: memref<256x256xf32, #tpu.memory_space<hbm>>, %arg6: memref<8x80xi32, #tpu.memory_space<vmem>>, %arg7: memref<640x128xf32, #tpu.memory_space<vmem>>, %arg8: memref<16x128xf32, #tpu.memory_space<vmem>>, %arg9: memref<256x128xf32, #tpu.memory_space<vmem_shared>>, %arg10: memref<!tpu.dma_semaphore, #tpu.memory_space<semaphore_mem>>) attributes {dimension_semantics = [#tpu.dimension_semantics<core_parallel>, #tpu.dimension_semantics<subcore_parallel>], iteration_bounds = array<i64: 1, 16>, scalar_prefetch = 0 : i64, scratch_operands = 5 : i64, tpu.core_type = #tpu.core_type<sc_vector_subcore>, window_params = [{transform_indices = #map}, {transform_indices = #map1}, {transform_indices = #map}, {transform_indices = #map}]} {
    %lt3A = arith.constant 15 : i32
    %lt3A_0 = arith.cmpi slt, %arg1, %lt3A : i32
    %convert_element_type3A = arith.extui %lt3A_0 : i1 to i32
    %cond3A = arith.constant 0 : i32
    %cond3A_1 = arith.cmpi ne, %convert_element_type3A, %cond3A : i32
    scf.if %cond3A_1 {
      %mul3A_9 = arith.constant 640 : i32
      %mul3A_10 = arith.muli %arg1, %mul3A_9 : i32
      %dma_start3A = arith.constant 0 : i32
      %dma_start3A_11 = arith.constant 0 : i32
      %dma_start3A_12 = tpu.memref_slice %arg7[%dma_start3A, %dma_start3A_11] : memref<640x128xf32, #tpu.memory_space<vmem>> -> memref<640x128xf32, #tpu.memory_space<vmem>>
      %dma_start3A_13 = arith.constant 0 : i32
      %dma_start3A_14 = tpu.memref_slice %arg2[%mul3A_10, %dma_start3A_13] : memref<10000x128xf32, #tpu.memory_space<hbm>> -> memref<640x128xf32, #tpu.memory_space<hbm>>
      %dma_start3A_15 = arith.constant 0 : i32
      %dma_start3A_16 = arith.constant 0 : i32
      %dma_start3A_17 = tpu.memref_slice %arg7[%dma_start3A_15, %dma_start3A_16] : memref<640x128xf32, #tpu.memory_space<vmem>> -> memref<640x128xf32, #tpu.memory_space<vmem>>
      %dma_start3A_18 = arith.constant 0 : i32
      %dma_start3A_19 = tpu.memref_slice %arg2[%mul3A_10, %dma_start3A_18] : memref<10000x128xf32, #tpu.memory_space<hbm>> -> memref<640x128xf32, #tpu.memory_space<hbm>>
      tpu.enqueue_dma source(%dma_start3A_19 : memref<640x128xf32, #tpu.memory_space<hbm>>) target(%dma_start3A_17 : memref<640x128xf32, #tpu.memory_space<vmem>>) target_semaphore(%arg10 : memref<!tpu.dma_semaphore, #tpu.memory_space<semaphore_mem>>)
      %mul3A_20 = arith.constant 16 : i32
      %mul3A_21 = arith.muli %arg1, %mul3A_20 : i32
      %mul3A_22 = arith.constant 16 : i32
      %mul3A_23 = arith.muli %arg1, %mul3A_22 : i32
      "tpu.region"() ({
        %run_scoped3A_1104 = tpu.sem_alloc : memref<!tpu.dma_semaphore, #tpu.memory_space<semaphore_mem>>
        %dma_start3A_1105 = arith.constant 128 : i32
        %dma_start3A_1106 = tpu.memref_slice %arg5[%mul3A_23, %dma_start3A_1105] : memref<256x256xf32, #tpu.memory_space<hbm>> -> memref<16x128xf32, #tpu.memory_space<hbm>>
        %dma_start3A_1107 = arith.constant 0 : i32
        %dma_start3A_1108 = tpu.memref_slice %arg4[%mul3A_21, %dma_start3A_1107] : memref<256x128xf32, #tpu.memory_space<hbm>> -> memref<16x128xf32, #tpu.memory_space<hbm>>
        tpu.enqueue_dma source(%dma_start3A_1108 : memref<16x128xf32, #tpu.memory_space<hbm>>) target(%dma_start3A_1106 : memref<16x128xf32, #tpu.memory_space<hbm>>) target_semaphore(%run_scoped3A_1104 : memref<!tpu.dma_semaphore, #tpu.memory_space<semaphore_mem>>)
        %dma_wait3A_1109 = arith.constant 128 : i32
        %dma_wait3A_1110 = tpu.memref_slice %arg5[%mul3A_23, %dma_wait3A_1109] : memref<256x256xf32, #tpu.memory_space<hbm>> -> memref<16x128xf32, #tpu.memory_space<hbm>>
        %dma_wait3A_1111 = arith.constant 0 : i32
        %dma_wait3A_1112 = tpu.memref_slice %arg4[%mul3A_21, %dma_wait3A_1111] : memref<256x128xf32, #tpu.memory_space<hbm>> -> memref<16x128xf32, #tpu.memory_space<hbm>>
        tpu.wait_dma2 semaphore(%run_scoped3A_1104 : memref<!tpu.dma_semaphore, #tpu.memory_space<semaphore_mem>>) src(%dma_wait3A_1112 : memref<16x128xf32, #tpu.memory_space<hbm>>) dst(%dma_wait3A_1110 : memref<16x128xf32, #tpu.memory_space<hbm>>)
        tpu.yield
      }) : () -> ()
      %mul3A_24 = arith.constant 640 : i32
      %mul3A_25 = arith.muli %arg1, %mul3A_24 : i32
      %add3A = arith.constant 0 : i32
      %add3A_26 = arith.addi %mul3A_25, %add3A : i32
      %run_scoped3A = arith.constant 0 : i32
      "tpu.region"() ({
        %run_scoped3A_1104 = tpu.sem_alloc : memref<!tpu.dma_semaphore, #tpu.memory_space<semaphore_mem>>
        %dma_start3A_1105 = arith.constant 0 : i32
        %dma_start3A_1106 = tpu.memref_slice %arg6[%run_scoped3A, %dma_start3A_1105] : memref<8x80xi32, #tpu.memory_space<vmem>> -> memref<1x80xi32, #tpu.memory_space<vmem>>
        %dma_start3A_1107 = tpu.memref_squeeze %dma_start3A_1106 : memref<1x80xi32, #tpu.memory_space<vmem>> -> memref<80xi32, #tpu.memory_space<vmem>>
        %dma_start3A_1108 = tpu.memref_slice %arg3[%add3A_26] : memref<10000xi32, #tpu.memory_space<hbm>> -> memref<80xi32, #tpu.memory_space<hbm>>
        %dma_start3A_1109 = arith.constant 0 : i32
        %dma_start3A_1110 = tpu.memref_slice %arg6[%run_scoped3A, %dma_start3A_1109] : memref<8x80xi32, #tpu.memory_space<vmem>> -> memref<1x80xi32, #tpu.memory_space<vmem>>
        %dma_start3A_1111 = tpu.memref_squeeze %dma_start3A_1110 : memref<1x80xi32, #tpu.memory_space<vmem>> -> memref<80xi32, #tpu.memory_space<vmem>>
        %dma_start3A_1112 = tpu.memref_slice %arg3[%add3A_26] : memref<10000xi32, #tpu.memory_space<hbm>> -> memref<80xi32, #tpu.memory_space<hbm>>
        tpu.enqueue_dma source(%dma_start3A_1112 : memref<80xi32, #tpu.memory_space<hbm>>) target(%dma_start3A_1111 : memref<80xi32, #tpu.memory_space<vmem>>) target_semaphore(%run_scoped3A_1104 : memref<!tpu.dma_semaphore, #tpu.memory_space<semaphore_mem>>)
        %dma_wait3A_1113 = arith.constant 0 : i32
        %dma_wait3A_1114 = tpu.memref_slice %arg6[%run_scoped3A, %dma_wait3A_1113] : memref<8x80xi32, #tpu.memory_space<vmem>> -> memref<1x80xi32, #tpu.memory_space<vmem>>
        %dma_wait3A_1115 = tpu.memref_squeeze %dma_wait3A_1114 : memref<1x80xi32, #tpu.memory_space<vmem>> -> memref<80xi32, #tpu.memory_space<vmem>>
        %dma_wait3A_1116 = tpu.memref_slice %arg3[%add3A_26] : memref<10000xi32, #tpu.memory_space<hbm>> -> memref<80xi32, #tpu.memory_space<hbm>>
        %dma_wait3A_1117 = arith.constant 0 : i32
        %dma_wait3A_1118 = tpu.memref_slice %arg6[%run_scoped3A, %dma_wait3A_1117] : memref<8x80xi32, #tpu.memory_space<vmem>> -> memref<1x80xi32, #tpu.memory_space<vmem>>
        %dma_wait3A_1119 = tpu.memref_squeeze %dma_wait3A_1118 : memref<1x80xi32, #tpu.memory_space<vmem>> -> memref<80xi32, #tpu.memory_space<vmem>>
        %dma_wait3A_1120 = tpu.memref_slice %arg3[%add3A_26] : memref<10000xi32, #tpu.memory_space<hbm>> -> memref<80xi32, #tpu.memory_space<hbm>>
        tpu.wait_dma2 semaphore(%run_scoped3A_1104 : memref<!tpu.dma_semaphore, #tpu.memory_space<semaphore_mem>>) src(%dma_wait3A_1120 : memref<80xi32, #tpu.memory_space<hbm>>) dst(%dma_wait3A_1119 : memref<80xi32, #tpu.memory_space<vmem>>)
        tpu.yield
      }) : () -> ()
      %mul3A_27 = arith.constant 640 : i32
      %mul3A_28 = arith.muli %arg1, %mul3A_27 : i32
      %add3A_29 = arith.constant 80 : i32
      %add3A_30 = arith.addi %mul3A_28, %add3A_29 : i32
      %run_scoped3A_31 = arith.constant 1 : i32
      "tpu.region"() ({
        %run_scoped3A_1104 = tpu.sem_alloc : memref<!tpu.dma_semaphore, #tpu.memory_space<semaphore_mem>>
        %dma_start3A_1105 = arith.constant 0 : i32
        %dma_start3A_1106 = tpu.memref_slice %arg6[%run_scoped3A_31, %dma_start3A_1105] : memref<8x80xi32, #tpu.memory_space<vmem>> -> memref<1x80xi32, #tpu.memory_space<vmem>>
        %dma_start3A_1107 = tpu.memref_squeeze %dma_start3A_1106 : memref<1x80xi32, #tpu.memory_space<vmem>> -> memref<80xi32, #tpu.memory_space<vmem>>
        %dma_start3A_1108 = tpu.memref_slice %arg3[%add3A_30] : memref<10000xi32, #tpu.memory_space<hbm>> -> memref<80xi32, #tpu.memory_space<hbm>>
        %dma_start3A_1109 = arith.constant 0 : i32
        %dma_start3A_1110 = tpu.memref_slice %arg6[%run_scoped3A_31, %dma_start3A_1109] : memref<8x80xi32, #tpu.memory_space<vmem>> -> memref<1x80xi32, #tpu.memory_space<vmem>>
        %dma_start3A_1111 = tpu.memref_squeeze %dma_start3A_1110 : memref<1x80xi32, #tpu.memory_space<vmem>> -> memref<80xi32, #tpu.memory_space<vmem>>
        %dma_start3A_1112 = tpu.memref_slice %arg3[%add3A_30] : memref<10000xi32, #tpu.memory_space<hbm>> -> memref<80xi32, #tpu.memory_space<hbm>>
        tpu.enqueue_dma source(%dma_start3A_1112 : memref<80xi32, #tpu.memory_space<hbm>>) target(%dma_start3A_1111 : memref<80xi32, #tpu.memory_space<vmem>>) target_semaphore(%run_scoped3A_1104 : memref<!tpu.dma_semaphore, #tpu.memory_space<semaphore_mem>>)
        %dma_wait3A_1113 = arith.constant 0 : i32
        %dma_wait3A_1114 = tpu.memref_slice %arg6[%run_scoped3A_31, %dma_wait3A_1113] : memref<8x80xi32, #tpu.memory_space<vmem>> -> memref<1x80xi32, #tpu.memory_space<vmem>>
        %dma_wait3A_1115 = tpu.memref_squeeze %dma_wait3A_1114 : memref<1x80xi32, #tpu.memory_space<vmem>> -> memref<80xi32, #tpu.memory_space<vmem>>
        %dma_wait3A_1116 = tpu.memref_slice %arg3[%add3A_30] : memref<10000xi32, #tpu.memory_space<hbm>> -> memref<80xi32, #tpu.memory_space<hbm>>
        %dma_wait3A_1117 = arith.constant 0 : i32
        %dma_wait3A_1118 = tpu.memref_slice %arg6[%run_scoped3A_31, %dma_wait3A_1117] : memref<8x80xi32, #tpu.memory_space<vmem>> -> memref<1x80xi32, #tpu.memory_space<vmem>>
        %dma_wait3A_1119 = tpu.memref_squeeze %dma_wait3A_1118 : memref<1x80xi32, #tpu.memory_space<vmem>> -> memref<80xi32, #tpu.memory_space<vmem>>
        %dma_wait3A_1120 = tpu.memref_slice %arg3[%add3A_30] : memref<10000xi32, #tpu.memory_space<hbm>> -> memref<80xi32, #tpu.memory_space<hbm>>
        tpu.wait_dma2 semaphore(%run_scoped3A_1104 : memref<!tpu.dma_semaphore, #tpu.memory_space<semaphore_mem>>) src(%dma_wait3A_1120 : memref<80xi32, #tpu.memory_space<hbm>>) dst(%dma_wait3A_1119 : memref<80xi32, #tpu.memory_space<vmem>>)
        tpu.yield
      }) : () -> ()
      %mul3A_32 = arith.constant 640 : i32
      %mul3A_33 = arith.muli %arg1, %mul3A_32 : i32
      %add3A_34 = arith.constant 160 : i32
      %add3A_35 = arith.addi %mul3A_33, %add3A_34 : i32
      %run_scoped3A_36 = arith.constant 2 : i32
      "tpu.region"() ({
        %run_scoped3A_1104 = tpu.sem_alloc : memref<!tpu.dma_semaphore, #tpu.memory_space<semaphore_mem>>
        %dma_start3A_1105 = arith.constant 0 : i32
        %dma_start3A_1106 = tpu.memref_slice %arg6[%run_scoped3A_36, %dma_start3A_1105] : memref<8x80xi32, #tpu.memory_space<vmem>> -> memref<1x80xi32, #tpu.memory_space<vmem>>
        %dma_start3A_1107 = tpu.memref_squeeze %dma_start3A_1106 : memref<1x80xi32, #tpu.memory_space<vmem>> -> memref<80xi32, #tpu.memory_space<vmem>>
        %dma_start3A_1108 = tpu.memref_slice %arg3[%add3A_35] : memref<10000xi32, #tpu.memory_space<hbm>> -> memref<80xi32, #tpu.memory_space<hbm>>
        %dma_start3A_1109 = arith.constant 0 : i32
        %dma_start3A_1110 = tpu.memref_slice %arg6[%run_scoped3A_36, %dma_start3A_1109] : memref<8x80xi32, #tpu.memory_space<vmem>> -> memref<1x80xi32, #tpu.memory_space<vmem>>
        %dma_start3A_1111 = tpu.memref_squeeze %dma_start3A_1110 : memref<1x80xi32, #tpu.memory_space<vmem>> -> memref<80xi32, #tpu.memory_space<vmem>>
        %dma_start3A_1112 = tpu.memref_slice %arg3[%add3A_35] : memref<10000xi32, #tpu.memory_space<hbm>> -> memref<80xi32, #tpu.memory_space<hbm>>
        tpu.enqueue_dma source(%dma_start3A_1112 : memref<80xi32, #tpu.memory_space<hbm>>) target(%dma_start3A_1111 : memref<80xi32, #tpu.memory_space<vmem>>) target_semaphore(%run_scoped3A_1104 : memref<!tpu.dma_semaphore, #tpu.memory_space<semaphore_mem>>)
        %dma_wait3A_1113 = arith.constant 0 : i32
        %dma_wait3A_1114 = tpu.memref_slice %arg6[%run_scoped3A_36, %dma_wait3A_1113] : memref<8x80xi32, #tpu.memory_space<vmem>> -> memref<1x80xi32, #tpu.memory_space<vmem>>
        %dma_wait3A_1115 = tpu.memref_squeeze %dma_wait3A_1114 : memref<1x80xi32, #tpu.memory_space<vmem>> -> memref<80xi32, #tpu.memory_space<vmem>>
        %dma_wait3A_1116 = tpu.memref_slice %arg3[%add3A_35] : memref<10000xi32, #tpu.memory_space<hbm>> -> memref<80xi32, #tpu.memory_space<hbm>>
        %dma_wait3A_1117 = arith.constant 0 : i32
        %dma_wait3A_1118 = tpu.memref_slice %arg6[%run_scoped3A_36, %dma_wait3A_1117] : memref<8x80xi32, #tpu.memory_space<vmem>> -> memref<1x80xi32, #tpu.memory_space<vmem>>
        %dma_wait3A_1119 = tpu.memref_squeeze %dma_wait3A_1118 : memref<1x80xi32, #tpu.memory_space<vmem>> -> memref<80xi32, #tpu.memory_space<vmem>>
        %dma_wait3A_1120 = tpu.memref_slice %arg3[%add3A_35] : memref<10000xi32, #tpu.memory_space<hbm>> -> memref<80xi32, #tpu.memory_space<hbm>>
        tpu.wait_dma2 semaphore(%run_scoped3A_1104 : memref<!tpu.dma_semaphore, #tpu.memory_space<semaphore_mem>>) src(%dma_wait3A_1120 : memref<80xi32, #tpu.memory_space<hbm>>) dst(%dma_wait3A_1119 : memref<80xi32, #tpu.memory_space<vmem>>)
        tpu.yield
      }) : () -> ()
      %mul3A_37 = arith.constant 640 : i32
      %mul3A_38 = arith.muli %arg1, %mul3A_37 : i32
      %add3A_39 = arith.constant 240 : i32
      %add3A_40 = arith.addi %mul3A_38, %add3A_39 : i32
      %run_scoped3A_41 = arith.constant 3 : i32
      "tpu.region"() ({
        %run_scoped3A_1104 = tpu.sem_alloc : memref<!tpu.dma_semaphore, #tpu.memory_space<semaphore_mem>>
        %dma_start3A_1105 = arith.constant 0 : i32
        %dma_start3A_1106 = tpu.memref_slice %arg6[%run_scoped3A_41, %dma_start3A_1105] : memref<8x80xi32, #tpu.memory_space<vmem>> -> memref<1x80xi32, #tpu.memory_space<vmem>>
        %dma_start3A_1107 = tpu.memref_squeeze %dma_start3A_1106 : memref<1x80xi32, #tpu.memory_space<vmem>> -> memref<80xi32, #tpu.memory_space<vmem>>
        %dma_start3A_1108 = tpu.memref_slice %arg3[%add3A_40] : memref<10000xi32, #tpu.memory_space<hbm>> -> memref<80xi32, #tpu.memory_space<hbm>>
        %dma_start3A_1109 = arith.constant 0 : i32
        %dma_start3A_1110 = tpu.memref_slice %arg6[%run_scoped3A_41, %dma_start3A_1109] : memref<8x80xi32, #tpu.memory_space<vmem>> -> memref<1x80xi32, #tpu.memory_space<vmem>>
        %dma_start3A_1111 = tpu.memref_squeeze %dma_start3A_1110 : memref<1x80xi32, #tpu.memory_space<vmem>> -> memref<80xi32, #tpu.memory_space<vmem>>
        %dma_start3A_1112 = tpu.memref_slice %arg3[%add3A_40] : memref<10000xi32, #tpu.memory_space<hbm>> -> memref<80xi32, #tpu.memory_space<hbm>>
        tpu.enqueue_dma source(%dma_start3A_1112 : memref<80xi32, #tpu.memory_space<hbm>>) target(%dma_start3A_1111 : memref<80xi32, #tpu.memory_space<vmem>>) target_semaphore(%run_scoped3A_1104 : memref<!tpu.dma_semaphore, #tpu.memory_space<semaphore_mem>>)
        %dma_wait3A_1113 = arith.constant 0 : i32
        %dma_wait3A_1114 = tpu.memref_slice %arg6[%run_scoped3A_41, %dma_wait3A_1113] : memref<8x80xi32, #tpu.memory_space<vmem>> -> memref<1x80xi32, #tpu.memory_space<vmem>>
        %dma_wait3A_1115 = tpu.memref_squeeze %dma_wait3A_1114 : memref<1x80xi32, #tpu.memory_space<vmem>> -> memref<80xi32, #tpu.memory_space<vmem>>
        %dma_wait3A_1116 = tpu.memref_slice %arg3[%add3A_40] : memref<10000xi32, #tpu.memory_space<hbm>> -> memref<80xi32, #tpu.memory_space<hbm>>
        %dma_wait3A_1117 = arith.constant 0 : i32
        %dma_wait3A_1118 = tpu.memref_slice %arg6[%run_scoped3A_41, %dma_wait3A_1117] : memref<8x80xi32, #tpu.memory_space<vmem>> -> memref<1x80xi32, #tpu.memory_space<vmem>>
        %dma_wait3A_1119 = tpu.memref_squeeze %dma_wait3A_1118 : memref<1x80xi32, #tpu.memory_space<vmem>> -> memref<80xi32, #tpu.memory_space<vmem>>
        %dma_wait3A_1120 = tpu.memref_slice %arg3[%add3A_40] : memref<10000xi32, #tpu.memory_space<hbm>> -> memref<80xi32, #tpu.memory_space<hbm>>
        tpu.wait_dma2 semaphore(%run_scoped3A_1104 : memref<!tpu.dma_semaphore, #tpu.memory_space<semaphore_mem>>) src(%dma_wait3A_1120 : memref<80xi32, #tpu.memory_space<hbm>>) dst(%dma_wait3A_1119 : memref<80xi32, #tpu.memory_space<vmem>>)
        tpu.yield
      }) : () -> ()
      %mul3A_42 = arith.constant 640 : i32
      %mul3A_43 = arith.muli %arg1, %mul3A_42 : i32
      %add3A_44 = arith.constant 320 : i32
      %add3A_45 = arith.addi %mul3A_43, %add3A_44 : i32
      %run_scoped3A_46 = arith.constant 4 : i32
      "tpu.region"() ({
        %run_scoped3A_1104 = tpu.sem_alloc : memref<!tpu.dma_semaphore, #tpu.memory_space<semaphore_mem>>
        %dma_start3A_1105 = arith.constant 0 : i32
        %dma_start3A_1106 = tpu.memref_slice %arg6[%run_scoped3A_46, %dma_start3A_1105] : memref<8x80xi32, #tpu.memory_space<vmem>> -> memref<1x80xi32, #tpu.memory_space<vmem>>
        %dma_start3A_1107 = tpu.memref_squeeze %dma_start3A_1106 : memref<1x80xi32, #tpu.memory_space<vmem>> -> memref<80xi32, #tpu.memory_space<vmem>>
        %dma_start3A_1108 = tpu.memref_slice %arg3[%add3A_45] : memref<10000xi32, #tpu.memory_space<hbm>> -> memref<80xi32, #tpu.memory_space<hbm>>
        %dma_start3A_1109 = arith.constant 0 : i32
        %dma_start3A_1110 = tpu.memref_slice %arg6[%run_scoped3A_46, %dma_start3A_1109] : memref<8x80xi32, #tpu.memory_space<vmem>> -> memref<1x80xi32, #tpu.memory_space<vmem>>
        %dma_start3A_1111 = tpu.memref_squeeze %dma_start3A_1110 : memref<1x80xi32, #tpu.memory_space<vmem>> -> memref<80xi32, #tpu.memory_space<vmem>>
        %dma_start3A_1112 = tpu.memref_slice %arg3[%add3A_45] : memref<10000xi32, #tpu.memory_space<hbm>> -> memref<80xi32, #tpu.memory_space<hbm>>
        tpu.enqueue_dma source(%dma_start3A_1112 : memref<80xi32, #tpu.memory_space<hbm>>) target(%dma_start3A_1111 : memref<80xi32, #tpu.memory_space<vmem>>) target_semaphore(%run_scoped3A_1104 : memref<!tpu.dma_semaphore, #tpu.memory_space<semaphore_mem>>)
        %dma_wait3A_1113 = arith.constant 0 : i32
        %dma_wait3A_1114 = tpu.memref_slice %arg6[%run_scoped3A_46, %dma_wait3A_1113] : memref<8x80xi32, #tpu.memory_space<vmem>> -> memref<1x80xi32, #tpu.memory_space<vmem>>
        %dma_wait3A_1115 = tpu.memref_squeeze %dma_wait3A_1114 : memref<1x80xi32, #tpu.memory_space<vmem>> -> memref<80xi32, #tpu.memory_space<vmem>>
        %dma_wait3A_1116 = tpu.memref_slice %arg3[%add3A_45] : memref<10000xi32, #tpu.memory_space<hbm>> -> memref<80xi32, #tpu.memory_space<hbm>>
        %dma_wait3A_1117 = arith.constant 0 : i32
        %dma_wait3A_1118 = tpu.memref_slice %arg6[%run_scoped3A_46, %dma_wait3A_1117] : memref<8x80xi32, #tpu.memory_space<vmem>> -> memref<1x80xi32, #tpu.memory_space<vmem>>
        %dma_wait3A_1119 = tpu.memref_squeeze %dma_wait3A_1118 : memref<1x80xi32, #tpu.memory_space<vmem>> -> memref<80xi32, #tpu.memory_space<vmem>>
        %dma_wait3A_1120 = tpu.memref_slice %arg3[%add3A_45] : memref<10000xi32, #tpu.memory_space<hbm>> -> memref<80xi32, #tpu.memory_space<hbm>>
        tpu.wait_dma2 semaphore(%run_scoped3A_1104 : memref<!tpu.dma_semaphore, #tpu.memory_space<semaphore_mem>>) src(%dma_wait3A_1120 : memref<80xi32, #tpu.memory_space<hbm>>) dst(%dma_wait3A_1119 : memref<80xi32, #tpu.memory_space<vmem>>)
        tpu.yield
      }) : () -> ()
      %mul3A_47 = arith.constant 640 : i32
      %mul3A_48 = arith.muli %arg1, %mul3A_47 : i32
      %add3A_49 = arith.constant 400 : i32
      %add3A_50 = arith.addi %mul3A_48, %add3A_49 : i32
      %run_scoped3A_51 = arith.constant 5 : i32
      "tpu.region"() ({
        %run_scoped3A_1104 = tpu.sem_alloc : memref<!tpu.dma_semaphore, #tpu.memory_space<semaphore_mem>>
        %dma_start3A_1105 = arith.constant 0 : i32
        %dma_start3A_1106 = tpu.memref_slice %arg6[%run_scoped3A_51, %dma_start3A_1105] : memref<8x80xi32, #tpu.memory_space<vmem>> -> memref<1x80xi32, #tpu.memory_space<vmem>>
        %dma_start3A_1107 = tpu.memref_squeeze %dma_start3A_1106 : memref<1x80xi32, #tpu.memory_space<vmem>> -> memref<80xi32, #tpu.memory_space<vmem>>
        %dma_start3A_1108 = tpu.memref_slice %arg3[%add3A_50] : memref<10000xi32, #tpu.memory_space<hbm>> -> memref<80xi32, #tpu.memory_space<hbm>>
        %dma_start3A_1109 = arith.constant 0 : i32
        %dma_start3A_1110 = tpu.memref_slice %arg6[%run_scoped3A_51, %dma_start3A_1109] : memref<8x80xi32, #tpu.memory_space<vmem>> -> memref<1x80xi32, #tpu.memory_space<vmem>>
        %dma_start3A_1111 = tpu.memref_squeeze %dma_start3A_1110 : memref<1x80xi32, #tpu.memory_space<vmem>> -> memref<80xi32, #tpu.memory_space<vmem>>
        %dma_start3A_1112 = tpu.memref_slice %arg3[%add3A_50] : memref<10000xi32, #tpu.memory_space<hbm>> -> memref<80xi32, #tpu.memory_space<hbm>>
        tpu.enqueue_dma source(%dma_start3A_1112 : memref<80xi32, #tpu.memory_space<hbm>>) target(%dma_start3A_1111 : memref<80xi32, #tpu.memory_space<vmem>>) target_semaphore(%run_scoped3A_1104 : memref<!tpu.dma_semaphore, #tpu.memory_space<semaphore_mem>>)
        %dma_wait3A_1113 = arith.constant 0 : i32
        %dma_wait3A_1114 = tpu.memref_slice %arg6[%run_scoped3A_51, %dma_wait3A_1113] : memref<8x80xi32, #tpu.memory_space<vmem>> -> memref<1x80xi32, #tpu.memory_space<vmem>>
        %dma_wait3A_1115 = tpu.memref_squeeze %dma_wait3A_1114 : memref<1x80xi32, #tpu.memory_space<vmem>> -> memref<80xi32, #tpu.memory_space<vmem>>
        %dma_wait3A_1116 = tpu.memref_slice %arg3[%add3A_50] : memref<10000xi32, #tpu.memory_space<hbm>> -> memref<80xi32, #tpu.memory_space<hbm>>
        %dma_wait3A_1117 = arith.constant 0 : i32
        %dma_wait3A_1118 = tpu.memref_slice %arg6[%run_scoped3A_51, %dma_wait3A_1117] : memref<8x80xi32, #tpu.memory_space<vmem>> -> memref<1x80xi32, #tpu.memory_space<vmem>>
        %dma_wait3A_1119 = tpu.memref_squeeze %dma_wait3A_1118 : memref<1x80xi32, #tpu.memory_space<vmem>> -> memref<80xi32, #tpu.memory_space<vmem>>
        %dma_wait3A_1120 = tpu.memref_slice %arg3[%add3A_50] : memref<10000xi32, #tpu.memory_space<hbm>> -> memref<80xi32, #tpu.memory_space<hbm>>
        tpu.wait_dma2 semaphore(%run_scoped3A_1104 : memref<!tpu.dma_semaphore, #tpu.memory_space<semaphore_mem>>) src(%dma_wait3A_1120 : memref<80xi32, #tpu.memory_space<hbm>>) dst(%dma_wait3A_1119 : memref<80xi32, #tpu.memory_space<vmem>>)
        tpu.yield
      }) : () -> ()
      %mul3A_52 = arith.constant 640 : i32
      %mul3A_53 = arith.muli %arg1, %mul3A_52 : i32
      %add3A_54 = arith.constant 480 : i32
      %add3A_55 = arith.addi %mul3A_53, %add3A_54 : i32
      %run_scoped3A_56 = arith.constant 6 : i32
      "tpu.region"() ({
        %run_scoped3A_1104 = tpu.sem_alloc : memref<!tpu.dma_semaphore, #tpu.memory_space<semaphore_mem>>
        %dma_start3A_1105 = arith.constant 0 : i32
        %dma_start3A_1106 = tpu.memref_slice %arg6[%run_scoped3A_56, %dma_start3A_1105] : memref<8x80xi32, #tpu.memory_space<vmem>> -> memref<1x80xi32, #tpu.memory_space<vmem>>
        %dma_start3A_1107 = tpu.memref_squeeze %dma_start3A_1106 : memref<1x80xi32, #tpu.memory_space<vmem>> -> memref<80xi32, #tpu.memory_space<vmem>>
        %dma_start3A_1108 = tpu.memref_slice %arg3[%add3A_55] : memref<10000xi32, #tpu.memory_space<hbm>> -> memref<80xi32, #tpu.memory_space<hbm>>
        %dma_start3A_1109 = arith.constant 0 : i32
        %dma_start3A_1110 = tpu.memref_slice %arg6[%run_scoped3A_56, %dma_start3A_1109] : memref<8x80xi32, #tpu.memory_space<vmem>> -> memref<1x80xi32, #tpu.memory_space<vmem>>
        %dma_start3A_1111 = tpu.memref_squeeze %dma_start3A_1110 : memref<1x80xi32, #tpu.memory_space<vmem>> -> memref<80xi32, #tpu.memory_space<vmem>>
        %dma_start3A_1112 = tpu.memref_slice %arg3[%add3A_55] : memref<10000xi32, #tpu.memory_space<hbm>> -> memref<80xi32, #tpu.memory_space<hbm>>
        tpu.enqueue_dma source(%dma_start3A_1112 : memref<80xi32, #tpu.memory_space<hbm>>) target(%dma_start3A_1111 : memref<80xi32, #tpu.memory_space<vmem>>) target_semaphore(%run_scoped3A_1104 : memref<!tpu.dma_semaphore, #tpu.memory_space<semaphore_mem>>)
        %dma_wait3A_1113 = arith.constant 0 : i32
        %dma_wait3A_1114 = tpu.memref_slice %arg6[%run_scoped3A_56, %dma_wait3A_1113] : memref<8x80xi32, #tpu.memory_space<vmem>> -> memref<1x80xi32, #tpu.memory_space<vmem>>
        %dma_wait3A_1115 = tpu.memref_squeeze %dma_wait3A_1114 : memref<1x80xi32, #tpu.memory_space<vmem>> -> memref<80xi32, #tpu.memory_space<vmem>>
        %dma_wait3A_1116 = tpu.memref_slice %arg3[%add3A_55] : memref<10000xi32, #tpu.memory_space<hbm>> -> memref<80xi32, #tpu.memory_space<hbm>>
        %dma_wait3A_1117 = arith.constant 0 : i32
        %dma_wait3A_1118 = tpu.memref_slice %arg6[%run_scoped3A_56, %dma_wait3A_1117] : memref<8x80xi32, #tpu.memory_space<vmem>> -> memref<1x80xi32, #tpu.memory_space<vmem>>
        %dma_wait3A_1119 = tpu.memref_squeeze %dma_wait3A_1118 : memref<1x80xi32, #tpu.memory_space<vmem>> -> memref<80xi32, #tpu.memory_space<vmem>>
        %dma_wait3A_1120 = tpu.memref_slice %arg3[%add3A_55] : memref<10000xi32, #tpu.memory_space<hbm>> -> memref<80xi32, #tpu.memory_space<hbm>>
        tpu.wait_dma2 semaphore(%run_scoped3A_1104 : memref<!tpu.dma_semaphore, #tpu.memory_space<semaphore_mem>>) src(%dma_wait3A_1120 : memref<80xi32, #tpu.memory_space<hbm>>) dst(%dma_wait3A_1119 : memref<80xi32, #tpu.memory_space<vmem>>)
        tpu.yield
      }) : () -> ()
      %mul3A_57 = arith.constant 640 : i32
      %mul3A_58 = arith.muli %arg1, %mul3A_57 : i32
      %add3A_59 = arith.constant 560 : i32
      %add3A_60 = arith.addi %mul3A_58, %add3A_59 : i32
      %run_scoped3A_61 = arith.constant 7 : i32
      "tpu.region"() ({
        %run_scoped3A_1104 = tpu.sem_alloc : memref<!tpu.dma_semaphore, #tpu.memory_space<semaphore_mem>>
        %dma_start3A_1105 = arith.constant 0 : i32
        %dma_start3A_1106 = tpu.memref_slice %arg6[%run_scoped3A_61, %dma_start3A_1105] : memref<8x80xi32, #tpu.memory_space<vmem>> -> memref<1x80xi32, #tpu.memory_space<vmem>>
        %dma_start3A_1107 = tpu.memref_squeeze %dma_start3A_1106 : memref<1x80xi32, #tpu.memory_space<vmem>> -> memref<80xi32, #tpu.memory_space<vmem>>
        %dma_start3A_1108 = tpu.memref_slice %arg3[%add3A_60] : memref<10000xi32, #tpu.memory_space<hbm>> -> memref<80xi32, #tpu.memory_space<hbm>>
        %dma_start3A_1109 = arith.constant 0 : i32
        %dma_start3A_1110 = tpu.memref_slice %arg6[%run_scoped3A_61, %dma_start3A_1109] : memref<8x80xi32, #tpu.memory_space<vmem>> -> memref<1x80xi32, #tpu.memory_space<vmem>>
        %dma_start3A_1111 = tpu.memref_squeeze %dma_start3A_1110 : memref<1x80xi32, #tpu.memory_space<vmem>> -> memref<80xi32, #tpu.memory_space<vmem>>
        %dma_start3A_1112 = tpu.memref_slice %arg3[%add3A_60] : memref<10000xi32, #tpu.memory_space<hbm>> -> memref<80xi32, #tpu.memory_space<hbm>>
        tpu.enqueue_dma source(%dma_start3A_1112 : memref<80xi32, #tpu.memory_space<hbm>>) target(%dma_start3A_1111 : memref<80xi32, #tpu.memory_space<vmem>>) target_semaphore(%run_scoped3A_1104 : memref<!tpu.dma_semaphore, #tpu.memory_space<semaphore_mem>>)
        %dma_wait3A_1113 = arith.constant 0 : i32
        %dma_wait3A_1114 = tpu.memref_slice %arg6[%run_scoped3A_61, %dma_wait3A_1113] : memref<8x80xi32, #tpu.memory_space<vmem>> -> memref<1x80xi32, #tpu.memory_space<vmem>>
        %dma_wait3A_1115 = tpu.memref_squeeze %dma_wait3A_1114 : memref<1x80xi32, #tpu.memory_space<vmem>> -> memref<80xi32, #tpu.memory_space<vmem>>
        %dma_wait3A_1116 = tpu.memref_slice %arg3[%add3A_60] : memref<10000xi32, #tpu.memory_space<hbm>> -> memref<80xi32, #tpu.memory_space<hbm>>
        %dma_wait3A_1117 = arith.constant 0 : i32
        %dma_wait3A_1118 = tpu.memref_slice %arg6[%run_scoped3A_61, %dma_wait3A_1117] : memref<8x80xi32, #tpu.memory_space<vmem>> -> memref<1x80xi32, #tpu.memory_space<vmem>>
        %dma_wait3A_1119 = tpu.memref_squeeze %dma_wait3A_1118 : memref<1x80xi32, #tpu.memory_space<vmem>> -> memref<80xi32, #tpu.memory_space<vmem>>
        %dma_wait3A_1120 = tpu.memref_slice %arg3[%add3A_60] : memref<10000xi32, #tpu.memory_space<hbm>> -> memref<80xi32, #tpu.memory_space<hbm>>
        tpu.wait_dma2 semaphore(%run_scoped3A_1104 : memref<!tpu.dma_semaphore, #tpu.memory_space<semaphore_mem>>) src(%dma_wait3A_1120 : memref<80xi32, #tpu.memory_space<hbm>>) dst(%dma_wait3A_1119 : memref<80xi32, #tpu.memory_space<vmem>>)
        tpu.yield
      }) : () -> ()
      %broadcast_in_dim3A = arith.constant 0.000000e+00 : f32
      %broadcast_in_dim3A_62 = vector.broadcast %broadcast_in_dim3A : f32 to vector<16xf32>
      %swap3A = arith.constant 0 : i32
      %swap3A_63 = arith.index_cast %swap3A : i32 to index
      %swap3A_64 = arith.constant 0 : index
      %swap3A_65 = tpu.vector_load %arg8[%swap3A_63, %swap3A_64] {strides = array<i32>} : memref<16x128xf32, #tpu.memory_space<vmem>>, vector<1x16xf32>,
      %swap3A_66 = vector.shape_cast %swap3A_65 : vector<1x16xf32> to vector<16xf32>
      %swap3A_67 = vector.shape_cast %broadcast_in_dim3A_62 : vector<16xf32> to vector<1x16xf32>
      tpu.vector_store %arg8[%swap3A_63, %swap3A_64], %swap3A_67 {strides = array<i32>} : memref<16x128xf32, #tpu.memory_space<vmem>>, vector<1x16xf32>,
      %broadcast_in_dim3A_68 = arith.constant 0.000000e+00 : f32
      %broadcast_in_dim3A_69 = vector.broadcast %broadcast_in_dim3A_68 : f32 to vector<16xf32>
      %swap3A_70 = arith.constant 0 : i32
      %swap3A_71 = arith.index_cast %swap3A_70 : i32 to index
      %swap3A_72 = arith.constant 16 : index
      %swap3A_73 = tpu.vector_load %arg8[%swap3A_71, %swap3A_72] {strides = array<i32>} : memref<16x128xf32, #tpu.memory_space<vmem>>, vector<1x16xf32>,
      %swap3A_74 = vector.shape_cast %swap3A_73 : vector<1x16xf32> to vector<16xf32>
      %swap3A_75 = vector.shape_cast %broadcast_in_dim3A_69 : vector<16xf32> to vector<1x16xf32>
      tpu.vector_store %arg8[%swap3A_71, %swap3A_72], %swap3A_75 {strides = array<i32>} : memref<16x128xf32, #tpu.memory_space<vmem>>, vector<1x16xf32>,
      %broadcast_in_dim3A_76 = arith.constant 0.000000e+00 : f32
      %broadcast_in_dim3A_77 = vector.broadcast %broadcast_in_dim3A_76 : f32 to vector<16xf32>
      %swap3A_78 = arith.constant 0 : i32
      %swap3A_79 = arith.index_cast %swap3A_78 : i32 to index
      %swap3A_80 = arith.constant 32 : index
      %swap3A_81 = tpu.vector_load %arg8[%swap3A_79, %swap3A_80] {strides = array<i32>} : memref<16x128xf32, #tpu.memory_space<vmem>>, vector<1x16xf32>,
      %swap3A_82 = vector.shape_cast %swap3A_81 : vector<1x16xf32> to vector<16xf32>
      %swap3A_83 = vector.shape_cast %broadcast_in_dim3A_77 : vector<16xf32> to vector<1x16xf32>
      tpu.vector_store %arg8[%swap3A_79, %swap3A_80], %swap3A_83 {strides = array<i32>} : memref<16x128xf32, #tpu.memory_space<vmem>>, vector<1x16xf32>,
      %broadcast_in_dim3A_84 = arith.constant 0.000000e+00 : f32
      %broadcast_in_dim3A_85 = vector.broadcast %broadcast_in_dim3A_84 : f32 to vector<16xf32>
      %swap3A_86 = arith.constant 0 : i32
      %swap3A_87 = arith.index_cast %swap3A_86 : i32 to index
      %swap3A_88 = arith.constant 48 : index
      %swap3A_89 = tpu.vector_load %arg8[%swap3A_87, %swap3A_88] {strides = array<i32>} : memref<16x128xf32, #tpu.memory_space<vmem>>, vector<1x16xf32>,
      %swap3A_90 = vector.shape_cast %swap3A_89 : vector<1x16xf32> to vector<16xf32>
      %swap3A_91 = vector.shape_cast %broadcast_in_dim3A_85 : vector<16xf32> to vector<1x16xf32>
      tpu.vector_store %arg8[%swap3A_87, %swap3A_88], %swap3A_91 {strides = array<i32>} : memref<16x128xf32, #tpu.memory_space<vmem>>, vector<1x16xf32>,
      %broadcast_in_dim3A_92 = arith.constant 0.000000e+00 : f32
      %broadcast_in_dim3A_93 = vector.broadcast %broadcast_in_dim3A_92 : f32 to vector<16xf32>
      %swap3A_94 = arith.constant 0 : i32
      %swap3A_95 = arith.index_cast %swap3A_94 : i32 to index
      %swap3A_96 = arith.constant 64 : index
      %swap3A_97 = tpu.vector_load %arg8[%swap3A_95, %swap3A_96] {strides = array<i32>} : memref<16x128xf32, #tpu.memory_space<vmem>>, vector<1x16xf32>,
      %swap3A_98 = vector.shape_cast %swap3A_97 : vector<1x16xf32> to vector<16xf32>
      %swap3A_99 = vector.shape_cast %broadcast_in_dim3A_93 : vector<16xf32> to vector<1x16xf32>
      tpu.vector_store %arg8[%swap3A_95, %swap3A_96], %swap3A_99 {strides = array<i32>} : memref<16x128xf32, #tpu.memory_space<vmem>>, vector<1x16xf32>,
      %broadcast_in_dim3A_100 = arith.constant 0.000000e+00 : f32
      %broadcast_in_dim3A_101 = vector.broadcast %broadcast_in_dim3A_100 : f32 to vector<16xf32>
      %swap3A_102 = arith.constant 0 : i32
      %swap3A_103 = arith.index_cast %swap3A_102 : i32 to index
      %swap3A_104 = arith.constant 80 : index
      %swap3A_105 = tpu.vector_load %arg8[%swap3A_103, %swap3A_104] {strides = array<i32>} : memref<16x128xf32, #tpu.memory_space<vmem>>, vector<1x16xf32>,
      %swap3A_106 = vector.shape_cast %swap3A_105 : vector<1x16xf32> to vector<16xf32>
      %swap3A_107 = vector.shape_cast %broadcast_in_dim3A_101 : vector<16xf32> to vector<1x16xf32>
      tpu.vector_store %arg8[%swap3A_103, %swap3A_104], %swap3A_107 {strides = array<i32>} : memref<16x128xf32, #tpu.memory_space<vmem>>, vector<1x16xf32>,
      %broadcast_in_dim3A_108 = arith.constant 0.000000e+00 : f32
      %broadcast_in_dim3A_109 = vector.broadcast %broadcast_in_dim3A_108 : f32 to vector<16xf32>
      %swap3A_110 = arith.constant 0 : i32
      %swap3A_111 = arith.index_cast %swap3A_110 : i32 to index
      %swap3A_112 = arith.constant 96 : index
      %swap3A_113 = tpu.vector_load %arg8[%swap3A_111, %swap3A_112] {strides = array<i32>} : memref<16x128xf32, #tpu.memory_space<vmem>>, vector<1x16xf32>,
      %swap3A_114 = vector.shape_cast %swap3A_113 : vector<1x16xf32> to vector<16xf32>
      %swap3A_115 = vector.shape_cast %broadcast_in_dim3A_109 : vector<16xf32> to vector<1x16xf32>
      tpu.vector_store %arg8[%swap3A_111, %swap3A_112], %swap3A_115 {strides = array<i32>} : memref<16x128xf32, #tpu.memory_space<vmem>>, vector<1x16xf32>,
      %broadcast_in_dim3A_116 = arith.constant 0.000000e+00 : f32
      %broadcast_in_dim3A_117 = vector.broadcast %broadcast_in_dim3A_116 : f32 to vector<16xf32>
      %swap3A_118 = arith.constant 0 : i32
      %swap3A_119 = arith.index_cast %swap3A_118 : i32 to index
      %swap3A_120 = arith.constant 112 : index
      %swap3A_121 = tpu.vector_load %arg8[%swap3A_119, %swap3A_120] {strides = array<i32>} : memref<16x128xf32, #tpu.memory_space<vmem>>, vector<1x16xf32>,
      %swap3A_122 = vector.shape_cast %swap3A_121 : vector<1x16xf32> to vector<16xf32>
      %swap3A_123 = vector.shape_cast %broadcast_in_dim3A_117 : vector<16xf32> to vector<1x16xf32>
      tpu.vector_store %arg8[%swap3A_119, %swap3A_120], %swap3A_123 {strides = array<i32>} : memref<16x128xf32, #tpu.memory_space<vmem>>, vector<1x16xf32>,
      %broadcast_in_dim3A_124 = arith.constant 0.000000e+00 : f32
      %broadcast_in_dim3A_125 = vector.broadcast %broadcast_in_dim3A_124 : f32 to vector<16xf32>
      %swap3A_126 = arith.constant 1 : i32
      %swap3A_127 = arith.index_cast %swap3A_126 : i32 to index
      %swap3A_128 = arith.constant 0 : index
      %swap3A_129 = tpu.vector_load %arg8[%swap3A_127, %swap3A_128] {strides = array<i32>} : memref<16x128xf32, #tpu.memory_space<vmem>>, vector<1x16xf32>,
      %swap3A_130 = vector.shape_cast %swap3A_129 : vector<1x16xf32> to vector<16xf32>
      %swap3A_131 = vector.shape_cast %broadcast_in_dim3A_125 : vector<16xf32> to vector<1x16xf32>
      tpu.vector_store %arg8[%swap3A_127, %swap3A_128], %swap3A_131 {strides = array<i32>} : memref<16x128xf32, #tpu.memory_space<vmem>>, vector<1x16xf32>,
      %broadcast_in_dim3A_132 = arith.constant 0.000000e+00 : f32
      %broadcast_in_dim3A_133 = vector.broadcast %broadcast_in_dim3A_132 : f32 to vector<16xf32>
      %swap3A_134 = arith.constant 1 : i32
      %swap3A_135 = arith.index_cast %swap3A_134 : i32 to index
      %swap3A_136 = arith.constant 16 : index
      %swap3A_137 = tpu.vector_load %arg8[%swap3A_135, %swap3A_136] {strides = array<i32>} : memref<16x128xf32, #tpu.memory_space<vmem>>, vector<1x16xf32>,
      %swap3A_138 = vector.shape_cast %swap3A_137 : vector<1x16xf32> to vector<16xf32>
      %swap3A_139 = vector.shape_cast %broadcast_in_dim3A_133 : vector<16xf32> to vector<1x16xf32>
      tpu.vector_store %arg8[%swap3A_135, %swap3A_136], %swap3A_139 {strides = array<i32>} : memref<16x128xf32, #tpu.memory_space<vmem>>, vector<1x16xf32>,
      %broadcast_in_dim3A_140 = arith.constant 0.000000e+00 : f32
      %broadcast_in_dim3A_141 = vector.broadcast %broadcast_in_dim3A_140 : f32 to vector<16xf32>
      %swap3A_142 = arith.constant 1 : i32
      %swap3A_143 = arith.index_cast %swap3A_142 : i32 to index
      %swap3A_144 = arith.constant 32 : index
      %swap3A_145 = tpu.vector_load %arg8[%swap3A_143, %swap3A_144] {strides = array<i32>} : memref<16x128xf32, #tpu.memory_space<vmem>>, vector<1x16xf32>,
      %swap3A_146 = vector.shape_cast %swap3A_145 : vector<1x16xf32> to vector<16xf32>
      %swap3A_147 = vector.shape_cast %broadcast_in_dim3A_141 : vector<16xf32> to vector<1x16xf32>
      tpu.vector_store %arg8[%swap3A_143, %swap3A_144], %swap3A_147 {strides = array<i32>} : memref<16x128xf32, #tpu.memory_space<vmem>>, vector<1x16xf32>,
      %broadcast_in_dim3A_148 = arith.constant 0.000000e+00 : f32
      %broadcast_in_dim3A_149 = vector.broadcast %broadcast_in_dim3A_148 : f32 to vector<16xf32>
      %swap3A_150 = arith.constant 1 : i32
      %swap3A_151 = arith.index_cast %swap3A_150 : i32 to index
      %swap3A_152 = arith.constant 48 : index
      %swap3A_153 = tpu.vector_load %arg8[%swap3A_151, %swap3A_152] {strides = array<i32>} : memref<16x128xf32, #tpu.memory_space<vmem>>, vector<1x16xf32>,
      %swap3A_154 = vector.shape_cast %swap3A_153 : vector<1x16xf32> to vector<16xf32>
      %swap3A_155 = vector.shape_cast %broadcast_in_dim3A_149 : vector<16xf32> to vector<1x16xf32>
      tpu.vector_store %arg8[%swap3A_151, %swap3A_152], %swap3A_155 {strides = array<i32>} : memref<16x128xf32, #tpu.memory_space<vmem>>, vector<1x16xf32>,
      %broadcast_in_dim3A_156 = arith.constant 0.000000e+00 : f32
      %broadcast_in_dim3A_157 = vector.broadcast %broadcast_in_dim3A_156 : f32 to vector<16xf32>
      %swap3A_158 = arith.constant 1 : i32
      %swap3A_159 = arith.index_cast %swap3A_158 : i32 to index
      %swap3A_160 = arith.constant 64 : index
      %swap3A_161 = tpu.vector_load %arg8[%swap3A_159, %swap3A_160] {strides = array<i32>} : memref<16x128xf32, #tpu.memory_space<vmem>>, vector<1x16xf32>,
      %swap3A_162 = vector.shape_cast %swap3A_161 : vector<1x16xf32> to vector<16xf32>
      %swap3A_163 = vector.shape_cast %broadcast_in_dim3A_157 : vector<16xf32> to vector<1x16xf32>
      tpu.vector_store %arg8[%swap3A_159, %swap3A_160], %swap3A_163 {strides = array<i32>} : memref<16x128xf32, #tpu.memory_space<vmem>>, vector<1x16xf32>,
      %broadcast_in_dim3A_164 = arith.constant 0.000000e+00 : f32
      %broadcast_in_dim3A_165 = vector.broadcast %broadcast_in_dim3A_164 : f32 to vector<16xf32>
      %swap3A_166 = arith.constant 1 : i32
      %swap3A_167 = arith.index_cast %swap3A_166 : i32 to index
      %swap3A_168 = arith.constant 80 : index
      %swap3A_169 = tpu.vector_load %arg8[%swap3A_167, %swap3A_168] {strides = array<i32>} : memref<16x128xf32, #tpu.memory_space<vmem>>, vector<1x16xf32>,
      %swap3A_170 = vector.shape_cast %swap3A_169 : vector<1x16xf32> to vector<16xf32>
      %swap3A_171 = vector.shape_cast %broadcast_in_dim3A_165 : vector<16xf32> to vector<1x16xf32>
      tpu.vector_store %arg8[%swap3A_167, %swap3A_168], %swap3A_171 {strides = array<i32>} : memref<16x128xf32, #tpu.memory_space<vmem>>, vector<1x16xf32>,
      %broadcast_in_dim3A_172 = arith.constant 0.000000e+00 : f32
      %broadcast_in_dim3A_173 = vector.broadcast %broadcast_in_dim3A_172 : f32 to vector<16xf32>
      %swap3A_174 = arith.constant 1 : i32
      %swap3A_175 = arith.index_cast %swap3A_174 : i32 to index
      %swap3A_176 = arith.constant 96 : index
      %swap3A_177 = tpu.vector_load %arg8[%swap3A_175, %swap3A_176] {strides = array<i32>} : memref<16x128xf32, #tpu.memory_space<vmem>>, vector<1x16xf32>,
      %swap3A_178 = vector.shape_cast %swap3A_177 : vector<1x16xf32> to vector<16xf32>
      %swap3A_179 = vector.shape_cast %broadcast_in_dim3A_173 : vector<16xf32> to vector<1x16xf32>
      tpu.vector_store %arg8[%swap3A_175, %swap3A_176], %swap3A_179 {strides = array<i32>} : memref<16x128xf32, #tpu.memory_space<vmem>>, vector<1x16xf32>,
      %broadcast_in_dim3A_180 = arith.constant 0.000000e+00 : f32
      %broadcast_in_dim3A_181 = vector.broadcast %broadcast_in_dim3A_180 : f32 to vector<16xf32>
      %swap3A_182 = arith.constant 1 : i32
      %swap3A_183 = arith.index_cast %swap3A_182 : i32 to index
      %swap3A_184 = arith.constant 112 : index
      %swap3A_185 = tpu.vector_load %arg8[%swap3A_183, %swap3A_184] {strides = array<i32>} : memref<16x128xf32, #tpu.memory_space<vmem>>, vector<1x16xf32>,
      %swap3A_186 = vector.shape_cast %swap3A_185 : vector<1x16xf32> to vector<16xf32>
      %swap3A_187 = vector.shape_cast %broadcast_in_dim3A_181 : vector<16xf32> to vector<1x16xf32>
      tpu.vector_store %arg8[%swap3A_183, %swap3A_184], %swap3A_187 {strides = array<i32>} : memref<16x128xf32, #tpu.memory_space<vmem>>, vector<1x16xf32>,
      %broadcast_in_dim3A_188 = arith.constant 0.000000e+00 : f32
      %broadcast_in_dim3A_189 = vector.broadcast %broadcast_in_dim3A_188 : f32 to vector<16xf32>
      %swap3A_190 = arith.constant 2 : i32
      %swap3A_191 = arith.index_cast %swap3A_190 : i32 to index
      %swap3A_192 = arith.constant 0 : index
      %swap3A_193 = tpu.vector_load %arg8[%swap3A_191, %swap3A_192] {strides = array<i32>} : memref<16x128xf32, #tpu.memory_space<vmem>>, vector<1x16xf32>,
      %swap3A_194 = vector.shape_cast %swap3A_193 : vector<1x16xf32> to vector<16xf32>
      %swap3A_195 = vector.shape_cast %broadcast_in_dim3A_189 : vector<16xf32> to vector<1x16xf32>
      tpu.vector_store %arg8[%swap3A_191, %swap3A_192], %swap3A_195 {strides = array<i32>} : memref<16x128xf32, #tpu.memory_space<vmem>>, vector<1x16xf32>,
      %broadcast_in_dim3A_196 = arith.constant 0.000000e+00 : f32
      %broadcast_in_dim3A_197 = vector.broadcast %broadcast_in_dim3A_196 : f32 to vector<16xf32>
      %swap3A_198 = arith.constant 2 : i32
      %swap3A_199 = arith.index_cast %swap3A_198 : i32 to index
      %swap3A_200 = arith.constant 16 : index
      %swap3A_201 = tpu.vector_load %arg8[%swap3A_199, %swap3A_200] {strides = array<i32>} : memref<16x128xf32, #tpu.memory_space<vmem>>, vector<1x16xf32>,
      %swap3A_202 = vector.shape_cast %swap3A_201 : vector<1x16xf32> to vector<16xf32>
      %swap3A_203 = vector.shape_cast %broadcast_in_dim3A_197 : vector<16xf32> to vector<1x16xf32>
      tpu.vector_store %arg8[%swap3A_199, %swap3A_200], %swap3A_203 {strides = array<i32>} : memref<16x128xf32, #tpu.memory_space<vmem>>, vector<1x16xf32>,
      %broadcast_in_dim3A_204 = arith.constant 0.000000e+00 : f32
      %broadcast_in_dim3A_205 = vector.broadcast %broadcast_in_dim3A_204 : f32 to vector<16xf32>
      %swap3A_206 = arith.constant 2 : i32
      %swap3A_207 = arith.index_cast %swap3A_206 : i32 to index
      %swap3A_208 = arith.constant 32 : index
      %swap3A_209 = tpu.vector_load %arg8[%swap3A_207, %swap3A_208] {strides = array<i32>} : memref<16x128xf32, #tpu.memory_space<vmem>>, vector<1x16xf32>,
      %swap3A_210 = vector.shape_cast %swap3A_209 : vector<1x16xf32> to vector<16xf32>
      %swap3A_211 = vector.shape_cast %broadcast_in_dim3A_205 : vector<16xf32> to vector<1x16xf32>
      tpu.vector_store %arg8[%swap3A_207, %swap3A_208], %swap3A_211 {strides = array<i32>} : memref<16x128xf32, #tpu.memory_space<vmem>>, vector<1x16xf32>,
      %broadcast_in_dim3A_212 = arith.constant 0.000000e+00 : f32
      %broadcast_in_dim3A_213 = vector.broadcast %broadcast_in_dim3A_212 : f32 to vector<16xf32>
      %swap3A_214 = arith.constant 2 : i32
      %swap3A_215 = arith.index_cast %swap3A_214 : i32 to index
      %swap3A_216 = arith.constant 48 : index
      %swap3A_217 = tpu.vector_load %arg8[%swap3A_215, %swap3A_216] {strides = array<i32>} : memref<16x128xf32, #tpu.memory_space<vmem>>, vector<1x16xf32>,
      %swap3A_218 = vector.shape_cast %swap3A_217 : vector<1x16xf32> to vector<16xf32>
      %swap3A_219 = vector.shape_cast %broadcast_in_dim3A_213 : vector<16xf32> to vector<1x16xf32>
      tpu.vector_store %arg8[%swap3A_215, %swap3A_216], %swap3A_219 {strides = array<i32>} : memref<16x128xf32, #tpu.memory_space<vmem>>, vector<1x16xf32>,
      %broadcast_in_dim3A_220 = arith.constant 0.000000e+00 : f32
      %broadcast_in_dim3A_221 = vector.broadcast %broadcast_in_dim3A_220 : f32 to vector<16xf32>
      %swap3A_222 = arith.constant 2 : i32
      %swap3A_223 = arith.index_cast %swap3A_222 : i32 to index
      %swap3A_224 = arith.constant 64 : index
      %swap3A_225 = tpu.vector_load %arg8[%swap3A_223, %swap3A_224] {strides = array<i32>} : memref<16x128xf32, #tpu.memory_space<vmem>>, vector<1x16xf32>,
      %swap3A_226 = vector.shape_cast %swap3A_225 : vector<1x16xf32> to vector<16xf32>
      %swap3A_227 = vector.shape_cast %broadcast_in_dim3A_221 : vector<16xf32> to vector<1x16xf32>
      tpu.vector_store %arg8[%swap3A_223, %swap3A_224], %swap3A_227 {strides = array<i32>} : memref<16x128xf32, #tpu.memory_space<vmem>>, vector<1x16xf32>,
      %broadcast_in_dim3A_228 = arith.constant 0.000000e+00 : f32
      %broadcast_in_dim3A_229 = vector.broadcast %broadcast_in_dim3A_228 : f32 to vector<16xf32>
      %swap3A_230 = arith.constant 2 : i32
      %swap3A_231 = arith.index_cast %swap3A_230 : i32 to index
      %swap3A_232 = arith.constant 80 : index
      %swap3A_233 = tpu.vector_load %arg8[%swap3A_231, %swap3A_232] {strides = array<i32>} : memref<16x128xf32, #tpu.memory_space<vmem>>, vector<1x16xf32>,
      %swap3A_234 = vector.shape_cast %swap3A_233 : vector<1x16xf32> to vector<16xf32>
      %swap3A_235 = vector.shape_cast %broadcast_in_dim3A_229 : vector<16xf32> to vector<1x16xf32>
      tpu.vector_store %arg8[%swap3A_231, %swap3A_232], %swap3A_235 {strides = array<i32>} : memref<16x128xf32, #tpu.memory_space<vmem>>, vector<1x16xf32>,
      %broadcast_in_dim3A_236 = arith.constant 0.000000e+00 : f32
      %broadcast_in_dim3A_237 = vector.broadcast %broadcast_in_dim3A_236 : f32 to vector<16xf32>
      %swap3A_238 = arith.constant 2 : i32
      %swap3A_239 = arith.index_cast %swap3A_238 : i32 to index
      %swap3A_240 = arith.constant 96 : index
      %swap3A_241 = tpu.vector_load %arg8[%swap3A_239, %swap3A_240] {strides = array<i32>} : memref<16x128xf32, #tpu.memory_space<vmem>>, vector<1x16xf32>,
      %swap3A_242 = vector.shape_cast %swap3A_241 : vector<1x16xf32> to vector<16xf32>
      %swap3A_243 = vector.shape_cast %broadcast_in_dim3A_237 : vector<16xf32> to vector<1x16xf32>
      tpu.vector_store %arg8[%swap3A_239, %swap3A_240], %swap3A_243 {strides = array<i32>} : memref<16x128xf32, #tpu.memory_space<vmem>>, vector<1x16xf32>,
      %broadcast_in_dim3A_244 = arith.constant 0.000000e+00 : f32
      %broadcast_in_dim3A_245 = vector.broadcast %broadcast_in_dim3A_244 : f32 to vector<16xf32>
      %swap3A_246 = arith.constant 2 : i32
      %swap3A_247 = arith.index_cast %swap3A_246 : i32 to index
      %swap3A_248 = arith.constant 112 : index
      %swap3A_249 = tpu.vector_load %arg8[%swap3A_247, %swap3A_248] {strides = array<i32>} : memref<16x128xf32, #tpu.memory_space<vmem>>, vector<1x16xf32>,
      %swap3A_250 = vector.shape_cast %swap3A_249 : vector<1x16xf32> to vector<16xf32>
      %swap3A_251 = vector.shape_cast %broadcast_in_dim3A_245 : vector<16xf32> to vector<1x16xf32>
      tpu.vector_store %arg8[%swap3A_247, %swap3A_248], %swap3A_251 {strides = array<i32>} : memref<16x128xf32, #tpu.memory_space<vmem>>, vector<1x16xf32>,
      %broadcast_in_dim3A_252 = arith.constant 0.000000e+00 : f32
      %broadcast_in_dim3A_253 = vector.broadcast %broadcast_in_dim3A_252 : f32 to vector<16xf32>
      %swap3A_254 = arith.constant 3 : i32
      %swap3A_255 = arith.index_cast %swap3A_254 : i32 to index
      %swap3A_256 = arith.constant 0 : index
      %swap3A_257 = tpu.vector_load %arg8[%swap3A_255, %swap3A_256] {strides = array<i32>} : memref<16x128xf32, #tpu.memory_space<vmem>>, vector<1x16xf32>,
      %swap3A_258 = vector.shape_cast %swap3A_257 : vector<1x16xf32> to vector<16xf32>
      %swap3A_259 = vector.shape_cast %broadcast_in_dim3A_253 : vector<16xf32> to vector<1x16xf32>
      tpu.vector_store %arg8[%swap3A_255, %swap3A_256], %swap3A_259 {strides = array<i32>} : memref<16x128xf32, #tpu.memory_space<vmem>>, vector<1x16xf32>,
      %broadcast_in_dim3A_260 = arith.constant 0.000000e+00 : f32
      %broadcast_in_dim3A_261 = vector.broadcast %broadcast_in_dim3A_260 : f32 to vector<16xf32>
      %swap3A_262 = arith.constant 3 : i32
      %swap3A_263 = arith.index_cast %swap3A_262 : i32 to index
      %swap3A_264 = arith.constant 16 : index
      %swap3A_265 = tpu.vector_load %arg8[%swap3A_263, %swap3A_264] {strides = array<i32>} : memref<16x128xf32, #tpu.memory_space<vmem>>, vector<1x16xf32>,
      %swap3A_266 = vector.shape_cast %swap3A_265 : vector<1x16xf32> to vector<16xf32>
      %swap3A_267 = vector.shape_cast %broadcast_in_dim3A_261 : vector<16xf32> to vector<1x16xf32>
      tpu.vector_store %arg8[%swap3A_263, %swap3A_264], %swap3A_267 {strides = array<i32>} : memref<16x128xf32, #tpu.memory_space<vmem>>, vector<1x16xf32>,
      %broadcast_in_dim3A_268 = arith.constant 0.000000e+00 : f32
      %broadcast_in_dim3A_269 = vector.broadcast %broadcast_in_dim3A_268 : f32 to vector<16xf32>
      %swap3A_270 = arith.constant 3 : i32
      %swap3A_271 = arith.index_cast %swap3A_270 : i32 to index
      %swap3A_272 = arith.constant 32 : index
      %swap3A_273 = tpu.vector_load %arg8[%swap3A_271, %swap3A_272] {strides = array<i32>} : memref<16x128xf32, #tpu.memory_space<vmem>>, vector<1x16xf32>,
      %swap3A_274 = vector.shape_cast %swap3A_273 : vector<1x16xf32> to vector<16xf32>
      %swap3A_275 = vector.shape_cast %broadcast_in_dim3A_269 : vector<16xf32> to vector<1x16xf32>
      tpu.vector_store %arg8[%swap3A_271, %swap3A_272], %swap3A_275 {strides = array<i32>} : memref<16x128xf32, #tpu.memory_space<vmem>>, vector<1x16xf32>,
      %broadcast_in_dim3A_276 = arith.constant 0.000000e+00 : f32
      %broadcast_in_dim3A_277 = vector.broadcast %broadcast_in_dim3A_276 : f32 to vector<16xf32>
      %swap3A_278 = arith.constant 3 : i32
      %swap3A_279 = arith.index_cast %swap3A_278 : i32 to index
      %swap3A_280 = arith.constant 48 : index
      %swap3A_281 = tpu.vector_load %arg8[%swap3A_279, %swap3A_280] {strides = array<i32>} : memref<16x128xf32, #tpu.memory_space<vmem>>, vector<1x16xf32>,
      %swap3A_282 = vector.shape_cast %swap3A_281 : vector<1x16xf32> to vector<16xf32>
      %swap3A_283 = vector.shape_cast %broadcast_in_dim3A_277 : vector<16xf32> to vector<1x16xf32>
      tpu.vector_store %arg8[%swap3A_279, %swap3A_280], %swap3A_283 {strides = array<i32>} : memref<16x128xf32, #tpu.memory_space<vmem>>, vector<1x16xf32>,
      %broadcast_in_dim3A_284 = arith.constant 0.000000e+00 : f32
      %broadcast_in_dim3A_285 = vector.broadcast %broadcast_in_dim3A_284 : f32 to vector<16xf32>
      %swap3A_286 = arith.constant 3 : i32
      %swap3A_287 = arith.index_cast %swap3A_286 : i32 to index
      %swap3A_288 = arith.constant 64 : index
      %swap3A_289 = tpu.vector_load %arg8[%swap3A_287, %swap3A_288] {strides = array<i32>} : memref<16x128xf32, #tpu.memory_space<vmem>>, vector<1x16xf32>,
      %swap3A_290 = vector.shape_cast %swap3A_289 : vector<1x16xf32> to vector<16xf32>
      %swap3A_291 = vector.shape_cast %broadcast_in_dim3A_285 : vector<16xf32> to vector<1x16xf32>
      tpu.vector_store %arg8[%swap3A_287, %swap3A_288], %swap3A_291 {strides = array<i32>} : memref<16x128xf32, #tpu.memory_space<vmem>>, vector<1x16xf32>,
      %broadcast_in_dim3A_292 = arith.constant 0.000000e+00 : f32
      %broadcast_in_dim3A_293 = vector.broadcast %broadcast_in_dim3A_292 : f32 to vector<16xf32>
      %swap3A_294 = arith.constant 3 : i32
      %swap3A_295 = arith.index_cast %swap3A_294 : i32 to index
      %swap3A_296 = arith.constant 80 : index
      %swap3A_297 = tpu.vector_load %arg8[%swap3A_295, %swap3A_296] {strides = array<i32>} : memref<16x128xf32, #tpu.memory_space<vmem>>, vector<1x16xf32>,
      %swap3A_298 = vector.shape_cast %swap3A_297 : vector<1x16xf32> to vector<16xf32>
      %swap3A_299 = vector.shape_cast %broadcast_in_dim3A_293 : vector<16xf32> to vector<1x16xf32>
      tpu.vector_store %arg8[%swap3A_295, %swap3A_296], %swap3A_299 {strides = array<i32>} : memref<16x128xf32, #tpu.memory_space<vmem>>, vector<1x16xf32>,
      %broadcast_in_dim3A_300 = arith.constant 0.000000e+00 : f32
      %broadcast_in_dim3A_301 = vector.broadcast %broadcast_in_dim3A_300 : f32 to vector<16xf32>
      %swap3A_302 = arith.constant 3 : i32
      %swap3A_303 = arith.index_cast %swap3A_302 : i32 to index
      %swap3A_304 = arith.constant 96 : index
      %swap3A_305 = tpu.vector_load %arg8[%swap3A_303, %swap3A_304] {strides = array<i32>} : memref<16x128xf32, #tpu.memory_space<vmem>>, vector<1x16xf32>,
      %swap3A_306 = vector.shape_cast %swap3A_305 : vector<1x16xf32> to vector<16xf32>
      %swap3A_307 = vector.shape_cast %broadcast_in_dim3A_301 : vector<16xf32> to vector<1x16xf32>
      tpu.vector_store %arg8[%swap3A_303, %swap3A_304], %swap3A_307 {strides = array<i32>} : memref<16x128xf32, #tpu.memory_space<vmem>>, vector<1x16xf32>,
      %broadcast_in_dim3A_308 = arith.constant 0.000000e+00 : f32
      %broadcast_in_dim3A_309 = vector.broadcast %broadcast_in_dim3A_308 : f32 to vector<16xf32>
      %swap3A_310 = arith.constant 3 : i32
      %swap3A_311 = arith.index_cast %swap3A_310 : i32 to index
      %swap3A_312 = arith.constant 112 : index
      %swap3A_313 = tpu.vector_load %arg8[%swap3A_311, %swap3A_312] {strides = array<i32>} : memref<16x128xf32, #tpu.memory_space<vmem>>, vector<1x16xf32>,
      %swap3A_314 = vector.shape_cast %swap3A_313 : vector<1x16xf32> to vector<16xf32>
      %swap3A_315 = vector.shape_cast %broadcast_in_dim3A_309 : vector<16xf32> to vector<1x16xf32>
      tpu.vector_store %arg8[%swap3A_311, %swap3A_312], %swap3A_315 {strides = array<i32>} : memref<16x128xf32, #tpu.memory_space<vmem>>, vector<1x16xf32>,
      %broadcast_in_dim3A_316 = arith.constant 0.000000e+00 : f32
      %broadcast_in_dim3A_317 = vector.broadcast %broadcast_in_dim3A_316 : f32 to vector<16xf32>
      %swap3A_318 = arith.constant 4 : i32
      %swap3A_319 = arith.index_cast %swap3A_318 : i32 to index
      %swap3A_320 = arith.constant 0 : index
      %swap3A_321 = tpu.vector_load %arg8[%swap3A_319, %swap3A_320] {strides = array<i32>} : memref<16x128xf32, #tpu.memory_space<vmem>>, vector<1x16xf32>,
      %swap3A_322 = vector.shape_cast %swap3A_321 : vector<1x16xf32> to vector<16xf32>
      %swap3A_323 = vector.shape_cast %broadcast_in_dim3A_317 : vector<16xf32> to vector<1x16xf32>
      tpu.vector_store %arg8[%swap3A_319, %swap3A_320], %swap3A_323 {strides = array<i32>} : memref<16x128xf32, #tpu.memory_space<vmem>>, vector<1x16xf32>,
      %broadcast_in_dim3A_324 = arith.constant 0.000000e+00 : f32
      %broadcast_in_dim3A_325 = vector.broadcast %broadcast_in_dim3A_324 : f32 to vector<16xf32>
      %swap3A_326 = arith.constant 4 : i32
      %swap3A_327 = arith.index_cast %swap3A_326 : i32 to index
      %swap3A_328 = arith.constant 16 : index
      %swap3A_329 = tpu.vector_load %arg8[%swap3A_327, %swap3A_328] {strides = array<i32>} : memref<16x128xf32, #tpu.memory_space<vmem>>, vector<1x16xf32>,
      %swap3A_330 = vector.shape_cast %swap3A_329 : vector<1x16xf32> to vector<16xf32>
      %swap3A_331 = vector.shape_cast %broadcast_in_dim3A_325 : vector<16xf32> to vector<1x16xf32>
      tpu.vector_store %arg8[%swap3A_327, %swap3A_328], %swap3A_331 {strides = array<i32>} : memref<16x128xf32, #tpu.memory_space<vmem>>, vector<1x16xf32>,
      %broadcast_in_dim3A_332 = arith.constant 0.000000e+00 : f32
      %broadcast_in_dim3A_333 = vector.broadcast %broadcast_in_dim3A_332 : f32 to vector<16xf32>
      %swap3A_334 = arith.constant 4 : i32
      %swap3A_335 = arith.index_cast %swap3A_334 : i32 to index
      %swap3A_336 = arith.constant 32 : index
      %swap3A_337 = tpu.vector_load %arg8[%swap3A_335, %swap3A_336] {strides = array<i32>} : memref<16x128xf32, #tpu.memory_space<vmem>>, vector<1x16xf32>,
      %swap3A_338 = vector.shape_cast %swap3A_337 : vector<1x16xf32> to vector<16xf32>
      %swap3A_339 = vector.shape_cast %broadcast_in_dim3A_333 : vector<16xf32> to vector<1x16xf32>
      tpu.vector_store %arg8[%swap3A_335, %swap3A_336], %swap3A_339 {strides = array<i32>} : memref<16x128xf32, #tpu.memory_space<vmem>>, vector<1x16xf32>,
      %broadcast_in_dim3A_340 = arith.constant 0.000000e+00 : f32
      %broadcast_in_dim3A_341 = vector.broadcast %broadcast_in_dim3A_340 : f32 to vector<16xf32>
      %swap3A_342 = arith.constant 4 : i32
      %swap3A_343 = arith.index_cast %swap3A_342 : i32 to index
      %swap3A_344 = arith.constant 48 : index
      %swap3A_345 = tpu.vector_load %arg8[%swap3A_343, %swap3A_344] {strides = array<i32>} : memref<16x128xf32, #tpu.memory_space<vmem>>, vector<1x16xf32>,
      %swap3A_346 = vector.shape_cast %swap3A_345 : vector<1x16xf32> to vector<16xf32>
      %swap3A_347 = vector.shape_cast %broadcast_in_dim3A_341 : vector<16xf32> to vector<1x16xf32>
      tpu.vector_store %arg8[%swap3A_343, %swap3A_344], %swap3A_347 {strides = array<i32>} : memref<16x128xf32, #tpu.memory_space<vmem>>, vector<1x16xf32>,
      %broadcast_in_dim3A_348 = arith.constant 0.000000e+00 : f32
      %broadcast_in_dim3A_349 = vector.broadcast %broadcast_in_dim3A_348 : f32 to vector<16xf32>
      %swap3A_350 = arith.constant 4 : i32
      %swap3A_351 = arith.index_cast %swap3A_350 : i32 to index
      %swap3A_352 = arith.constant 64 : index
      %swap3A_353 = tpu.vector_load %arg8[%swap3A_351, %swap3A_352] {strides = array<i32>} : memref<16x128xf32, #tpu.memory_space<vmem>>, vector<1x16xf32>,
      %swap3A_354 = vector.shape_cast %swap3A_353 : vector<1x16xf32> to vector<16xf32>
      %swap3A_355 = vector.shape_cast %broadcast_in_dim3A_349 : vector<16xf32> to vector<1x16xf32>
      tpu.vector_store %arg8[%swap3A_351, %swap3A_352], %swap3A_355 {strides = array<i32>} : memref<16x128xf32, #tpu.memory_space<vmem>>, vector<1x16xf32>,
      %broadcast_in_dim3A_356 = arith.constant 0.000000e+00 : f32
      %broadcast_in_dim3A_357 = vector.broadcast %broadcast_in_dim3A_356 : f32 to vector<16xf32>
      %swap3A_358 = arith.constant 4 : i32
      %swap3A_359 = arith.index_cast %swap3A_358 : i32 to index
      %swap3A_360 = arith.constant 80 : index
      %swap3A_361 = tpu.vector_load %arg8[%swap3A_359, %swap3A_360] {strides = array<i32>} : memref<16x128xf32, #tpu.memory_space<vmem>>, vector<1x16xf32>,
      %swap3A_362 = vector.shape_cast %swap3A_361 : vector<1x16xf32> to vector<16xf32>
      %swap3A_363 = vector.shape_cast %broadcast_in_dim3A_357 : vector<16xf32> to vector<1x16xf32>
      tpu.vector_store %arg8[%swap3A_359, %swap3A_360], %swap3A_363 {strides = array<i32>} : memref<16x128xf32, #tpu.memory_space<vmem>>, vector<1x16xf32>,
      %broadcast_in_dim3A_364 = arith.constant 0.000000e+00 : f32
      %broadcast_in_dim3A_365 = vector.broadcast %broadcast_in_dim3A_364 : f32 to vector<16xf32>
      %swap3A_366 = arith.constant 4 : i32
      %swap3A_367 = arith.index_cast %swap3A_366 : i32 to index
      %swap3A_368 = arith.constant 96 : index
      %swap3A_369 = tpu.vector_load %arg8[%swap3A_367, %swap3A_368] {strides = array<i32>} : memref<16x128xf32, #tpu.memory_space<vmem>>, vector<1x16xf32>,
      %swap3A_370 = vector.shape_cast %swap3A_369 : vector<1x16xf32> to vector<16xf32>
      %swap3A_371 = vector.shape_cast %broadcast_in_dim3A_365 : vector<16xf32> to vector<1x16xf32>
      tpu.vector_store %arg8[%swap3A_367, %swap3A_368], %swap3A_371 {strides = array<i32>} : memref<16x128xf32, #tpu.memory_space<vmem>>, vector<1x16xf32>,
      %broadcast_in_dim3A_372 = arith.constant 0.000000e+00 : f32
      %broadcast_in_dim3A_373 = vector.broadcast %broadcast_in_dim3A_372 : f32 to vector<16xf32>
      %swap3A_374 = arith.constant 4 : i32
      %swap3A_375 = arith.index_cast %swap3A_374 : i32 to index
      %swap3A_376 = arith.constant 112 : index
      %swap3A_377 = tpu.vector_load %arg8[%swap3A_375, %swap3A_376] {strides = array<i32>} : memref<16x128xf32, #tpu.memory_space<vmem>>, vector<1x16xf32>,
      %swap3A_378 = vector.shape_cast %swap3A_377 : vector<1x16xf32> to vector<16xf32>
      %swap3A_379 = vector.shape_cast %broadcast_in_dim3A_373 : vector<16xf32> to vector<1x16xf32>
      tpu.vector_store %arg8[%swap3A_375, %swap3A_376], %swap3A_379 {strides = array<i32>} : memref<16x128xf32, #tpu.memory_space<vmem>>, vector<1x16xf32>,
      %broadcast_in_dim3A_380 = arith.constant 0.000000e+00 : f32
      %broadcast_in_dim3A_381 = vector.broadcast %broadcast_in_dim3A_380 : f32 to vector<16xf32>
      %swap3A_382 = arith.constant 5 : i32
      %swap3A_383 = arith.index_cast %swap3A_382 : i32 to index
      %swap3A_384 = arith.constant 0 : index
      %swap3A_385 = tpu.vector_load %arg8[%swap3A_383, %swap3A_384] {strides = array<i32>} : memref<16x128xf32, #tpu.memory_space<vmem>>, vector<1x16xf32>,
      %swap3A_386 = vector.shape_cast %swap3A_385 : vector<1x16xf32> to vector<16xf32>
      %swap3A_387 = vector.shape_cast %broadcast_in_dim3A_381 : vector<16xf32> to vector<1x16xf32>
      tpu.vector_store %arg8[%swap3A_383, %swap3A_384], %swap3A_387 {strides = array<i32>} : memref<16x128xf32, #tpu.memory_space<vmem>>, vector<1x16xf32>,
      %broadcast_in_dim3A_388 = arith.constant 0.000000e+00 : f32
      %broadcast_in_dim3A_389 = vector.broadcast %broadcast_in_dim3A_388 : f32 to vector<16xf32>
      %swap3A_390 = arith.constant 5 : i32
      %swap3A_391 = arith.index_cast %swap3A_390 : i32 to index
      %swap3A_392 = arith.constant 16 : index
      %swap3A_393 = tpu.vector_load %arg8[%swap3A_391, %swap3A_392] {strides = array<i32>} : memref<16x128xf32, #tpu.memory_space<vmem>>, vector<1x16xf32>,
      %swap3A_394 = vector.shape_cast %swap3A_393 : vector<1x16xf32> to vector<16xf32>
      %swap3A_395 = vector.shape_cast %broadcast_in_dim3A_389 : vector<16xf32> to vector<1x16xf32>
      tpu.vector_store %arg8[%swap3A_391, %swap3A_392], %swap3A_395 {strides = array<i32>} : memref<16x128xf32, #tpu.memory_space<vmem>>, vector<1x16xf32>,
      %broadcast_in_dim3A_396 = arith.constant 0.000000e+00 : f32
      %broadcast_in_dim3A_397 = vector.broadcast %broadcast_in_dim3A_396 : f32 to vector<16xf32>
      %swap3A_398 = arith.constant 5 : i32
      %swap3A_399 = arith.index_cast %swap3A_398 : i32 to index
      %swap3A_400 = arith.constant 32 : index
      %swap3A_401 = tpu.vector_load %arg8[%swap3A_399, %swap3A_400] {strides = array<i32>} : memref<16x128xf32, #tpu.memory_space<vmem>>, vector<1x16xf32>,
      %swap3A_402 = vector.shape_cast %swap3A_401 : vector<1x16xf32> to vector<16xf32>
      %swap3A_403 = vector.shape_cast %broadcast_in_dim3A_397 : vector<16xf32> to vector<1x16xf32>
      tpu.vector_store %arg8[%swap3A_399, %swap3A_400], %swap3A_403 {strides = array<i32>} : memref<16x128xf32, #tpu.memory_space<vmem>>, vector<1x16xf32>,
      %broadcast_in_dim3A_404 = arith.constant 0.000000e+00 : f32
      %broadcast_in_dim3A_405 = vector.broadcast %broadcast_in_dim3A_404 : f32 to vector<16xf32>
      %swap3A_406 = arith.constant 5 : i32
      %swap3A_407 = arith.index_cast %swap3A_406 : i32 to index
      %swap3A_408 = arith.constant 48 : index
      %swap3A_409 = tpu.vector_load %arg8[%swap3A_407, %swap3A_408] {strides = array<i32>} : memref<16x128xf32, #tpu.memory_space<vmem>>, vector<1x16xf32>,
      %swap3A_410 = vector.shape_cast %swap3A_409 : vector<1x16xf32> to vector<16xf32>
      %swap3A_411 = vector.shape_cast %broadcast_in_dim3A_405 : vector<16xf32> to vector<1x16xf32>
      tpu.vector_store %arg8[%swap3A_407, %swap3A_408], %swap3A_411 {strides = array<i32>} : memref<16x128xf32, #tpu.memory_space<vmem>>, vector<1x16xf32>,
      %broadcast_in_dim3A_412 = arith.constant 0.000000e+00 : f32
      %broadcast_in_dim3A_413 = vector.broadcast %broadcast_in_dim3A_412 : f32 to vector<16xf32>
      %swap3A_414 = arith.constant 5 : i32
      %swap3A_415 = arith.index_cast %swap3A_414 : i32 to index
      %swap3A_416 = arith.constant 64 : index
      %swap3A_417 = tpu.vector_load %arg8[%swap3A_415, %swap3A_416] {strides = array<i32>} : memref<16x128xf32, #tpu.memory_space<vmem>>, vector<1x16xf32>,
      %swap3A_418 = vector.shape_cast %swap3A_417 : vector<1x16xf32> to vector<16xf32>
      %swap3A_419 = vector.shape_cast %broadcast_in_dim3A_413 : vector<16xf32> to vector<1x16xf32>
      tpu.vector_store %arg8[%swap3A_415, %swap3A_416], %swap3A_419 {strides = array<i32>} : memref<16x128xf32, #tpu.memory_space<vmem>>, vector<1x16xf32>,
      %broadcast_in_dim3A_420 = arith.constant 0.000000e+00 : f32
      %broadcast_in_dim3A_421 = vector.broadcast %broadcast_in_dim3A_420 : f32 to vector<16xf32>
      %swap3A_422 = arith.constant 5 : i32
      %swap3A_423 = arith.index_cast %swap3A_422 : i32 to index
      %swap3A_424 = arith.constant 80 : index
      %swap3A_425 = tpu.vector_load %arg8[%swap3A_423, %swap3A_424] {strides = array<i32>} : memref<16x128xf32, #tpu.memory_space<vmem>>, vector<1x16xf32>,
      %swap3A_426 = vector.shape_cast %swap3A_425 : vector<1x16xf32> to vector<16xf32>
      %swap3A_427 = vector.shape_cast %broadcast_in_dim3A_421 : vector<16xf32> to vector<1x16xf32>
      tpu.vector_store %arg8[%swap3A_423, %swap3A_424], %swap3A_427 {strides = array<i32>} : memref<16x128xf32, #tpu.memory_space<vmem>>, vector<1x16xf32>,
      %broadcast_in_dim3A_428 = arith.constant 0.000000e+00 : f32
      %broadcast_in_dim3A_429 = vector.broadcast %broadcast_in_dim3A_428 : f32 to vector<16xf32>
      %swap3A_430 = arith.constant 5 : i32
      %swap3A_431 = arith.index_cast %swap3A_430 : i32 to index
      %swap3A_432 = arith.constant 96 : index
      %swap3A_433 = tpu.vector_load %arg8[%swap3A_431, %swap3A_432] {strides = array<i32>} : memref<16x128xf32, #tpu.memory_space<vmem>>, vector<1x16xf32>,
      %swap3A_434 = vector.shape_cast %swap3A_433 : vector<1x16xf32> to vector<16xf32>
      %swap3A_435 = vector.shape_cast %broadcast_in_dim3A_429 : vector<16xf32> to vector<1x16xf32>
      tpu.vector_store %arg8[%swap3A_431, %swap3A_432], %swap3A_435 {strides = array<i32>} : memref<16x128xf32, #tpu.memory_space<vmem>>, vector<1x16xf32>,
      %broadcast_in_dim3A_436 = arith.constant 0.000000e+00 : f32
      %broadcast_in_dim3A_437 = vector.broadcast %broadcast_in_dim3A_436 : f32 to vector<16xf32>
      %swap3A_438 = arith.constant 5 : i32
      %swap3A_439 = arith.index_cast %swap3A_438 : i32 to index
      %swap3A_440 = arith.constant 112 : index
      %swap3A_441 = tpu.vector_load %arg8[%swap3A_439, %swap3A_440] {strides = array<i32>} : memref<16x128xf32, #tpu.memory_space<vmem>>, vector<1x16xf32>,
      %swap3A_442 = vector.shape_cast %swap3A_441 : vector<1x16xf32> to vector<16xf32>
      %swap3A_443 = vector.shape_cast %broadcast_in_dim3A_437 : vector<16xf32> to vector<1x16xf32>
      tpu.vector_store %arg8[%swap3A_439, %swap3A_440], %swap3A_443 {strides = array<i32>} : memref<16x128xf32, #tpu.memory_space<vmem>>, vector<1x16xf32>,
      %broadcast_in_dim3A_444 = arith.constant 0.000000e+00 : f32
      %broadcast_in_dim3A_445 = vector.broadcast %broadcast_in_dim3A_444 : f32 to vector<16xf32>
      %swap3A_446 = arith.constant 6 : i32
      %swap3A_447 = arith.index_cast %swap3A_446 : i32 to index
      %swap3A_448 = arith.constant 0 : index
      %swap3A_449 = tpu.vector_load %arg8[%swap3A_447, %swap3A_448] {strides = array<i32>} : memref<16x128xf32, #tpu.memory_space<vmem>>, vector<1x16xf32>,
      %swap3A_450 = vector.shape_cast %swap3A_449 : vector<1x16xf32> to vector<16xf32>
      %swap3A_451 = vector.shape_cast %broadcast_in_dim3A_445 : vector<16xf32> to vector<1x16xf32>
      tpu.vector_store %arg8[%swap3A_447, %swap3A_448], %swap3A_451 {strides = array<i32>} : memref<16x128xf32, #tpu.memory_space<vmem>>, vector<1x16xf32>,
      %broadcast_in_dim3A_452 = arith.constant 0.000000e+00 : f32
      %broadcast_in_dim3A_453 = vector.broadcast %broadcast_in_dim3A_452 : f32 to vector<16xf32>
      %swap3A_454 = arith.constant 6 : i32
      %swap3A_455 = arith.index_cast %swap3A_454 : i32 to index
      %swap3A_456 = arith.constant 16 : index
      %swap3A_457 = tpu.vector_load %arg8[%swap3A_455, %swap3A_456] {strides = array<i32>} : memref<16x128xf32, #tpu.memory_space<vmem>>, vector<1x16xf32>,
      %swap3A_458 = vector.shape_cast %swap3A_457 : vector<1x16xf32> to vector<16xf32>
      %swap3A_459 = vector.shape_cast %broadcast_in_dim3A_453 : vector<16xf32> to vector<1x16xf32>
      tpu.vector_store %arg8[%swap3A_455, %swap3A_456], %swap3A_459 {strides = array<i32>} : memref<16x128xf32, #tpu.memory_space<vmem>>, vector<1x16xf32>,
      %broadcast_in_dim3A_460 = arith.constant 0.000000e+00 : f32
      %broadcast_in_dim3A_461 = vector.broadcast %broadcast_in_dim3A_460 : f32 to vector<16xf32>
      %swap3A_462 = arith.constant 6 : i32
      %swap3A_463 = arith.index_cast %swap3A_462 : i32 to index
      %swap3A_464 = arith.constant 32 : index
      %swap3A_465 = tpu.vector_load %arg8[%swap3A_463, %swap3A_464] {strides = array<i32>} : memref<16x128xf32, #tpu.memory_space<vmem>>, vector<1x16xf32>,
      %swap3A_466 = vector.shape_cast %swap3A_465 : vector<1x16xf32> to vector<16xf32>
      %swap3A_467 = vector.shape_cast %broadcast_in_dim3A_461 : vector<16xf32> to vector<1x16xf32>
      tpu.vector_store %arg8[%swap3A_463, %swap3A_464], %swap3A_467 {strides = array<i32>} : memref<16x128xf32, #tpu.memory_space<vmem>>, vector<1x16xf32>,
      %broadcast_in_dim3A_468 = arith.constant 0.000000e+00 : f32
      %broadcast_in_dim3A_469 = vector.broadcast %broadcast_in_dim3A_468 : f32 to vector<16xf32>
      %swap3A_470 = arith.constant 6 : i32
      %swap3A_471 = arith.index_cast %swap3A_470 : i32 to index
      %swap3A_472 = arith.constant 48 : index
      %swap3A_473 = tpu.vector_load %arg8[%swap3A_471, %swap3A_472] {strides = array<i32>} : memref<16x128xf32, #tpu.memory_space<vmem>>, vector<1x16xf32>,
      %swap3A_474 = vector.shape_cast %swap3A_473 : vector<1x16xf32> to vector<16xf32>
      %swap3A_475 = vector.shape_cast %broadcast_in_dim3A_469 : vector<16xf32> to vector<1x16xf32>
      tpu.vector_store %arg8[%swap3A_471, %swap3A_472], %swap3A_475 {strides = array<i32>} : memref<16x128xf32, #tpu.memory_space<vmem>>, vector<1x16xf32>,
      %broadcast_in_dim3A_476 = arith.constant 0.000000e+00 : f32
      %broadcast_in_dim3A_477 = vector.broadcast %broadcast_in_dim3A_476 : f32 to vector<16xf32>
      %swap3A_478 = arith.constant 6 : i32
      %swap3A_479 = arith.index_cast %swap3A_478 : i32 to index
      %swap3A_480 = arith.constant 64 : index
      %swap3A_481 = tpu.vector_load %arg8[%swap3A_479, %swap3A_480] {strides = array<i32>} : memref<16x128xf32, #tpu.memory_space<vmem>>, vector<1x16xf32>,
      %swap3A_482 = vector.shape_cast %swap3A_481 : vector<1x16xf32> to vector<16xf32>
      %swap3A_483 = vector.shape_cast %broadcast_in_dim3A_477 : vector<16xf32> to vector<1x16xf32>
      tpu.vector_store %arg8[%swap3A_479, %swap3A_480], %swap3A_483 {strides = array<i32>} : memref<16x128xf32, #tpu.memory_space<vmem>>, vector<1x16xf32>,
      %broadcast_in_dim3A_484 = arith.constant 0.000000e+00 : f32
      %broadcast_in_dim3A_485 = vector.broadcast %broadcast_in_dim3A_484 : f32 to vector<16xf32>
      %swap3A_486 = arith.constant 6 : i32
      %swap3A_487 = arith.index_cast %swap3A_486 : i32 to index
      %swap3A_488 = arith.constant 80 : index
      %swap3A_489 = tpu.vector_load %arg8[%swap3A_487, %swap3A_488] {strides = array<i32>} : memref<16x128xf32, #tpu.memory_space<vmem>>, vector<1x16xf32>,
      %swap3A_490 = vector.shape_cast %swap3A_489 : vector<1x16xf32> to vector<16xf32>
      %swap3A_491 = vector.shape_cast %broadcast_in_dim3A_485 : vector<16xf32> to vector<1x16xf32>
      tpu.vector_store %arg8[%swap3A_487, %swap3A_488], %swap3A_491 {strides = array<i32>} : memref<16x128xf32, #tpu.memory_space<vmem>>, vector<1x16xf32>,
      %broadcast_in_dim3A_492 = arith.constant 0.000000e+00 : f32
      %broadcast_in_dim3A_493 = vector.broadcast %broadcast_in_dim3A_492 : f32 to vector<16xf32>
      %swap3A_494 = arith.constant 6 : i32
      %swap3A_495 = arith.index_cast %swap3A_494 : i32 to index
      %swap3A_496 = arith.constant 96 : index
      %swap3A_497 = tpu.vector_load %arg8[%swap3A_495, %swap3A_496] {strides = array<i32>} : memref<16x128xf32, #tpu.memory_space<vmem>>, vector<1x16xf32>,
      %swap3A_498 = vector.shape_cast %swap3A_497 : vector<1x16xf32> to vector<16xf32>
      %swap3A_499 = vector.shape_cast %broadcast_in_dim3A_493 : vector<16xf32> to vector<1x16xf32>
      tpu.vector_store %arg8[%swap3A_495, %swap3A_496], %swap3A_499 {strides = array<i32>} : memref<16x128xf32, #tpu.memory_space<vmem>>, vector<1x16xf32>,
      %broadcast_in_dim3A_500 = arith.constant 0.000000e+00 : f32
      %broadcast_in_dim3A_501 = vector.broadcast %broadcast_in_dim3A_500 : f32 to vector<16xf32>
      %swap3A_502 = arith.constant 6 : i32
      %swap3A_503 = arith.index_cast %swap3A_502 : i32 to index
      %swap3A_504 = arith.constant 112 : index
      %swap3A_505 = tpu.vector_load %arg8[%swap3A_503, %swap3A_504] {strides = array<i32>} : memref<16x128xf32, #tpu.memory_space<vmem>>, vector<1x16xf32>,
      %swap3A_506 = vector.shape_cast %swap3A_505 : vector<1x16xf32> to vector<16xf32>
      %swap3A_507 = vector.shape_cast %broadcast_in_dim3A_501 : vector<16xf32> to vector<1x16xf32>
      tpu.vector_store %arg8[%swap3A_503, %swap3A_504], %swap3A_507 {strides = array<i32>} : memref<16x128xf32, #tpu.memory_space<vmem>>, vector<1x16xf32>,
      %broadcast_in_dim3A_508 = arith.constant 0.000000e+00 : f32
      %broadcast_in_dim3A_509 = vector.broadcast %broadcast_in_dim3A_508 : f32 to vector<16xf32>
      %swap3A_510 = arith.constant 7 : i32
      %swap3A_511 = arith.index_cast %swap3A_510 : i32 to index
      %swap3A_512 = arith.constant 0 : index
      %swap3A_513 = tpu.vector_load %arg8[%swap3A_511, %swap3A_512] {strides = array<i32>} : memref<16x128xf32, #tpu.memory_space<vmem>>, vector<1x16xf32>,
      %swap3A_514 = vector.shape_cast %swap3A_513 : vector<1x16xf32> to vector<16xf32>
      %swap3A_515 = vector.shape_cast %broadcast_in_dim3A_509 : vector<16xf32> to vector<1x16xf32>
      tpu.vector_store %arg8[%swap3A_511, %swap3A_512], %swap3A_515 {strides = array<i32>} : memref<16x128xf32, #tpu.memory_space<vmem>>, vector<1x16xf32>,
      %broadcast_in_dim3A_516 = arith.constant 0.000000e+00 : f32
      %broadcast_in_dim3A_517 = vector.broadcast %broadcast_in_dim3A_516 : f32 to vector<16xf32>
      %swap3A_518 = arith.constant 7 : i32
      %swap3A_519 = arith.index_cast %swap3A_518 : i32 to index
      %swap3A_520 = arith.constant 16 : index
      %swap3A_521 = tpu.vector_load %arg8[%swap3A_519, %swap3A_520] {strides = array<i32>} : memref<16x128xf32, #tpu.memory_space<vmem>>, vector<1x16xf32>,
      %swap3A_522 = vector.shape_cast %swap3A_521 : vector<1x16xf32> to vector<16xf32>
      %swap3A_523 = vector.shape_cast %broadcast_in_dim3A_517 : vector<16xf32> to vector<1x16xf32>
      tpu.vector_store %arg8[%swap3A_519, %swap3A_520], %swap3A_523 {strides = array<i32>} : memref<16x128xf32, #tpu.memory_space<vmem>>, vector<1x16xf32>,
      %broadcast_in_dim3A_524 = arith.constant 0.000000e+00 : f32
      %broadcast_in_dim3A_525 = vector.broadcast %broadcast_in_dim3A_524 : f32 to vector<16xf32>
      %swap3A_526 = arith.constant 7 : i32
      %swap3A_527 = arith.index_cast %swap3A_526 : i32 to index
      %swap3A_528 = arith.constant 32 : index
      %swap3A_529 = tpu.vector_load %arg8[%swap3A_527, %swap3A_528] {strides = array<i32>} : memref<16x128xf32, #tpu.memory_space<vmem>>, vector<1x16xf32>,
      %swap3A_530 = vector.shape_cast %swap3A_529 : vector<1x16xf32> to vector<16xf32>
      %swap3A_531 = vector.shape_cast %broadcast_in_dim3A_525 : vector<16xf32> to vector<1x16xf32>
      tpu.vector_store %arg8[%swap3A_527, %swap3A_528], %swap3A_531 {strides = array<i32>} : memref<16x128xf32, #tpu.memory_space<vmem>>, vector<1x16xf32>,
      %broadcast_in_dim3A_532 = arith.constant 0.000000e+00 : f32
      %broadcast_in_dim3A_533 = vector.broadcast %broadcast_in_dim3A_532 : f32 to vector<16xf32>
      %swap3A_534 = arith.constant 7 : i32
      %swap3A_535 = arith.index_cast %swap3A_534 : i32 to index
      %swap3A_536 = arith.constant 48 : index
      %swap3A_537 = tpu.vector_load %arg8[%swap3A_535, %swap3A_536] {strides = array<i32>} : memref<16x128xf32, #tpu.memory_space<vmem>>, vector<1x16xf32>,
      %swap3A_538 = vector.shape_cast %swap3A_537 : vector<1x16xf32> to vector<16xf32>
      %swap3A_539 = vector.shape_cast %broadcast_in_dim3A_533 : vector<16xf32> to vector<1x16xf32>
      tpu.vector_store %arg8[%swap3A_535, %swap3A_536], %swap3A_539 {strides = array<i32>} : memref<16x128xf32, #tpu.memory_space<vmem>>, vector<1x16xf32>,
      %broadcast_in_dim3A_540 = arith.constant 0.000000e+00 : f32
      %broadcast_in_dim3A_541 = vector.broadcast %broadcast_in_dim3A_540 : f32 to vector<16xf32>
      %swap3A_542 = arith.constant 7 : i32
      %swap3A_543 = arith.index_cast %swap3A_542 : i32 to index
      %swap3A_544 = arith.constant 64 : index
      %swap3A_545 = tpu.vector_load %arg8[%swap3A_543, %swap3A_544] {strides = array<i32>} : memref<16x128xf32, #tpu.memory_space<vmem>>, vector<1x16xf32>,
      %swap3A_546 = vector.shape_cast %swap3A_545 : vector<1x16xf32> to vector<16xf32>
      %swap3A_547 = vector.shape_cast %broadcast_in_dim3A_541 : vector<16xf32> to vector<1x16xf32>
      tpu.vector_store %arg8[%swap3A_543, %swap3A_544], %swap3A_547 {strides = array<i32>} : memref<16x128xf32, #tpu.memory_space<vmem>>, vector<1x16xf32>,
      %broadcast_in_dim3A_548 = arith.constant 0.000000e+00 : f32
      %broadcast_in_dim3A_549 = vector.broadcast %broadcast_in_dim3A_548 : f32 to vector<16xf32>
      %swap3A_550 = arith.constant 7 : i32
      %swap3A_551 = arith.index_cast %swap3A_550 : i32 to index
      %swap3A_552 = arith.constant 80 : index
      %swap3A_553 = tpu.vector_load %arg8[%swap3A_551, %swap3A_552] {strides = array<i32>} : memref<16x128xf32, #tpu.memory_space<vmem>>, vector<1x16xf32>,
      %swap3A_554 = vector.shape_cast %swap3A_553 : vector<1x16xf32> to vector<16xf32>
      %swap3A_555 = vector.shape_cast %broadcast_in_dim3A_549 : vector<16xf32> to vector<1x16xf32>
      tpu.vector_store %arg8[%swap3A_551, %swap3A_552], %swap3A_555 {strides = array<i32>} : memref<16x128xf32, #tpu.memory_space<vmem>>, vector<1x16xf32>,
      %broadcast_in_dim3A_556 = arith.constant 0.000000e+00 : f32
      %broadcast_in_dim3A_557 = vector.broadcast %broadcast_in_dim3A_556 : f32 to vector<16xf32>
      %swap3A_558 = arith.constant 7 : i32
      %swap3A_559 = arith.index_cast %swap3A_558 : i32 to index
      %swap3A_560 = arith.constant 96 : index
      %swap3A_561 = tpu.vector_load %arg8[%swap3A_559, %swap3A_560] {strides = array<i32>} : memref<16x128xf32, #tpu.memory_space<vmem>>, vector<1x16xf32>,
      %swap3A_562 = vector.shape_cast %swap3A_561 : vector<1x16xf32> to vector<16xf32>
      %swap3A_563 = vector.shape_cast %broadcast_in_dim3A_557 : vector<16xf32> to vector<1x16xf32>
      tpu.vector_store %arg8[%swap3A_559, %swap3A_560], %swap3A_563 {strides = array<i32>} : memref<16x128xf32, #tpu.memory_space<vmem>>, vector<1x16xf32>,
      %broadcast_in_dim3A_564 = arith.constant 0.000000e+00 : f32
      %broadcast_in_dim3A_565 = vector.broadcast %broadcast_in_dim3A_564 : f32 to vector<16xf32>
      %swap3A_566 = arith.constant 7 : i32
      %swap3A_567 = arith.index_cast %swap3A_566 : i32 to index
      %swap3A_568 = arith.constant 112 : index
      %swap3A_569 = tpu.vector_load %arg8[%swap3A_567, %swap3A_568] {strides = array<i32>} : memref<16x128xf32, #tpu.memory_space<vmem>>, vector<1x16xf32>,
      %swap3A_570 = vector.shape_cast %swap3A_569 : vector<1x16xf32> to vector<16xf32>
      %swap3A_571 = vector.shape_cast %broadcast_in_dim3A_565 : vector<16xf32> to vector<1x16xf32>
      tpu.vector_store %arg8[%swap3A_567, %swap3A_568], %swap3A_571 {strides = array<i32>} : memref<16x128xf32, #tpu.memory_space<vmem>>, vector<1x16xf32>,
      %broadcast_in_dim3A_572 = arith.constant 0.000000e+00 : f32
      %broadcast_in_dim3A_573 = vector.broadcast %broadcast_in_dim3A_572 : f32 to vector<16xf32>
      %swap3A_574 = arith.constant 8 : i32
      %swap3A_575 = arith.index_cast %swap3A_574 : i32 to index
      %swap3A_576 = arith.constant 0 : index
      %swap3A_577 = tpu.vector_load %arg8[%swap3A_575, %swap3A_576] {strides = array<i32>} : memref<16x128xf32, #tpu.memory_space<vmem>>, vector<1x16xf32>,
      %swap3A_578 = vector.shape_cast %swap3A_577 : vector<1x16xf32> to vector<16xf32>
      %swap3A_579 = vector.shape_cast %broadcast_in_dim3A_573 : vector<16xf32> to vector<1x16xf32>
      tpu.vector_store %arg8[%swap3A_575, %swap3A_576], %swap3A_579 {strides = array<i32>} : memref<16x128xf32, #tpu.memory_space<vmem>>, vector<1x16xf32>,
      %broadcast_in_dim3A_580 = arith.constant 0.000000e+00 : f32
      %broadcast_in_dim3A_581 = vector.broadcast %broadcast_in_dim3A_580 : f32 to vector<16xf32>
      %swap3A_582 = arith.constant 8 : i32
      %swap3A_583 = arith.index_cast %swap3A_582 : i32 to index
      %swap3A_584 = arith.constant 16 : index
      %swap3A_585 = tpu.vector_load %arg8[%swap3A_583, %swap3A_584] {strides = array<i32>} : memref<16x128xf32, #tpu.memory_space<vmem>>, vector<1x16xf32>,
      %swap3A_586 = vector.shape_cast %swap3A_585 : vector<1x16xf32> to vector<16xf32>
      %swap3A_587 = vector.shape_cast %broadcast_in_dim3A_581 : vector<16xf32> to vector<1x16xf32>
      tpu.vector_store %arg8[%swap3A_583, %swap3A_584], %swap3A_587 {strides = array<i32>} : memref<16x128xf32, #tpu.memory_space<vmem>>, vector<1x16xf32>,
      %broadcast_in_dim3A_588 = arith.constant 0.000000e+00 : f32
      %broadcast_in_dim3A_589 = vector.broadcast %broadcast_in_dim3A_588 : f32 to vector<16xf32>
      %swap3A_590 = arith.constant 8 : i32
      %swap3A_591 = arith.index_cast %swap3A_590 : i32 to index
      %swap3A_592 = arith.constant 32 : index
      %swap3A_593 = tpu.vector_load %arg8[%swap3A_591, %swap3A_592] {strides = array<i32>} : memref<16x128xf32, #tpu.memory_space<vmem>>, vector<1x16xf32>,
      %swap3A_594 = vector.shape_cast %swap3A_593 : vector<1x16xf32> to vector<16xf32>
      %swap3A_595 = vector.shape_cast %broadcast_in_dim3A_589 : vector<16xf32> to vector<1x16xf32>
      tpu.vector_store %arg8[%swap3A_591, %swap3A_592], %swap3A_595 {strides = array<i32>} : memref<16x128xf32, #tpu.memory_space<vmem>>, vector<1x16xf32>,
      %broadcast_in_dim3A_596 = arith.constant 0.000000e+00 : f32
      %broadcast_in_dim3A_597 = vector.broadcast %broadcast_in_dim3A_596 : f32 to vector<16xf32>
      %swap3A_598 = arith.constant 8 : i32
      %swap3A_599 = arith.index_cast %swap3A_598 : i32 to index
      %swap3A_600 = arith.constant 48 : index
      %swap3A_601 = tpu.vector_load %arg8[%swap3A_599, %swap3A_600] {strides = array<i32>} : memref<16x128xf32, #tpu.memory_space<vmem>>, vector<1x16xf32>,
      %swap3A_602 = vector.shape_cast %swap3A_601 : vector<1x16xf32> to vector<16xf32>
      %swap3A_603 = vector.shape_cast %broadcast_in_dim3A_597 : vector<16xf32> to vector<1x16xf32>
      tpu.vector_store %arg8[%swap3A_599, %swap3A_600], %swap3A_603 {strides = array<i32>} : memref<16x128xf32, #tpu.memory_space<vmem>>, vector<1x16xf32>,
      %broadcast_in_dim3A_604 = arith.constant 0.000000e+00 : f32
      %broadcast_in_dim3A_605 = vector.broadcast %broadcast_in_dim3A_604 : f32 to vector<16xf32>
      %swap3A_606 = arith.constant 8 : i32
      %swap3A_607 = arith.index_cast %swap3A_606 : i32 to index
      %swap3A_608 = arith.constant 64 : index
      %swap3A_609 = tpu.vector_load %arg8[%swap3A_607, %swap3A_608] {strides = array<i32>} : memref<16x128xf32, #tpu.memory_space<vmem>>, vector<1x16xf32>,
      %swap3A_610 = vector.shape_cast %swap3A_609 : vector<1x16xf32> to vector<16xf32>
      %swap3A_611 = vector.shape_cast %broadcast_in_dim3A_605 : vector<16xf32> to vector<1x16xf32>
      tpu.vector_store %arg8[%swap3A_607, %swap3A_608], %swap3A_611 {strides = array<i32>} : memref<16x128xf32, #tpu.memory_space<vmem>>, vector<1x16xf32>,
      %broadcast_in_dim3A_612 = arith.constant 0.000000e+00 : f32
      %broadcast_in_dim3A_613 = vector.broadcast %broadcast_in_dim3A_612 : f32 to vector<16xf32>
      %swap3A_614 = arith.constant 8 : i32
      %swap3A_615 = arith.index_cast %swap3A_614 : i32 to index
      %swap3A_616 = arith.constant 80 : index
      %swap3A_617 = tpu.vector_load %arg8[%swap3A_615, %swap3A_616] {strides = array<i32>} : memref<16x128xf32, #tpu.memory_space<vmem>>, vector<1x16xf32>,
      %swap3A_618 = vector.shape_cast %swap3A_617 : vector<1x16xf32> to vector<16xf32>
      %swap3A_619 = vector.shape_cast %broadcast_in_dim3A_613 : vector<16xf32> to vector<1x16xf32>
      tpu.vector_store %arg8[%swap3A_615, %swap3A_616], %swap3A_619 {strides = array<i32>} : memref<16x128xf32, #tpu.memory_space<vmem>>, vector<1x16xf32>,
      %broadcast_in_dim3A_620 = arith.constant 0.000000e+00 : f32
      %broadcast_in_dim3A_621 = vector.broadcast %broadcast_in_dim3A_620 : f32 to vector<16xf32>
      %swap3A_622 = arith.constant 8 : i32
      %swap3A_623 = arith.index_cast %swap3A_622 : i32 to index
      %swap3A_624 = arith.constant 96 : index
      %swap3A_625 = tpu.vector_load %arg8[%swap3A_623, %swap3A_624] {strides = array<i32>} : memref<16x128xf32, #tpu.memory_space<vmem>>, vector<1x16xf32>,
      %swap3A_626 = vector.shape_cast %swap3A_625 : vector<1x16xf32> to vector<16xf32>
      %swap3A_627 = vector.shape_cast %broadcast_in_dim3A_621 : vector<16xf32> to vector<1x16xf32>
      tpu.vector_store %arg8[%swap3A_623, %swap3A_624], %swap3A_627 {strides = array<i32>} : memref<16x128xf32, #tpu.memory_space<vmem>>, vector<1x16xf32>,
      %broadcast_in_dim3A_628 = arith.constant 0.000000e+00 : f32
      %broadcast_in_dim3A_629 = vector.broadcast %broadcast_in_dim3A_628 : f32 to vector<16xf32>
      %swap3A_630 = arith.constant 8 : i32
      %swap3A_631 = arith.index_cast %swap3A_630 : i32 to index
      %swap3A_632 = arith.constant 112 : index
      %swap3A_633 = tpu.vector_load %arg8[%swap3A_631, %swap3A_632] {strides = array<i32>} : memref<16x128xf32, #tpu.memory_space<vmem>>, vector<1x16xf32>,
      %swap3A_634 = vector.shape_cast %swap3A_633 : vector<1x16xf32> to vector<16xf32>
      %swap3A_635 = vector.shape_cast %broadcast_in_dim3A_629 : vector<16xf32> to vector<1x16xf32>
      tpu.vector_store %arg8[%swap3A_631, %swap3A_632], %swap3A_635 {strides = array<i32>} : memref<16x128xf32, #tpu.memory_space<vmem>>, vector<1x16xf32>,
      %broadcast_in_dim3A_636 = arith.constant 0.000000e+00 : f32
      %broadcast_in_dim3A_637 = vector.broadcast %broadcast_in_dim3A_636 : f32 to vector<16xf32>
      %swap3A_638 = arith.constant 9 : i32
      %swap3A_639 = arith.index_cast %swap3A_638 : i32 to index
      %swap3A_640 = arith.constant 0 : index
      %swap3A_641 = tpu.vector_load %arg8[%swap3A_639, %swap3A_640] {strides = array<i32>} : memref<16x128xf32, #tpu.memory_space<vmem>>, vector<1x16xf32>,
      %swap3A_642 = vector.shape_cast %swap3A_641 : vector<1x16xf32> to vector<16xf32>
      %swap3A_643 = vector.shape_cast %broadcast_in_dim3A_637 : vector<16xf32> to vector<1x16xf32>
      tpu.vector_store %arg8[%swap3A_639, %swap3A_640], %swap3A_643 {strides = array<i32>} : memref<16x128xf32, #tpu.memory_space<vmem>>, vector<1x16xf32>,
      %broadcast_in_dim3A_644 = arith.constant 0.000000e+00 : f32
      %broadcast_in_dim3A_645 = vector.broadcast %broadcast_in_dim3A_644 : f32 to vector<16xf32>
      %swap3A_646 = arith.constant 9 : i32
      %swap3A_647 = arith.index_cast %swap3A_646 : i32 to index
      %swap3A_648 = arith.constant 16 : index
      %swap3A_649 = tpu.vector_load %arg8[%swap3A_647, %swap3A_648] {strides = array<i32>} : memref<16x128xf32, #tpu.memory_space<vmem>>, vector<1x16xf32>,
      %swap3A_650 = vector.shape_cast %swap3A_649 : vector<1x16xf32> to vector<16xf32>
      %swap3A_651 = vector.shape_cast %broadcast_in_dim3A_645 : vector<16xf32> to vector<1x16xf32>
      tpu.vector_store %arg8[%swap3A_647, %swap3A_648], %swap3A_651 {strides = array<i32>} : memref<16x128xf32, #tpu.memory_space<vmem>>, vector<1x16xf32>,
      %broadcast_in_dim3A_652 = arith.constant 0.000000e+00 : f32
      %broadcast_in_dim3A_653 = vector.broadcast %broadcast_in_dim3A_652 : f32 to vector<16xf32>
      %swap3A_654 = arith.constant 9 : i32
      %swap3A_655 = arith.index_cast %swap3A_654 : i32 to index
      %swap3A_656 = arith.constant 32 : index
      %swap3A_657 = tpu.vector_load %arg8[%swap3A_655, %swap3A_656] {strides = array<i32>} : memref<16x128xf32, #tpu.memory_space<vmem>>, vector<1x16xf32>,
      %swap3A_658 = vector.shape_cast %swap3A_657 : vector<1x16xf32> to vector<16xf32>
      %swap3A_659 = vector.shape_cast %broadcast_in_dim3A_653 : vector<16xf32> to vector<1x16xf32>
      tpu.vector_store %arg8[%swap3A_655, %swap3A_656], %swap3A_659 {strides = array<i32>} : memref<16x128xf32, #tpu.memory_space<vmem>>, vector<1x16xf32>,
      %broadcast_in_dim3A_660 = arith.constant 0.000000e+00 : f32
      %broadcast_in_dim3A_661 = vector.broadcast %broadcast_in_dim3A_660 : f32 to vector<16xf32>
      %swap3A_662 = arith.constant 9 : i32
      %swap3A_663 = arith.index_cast %swap3A_662 : i32 to index
      %swap3A_664 = arith.constant 48 : index
      %swap3A_665 = tpu.vector_load %arg8[%swap3A_663, %swap3A_664] {strides = array<i32>} : memref<16x128xf32, #tpu.memory_space<vmem>>, vector<1x16xf32>,
      %swap3A_666 = vector.shape_cast %swap3A_665 : vector<1x16xf32> to vector<16xf32>
      %swap3A_667 = vector.shape_cast %broadcast_in_dim3A_661 : vector<16xf32> to vector<1x16xf32>
      tpu.vector_store %arg8[%swap3A_663, %swap3A_664], %swap3A_667 {strides = array<i32>} : memref<16x128xf32, #tpu.memory_space<vmem>>, vector<1x16xf32>,
      %broadcast_in_dim3A_668 = arith.constant 0.000000e+00 : f32
      %broadcast_in_dim3A_669 = vector.broadcast %broadcast_in_dim3A_668 : f32 to vector<16xf32>
      %swap3A_670 = arith.constant 9 : i32
      %swap3A_671 = arith.index_cast %swap3A_670 : i32 to index
      %swap3A_672 = arith.constant 64 : index
      %swap3A_673 = tpu.vector_load %arg8[%swap3A_671, %swap3A_672] {strides = array<i32>} : memref<16x128xf32, #tpu.memory_space<vmem>>, vector<1x16xf32>,
      %swap3A_674 = vector.shape_cast %swap3A_673 : vector<1x16xf32> to vector<16xf32>
      %swap3A_675 = vector.shape_cast %broadcast_in_dim3A_669 : vector<16xf32> to vector<1x16xf32>
      tpu.vector_store %arg8[%swap3A_671, %swap3A_672], %swap3A_675 {strides = array<i32>} : memref<16x128xf32, #tpu.memory_space<vmem>>, vector<1x16xf32>,
      %broadcast_in_dim3A_676 = arith.constant 0.000000e+00 : f32
      %broadcast_in_dim3A_677 = vector.broadcast %broadcast_in_dim3A_676 : f32 to vector<16xf32>
      %swap3A_678 = arith.constant 9 : i32
      %swap3A_679 = arith.index_cast %swap3A_678 : i32 to index
      %swap3A_680 = arith.constant 80 : index
      %swap3A_681 = tpu.vector_load %arg8[%swap3A_679, %swap3A_680] {strides = array<i32>} : memref<16x128xf32, #tpu.memory_space<vmem>>, vector<1x16xf32>,
      %swap3A_682 = vector.shape_cast %swap3A_681 : vector<1x16xf32> to vector<16xf32>
      %swap3A_683 = vector.shape_cast %broadcast_in_dim3A_677 : vector<16xf32> to vector<1x16xf32>
      tpu.vector_store %arg8[%swap3A_679, %swap3A_680], %swap3A_683 {strides = array<i32>} : memref<16x128xf32, #tpu.memory_space<vmem>>, vector<1x16xf32>,
      %broadcast_in_dim3A_684 = arith.constant 0.000000e+00 : f32
      %broadcast_in_dim3A_685 = vector.broadcast %broadcast_in_dim3A_684 : f32 to vector<16xf32>
      %swap3A_686 = arith.constant 9 : i32
      %swap3A_687 = arith.index_cast %swap3A_686 : i32 to index
      %swap3A_688 = arith.constant 96 : index
      %swap3A_689 = tpu.vector_load %arg8[%swap3A_687, %swap3A_688] {strides = array<i32>} : memref<16x128xf32, #tpu.memory_space<vmem>>, vector<1x16xf32>,
      %swap3A_690 = vector.shape_cast %swap3A_689 : vector<1x16xf32> to vector<16xf32>
      %swap3A_691 = vector.shape_cast %broadcast_in_dim3A_685 : vector<16xf32> to vector<1x16xf32>
      tpu.vector_store %arg8[%swap3A_687, %swap3A_688], %swap3A_691 {strides = array<i32>} : memref<16x128xf32, #tpu.memory_space<vmem>>, vector<1x16xf32>,
      %broadcast_in_dim3A_692 = arith.constant 0.000000e+00 : f32
      %broadcast_in_dim3A_693 = vector.broadcast %broadcast_in_dim3A_692 : f32 to vector<16xf32>
      %swap3A_694 = arith.constant 9 : i32
      %swap3A_695 = arith.index_cast %swap3A_694 : i32 to index
      %swap3A_696 = arith.constant 112 : index
      %swap3A_697 = tpu.vector_load %arg8[%swap3A_695, %swap3A_696] {strides = array<i32>} : memref<16x128xf32, #tpu.memory_space<vmem>>, vector<1x16xf32>,
      %swap3A_698 = vector.shape_cast %swap3A_697 : vector<1x16xf32> to vector<16xf32>
      %swap3A_699 = vector.shape_cast %broadcast_in_dim3A_693 : vector<16xf32> to vector<1x16xf32>
      tpu.vector_store %arg8[%swap3A_695, %swap3A_696], %swap3A_699 {strides = array<i32>} : memref<16x128xf32, #tpu.memory_space<vmem>>, vector<1x16xf32>,
      %broadcast_in_dim3A_700 = arith.constant 0.000000e+00 : f32
      %broadcast_in_dim3A_701 = vector.broadcast %broadcast_in_dim3A_700 : f32 to vector<16xf32>
      %swap3A_702 = arith.constant 10 : i32
      %swap3A_703 = arith.index_cast %swap3A_702 : i32 to index
      %swap3A_704 = arith.constant 0 : index
      %swap3A_705 = tpu.vector_load %arg8[%swap3A_703, %swap3A_704] {strides = array<i32>} : memref<16x128xf32, #tpu.memory_space<vmem>>, vector<1x16xf32>,
      %swap3A_706 = vector.shape_cast %swap3A_705 : vector<1x16xf32> to vector<16xf32>
      %swap3A_707 = vector.shape_cast %broadcast_in_dim3A_701 : vector<16xf32> to vector<1x16xf32>
      tpu.vector_store %arg8[%swap3A_703, %swap3A_704], %swap3A_707 {strides = array<i32>} : memref<16x128xf32, #tpu.memory_space<vmem>>, vector<1x16xf32>,
      %broadcast_in_dim3A_708 = arith.constant 0.000000e+00 : f32
      %broadcast_in_dim3A_709 = vector.broadcast %broadcast_in_dim3A_708 : f32 to vector<16xf32>
      %swap3A_710 = arith.constant 10 : i32
      %swap3A_711 = arith.index_cast %swap3A_710 : i32 to index
      %swap3A_712 = arith.constant 16 : index
      %swap3A_713 = tpu.vector_load %arg8[%swap3A_711, %swap3A_712] {strides = array<i32>} : memref<16x128xf32, #tpu.memory_space<vmem>>, vector<1x16xf32>,
      %swap3A_714 = vector.shape_cast %swap3A_713 : vector<1x16xf32> to vector<16xf32>
      %swap3A_715 = vector.shape_cast %broadcast_in_dim3A_709 : vector<16xf32> to vector<1x16xf32>
      tpu.vector_store %arg8[%swap3A_711, %swap3A_712], %swap3A_715 {strides = array<i32>} : memref<16x128xf32, #tpu.memory_space<vmem>>, vector<1x16xf32>,
      %broadcast_in_dim3A_716 = arith.constant 0.000000e+00 : f32
      %broadcast_in_dim3A_717 = vector.broadcast %broadcast_in_dim3A_716 : f32 to vector<16xf32>
      %swap3A_718 = arith.constant 10 : i32
      %swap3A_719 = arith.index_cast %swap3A_718 : i32 to index
      %swap3A_720 = arith.constant 32 : index
      %swap3A_721 = tpu.vector_load %arg8[%swap3A_719, %swap3A_720] {strides = array<i32>} : memref<16x128xf32, #tpu.memory_space<vmem>>, vector<1x16xf32>,
      %swap3A_722 = vector.shape_cast %swap3A_721 : vector<1x16xf32> to vector<16xf32>
      %swap3A_723 = vector.shape_cast %broadcast_in_dim3A_717 : vector<16xf32> to vector<1x16xf32>
      tpu.vector_store %arg8[%swap3A_719, %swap3A_720], %swap3A_723 {strides = array<i32>} : memref<16x128xf32, #tpu.memory_space<vmem>>, vector<1x16xf32>,
      %broadcast_in_dim3A_724 = arith.constant 0.000000e+00 : f32
      %broadcast_in_dim3A_725 = vector.broadcast %broadcast_in_dim3A_724 : f32 to vector<16xf32>
      %swap3A_726 = arith.constant 10 : i32
      %swap3A_727 = arith.index_cast %swap3A_726 : i32 to index
      %swap3A_728 = arith.constant 48 : index
      %swap3A_729 = tpu.vector_load %arg8[%swap3A_727, %swap3A_728] {strides = array<i32>} : memref<16x128xf32, #tpu.memory_space<vmem>>, vector<1x16xf32>,
      %swap3A_730 = vector.shape_cast %swap3A_729 : vector<1x16xf32> to vector<16xf32>
      %swap3A_731 = vector.shape_cast %broadcast_in_dim3A_725 : vector<16xf32> to vector<1x16xf32>
      tpu.vector_store %arg8[%swap3A_727, %swap3A_728], %swap3A_731 {strides = array<i32>} : memref<16x128xf32, #tpu.memory_space<vmem>>, vector<1x16xf32>,
      %broadcast_in_dim3A_732 = arith.constant 0.000000e+00 : f32
      %broadcast_in_dim3A_733 = vector.broadcast %broadcast_in_dim3A_732 : f32 to vector<16xf32>
      %swap3A_734 = arith.constant 10 : i32
      %swap3A_735 = arith.index_cast %swap3A_734 : i32 to index
      %swap3A_736 = arith.constant 64 : index
      %swap3A_737 = tpu.vector_load %arg8[%swap3A_735, %swap3A_736] {strides = array<i32>} : memref<16x128xf32, #tpu.memory_space<vmem>>, vector<1x16xf32>,
      %swap3A_738 = vector.shape_cast %swap3A_737 : vector<1x16xf32> to vector<16xf32>
      %swap3A_739 = vector.shape_cast %broadcast_in_dim3A_733 : vector<16xf32> to vector<1x16xf32>
      tpu.vector_store %arg8[%swap3A_735, %swap3A_736], %swap3A_739 {strides = array<i32>} : memref<16x128xf32, #tpu.memory_space<vmem>>, vector<1x16xf32>,
      %broadcast_in_dim3A_740 = arith.constant 0.000000e+00 : f32
      %broadcast_in_dim3A_741 = vector.broadcast %broadcast_in_dim3A_740 : f32 to vector<16xf32>
      %swap3A_742 = arith.constant 10 : i32
      %swap3A_743 = arith.index_cast %swap3A_742 : i32 to index
      %swap3A_744 = arith.constant 80 : index
      %swap3A_745 = tpu.vector_load %arg8[%swap3A_743, %swap3A_744] {strides = array<i32>} : memref<16x128xf32, #tpu.memory_space<vmem>>, vector<1x16xf32>,
      %swap3A_746 = vector.shape_cast %swap3A_745 : vector<1x16xf32> to vector<16xf32>
      %swap3A_747 = vector.shape_cast %broadcast_in_dim3A_741 : vector<16xf32> to vector<1x16xf32>
      tpu.vector_store %arg8[%swap3A_743, %swap3A_744], %swap3A_747 {strides = array<i32>} : memref<16x128xf32, #tpu.memory_space<vmem>>, vector<1x16xf32>,
      %broadcast_in_dim3A_748 = arith.constant 0.000000e+00 : f32
      %broadcast_in_dim3A_749 = vector.broadcast %broadcast_in_dim3A_748 : f32 to vector<16xf32>
      %swap3A_750 = arith.constant 10 : i32
      %swap3A_751 = arith.index_cast %swap3A_750 : i32 to index
      %swap3A_752 = arith.constant 96 : index
      %swap3A_753 = tpu.vector_load %arg8[%swap3A_751, %swap3A_752] {strides = array<i32>} : memref<16x128xf32, #tpu.memory_space<vmem>>, vector<1x16xf32>,
      %swap3A_754 = vector.shape_cast %swap3A_753 : vector<1x16xf32> to vector<16xf32>
      %swap3A_755 = vector.shape_cast %broadcast_in_dim3A_749 : vector<16xf32> to vector<1x16xf32>
      tpu.vector_store %arg8[%swap3A_751, %swap3A_752], %swap3A_755 {strides = array<i32>} : memref<16x128xf32, #tpu.memory_space<vmem>>, vector<1x16xf32>,
      %broadcast_in_dim3A_756 = arith.constant 0.000000e+00 : f32
      %broadcast_in_dim3A_757 = vector.broadcast %broadcast_in_dim3A_756 : f32 to vector<16xf32>
      %swap3A_758 = arith.constant 10 : i32
      %swap3A_759 = arith.index_cast %swap3A_758 : i32 to index
      %swap3A_760 = arith.constant 112 : index
      %swap3A_761 = tpu.vector_load %arg8[%swap3A_759, %swap3A_760] {strides = array<i32>} : memref<16x128xf32, #tpu.memory_space<vmem>>, vector<1x16xf32>,
      %swap3A_762 = vector.shape_cast %swap3A_761 : vector<1x16xf32> to vector<16xf32>
      %swap3A_763 = vector.shape_cast %broadcast_in_dim3A_757 : vector<16xf32> to vector<1x16xf32>
      tpu.vector_store %arg8[%swap3A_759, %swap3A_760], %swap3A_763 {strides = array<i32>} : memref<16x128xf32, #tpu.memory_space<vmem>>, vector<1x16xf32>,
      %broadcast_in_dim3A_764 = arith.constant 0.000000e+00 : f32
      %broadcast_in_dim3A_765 = vector.broadcast %broadcast_in_dim3A_764 : f32 to vector<16xf32>
      %swap3A_766 = arith.constant 11 : i32
      %swap3A_767 = arith.index_cast %swap3A_766 : i32 to index
      %swap3A_768 = arith.constant 0 : index
      %swap3A_769 = tpu.vector_load %arg8[%swap3A_767, %swap3A_768] {strides = array<i32>} : memref<16x128xf32, #tpu.memory_space<vmem>>, vector<1x16xf32>,
      %swap3A_770 = vector.shape_cast %swap3A_769 : vector<1x16xf32> to vector<16xf32>
      %swap3A_771 = vector.shape_cast %broadcast_in_dim3A_765 : vector<16xf32> to vector<1x16xf32>
      tpu.vector_store %arg8[%swap3A_767, %swap3A_768], %swap3A_771 {strides = array<i32>} : memref<16x128xf32, #tpu.memory_space<vmem>>, vector<1x16xf32>,
      %broadcast_in_dim3A_772 = arith.constant 0.000000e+00 : f32
      %broadcast_in_dim3A_773 = vector.broadcast %broadcast_in_dim3A_772 : f32 to vector<16xf32>
      %swap3A_774 = arith.constant 11 : i32
      %swap3A_775 = arith.index_cast %swap3A_774 : i32 to index
      %swap3A_776 = arith.constant 16 : index
      %swap3A_777 = tpu.vector_load %arg8[%swap3A_775, %swap3A_776] {strides = array<i32>} : memref<16x128xf32, #tpu.memory_space<vmem>>, vector<1x16xf32>,
      %swap3A_778 = vector.shape_cast %swap3A_777 : vector<1x16xf32> to vector<16xf32>
      %swap3A_779 = vector.shape_cast %broadcast_in_dim3A_773 : vector<16xf32> to vector<1x16xf32>
      tpu.vector_store %arg8[%swap3A_775, %swap3A_776], %swap3A_779 {strides = array<i32>} : memref<16x128xf32, #tpu.memory_space<vmem>>, vector<1x16xf32>,
      %broadcast_in_dim3A_780 = arith.constant 0.000000e+00 : f32
      %broadcast_in_dim3A_781 = vector.broadcast %broadcast_in_dim3A_780 : f32 to vector<16xf32>
      %swap3A_782 = arith.constant 11 : i32
      %swap3A_783 = arith.index_cast %swap3A_782 : i32 to index
      %swap3A_784 = arith.constant 32 : index
      %swap3A_785 = tpu.vector_load %arg8[%swap3A_783, %swap3A_784] {strides = array<i32>} : memref<16x128xf32, #tpu.memory_space<vmem>>, vector<1x16xf32>,
      %swap3A_786 = vector.shape_cast %swap3A_785 : vector<1x16xf32> to vector<16xf32>
      %swap3A_787 = vector.shape_cast %broadcast_in_dim3A_781 : vector<16xf32> to vector<1x16xf32>
      tpu.vector_store %arg8[%swap3A_783, %swap3A_784], %swap3A_787 {strides = array<i32>} : memref<16x128xf32, #tpu.memory_space<vmem>>, vector<1x16xf32>,
      %broadcast_in_dim3A_788 = arith.constant 0.000000e+00 : f32
      %broadcast_in_dim3A_789 = vector.broadcast %broadcast_in_dim3A_788 : f32 to vector<16xf32>
      %swap3A_790 = arith.constant 11 : i32
      %swap3A_791 = arith.index_cast %swap3A_790 : i32 to index
      %swap3A_792 = arith.constant 48 : index
      %swap3A_793 = tpu.vector_load %arg8[%swap3A_791, %swap3A_792] {strides = array<i32>} : memref<16x128xf32, #tpu.memory_space<vmem>>, vector<1x16xf32>,
      %swap3A_794 = vector.shape_cast %swap3A_793 : vector<1x16xf32> to vector<16xf32>
      %swap3A_795 = vector.shape_cast %broadcast_in_dim3A_789 : vector<16xf32> to vector<1x16xf32>
      tpu.vector_store %arg8[%swap3A_791, %swap3A_792], %swap3A_795 {strides = array<i32>} : memref<16x128xf32, #tpu.memory_space<vmem>>, vector<1x16xf32>,
      %broadcast_in_dim3A_796 = arith.constant 0.000000e+00 : f32
      %broadcast_in_dim3A_797 = vector.broadcast %broadcast_in_dim3A_796 : f32 to vector<16xf32>
      %swap3A_798 = arith.constant 11 : i32
      %swap3A_799 = arith.index_cast %swap3A_798 : i32 to index
      %swap3A_800 = arith.constant 64 : index
      %swap3A_801 = tpu.vector_load %arg8[%swap3A_799, %swap3A_800] {strides = array<i32>} : memref<16x128xf32, #tpu.memory_space<vmem>>, vector<1x16xf32>,
      %swap3A_802 = vector.shape_cast %swap3A_801 : vector<1x16xf32> to vector<16xf32>
      %swap3A_803 = vector.shape_cast %broadcast_in_dim3A_797 : vector<16xf32> to vector<1x16xf32>
      tpu.vector_store %arg8[%swap3A_799, %swap3A_800], %swap3A_803 {strides = array<i32>} : memref<16x128xf32, #tpu.memory_space<vmem>>, vector<1x16xf32>,
      %broadcast_in_dim3A_804 = arith.constant 0.000000e+00 : f32
      %broadcast_in_dim3A_805 = vector.broadcast %broadcast_in_dim3A_804 : f32 to vector<16xf32>
      %swap3A_806 = arith.constant 11 : i32
      %swap3A_807 = arith.index_cast %swap3A_806 : i32 to index
      %swap3A_808 = arith.constant 80 : index
      %swap3A_809 = tpu.vector_load %arg8[%swap3A_807, %swap3A_808] {strides = array<i32>} : memref<16x128xf32, #tpu.memory_space<vmem>>, vector<1x16xf32>,
      %swap3A_810 = vector.shape_cast %swap3A_809 : vector<1x16xf32> to vector<16xf32>
      %swap3A_811 = vector.shape_cast %broadcast_in_dim3A_805 : vector<16xf32> to vector<1x16xf32>
      tpu.vector_store %arg8[%swap3A_807, %swap3A_808], %swap3A_811 {strides = array<i32>} : memref<16x128xf32, #tpu.memory_space<vmem>>, vector<1x16xf32>,
      %broadcast_in_dim3A_812 = arith.constant 0.000000e+00 : f32
      %broadcast_in_dim3A_813 = vector.broadcast %broadcast_in_dim3A_812 : f32 to vector<16xf32>
      %swap3A_814 = arith.constant 11 : i32
      %swap3A_815 = arith.index_cast %swap3A_814 : i32 to index
      %swap3A_816 = arith.constant 96 : index
      %swap3A_817 = tpu.vector_load %arg8[%swap3A_815, %swap3A_816] {strides = array<i32>} : memref<16x128xf32, #tpu.memory_space<vmem>>, vector<1x16xf32>,
      %swap3A_818 = vector.shape_cast %swap3A_817 : vector<1x16xf32> to vector<16xf32>
      %swap3A_819 = vector.shape_cast %broadcast_in_dim3A_813 : vector<16xf32> to vector<1x16xf32>
      tpu.vector_store %arg8[%swap3A_815, %swap3A_816], %swap3A_819 {strides = array<i32>} : memref<16x128xf32, #tpu.memory_space<vmem>>, vector<1x16xf32>,
      %broadcast_in_dim3A_820 = arith.constant 0.000000e+00 : f32
      %broadcast_in_dim3A_821 = vector.broadcast %broadcast_in_dim3A_820 : f32 to vector<16xf32>
      %swap3A_822 = arith.constant 11 : i32
      %swap3A_823 = arith.index_cast %swap3A_822 : i32 to index
      %swap3A_824 = arith.constant 112 : index
      %swap3A_825 = tpu.vector_load %arg8[%swap3A_823, %swap3A_824] {strides = array<i32>} : memref<16x128xf32, #tpu.memory_space<vmem>>, vector<1x16xf32>,
      %swap3A_826 = vector.shape_cast %swap3A_825 : vector<1x16xf32> to vector<16xf32>
      %swap3A_827 = vector.shape_cast %broadcast_in_dim3A_821 : vector<16xf32> to vector<1x16xf32>
      tpu.vector_store %arg8[%swap3A_823, %swap3A_824], %swap3A_827 {strides = array<i32>} : memref<16x128xf32, #tpu.memory_space<vmem>>, vector<1x16xf32>,
      %broadcast_in_dim3A_828 = arith.constant 0.000000e+00 : f32
      %broadcast_in_dim3A_829 = vector.broadcast %broadcast_in_dim3A_828 : f32 to vector<16xf32>
      %swap3A_830 = arith.constant 12 : i32
      %swap3A_831 = arith.index_cast %swap3A_830 : i32 to index
      %swap3A_832 = arith.constant 0 : index
      %swap3A_833 = tpu.vector_load %arg8[%swap3A_831, %swap3A_832] {strides = array<i32>} : memref<16x128xf32, #tpu.memory_space<vmem>>, vector<1x16xf32>,
      %swap3A_834 = vector.shape_cast %swap3A_833 : vector<1x16xf32> to vector<16xf32>
      %swap3A_835 = vector.shape_cast %broadcast_in_dim3A_829 : vector<16xf32> to vector<1x16xf32>
      tpu.vector_store %arg8[%swap3A_831, %swap3A_832], %swap3A_835 {strides = array<i32>} : memref<16x128xf32, #tpu.memory_space<vmem>>, vector<1x16xf32>,
      %broadcast_in_dim3A_836 = arith.constant 0.000000e+00 : f32
      %broadcast_in_dim3A_837 = vector.broadcast %broadcast_in_dim3A_836 : f32 to vector<16xf32>
      %swap3A_838 = arith.constant 12 : i32
      %swap3A_839 = arith.index_cast %swap3A_838 : i32 to index
      %swap3A_840 = arith.constant 16 : index
      %swap3A_841 = tpu.vector_load %arg8[%swap3A_839, %swap3A_840] {strides = array<i32>} : memref<16x128xf32, #tpu.memory_space<vmem>>, vector<1x16xf32>,
      %swap3A_842 = vector.shape_cast %swap3A_841 : vector<1x16xf32> to vector<16xf32>
      %swap3A_843 = vector.shape_cast %broadcast_in_dim3A_837 : vector<16xf32> to vector<1x16xf32>
      tpu.vector_store %arg8[%swap3A_839, %swap3A_840], %swap3A_843 {strides = array<i32>} : memref<16x128xf32, #tpu.memory_space<vmem>>, vector<1x16xf32>,
      %broadcast_in_dim3A_844 = arith.constant 0.000000e+00 : f32
      %broadcast_in_dim3A_845 = vector.broadcast %broadcast_in_dim3A_844 : f32 to vector<16xf32>
      %swap3A_846 = arith.constant 12 : i32
      %swap3A_847 = arith.index_cast %swap3A_846 : i32 to index
      %swap3A_848 = arith.constant 32 : index
      %swap3A_849 = tpu.vector_load %arg8[%swap3A_847, %swap3A_848] {strides = array<i32>} : memref<16x128xf32, #tpu.memory_space<vmem>>, vector<1x16xf32>,
      %swap3A_850 = vector.shape_cast %swap3A_849 : vector<1x16xf32> to vector<16xf32>
      %swap3A_851 = vector.shape_cast %broadcast_in_dim3A_845 : vector<16xf32> to vector<1x16xf32>
      tpu.vector_store %arg8[%swap3A_847, %swap3A_848], %swap3A_851 {strides = array<i32>} : memref<16x128xf32, #tpu.memory_space<vmem>>, vector<1x16xf32>,
      %broadcast_in_dim3A_852 = arith.constant 0.000000e+00 : f32
      %broadcast_in_dim3A_853 = vector.broadcast %broadcast_in_dim3A_852 : f32 to vector<16xf32>
      %swap3A_854 = arith.constant 12 : i32
      %swap3A_855 = arith.index_cast %swap3A_854 : i32 to index
      %swap3A_856 = arith.constant 48 : index
      %swap3A_857 = tpu.vector_load %arg8[%swap3A_855, %swap3A_856] {strides = array<i32>} : memref<16x128xf32, #tpu.memory_space<vmem>>, vector<1x16xf32>,
      %swap3A_858 = vector.shape_cast %swap3A_857 : vector<1x16xf32> to vector<16xf32>
      %swap3A_859 = vector.shape_cast %broadcast_in_dim3A_853 : vector<16xf32> to vector<1x16xf32>
      tpu.vector_store %arg8[%swap3A_855, %swap3A_856], %swap3A_859 {strides = array<i32>} : memref<16x128xf32, #tpu.memory_space<vmem>>, vector<1x16xf32>,
      %broadcast_in_dim3A_860 = arith.constant 0.000000e+00 : f32
      %broadcast_in_dim3A_861 = vector.broadcast %broadcast_in_dim3A_860 : f32 to vector<16xf32>
      %swap3A_862 = arith.constant 12 : i32
      %swap3A_863 = arith.index_cast %swap3A_862 : i32 to index
      %swap3A_864 = arith.constant 64 : index
      %swap3A_865 = tpu.vector_load %arg8[%swap3A_863, %swap3A_864] {strides = array<i32>} : memref<16x128xf32, #tpu.memory_space<vmem>>, vector<1x16xf32>,
      %swap3A_866 = vector.shape_cast %swap3A_865 : vector<1x16xf32> to vector<16xf32>
      %swap3A_867 = vector.shape_cast %broadcast_in_dim3A_861 : vector<16xf32> to vector<1x16xf32>
      tpu.vector_store %arg8[%swap3A_863, %swap3A_864], %swap3A_867 {strides = array<i32>} : memref<16x128xf32, #tpu.memory_space<vmem>>, vector<1x16xf32>,
      %broadcast_in_dim3A_868 = arith.constant 0.000000e+00 : f32
      %broadcast_in_dim3A_869 = vector.broadcast %broadcast_in_dim3A_868 : f32 to vector<16xf32>
      %swap3A_870 = arith.constant 12 : i32
      %swap3A_871 = arith.index_cast %swap3A_870 : i32 to index
      %swap3A_872 = arith.constant 80 : index
      %swap3A_873 = tpu.vector_load %arg8[%swap3A_871, %swap3A_872] {strides = array<i32>} : memref<16x128xf32, #tpu.memory_space<vmem>>, vector<1x16xf32>,
      %swap3A_874 = vector.shape_cast %swap3A_873 : vector<1x16xf32> to vector<16xf32>
      %swap3A_875 = vector.shape_cast %broadcast_in_dim3A_869 : vector<16xf32> to vector<1x16xf32>
      tpu.vector_store %arg8[%swap3A_871, %swap3A_872], %swap3A_875 {strides = array<i32>} : memref<16x128xf32, #tpu.memory_space<vmem>>, vector<1x16xf32>,
      %broadcast_in_dim3A_876 = arith.constant 0.000000e+00 : f32
      %broadcast_in_dim3A_877 = vector.broadcast %broadcast_in_dim3A_876 : f32 to vector<16xf32>
      %swap3A_878 = arith.constant 12 : i32
      %swap3A_879 = arith.index_cast %swap3A_878 : i32 to index
      %swap3A_880 = arith.constant 96 : index
      %swap3A_881 = tpu.vector_load %arg8[%swap3A_879, %swap3A_880] {strides = array<i32>} : memref<16x128xf32, #tpu.memory_space<vmem>>, vector<1x16xf32>,
      %swap3A_882 = vector.shape_cast %swap3A_881 : vector<1x16xf32> to vector<16xf32>
      %swap3A_883 = vector.shape_cast %broadcast_in_dim3A_877 : vector<16xf32> to vector<1x16xf32>
      tpu.vector_store %arg8[%swap3A_879, %swap3A_880], %swap3A_883 {strides = array<i32>} : memref<16x128xf32, #tpu.memory_space<vmem>>, vector<1x16xf32>,
      %broadcast_in_dim3A_884 = arith.constant 0.000000e+00 : f32
      %broadcast_in_dim3A_885 = vector.broadcast %broadcast_in_dim3A_884 : f32 to vector<16xf32>
      %swap3A_886 = arith.constant 12 : i32
      %swap3A_887 = arith.index_cast %swap3A_886 : i32 to index
      %swap3A_888 = arith.constant 112 : index
      %swap3A_889 = tpu.vector_load %arg8[%swap3A_887, %swap3A_888] {strides = array<i32>} : memref<16x128xf32, #tpu.memory_space<vmem>>, vector<1x16xf32>,
      %swap3A_890 = vector.shape_cast %swap3A_889 : vector<1x16xf32> to vector<16xf32>
      %swap3A_891 = vector.shape_cast %broadcast_in_dim3A_885 : vector<16xf32> to vector<1x16xf32>
      tpu.vector_store %arg8[%swap3A_887, %swap3A_888], %swap3A_891 {strides = array<i32>} : memref<16x128xf32, #tpu.memory_space<vmem>>, vector<1x16xf32>,
      %broadcast_in_dim3A_892 = arith.constant 0.000000e+00 : f32
      %broadcast_in_dim3A_893 = vector.broadcast %broadcast_in_dim3A_892 : f32 to vector<16xf32>
      %swap3A_894 = arith.constant 13 : i32
      %swap3A_895 = arith.index_cast %swap3A_894 : i32 to index
      %swap3A_896 = arith.constant 0 : index
      %swap3A_897 = tpu.vector_load %arg8[%swap3A_895, %swap3A_896] {strides = array<i32>} : memref<16x128xf32, #tpu.memory_space<vmem>>, vector<1x16xf32>,
      %swap3A_898 = vector.shape_cast %swap3A_897 : vector<1x16xf32> to vector<16xf32>
      %swap3A_899 = vector.shape_cast %broadcast_in_dim3A_893 : vector<16xf32> to vector<1x16xf32>
      tpu.vector_store %arg8[%swap3A_895, %swap3A_896], %swap3A_899 {strides = array<i32>} : memref<16x128xf32, #tpu.memory_space<vmem>>, vector<1x16xf32>,
      %broadcast_in_dim3A_900 = arith.constant 0.000000e+00 : f32
      %broadcast_in_dim3A_901 = vector.broadcast %broadcast_in_dim3A_900 : f32 to vector<16xf32>
      %swap3A_902 = arith.constant 13 : i32
      %swap3A_903 = arith.index_cast %swap3A_902 : i32 to index
      %swap3A_904 = arith.constant 16 : index
      %swap3A_905 = tpu.vector_load %arg8[%swap3A_903, %swap3A_904] {strides = array<i32>} : memref<16x128xf32, #tpu.memory_space<vmem>>, vector<1x16xf32>,
      %swap3A_906 = vector.shape_cast %swap3A_905 : vector<1x16xf32> to vector<16xf32>
      %swap3A_907 = vector.shape_cast %broadcast_in_dim3A_901 : vector<16xf32> to vector<1x16xf32>
      tpu.vector_store %arg8[%swap3A_903, %swap3A_904], %swap3A_907 {strides = array<i32>} : memref<16x128xf32, #tpu.memory_space<vmem>>, vector<1x16xf32>,
      %broadcast_in_dim3A_908 = arith.constant 0.000000e+00 : f32
      %broadcast_in_dim3A_909 = vector.broadcast %broadcast_in_dim3A_908 : f32 to vector<16xf32>
      %swap3A_910 = arith.constant 13 : i32
      %swap3A_911 = arith.index_cast %swap3A_910 : i32 to index
      %swap3A_912 = arith.constant 32 : index
      %swap3A_913 = tpu.vector_load %arg8[%swap3A_911, %swap3A_912] {strides = array<i32>} : memref<16x128xf32, #tpu.memory_space<vmem>>, vector<1x16xf32>,
      %swap3A_914 = vector.shape_cast %swap3A_913 : vector<1x16xf32> to vector<16xf32>
      %swap3A_915 = vector.shape_cast %broadcast_in_dim3A_909 : vector<16xf32> to vector<1x16xf32>
      tpu.vector_store %arg8[%swap3A_911, %swap3A_912], %swap3A_915 {strides = array<i32>} : memref<16x128xf32, #tpu.memory_space<vmem>>, vector<1x16xf32>,
      %broadcast_in_dim3A_916 = arith.constant 0.000000e+00 : f32
      %broadcast_in_dim3A_917 = vector.broadcast %broadcast_in_dim3A_916 : f32 to vector<16xf32>
      %swap3A_918 = arith.constant 13 : i32
      %swap3A_919 = arith.index_cast %swap3A_918 : i32 to index
      %swap3A_920 = arith.constant 48 : index
      %swap3A_921 = tpu.vector_load %arg8[%swap3A_919, %swap3A_920] {strides = array<i32>} : memref<16x128xf32, #tpu.memory_space<vmem>>, vector<1x16xf32>,
      %swap3A_922 = vector.shape_cast %swap3A_921 : vector<1x16xf32> to vector<16xf32>
      %swap3A_923 = vector.shape_cast %broadcast_in_dim3A_917 : vector<16xf32> to vector<1x16xf32>
      tpu.vector_store %arg8[%swap3A_919, %swap3A_920], %swap3A_923 {strides = array<i32>} : memref<16x128xf32, #tpu.memory_space<vmem>>, vector<1x16xf32>,
      %broadcast_in_dim3A_924 = arith.constant 0.000000e+00 : f32
      %broadcast_in_dim3A_925 = vector.broadcast %broadcast_in_dim3A_924 : f32 to vector<16xf32>
      %swap3A_926 = arith.constant 13 : i32
      %swap3A_927 = arith.index_cast %swap3A_926 : i32 to index
      %swap3A_928 = arith.constant 64 : index
      %swap3A_929 = tpu.vector_load %arg8[%swap3A_927, %swap3A_928] {strides = array<i32>} : memref<16x128xf32, #tpu.memory_space<vmem>>, vector<1x16xf32>,
      %swap3A_930 = vector.shape_cast %swap3A_929 : vector<1x16xf32> to vector<16xf32>
      %swap3A_931 = vector.shape_cast %broadcast_in_dim3A_925 : vector<16xf32> to vector<1x16xf32>
      tpu.vector_store %arg8[%swap3A_927, %swap3A_928], %swap3A_931 {strides = array<i32>} : memref<16x128xf32, #tpu.memory_space<vmem>>, vector<1x16xf32>,
      %broadcast_in_dim3A_932 = arith.constant 0.000000e+00 : f32
      %broadcast_in_dim3A_933 = vector.broadcast %broadcast_in_dim3A_932 : f32 to vector<16xf32>
      %swap3A_934 = arith.constant 13 : i32
      %swap3A_935 = arith.index_cast %swap3A_934 : i32 to index
      %swap3A_936 = arith.constant 80 : index
      %swap3A_937 = tpu.vector_load %arg8[%swap3A_935, %swap3A_936] {strides = array<i32>} : memref<16x128xf32, #tpu.memory_space<vmem>>, vector<1x16xf32>,
      %swap3A_938 = vector.shape_cast %swap3A_937 : vector<1x16xf32> to vector<16xf32>
      %swap3A_939 = vector.shape_cast %broadcast_in_dim3A_933 : vector<16xf32> to vector<1x16xf32>
      tpu.vector_store %arg8[%swap3A_935, %swap3A_936], %swap3A_939 {strides = array<i32>} : memref<16x128xf32, #tpu.memory_space<vmem>>, vector<1x16xf32>,
      %broadcast_in_dim3A_940 = arith.constant 0.000000e+00 : f32
      %broadcast_in_dim3A_941 = vector.broadcast %broadcast_in_dim3A_940 : f32 to vector<16xf32>
      %swap3A_942 = arith.constant 13 : i32
      %swap3A_943 = arith.index_cast %swap3A_942 : i32 to index
      %swap3A_944 = arith.constant 96 : index
      %swap3A_945 = tpu.vector_load %arg8[%swap3A_943, %swap3A_944] {strides = array<i32>} : memref<16x128xf32, #tpu.memory_space<vmem>>, vector<1x16xf32>,
      %swap3A_946 = vector.shape_cast %swap3A_945 : vector<1x16xf32> to vector<16xf32>
      %swap3A_947 = vector.shape_cast %broadcast_in_dim3A_941 : vector<16xf32> to vector<1x16xf32>
      tpu.vector_store %arg8[%swap3A_943, %swap3A_944], %swap3A_947 {strides = array<i32>} : memref<16x128xf32, #tpu.memory_space<vmem>>, vector<1x16xf32>,
      %broadcast_in_dim3A_948 = arith.constant 0.000000e+00 : f32
      %broadcast_in_dim3A_949 = vector.broadcast %broadcast_in_dim3A_948 : f32 to vector<16xf32>
      %swap3A_950 = arith.constant 13 : i32
      %swap3A_951 = arith.index_cast %swap3A_950 : i32 to index
      %swap3A_952 = arith.constant 112 : index
      %swap3A_953 = tpu.vector_load %arg8[%swap3A_951, %swap3A_952] {strides = array<i32>} : memref<16x128xf32, #tpu.memory_space<vmem>>, vector<1x16xf32>,
      %swap3A_954 = vector.shape_cast %swap3A_953 : vector<1x16xf32> to vector<16xf32>
      %swap3A_955 = vector.shape_cast %broadcast_in_dim3A_949 : vector<16xf32> to vector<1x16xf32>
      tpu.vector_store %arg8[%swap3A_951, %swap3A_952], %swap3A_955 {strides = array<i32>} : memref<16x128xf32, #tpu.memory_space<vmem>>, vector<1x16xf32>,
      %broadcast_in_dim3A_956 = arith.constant 0.000000e+00 : f32
      %broadcast_in_dim3A_957 = vector.broadcast %broadcast_in_dim3A_956 : f32 to vector<16xf32>
      %swap3A_958 = arith.constant 14 : i32
      %swap3A_959 = arith.index_cast %swap3A_958 : i32 to index
      %swap3A_960 = arith.constant 0 : index
      %swap3A_961 = tpu.vector_load %arg8[%swap3A_959, %swap3A_960] {strides = array<i32>} : memref<16x128xf32, #tpu.memory_space<vmem>>, vector<1x16xf32>,
      %swap3A_962 = vector.shape_cast %swap3A_961 : vector<1x16xf32> to vector<16xf32>
      %swap3A_963 = vector.shape_cast %broadcast_in_dim3A_957 : vector<16xf32> to vector<1x16xf32>
      tpu.vector_store %arg8[%swap3A_959, %swap3A_960], %swap3A_963 {strides = array<i32>} : memref<16x128xf32, #tpu.memory_space<vmem>>, vector<1x16xf32>,
      %broadcast_in_dim3A_964 = arith.constant 0.000000e+00 : f32
      %broadcast_in_dim3A_965 = vector.broadcast %broadcast_in_dim3A_964 : f32 to vector<16xf32>
      %swap3A_966 = arith.constant 14 : i32
      %swap3A_967 = arith.index_cast %swap3A_966 : i32 to index
      %swap3A_968 = arith.constant 16 : index
      %swap3A_969 = tpu.vector_load %arg8[%swap3A_967, %swap3A_968] {strides = array<i32>} : memref<16x128xf32, #tpu.memory_space<vmem>>, vector<1x16xf32>,
      %swap3A_970 = vector.shape_cast %swap3A_969 : vector<1x16xf32> to vector<16xf32>
      %swap3A_971 = vector.shape_cast %broadcast_in_dim3A_965 : vector<16xf32> to vector<1x16xf32>
      tpu.vector_store %arg8[%swap3A_967, %swap3A_968], %swap3A_971 {strides = array<i32>} : memref<16x128xf32, #tpu.memory_space<vmem>>, vector<1x16xf32>,
      %broadcast_in_dim3A_972 = arith.constant 0.000000e+00 : f32
      %broadcast_in_dim3A_973 = vector.broadcast %broadcast_in_dim3A_972 : f32 to vector<16xf32>
      %swap3A_974 = arith.constant 14 : i32
      %swap3A_975 = arith.index_cast %swap3A_974 : i32 to index
      %swap3A_976 = arith.constant 32 : index
      %swap3A_977 = tpu.vector_load %arg8[%swap3A_975, %swap3A_976] {strides = array<i32>} : memref<16x128xf32, #tpu.memory_space<vmem>>, vector<1x16xf32>,
      %swap3A_978 = vector.shape_cast %swap3A_977 : vector<1x16xf32> to vector<16xf32>
      %swap3A_979 = vector.shape_cast %broadcast_in_dim3A_973 : vector<16xf32> to vector<1x16xf32>
      tpu.vector_store %arg8[%swap3A_975, %swap3A_976], %swap3A_979 {strides = array<i32>} : memref<16x128xf32, #tpu.memory_space<vmem>>, vector<1x16xf32>,
      %broadcast_in_dim3A_980 = arith.constant 0.000000e+00 : f32
      %broadcast_in_dim3A_981 = vector.broadcast %broadcast_in_dim3A_980 : f32 to vector<16xf32>
      %swap3A_982 = arith.constant 14 : i32
      %swap3A_983 = arith.index_cast %swap3A_982 : i32 to index
      %swap3A_984 = arith.constant 48 : index
      %swap3A_985 = tpu.vector_load %arg8[%swap3A_983, %swap3A_984] {strides = array<i32>} : memref<16x128xf32, #tpu.memory_space<vmem>>, vector<1x16xf32>,
      %swap3A_986 = vector.shape_cast %swap3A_985 : vector<1x16xf32> to vector<16xf32>
      %swap3A_987 = vector.shape_cast %broadcast_in_dim3A_981 : vector<16xf32> to vector<1x16xf32>
      tpu.vector_store %arg8[%swap3A_983, %swap3A_984], %swap3A_987 {strides = array<i32>} : memref<16x128xf32, #tpu.memory_space<vmem>>, vector<1x16xf32>,
      %broadcast_in_dim3A_988 = arith.constant 0.000000e+00 : f32
      %broadcast_in_dim3A_989 = vector.broadcast %broadcast_in_dim3A_988 : f32 to vector<16xf32>
      %swap3A_990 = arith.constant 14 : i32
      %swap3A_991 = arith.index_cast %swap3A_990 : i32 to index
      %swap3A_992 = arith.constant 64 : index
      %swap3A_993 = tpu.vector_load %arg8[%swap3A_991, %swap3A_992] {strides = array<i32>} : memref<16x128xf32, #tpu.memory_space<vmem>>, vector<1x16xf32>,
      %swap3A_994 = vector.shape_cast %swap3A_993 : vector<1x16xf32> to vector<16xf32>
      %swap3A_995 = vector.shape_cast %broadcast_in_dim3A_989 : vector<16xf32> to vector<1x16xf32>
      tpu.vector_store %arg8[%swap3A_991, %swap3A_992], %swap3A_995 {strides = array<i32>} : memref<16x128xf32, #tpu.memory_space<vmem>>, vector<1x16xf32>,
      %broadcast_in_dim3A_996 = arith.constant 0.000000e+00 : f32
      %broadcast_in_dim3A_997 = vector.broadcast %broadcast_in_dim3A_996 : f32 to vector<16xf32>
      %swap3A_998 = arith.constant 14 : i32
      %swap3A_999 = arith.index_cast %swap3A_998 : i32 to index
      %swap3A_1000 = arith.constant 80 : index
      %swap3A_1001 = tpu.vector_load %arg8[%swap3A_999, %swap3A_1000] {strides = array<i32>} : memref<16x128xf32, #tpu.memory_space<vmem>>, vector<1x16xf32>,
      %swap3A_1002 = vector.shape_cast %swap3A_1001 : vector<1x16xf32> to vector<16xf32>
      %swap3A_1003 = vector.shape_cast %broadcast_in_dim3A_997 : vector<16xf32> to vector<1x16xf32>
      tpu.vector_store %arg8[%swap3A_999, %swap3A_1000], %swap3A_1003 {strides = array<i32>} : memref<16x128xf32, #tpu.memory_space<vmem>>, vector<1x16xf32>,
      %broadcast_in_dim3A_1004 = arith.constant 0.000000e+00 : f32
      %broadcast_in_dim3A_1005 = vector.broadcast %broadcast_in_dim3A_1004 : f32 to vector<16xf32>
      %swap3A_1006 = arith.constant 14 : i32
      %swap3A_1007 = arith.index_cast %swap3A_1006 : i32 to index
      %swap3A_1008 = arith.constant 96 : index
      %swap3A_1009 = tpu.vector_load %arg8[%swap3A_1007, %swap3A_1008] {strides = array<i32>} : memref<16x128xf32, #tpu.memory_space<vmem>>, vector<1x16xf32>,
      %swap3A_1010 = vector.shape_cast %swap3A_1009 : vector<1x16xf32> to vector<16xf32>
      %swap3A_1011 = vector.shape_cast %broadcast_in_dim3A_1005 : vector<16xf32> to vector<1x16xf32>
      tpu.vector_store %arg8[%swap3A_1007, %swap3A_1008], %swap3A_1011 {strides = array<i32>} : memref<16x128xf32, #tpu.memory_space<vmem>>, vector<1x16xf32>,
      %broadcast_in_dim3A_1012 = arith.constant 0.000000e+00 : f32
      %broadcast_in_dim3A_1013 = vector.broadcast %broadcast_in_dim3A_1012 : f32 to vector<16xf32>
      %swap3A_1014 = arith.constant 14 : i32
      %swap3A_1015 = arith.index_cast %swap3A_1014 : i32 to index
      %swap3A_1016 = arith.constant 112 : index
      %swap3A_1017 = tpu.vector_load %arg8[%swap3A_1015, %swap3A_1016] {strides = array<i32>} : memref<16x128xf32, #tpu.memory_space<vmem>>, vector<1x16xf32>,
      %swap3A_1018 = vector.shape_cast %swap3A_1017 : vector<1x16xf32> to vector<16xf32>
      %swap3A_1019 = vector.shape_cast %broadcast_in_dim3A_1013 : vector<16xf32> to vector<1x16xf32>
      tpu.vector_store %arg8[%swap3A_1015, %swap3A_1016], %swap3A_1019 {strides = array<i32>} : memref<16x128xf32, #tpu.memory_space<vmem>>, vector<1x16xf32>,
      %broadcast_in_dim3A_1020 = arith.constant 0.000000e+00 : f32
      %broadcast_in_dim3A_1021 = vector.broadcast %broadcast_in_dim3A_1020 : f32 to vector<16xf32>
      %swap3A_1022 = arith.constant 15 : i32
      %swap3A_1023 = arith.index_cast %swap3A_1022 : i32 to index
      %swap3A_1024 = arith.constant 0 : index
      %swap3A_1025 = tpu.vector_load %arg8[%swap3A_1023, %swap3A_1024] {strides = array<i32>} : memref<16x128xf32, #tpu.memory_space<vmem>>, vector<1x16xf32>,
      %swap3A_1026 = vector.shape_cast %swap3A_1025 : vector<1x16xf32> to vector<16xf32>
      %swap3A_1027 = vector.shape_cast %broadcast_in_dim3A_1021 : vector<16xf32> to vector<1x16xf32>
      tpu.vector_store %arg8[%swap3A_1023, %swap3A_1024], %swap3A_1027 {strides = array<i32>} : memref<16x128xf32, #tpu.memory_space<vmem>>, vector<1x16xf32>,
      %broadcast_in_dim3A_1028 = arith.constant 0.000000e+00 : f32
      %broadcast_in_dim3A_1029 = vector.broadcast %broadcast_in_dim3A_1028 : f32 to vector<16xf32>
      %swap3A_1030 = arith.constant 15 : i32
      %swap3A_1031 = arith.index_cast %swap3A_1030 : i32 to index
      %swap3A_1032 = arith.constant 16 : index
      %swap3A_1033 = tpu.vector_load %arg8[%swap3A_1031, %swap3A_1032] {strides = array<i32>} : memref<16x128xf32, #tpu.memory_space<vmem>>, vector<1x16xf32>,
      %swap3A_1034 = vector.shape_cast %swap3A_1033 : vector<1x16xf32> to vector<16xf32>
      %swap3A_1035 = vector.shape_cast %broadcast_in_dim3A_1029 : vector<16xf32> to vector<1x16xf32>
      tpu.vector_store %arg8[%swap3A_1031, %swap3A_1032], %swap3A_1035 {strides = array<i32>} : memref<16x128xf32, #tpu.memory_space<vmem>>, vector<1x16xf32>,
      %broadcast_in_dim3A_1036 = arith.constant 0.000000e+00 : f32
      %broadcast_in_dim3A_1037 = vector.broadcast %broadcast_in_dim3A_1036 : f32 to vector<16xf32>
      %swap3A_1038 = arith.constant 15 : i32
      %swap3A_1039 = arith.index_cast %swap3A_1038 : i32 to index
      %swap3A_1040 = arith.constant 32 : index
      %swap3A_1041 = tpu.vector_load %arg8[%swap3A_1039, %swap3A_1040] {strides = array<i32>} : memref<16x128xf32, #tpu.memory_space<vmem>>, vector<1x16xf32>,
      %swap3A_1042 = vector.shape_cast %swap3A_1041 : vector<1x16xf32> to vector<16xf32>
      %swap3A_1043 = vector.shape_cast %broadcast_in_dim3A_1037 : vector<16xf32> to vector<1x16xf32>
      tpu.vector_store %arg8[%swap3A_1039, %swap3A_1040], %swap3A_1043 {strides = array<i32>} : memref<16x128xf32, #tpu.memory_space<vmem>>, vector<1x16xf32>,
      %broadcast_in_dim3A_1044 = arith.constant 0.000000e+00 : f32
      %broadcast_in_dim3A_1045 = vector.broadcast %broadcast_in_dim3A_1044 : f32 to vector<16xf32>
      %swap3A_1046 = arith.constant 15 : i32
      %swap3A_1047 = arith.index_cast %swap3A_1046 : i32 to index
      %swap3A_1048 = arith.constant 48 : index
      %swap3A_1049 = tpu.vector_load %arg8[%swap3A_1047, %swap3A_1048] {strides = array<i32>} : memref<16x128xf32, #tpu.memory_space<vmem>>, vector<1x16xf32>,
      %swap3A_1050 = vector.shape_cast %swap3A_1049 : vector<1x16xf32> to vector<16xf32>
      %swap3A_1051 = vector.shape_cast %broadcast_in_dim3A_1045 : vector<16xf32> to vector<1x16xf32>
      tpu.vector_store %arg8[%swap3A_1047, %swap3A_1048], %swap3A_1051 {strides = array<i32>} : memref<16x128xf32, #tpu.memory_space<vmem>>, vector<1x16xf32>,
      %broadcast_in_dim3A_1052 = arith.constant 0.000000e+00 : f32
      %broadcast_in_dim3A_1053 = vector.broadcast %broadcast_in_dim3A_1052 : f32 to vector<16xf32>
      %swap3A_1054 = arith.constant 15 : i32
      %swap3A_1055 = arith.index_cast %swap3A_1054 : i32 to index
      %swap3A_1056 = arith.constant 64 : index
      %swap3A_1057 = tpu.vector_load %arg8[%swap3A_1055, %swap3A_1056] {strides = array<i32>} : memref<16x128xf32, #tpu.memory_space<vmem>>, vector<1x16xf32>,
      %swap3A_1058 = vector.shape_cast %swap3A_1057 : vector<1x16xf32> to vector<16xf32>
      %swap3A_1059 = vector.shape_cast %broadcast_in_dim3A_1053 : vector<16xf32> to vector<1x16xf32>
      tpu.vector_store %arg8[%swap3A_1055, %swap3A_1056], %swap3A_1059 {strides = array<i32>} : memref<16x128xf32, #tpu.memory_space<vmem>>, vector<1x16xf32>,
      %broadcast_in_dim3A_1060 = arith.constant 0.000000e+00 : f32
      %broadcast_in_dim3A_1061 = vector.broadcast %broadcast_in_dim3A_1060 : f32 to vector<16xf32>
      %swap3A_1062 = arith.constant 15 : i32
      %swap3A_1063 = arith.index_cast %swap3A_1062 : i32 to index
      %swap3A_1064 = arith.constant 80 : index
      %swap3A_1065 = tpu.vector_load %arg8[%swap3A_1063, %swap3A_1064] {strides = array<i32>} : memref<16x128xf32, #tpu.memory_space<vmem>>, vector<1x16xf32>,
      %swap3A_1066 = vector.shape_cast %swap3A_1065 : vector<1x16xf32> to vector<16xf32>
      %swap3A_1067 = vector.shape_cast %broadcast_in_dim3A_1061 : vector<16xf32> to vector<1x16xf32>
      tpu.vector_store %arg8[%swap3A_1063, %swap3A_1064], %swap3A_1067 {strides = array<i32>} : memref<16x128xf32, #tpu.memory_space<vmem>>, vector<1x16xf32>,
      %broadcast_in_dim3A_1068 = arith.constant 0.000000e+00 : f32
      %broadcast_in_dim3A_1069 = vector.broadcast %broadcast_in_dim3A_1068 : f32 to vector<16xf32>
      %swap3A_1070 = arith.constant 15 : i32
      %swap3A_1071 = arith.index_cast %swap3A_1070 : i32 to index
      %swap3A_1072 = arith.constant 96 : index
      %swap3A_1073 = tpu.vector_load %arg8[%swap3A_1071, %swap3A_1072] {strides = array<i32>} : memref<16x128xf32, #tpu.memory_space<vmem>>, vector<1x16xf32>,
      %swap3A_1074 = vector.shape_cast %swap3A_1073 : vector<1x16xf32> to vector<16xf32>
      %swap3A_1075 = vector.shape_cast %broadcast_in_dim3A_1069 : vector<16xf32> to vector<1x16xf32>
      tpu.vector_store %arg8[%swap3A_1071, %swap3A_1072], %swap3A_1075 {strides = array<i32>} : memref<16x128xf32, #tpu.memory_space<vmem>>, vector<1x16xf32>,
      %broadcast_in_dim3A_1076 = arith.constant 0.000000e+00 : f32
      %broadcast_in_dim3A_1077 = vector.broadcast %broadcast_in_dim3A_1076 : f32 to vector<16xf32>
      %swap3A_1078 = arith.constant 15 : i32
      %swap3A_1079 = arith.index_cast %swap3A_1078 : i32 to index
      %swap3A_1080 = arith.constant 112 : index
      %swap3A_1081 = tpu.vector_load %arg8[%swap3A_1079, %swap3A_1080] {strides = array<i32>} : memref<16x128xf32, #tpu.memory_space<vmem>>, vector<1x16xf32>,
      %swap3A_1082 = vector.shape_cast %swap3A_1081 : vector<1x16xf32> to vector<16xf32>
      %swap3A_1083 = vector.shape_cast %broadcast_in_dim3A_1077 : vector<16xf32> to vector<1x16xf32>
      tpu.vector_store %arg8[%swap3A_1079, %swap3A_1080], %swap3A_1083 {strides = array<i32>} : memref<16x128xf32, #tpu.memory_space<vmem>>, vector<1x16xf32>,
      %mul3A_1084 = arith.constant 16 : i32
      %mul3A_1085 = arith.muli %arg1, %mul3A_1084 : i32
      "tpu.region"() ({
        %run_scoped3A_1104 = tpu.sem_alloc : memref<!tpu.dma_semaphore, #tpu.memory_space<semaphore_mem>>
        %dma_start3A_1105 = arith.constant 0 : i32
        %dma_start3A_1106 = tpu.memref_slice %arg9[%mul3A_1085, %dma_start3A_1105] : memref<256x128xf32, #tpu.memory_space<vmem_shared>> -> memref<16x128xf32, #tpu.memory_space<vmem_shared>>
        %dma_start3A_1107 = arith.constant 0 : i32
        %dma_start3A_1108 = tpu.memref_slice %arg9[%mul3A_1085, %dma_start3A_1107] : memref<256x128xf32, #tpu.memory_space<vmem_shared>> -> memref<16x128xf32, #tpu.memory_space<vmem_shared>>
        tpu.enqueue_dma source(%arg8 : memref<16x128xf32, #tpu.memory_space<vmem>>) target(%dma_start3A_1108 : memref<16x128xf32, #tpu.memory_space<vmem_shared>>) target_semaphore(%run_scoped3A_1104 : memref<!tpu.dma_semaphore, #tpu.memory_space<semaphore_mem>>)
        %dma_wait3A_1109 = arith.constant 0 : i32
        %dma_wait3A_1110 = tpu.memref_slice %arg9[%mul3A_1085, %dma_wait3A_1109] : memref<256x128xf32, #tpu.memory_space<vmem_shared>> -> memref<16x128xf32, #tpu.memory_space<vmem_shared>>
        %dma_wait3A_1111 = arith.constant 0 : i32
        %dma_wait3A_1112 = tpu.memref_slice %arg9[%mul3A_1085, %dma_wait3A_1111] : memref<256x128xf32, #tpu.memory_space<vmem_shared>> -> memref<16x128xf32, #tpu.memory_space<vmem_shared>>
        tpu.wait_dma2 semaphore(%run_scoped3A_1104 : memref<!tpu.dma_semaphore, #tpu.memory_space<semaphore_mem>>) src(%arg8 : memref<16x128xf32, #tpu.memory_space<vmem>>) dst(%dma_wait3A_1112 : memref<16x128xf32, #tpu.memory_space<vmem_shared>>)
        tpu.yield
      }) : () -> ()
      %barrier3A_1086 = arith.constant 0 : index
      tpu.barrier barrier_id(%barrier3A_1086)
      %dma_wait3A = arith.constant 0 : i32
      %dma_wait3A_1087 = arith.constant 0 : i32
      %dma_wait3A_1088 = tpu.memref_slice %arg7[%dma_wait3A, %dma_wait3A_1087] : memref<640x128xf32, #tpu.memory_space<vmem>> -> memref<640x128xf32, #tpu.memory_space<vmem>>
      %dma_wait3A_1089 = arith.constant 0 : i32
      %dma_wait3A_1090 = tpu.memref_slice %arg2[%mul3A_10, %dma_wait3A_1089] : memref<10000x128xf32, #tpu.memory_space<hbm>> -> memref<640x128xf32, #tpu.memory_space<hbm>>
      %dma_wait3A_1091 = arith.constant 0 : i32
      %dma_wait3A_1092 = arith.constant 0 : i32
      %dma_wait3A_1093 = tpu.memref_slice %arg7[%dma_wait3A_1091, %dma_wait3A_1092] : memref<640x128xf32, #tpu.memory_space<vmem>> -> memref<640x128xf32, #tpu.memory_space<vmem>>
      %dma_wait3A_1094 = arith.constant 0 : i32
      %dma_wait3A_1095 = tpu.memref_slice %arg2[%mul3A_10, %dma_wait3A_1094] : memref<10000x128xf32, #tpu.memory_space<hbm>> -> memref<640x128xf32, #tpu.memory_space<hbm>>
      tpu.wait_dma2 semaphore(%arg10 : memref<!tpu.dma_semaphore, #tpu.memory_space<semaphore_mem>>) src(%dma_wait3A_1095 : memref<640x128xf32, #tpu.memory_space<hbm>>) dst(%dma_wait3A_1093 : memref<640x128xf32, #tpu.memory_space<vmem>>)
      %run_scoped3A_1096 = arith.constant 0 : i32
      "tpu.region"() ({
        %run_scoped3A_1104 = tpu.sem_alloc : memref<!tpu.dma_semaphore, #tpu.memory_space<semaphore_mem>>
        %dma_start3A_1105 = arith.constant 0 : i32
        %dma_start3A_1106 = arith.constant 0 : i32
        %dma_start3A_1107 = tpu.memref_slice %arg7[%dma_start3A_1105, %dma_start3A_1106] : memref<640x128xf32, #tpu.memory_space<vmem>> -> memref<80x128xf32, #tpu.memory_space<vmem>>
        %dma_start3A_1108 = arith.constant 0 : i32
        %dma_start3A_1109 = tpu.memref_slice %arg6[%run_scoped3A_1096, %dma_start3A_1108] : memref<8x80xi32, #tpu.memory_space<vmem>> -> memref<1x80xi32, #tpu.memory_space<vmem>>
        %dma_start3A_1110 = tpu.memref_squeeze %dma_start3A_1109 : memref<1x80xi32, #tpu.memory_space<vmem>> -> memref<80xi32, #tpu.memory_space<vmem>>
        %dma_start3A_1111 = arith.constant 0 : i32
        %dma_start3A_1112 = arith.constant 0 : i32
        %dma_start3A_1113 = tpu.memref_slice %arg9[%dma_start3A_1111, %dma_start3A_1112] : memref<256x128xf32, #tpu.memory_space<vmem_shared>> -> memref<256x128xf32, #tpu.memory_space<vmem_shared>>
        tpu.enqueue_indirect_dma source(%dma_start3A_1107 : memref<80x128xf32, #tpu.memory_space<vmem>>) target(%dma_start3A_1113 : memref<256x128xf32, #tpu.memory_space<vmem_shared>>) offsets(%dma_start3A_1110 : memref<80xi32, #tpu.memory_space<vmem>>) semaphore(%run_scoped3A_1104 : memref<!tpu.dma_semaphore, #tpu.memory_space<semaphore_mem>>) {add = true}
        %dma_wait3A_1114 = arith.constant 0 : i32
        %dma_wait3A_1115 = arith.constant 0 : i32
        %dma_wait3A_1116 = tpu.memref_slice %arg7[%dma_wait3A_1114, %dma_wait3A_1115] : memref<640x128xf32, #tpu.memory_space<vmem>> -> memref<80x128xf32, #tpu.memory_space<vmem>>
        %dma_wait3A_1117 = arith.constant 0 : i32
        %dma_wait3A_1118 = tpu.memref_slice %arg6[%run_scoped3A_1096, %dma_wait3A_1117] : memref<8x80xi32, #tpu.memory_space<vmem>> -> memref<1x80xi32, #tpu.memory_space<vmem>>
        %dma_wait3A_1119 = tpu.memref_squeeze %dma_wait3A_1118 : memref<1x80xi32, #tpu.memory_space<vmem>> -> memref<80xi32, #tpu.memory_space<vmem>>
        %dma_wait3A_1120 = arith.constant 0 : i32
        %dma_wait3A_1121 = arith.constant 0 : i32
        %dma_wait3A_1122 = tpu.memref_slice %arg9[%dma_wait3A_1120, %dma_wait3A_1121] : memref<256x128xf32, #tpu.memory_space<vmem_shared>> -> memref<256x128xf32, #tpu.memory_space<vmem_shared>>
        tpu.wait_indirect_dma semaphore(%run_scoped3A_1104 : memref<!tpu.dma_semaphore, #tpu.memory_space<semaphore_mem>>) src(%dma_wait3A_1116 : memref<80x128xf32, #tpu.memory_space<vmem>>) dst(%dma_wait3A_1122 : memref<256x128xf32, #tpu.memory_space<vmem_shared>>)
        tpu.yield
      }) : () -> ()
      %run_scoped3A_1097 = arith.constant 1 : i32
      "tpu.region"() ({
        %run_scoped3A_1104 = tpu.sem_alloc : memref<!tpu.dma_semaphore, #tpu.memory_space<semaphore_mem>>
        %dma_start3A_1105 = arith.constant 80 : i32
        %dma_start3A_1106 = arith.constant 0 : i32
        %dma_start3A_1107 = tpu.memref_slice %arg7[%dma_start3A_1105, %dma_start3A_1106] : memref<640x128xf32, #tpu.memory_space<vmem>> -> memref<80x128xf32, #tpu.memory_space<vmem>>
        %dma_start3A_1108 = arith.constant 0 : i32
        %dma_start3A_1109 = tpu.memref_slice %arg6[%run_scoped3A_1097, %dma_start3A_1108] : memref<8x80xi32, #tpu.memory_space<vmem>> -> memref<1x80xi32, #tpu.memory_space<vmem>>
        %dma_start3A_1110 = tpu.memref_squeeze %dma_start3A_1109 : memref<1x80xi32, #tpu.memory_space<vmem>> -> memref<80xi32, #tpu.memory_space<vmem>>
        %dma_start3A_1111 = arith.constant 0 : i32
        %dma_start3A_1112 = arith.constant 0 : i32
        %dma_start3A_1113 = tpu.memref_slice %arg9[%dma_start3A_1111, %dma_start3A_1112] : memref<256x128xf32, #tpu.memory_space<vmem_shared>> -> memref<256x128xf32, #tpu.memory_space<vmem_shared>>
        tpu.enqueue_indirect_dma source(%dma_start3A_1107 : memref<80x128xf32, #tpu.memory_space<vmem>>) target(%dma_start3A_1113 : memref<256x128xf32, #tpu.memory_space<vmem_shared>>) offsets(%dma_start3A_1110 : memref<80xi32, #tpu.memory_space<vmem>>) semaphore(%run_scoped3A_1104 : memref<!tpu.dma_semaphore, #tpu.memory_space<semaphore_mem>>) {add = true}
        %dma_wait3A_1114 = arith.constant 80 : i32
        %dma_wait3A_1115 = arith.constant 0 : i32
        %dma_wait3A_1116 = tpu.memref_slice %arg7[%dma_wait3A_1114, %dma_wait3A_1115] : memref<640x128xf32, #tpu.memory_space<vmem>> -> memref<80x128xf32, #tpu.memory_space<vmem>>
        %dma_wait3A_1117 = arith.constant 0 : i32
        %dma_wait3A_1118 = tpu.memref_slice %arg6[%run_scoped3A_1097, %dma_wait3A_1117] : memref<8x80xi32, #tpu.memory_space<vmem>> -> memref<1x80xi32, #tpu.memory_space<vmem>>
        %dma_wait3A_1119 = tpu.memref_squeeze %dma_wait3A_1118 : memref<1x80xi32, #tpu.memory_space<vmem>> -> memref<80xi32, #tpu.memory_space<vmem>>
        %dma_wait3A_1120 = arith.constant 0 : i32
        %dma_wait3A_1121 = arith.constant 0 : i32
        %dma_wait3A_1122 = tpu.memref_slice %arg9[%dma_wait3A_1120, %dma_wait3A_1121] : memref<256x128xf32, #tpu.memory_space<vmem_shared>> -> memref<256x128xf32, #tpu.memory_space<vmem_shared>>
        tpu.wait_indirect_dma semaphore(%run_scoped3A_1104 : memref<!tpu.dma_semaphore, #tpu.memory_space<semaphore_mem>>) src(%dma_wait3A_1116 : memref<80x128xf32, #tpu.memory_space<vmem>>) dst(%dma_wait3A_1122 : memref<256x128xf32, #tpu.memory_space<vmem_shared>>)
        tpu.yield
      }) : () -> ()
      %run_scoped3A_1098 = arith.constant 2 : i32
      "tpu.region"() ({
        %run_scoped3A_1104 = tpu.sem_alloc : memref<!tpu.dma_semaphore, #tpu.memory_space<semaphore_mem>>
        %dma_start3A_1105 = arith.constant 160 : i32
        %dma_start3A_1106 = arith.constant 0 : i32
        %dma_start3A_1107 = tpu.memref_slice %arg7[%dma_start3A_1105, %dma_start3A_1106] : memref<640x128xf32, #tpu.memory_space<vmem>> -> memref<80x128xf32, #tpu.memory_space<vmem>>
        %dma_start3A_1108 = arith.constant 0 : i32
        %dma_start3A_1109 = tpu.memref_slice %arg6[%run_scoped3A_1098, %dma_start3A_1108] : memref<8x80xi32, #tpu.memory_space<vmem>> -> memref<1x80xi32, #tpu.memory_space<vmem>>
        %dma_start3A_1110 = tpu.memref_squeeze %dma_start3A_1109 : memref<1x80xi32, #tpu.memory_space<vmem>> -> memref<80xi32, #tpu.memory_space<vmem>>
        %dma_start3A_1111 = arith.constant 0 : i32
        %dma_start3A_1112 = arith.constant 0 : i32
        %dma_start3A_1113 = tpu.memref_slice %arg9[%dma_start3A_1111, %dma_start3A_1112] : memref<256x128xf32, #tpu.memory_space<vmem_shared>> -> memref<256x128xf32, #tpu.memory_space<vmem_shared>>
        tpu.enqueue_indirect_dma source(%dma_start3A_1107 : memref<80x128xf32, #tpu.memory_space<vmem>>) target(%dma_start3A_1113 : memref<256x128xf32, #tpu.memory_space<vmem_shared>>) offsets(%dma_start3A_1110 : memref<80xi32, #tpu.memory_space<vmem>>) semaphore(%run_scoped3A_1104 : memref<!tpu.dma_semaphore, #tpu.memory_space<semaphore_mem>>) {add = true}
        %dma_wait3A_1114 = arith.constant 160 : i32
        %dma_wait3A_1115 = arith.constant 0 : i32
        %dma_wait3A_1116 = tpu.memref_slice %arg7[%dma_wait3A_1114, %dma_wait3A_1115] : memref<640x128xf32, #tpu.memory_space<vmem>> -> memref<80x128xf32, #tpu.memory_space<vmem>>
        %dma_wait3A_1117 = arith.constant 0 : i32
        %dma_wait3A_1118 = tpu.memref_slice %arg6[%run_scoped3A_1098, %dma_wait3A_1117] : memref<8x80xi32, #tpu.memory_space<vmem>> -> memref<1x80xi32, #tpu.memory_space<vmem>>
        %dma_wait3A_1119 = tpu.memref_squeeze %dma_wait3A_1118 : memref<1x80xi32, #tpu.memory_space<vmem>> -> memref<80xi32, #tpu.memory_space<vmem>>
        %dma_wait3A_1120 = arith.constant 0 : i32
        %dma_wait3A_1121 = arith.constant 0 : i32
        %dma_wait3A_1122 = tpu.memref_slice %arg9[%dma_wait3A_1120, %dma_wait3A_1121] : memref<256x128xf32, #tpu.memory_space<vmem_shared>> -> memref<256x128xf32, #tpu.memory_space<vmem_shared>>
        tpu.wait_indirect_dma semaphore(%run_scoped3A_1104 : memref<!tpu.dma_semaphore, #tpu.memory_space<semaphore_mem>>) src(%dma_wait3A_1116 : memref<80x128xf32, #tpu.memory_space<vmem>>) dst(%dma_wait3A_1122 : memref<256x128xf32, #tpu.memory_space<vmem_shared>>)
        tpu.yield
      }) : () -> ()
      %run_scoped3A_1099 = arith.constant 3 : i32
      "tpu.region"() ({
        %run_scoped3A_1104 = tpu.sem_alloc : memref<!tpu.dma_semaphore, #tpu.memory_space<semaphore_mem>>
        %dma_start3A_1105 = arith.constant 240 : i32
        %dma_start3A_1106 = arith.constant 0 : i32
        %dma_start3A_1107 = tpu.memref_slice %arg7[%dma_start3A_1105, %dma_start3A_1106] : memref<640x128xf32, #tpu.memory_space<vmem>> -> memref<80x128xf32, #tpu.memory_space<vmem>>
        %dma_start3A_1108 = arith.constant 0 : i32
        %dma_start3A_1109 = tpu.memref_slice %arg6[%run_scoped3A_1099, %dma_start3A_1108] : memref<8x80xi32, #tpu.memory_space<vmem>> -> memref<1x80xi32, #tpu.memory_space<vmem>>
        %dma_start3A_1110 = tpu.memref_squeeze %dma_start3A_1109 : memref<1x80xi32, #tpu.memory_space<vmem>> -> memref<80xi32, #tpu.memory_space<vmem>>
        %dma_start3A_1111 = arith.constant 0 : i32
        %dma_start3A_1112 = arith.constant 0 : i32
        %dma_start3A_1113 = tpu.memref_slice %arg9[%dma_start3A_1111, %dma_start3A_1112] : memref<256x128xf32, #tpu.memory_space<vmem_shared>> -> memref<256x128xf32, #tpu.memory_space<vmem_shared>>
        tpu.enqueue_indirect_dma source(%dma_start3A_1107 : memref<80x128xf32, #tpu.memory_space<vmem>>) target(%dma_start3A_1113 : memref<256x128xf32, #tpu.memory_space<vmem_shared>>) offsets(%dma_start3A_1110 : memref<80xi32, #tpu.memory_space<vmem>>) semaphore(%run_scoped3A_1104 : memref<!tpu.dma_semaphore, #tpu.memory_space<semaphore_mem>>) {add = true}
        %dma_wait3A_1114 = arith.constant 240 : i32
        %dma_wait3A_1115 = arith.constant 0 : i32
        %dma_wait3A_1116 = tpu.memref_slice %arg7[%dma_wait3A_1114, %dma_wait3A_1115] : memref<640x128xf32, #tpu.memory_space<vmem>> -> memref<80x128xf32, #tpu.memory_space<vmem>>
        %dma_wait3A_1117 = arith.constant 0 : i32
        %dma_wait3A_1118 = tpu.memref_slice %arg6[%run_scoped3A_1099, %dma_wait3A_1117] : memref<8x80xi32, #tpu.memory_space<vmem>> -> memref<1x80xi32, #tpu.memory_space<vmem>>
        %dma_wait3A_1119 = tpu.memref_squeeze %dma_wait3A_1118 : memref<1x80xi32, #tpu.memory_space<vmem>> -> memref<80xi32, #tpu.memory_space<vmem>>
        %dma_wait3A_1120 = arith.constant 0 : i32
        %dma_wait3A_1121 = arith.constant 0 : i32
        %dma_wait3A_1122 = tpu.memref_slice %arg9[%dma_wait3A_1120, %dma_wait3A_1121] : memref<256x128xf32, #tpu.memory_space<vmem_shared>> -> memref<256x128xf32, #tpu.memory_space<vmem_shared>>
        tpu.wait_indirect_dma semaphore(%run_scoped3A_1104 : memref<!tpu.dma_semaphore, #tpu.memory_space<semaphore_mem>>) src(%dma_wait3A_1116 : memref<80x128xf32, #tpu.memory_space<vmem>>) dst(%dma_wait3A_1122 : memref<256x128xf32, #tpu.memory_space<vmem_shared>>)
        tpu.yield
      }) : () -> ()
      %run_scoped3A_1100 = arith.constant 4 : i32
      "tpu.region"() ({
        %run_scoped3A_1104 = tpu.sem_alloc : memref<!tpu.dma_semaphore, #tpu.memory_space<semaphore_mem>>
        %dma_start3A_1105 = arith.constant 320 : i32
        %dma_start3A_1106 = arith.constant 0 : i32
        %dma_start3A_1107 = tpu.memref_slice %arg7[%dma_start3A_1105, %dma_start3A_1106] : memref<640x128xf32, #tpu.memory_space<vmem>> -> memref<80x128xf32, #tpu.memory_space<vmem>>
        %dma_start3A_1108 = arith.constant 0 : i32
        %dma_start3A_1109 = tpu.memref_slice %arg6[%run_scoped3A_1100, %dma_start3A_1108] : memref<8x80xi32, #tpu.memory_space<vmem>> -> memref<1x80xi32, #tpu.memory_space<vmem>>
        %dma_start3A_1110 = tpu.memref_squeeze %dma_start3A_1109 : memref<1x80xi32, #tpu.memory_space<vmem>> -> memref<80xi32, #tpu.memory_space<vmem>>
        %dma_start3A_1111 = arith.constant 0 : i32
        %dma_start3A_1112 = arith.constant 0 : i32
        %dma_start3A_1113 = tpu.memref_slice %arg9[%dma_start3A_1111, %dma_start3A_1112] : memref<256x128xf32, #tpu.memory_space<vmem_shared>> -> memref<256x128xf32, #tpu.memory_space<vmem_shared>>
        tpu.enqueue_indirect_dma source(%dma_start3A_1107 : memref<80x128xf32, #tpu.memory_space<vmem>>) target(%dma_start3A_1113 : memref<256x128xf32, #tpu.memory_space<vmem_shared>>) offsets(%dma_start3A_1110 : memref<80xi32, #tpu.memory_space<vmem>>) semaphore(%run_scoped3A_1104 : memref<!tpu.dma_semaphore, #tpu.memory_space<semaphore_mem>>) {add = true}
        %dma_wait3A_1114 = arith.constant 320 : i32
        %dma_wait3A_1115 = arith.constant 0 : i32
        %dma_wait3A_1116 = tpu.memref_slice %arg7[%dma_wait3A_1114, %dma_wait3A_1115] : memref<640x128xf32, #tpu.memory_space<vmem>> -> memref<80x128xf32, #tpu.memory_space<vmem>>
        %dma_wait3A_1117 = arith.constant 0 : i32
        %dma_wait3A_1118 = tpu.memref_slice %arg6[%run_scoped3A_1100, %dma_wait3A_1117] : memref<8x80xi32, #tpu.memory_space<vmem>> -> memref<1x80xi32, #tpu.memory_space<vmem>>
        %dma_wait3A_1119 = tpu.memref_squeeze %dma_wait3A_1118 : memref<1x80xi32, #tpu.memory_space<vmem>> -> memref<80xi32, #tpu.memory_space<vmem>>
        %dma_wait3A_1120 = arith.constant 0 : i32
        %dma_wait3A_1121 = arith.constant 0 : i32
        %dma_wait3A_1122 = tpu.memref_slice %arg9[%dma_wait3A_1120, %dma_wait3A_1121] : memref<256x128xf32, #tpu.memory_space<vmem_shared>> -> memref<256x128xf32, #tpu.memory_space<vmem_shared>>
        tpu.wait_indirect_dma semaphore(%run_scoped3A_1104 : memref<!tpu.dma_semaphore, #tpu.memory_space<semaphore_mem>>) src(%dma_wait3A_1116 : memref<80x128xf32, #tpu.memory_space<vmem>>) dst(%dma_wait3A_1122 : memref<256x128xf32, #tpu.memory_space<vmem_shared>>)
        tpu.yield
      }) : () -> ()
      %run_scoped3A_1101 = arith.constant 5 : i32
      "tpu.region"() ({
        %run_scoped3A_1104 = tpu.sem_alloc : memref<!tpu.dma_semaphore, #tpu.memory_space<semaphore_mem>>
        %dma_start3A_1105 = arith.constant 400 : i32
        %dma_start3A_1106 = arith.constant 0 : i32
        %dma_start3A_1107 = tpu.memref_slice %arg7[%dma_start3A_1105, %dma_start3A_1106] : memref<640x128xf32, #tpu.memory_space<vmem>> -> memref<80x128xf32, #tpu.memory_space<vmem>>
        %dma_start3A_1108 = arith.constant 0 : i32
        %dma_start3A_1109 = tpu.memref_slice %arg6[%run_scoped3A_1101, %dma_start3A_1108] : memref<8x80xi32, #tpu.memory_space<vmem>> -> memref<1x80xi32, #tpu.memory_space<vmem>>
        %dma_start3A_1110 = tpu.memref_squeeze %dma_start3A_1109 : memref<1x80xi32, #tpu.memory_space<vmem>> -> memref<80xi32, #tpu.memory_space<vmem>>
        %dma_start3A_1111 = arith.constant 0 : i32
        %dma_start3A_1112 = arith.constant 0 : i32
        %dma_start3A_1113 = tpu.memref_slice %arg9[%dma_start3A_1111, %dma_start3A_1112] : memref<256x128xf32, #tpu.memory_space<vmem_shared>> -> memref<256x128xf32, #tpu.memory_space<vmem_shared>>
        tpu.enqueue_indirect_dma source(%dma_start3A_1107 : memref<80x128xf32, #tpu.memory_space<vmem>>) target(%dma_start3A_1113 : memref<256x128xf32, #tpu.memory_space<vmem_shared>>) offsets(%dma_start3A_1110 : memref<80xi32, #tpu.memory_space<vmem>>) semaphore(%run_scoped3A_1104 : memref<!tpu.dma_semaphore, #tpu.memory_space<semaphore_mem>>) {add = true}
        %dma_wait3A_1114 = arith.constant 400 : i32
        %dma_wait3A_1115 = arith.constant 0 : i32
        %dma_wait3A_1116 = tpu.memref_slice %arg7[%dma_wait3A_1114, %dma_wait3A_1115] : memref<640x128xf32, #tpu.memory_space<vmem>> -> memref<80x128xf32, #tpu.memory_space<vmem>>
        %dma_wait3A_1117 = arith.constant 0 : i32
        %dma_wait3A_1118 = tpu.memref_slice %arg6[%run_scoped3A_1101, %dma_wait3A_1117] : memref<8x80xi32, #tpu.memory_space<vmem>> -> memref<1x80xi32, #tpu.memory_space<vmem>>
        %dma_wait3A_1119 = tpu.memref_squeeze %dma_wait3A_1118 : memref<1x80xi32, #tpu.memory_space<vmem>> -> memref<80xi32, #tpu.memory_space<vmem>>
        %dma_wait3A_1120 = arith.constant 0 : i32
        %dma_wait3A_1121 = arith.constant 0 : i32
        %dma_wait3A_1122 = tpu.memref_slice %arg9[%dma_wait3A_1120, %dma_wait3A_1121] : memref<256x128xf32, #tpu.memory_space<vmem_shared>> -> memref<256x128xf32, #tpu.memory_space<vmem_shared>>
        tpu.wait_indirect_dma semaphore(%run_scoped3A_1104 : memref<!tpu.dma_semaphore, #tpu.memory_space<semaphore_mem>>) src(%dma_wait3A_1116 : memref<80x128xf32, #tpu.memory_space<vmem>>) dst(%dma_wait3A_1122 : memref<256x128xf32, #tpu.memory_space<vmem_shared>>)
        tpu.yield
      }) : () -> ()
      %run_scoped3A_1102 = arith.constant 6 : i32
      "tpu.region"() ({
        %run_scoped3A_1104 = tpu.sem_alloc : memref<!tpu.dma_semaphore, #tpu.memory_space<semaphore_mem>>
        %dma_start3A_1105 = arith.constant 480 : i32
        %dma_start3A_1106 = arith.constant 0 : i32
        %dma_start3A_1107 = tpu.memref_slice %arg7[%dma_start3A_1105, %dma_start3A_1106] : memref<640x128xf32, #tpu.memory_space<vmem>> -> memref<80x128xf32, #tpu.memory_space<vmem>>
        %dma_start3A_1108 = arith.constant 0 : i32
        %dma_start3A_1109 = tpu.memref_slice %arg6[%run_scoped3A_1102, %dma_start3A_1108] : memref<8x80xi32, #tpu.memory_space<vmem>> -> memref<1x80xi32, #tpu.memory_space<vmem>>
        %dma_start3A_1110 = tpu.memref_squeeze %dma_start3A_1109 : memref<1x80xi32, #tpu.memory_space<vmem>> -> memref<80xi32, #tpu.memory_space<vmem>>
        %dma_start3A_1111 = arith.constant 0 : i32
        %dma_start3A_1112 = arith.constant 0 : i32
        %dma_start3A_1113 = tpu.memref_slice %arg9[%dma_start3A_1111, %dma_start3A_1112] : memref<256x128xf32, #tpu.memory_space<vmem_shared>> -> memref<256x128xf32, #tpu.memory_space<vmem_shared>>
        tpu.enqueue_indirect_dma source(%dma_start3A_1107 : memref<80x128xf32, #tpu.memory_space<vmem>>) target(%dma_start3A_1113 : memref<256x128xf32, #tpu.memory_space<vmem_shared>>) offsets(%dma_start3A_1110 : memref<80xi32, #tpu.memory_space<vmem>>) semaphore(%run_scoped3A_1104 : memref<!tpu.dma_semaphore, #tpu.memory_space<semaphore_mem>>) {add = true}
        %dma_wait3A_1114 = arith.constant 480 : i32
        %dma_wait3A_1115 = arith.constant 0 : i32
        %dma_wait3A_1116 = tpu.memref_slice %arg7[%dma_wait3A_1114, %dma_wait3A_1115] : memref<640x128xf32, #tpu.memory_space<vmem>> -> memref<80x128xf32, #tpu.memory_space<vmem>>
        %dma_wait3A_1117 = arith.constant 0 : i32
        %dma_wait3A_1118 = tpu.memref_slice %arg6[%run_scoped3A_1102, %dma_wait3A_1117] : memref<8x80xi32, #tpu.memory_space<vmem>> -> memref<1x80xi32, #tpu.memory_space<vmem>>
        %dma_wait3A_1119 = tpu.memref_squeeze %dma_wait3A_1118 : memref<1x80xi32, #tpu.memory_space<vmem>> -> memref<80xi32, #tpu.memory_space<vmem>>
        %dma_wait3A_1120 = arith.constant 0 : i32
        %dma_wait3A_1121 = arith.constant 0 : i32
        %dma_wait3A_1122 = tpu.memref_slice %arg9[%dma_wait3A_1120, %dma_wait3A_1121] : memref<256x128xf32, #tpu.memory_space<vmem_shared>> -> memref<256x128xf32, #tpu.memory_space<vmem_shared>>
        tpu.wait_indirect_dma semaphore(%run_scoped3A_1104 : memref<!tpu.dma_semaphore, #tpu.memory_space<semaphore_mem>>) src(%dma_wait3A_1116 : memref<80x128xf32, #tpu.memory_space<vmem>>) dst(%dma_wait3A_1122 : memref<256x128xf32, #tpu.memory_space<vmem_shared>>)
        tpu.yield
      }) : () -> ()
      %run_scoped3A_1103 = arith.constant 7 : i32
      "tpu.region"() ({
        %run_scoped3A_1104 = tpu.sem_alloc : memref<!tpu.dma_semaphore, #tpu.memory_space<semaphore_mem>>
        %dma_start3A_1105 = arith.constant 560 : i32
        %dma_start3A_1106 = arith.constant 0 : i32
        %dma_start3A_1107 = tpu.memref_slice %arg7[%dma_start3A_1105, %dma_start3A_1106] : memref<640x128xf32, #tpu.memory_space<vmem>> -> memref<80x128xf32, #tpu.memory_space<vmem>>
        %dma_start3A_1108 = arith.constant 0 : i32
        %dma_start3A_1109 = tpu.memref_slice %arg6[%run_scoped3A_1103, %dma_start3A_1108] : memref<8x80xi32, #tpu.memory_space<vmem>> -> memref<1x80xi32, #tpu.memory_space<vmem>>
        %dma_start3A_1110 = tpu.memref_squeeze %dma_start3A_1109 : memref<1x80xi32, #tpu.memory_space<vmem>> -> memref<80xi32, #tpu.memory_space<vmem>>
        %dma_start3A_1111 = arith.constant 0 : i32
        %dma_start3A_1112 = arith.constant 0 : i32
        %dma_start3A_1113 = tpu.memref_slice %arg9[%dma_start3A_1111, %dma_start3A_1112] : memref<256x128xf32, #tpu.memory_space<vmem_shared>> -> memref<256x128xf32, #tpu.memory_space<vmem_shared>>
        tpu.enqueue_indirect_dma source(%dma_start3A_1107 : memref<80x128xf32, #tpu.memory_space<vmem>>) target(%dma_start3A_1113 : memref<256x128xf32, #tpu.memory_space<vmem_shared>>) offsets(%dma_start3A_1110 : memref<80xi32, #tpu.memory_space<vmem>>) semaphore(%run_scoped3A_1104 : memref<!tpu.dma_semaphore, #tpu.memory_space<semaphore_mem>>) {add = true}
        %dma_wait3A_1114 = arith.constant 560 : i32
        %dma_wait3A_1115 = arith.constant 0 : i32
        %dma_wait3A_1116 = tpu.memref_slice %arg7[%dma_wait3A_1114, %dma_wait3A_1115] : memref<640x128xf32, #tpu.memory_space<vmem>> -> memref<80x128xf32, #tpu.memory_space<vmem>>
        %dma_wait3A_1117 = arith.constant 0 : i32
        %dma_wait3A_1118 = tpu.memref_slice %arg6[%run_scoped3A_1103, %dma_wait3A_1117] : memref<8x80xi32, #tpu.memory_space<vmem>> -> memref<1x80xi32, #tpu.memory_space<vmem>>
        %dma_wait3A_1119 = tpu.memref_squeeze %dma_wait3A_1118 : memref<1x80xi32, #tpu.memory_space<vmem>> -> memref<80xi32, #tpu.memory_space<vmem>>
        %dma_wait3A_1120 = arith.constant 0 : i32
        %dma_wait3A_1121 = arith.constant 0 : i32
        %dma_wait3A_1122 = tpu.memref_slice %arg9[%dma_wait3A_1120, %dma_wait3A_1121] : memref<256x128xf32, #tpu.memory_space<vmem_shared>> -> memref<256x128xf32, #tpu.memory_space<vmem_shared>>
        tpu.wait_indirect_dma semaphore(%run_scoped3A_1104 : memref<!tpu.dma_semaphore, #tpu.memory_space<semaphore_mem>>) src(%dma_wait3A_1116 : memref<80x128xf32, #tpu.memory_space<vmem>>) dst(%dma_wait3A_1122 : memref<256x128xf32, #tpu.memory_space<vmem_shared>>)
        tpu.yield
      }) : () -> ()
    } else {
    }
    %eq3A = arith.constant 15 : i32
    %eq3A_2 = arith.cmpi eq, %arg1, %eq3A : i32
    %convert_element_type3A_3 = arith.extui %eq3A_2 : i1 to i32
    %cond3A_4 = arith.constant 0 : i32
    %cond3A_5 = arith.cmpi ne, %convert_element_type3A_3, %cond3A_4 : i32
    scf.if %cond3A_5 {
      %mul3A_9 = arith.constant 640 : i32
      %mul3A_10 = arith.muli %arg1, %mul3A_9 : i32
      %dma_start3A = arith.constant 0 : i32
      %dma_start3A_11 = arith.constant 0 : i32
      %dma_start3A_12 = tpu.memref_slice %arg7[%dma_start3A, %dma_start3A_11] : memref<640x128xf32, #tpu.memory_space<vmem>> -> memref<400x128xf32, #tpu.memory_space<vmem>>
      %dma_start3A_13 = arith.constant 0 : i32
      %dma_start3A_14 = tpu.memref_slice %arg2[%mul3A_10, %dma_start3A_13] : memref<10000x128xf32, #tpu.memory_space<hbm>> -> memref<400x128xf32, #tpu.memory_space<hbm>>
      %dma_start3A_15 = arith.constant 0 : i32
      %dma_start3A_16 = arith.constant 0 : i32
      %dma_start3A_17 = tpu.memref_slice %arg7[%dma_start3A_15, %dma_start3A_16] : memref<640x128xf32, #tpu.memory_space<vmem>> -> memref<400x128xf32, #tpu.memory_space<vmem>>
      %dma_start3A_18 = arith.constant 0 : i32
      %dma_start3A_19 = tpu.memref_slice %arg2[%mul3A_10, %dma_start3A_18] : memref<10000x128xf32, #tpu.memory_space<hbm>> -> memref<400x128xf32, #tpu.memory_space<hbm>>
      tpu.enqueue_dma source(%dma_start3A_19 : memref<400x128xf32, #tpu.memory_space<hbm>>) target(%dma_start3A_17 : memref<400x128xf32, #tpu.memory_space<vmem>>) target_semaphore(%arg10 : memref<!tpu.dma_semaphore, #tpu.memory_space<semaphore_mem>>)
      %mul3A_20 = arith.constant 16 : i32
      %mul3A_21 = arith.muli %arg1, %mul3A_20 : i32
      %mul3A_22 = arith.constant 16 : i32
      %mul3A_23 = arith.muli %arg1, %mul3A_22 : i32
      "tpu.region"() ({
        %run_scoped3A_1086 = tpu.sem_alloc : memref<!tpu.dma_semaphore, #tpu.memory_space<semaphore_mem>>
        %dma_start3A_1087 = arith.constant 128 : i32
        %dma_start3A_1088 = tpu.memref_slice %arg5[%mul3A_23, %dma_start3A_1087] : memref<256x256xf32, #tpu.memory_space<hbm>> -> memref<16x128xf32, #tpu.memory_space<hbm>>
        %dma_start3A_1089 = arith.constant 0 : i32
        %dma_start3A_1090 = tpu.memref_slice %arg4[%mul3A_21, %dma_start3A_1089] : memref<256x128xf32, #tpu.memory_space<hbm>> -> memref<16x128xf32, #tpu.memory_space<hbm>>
        tpu.enqueue_dma source(%dma_start3A_1090 : memref<16x128xf32, #tpu.memory_space<hbm>>) target(%dma_start3A_1088 : memref<16x128xf32, #tpu.memory_space<hbm>>) target_semaphore(%run_scoped3A_1086 : memref<!tpu.dma_semaphore, #tpu.memory_space<semaphore_mem>>)
        %dma_wait3A_1091 = arith.constant 128 : i32
        %dma_wait3A_1092 = tpu.memref_slice %arg5[%mul3A_23, %dma_wait3A_1091] : memref<256x256xf32, #tpu.memory_space<hbm>> -> memref<16x128xf32, #tpu.memory_space<hbm>>
        %dma_wait3A_1093 = arith.constant 0 : i32
        %dma_wait3A_1094 = tpu.memref_slice %arg4[%mul3A_21, %dma_wait3A_1093] : memref<256x128xf32, #tpu.memory_space<hbm>> -> memref<16x128xf32, #tpu.memory_space<hbm>>
        tpu.wait_dma2 semaphore(%run_scoped3A_1086 : memref<!tpu.dma_semaphore, #tpu.memory_space<semaphore_mem>>) src(%dma_wait3A_1094 : memref<16x128xf32, #tpu.memory_space<hbm>>) dst(%dma_wait3A_1092 : memref<16x128xf32, #tpu.memory_space<hbm>>)
        tpu.yield
      }) : () -> ()
      %mul3A_24 = arith.constant 640 : i32
      %mul3A_25 = arith.muli %arg1, %mul3A_24 : i32
      %add3A = arith.constant 0 : i32
      %add3A_26 = arith.addi %mul3A_25, %add3A : i32
      %run_scoped3A = arith.constant 0 : i32
      "tpu.region"() ({
        %run_scoped3A_1086 = tpu.sem_alloc : memref<!tpu.dma_semaphore, #tpu.memory_space<semaphore_mem>>
        %dma_start3A_1087 = arith.constant 0 : i32
        %dma_start3A_1088 = tpu.memref_slice %arg6[%run_scoped3A, %dma_start3A_1087] : memref<8x80xi32, #tpu.memory_space<vmem>> -> memref<1x80xi32, #tpu.memory_space<vmem>>
        %dma_start3A_1089 = tpu.memref_squeeze %dma_start3A_1088 : memref<1x80xi32, #tpu.memory_space<vmem>> -> memref<80xi32, #tpu.memory_space<vmem>>
        %dma_start3A_1090 = tpu.memref_slice %arg3[%add3A_26] : memref<10000xi32, #tpu.memory_space<hbm>> -> memref<80xi32, #tpu.memory_space<hbm>>
        %dma_start3A_1091 = arith.constant 0 : i32
        %dma_start3A_1092 = tpu.memref_slice %arg6[%run_scoped3A, %dma_start3A_1091] : memref<8x80xi32, #tpu.memory_space<vmem>> -> memref<1x80xi32, #tpu.memory_space<vmem>>
        %dma_start3A_1093 = tpu.memref_squeeze %dma_start3A_1092 : memref<1x80xi32, #tpu.memory_space<vmem>> -> memref<80xi32, #tpu.memory_space<vmem>>
        %dma_start3A_1094 = tpu.memref_slice %arg3[%add3A_26] : memref<10000xi32, #tpu.memory_space<hbm>> -> memref<80xi32, #tpu.memory_space<hbm>>
        tpu.enqueue_dma source(%dma_start3A_1094 : memref<80xi32, #tpu.memory_space<hbm>>) target(%dma_start3A_1093 : memref<80xi32, #tpu.memory_space<vmem>>) target_semaphore(%run_scoped3A_1086 : memref<!tpu.dma_semaphore, #tpu.memory_space<semaphore_mem>>)
        %dma_wait3A_1095 = arith.constant 0 : i32
        %dma_wait3A_1096 = tpu.memref_slice %arg6[%run_scoped3A, %dma_wait3A_1095] : memref<8x80xi32, #tpu.memory_space<vmem>> -> memref<1x80xi32, #tpu.memory_space<vmem>>
        %dma_wait3A_1097 = tpu.memref_squeeze %dma_wait3A_1096 : memref<1x80xi32, #tpu.memory_space<vmem>> -> memref<80xi32, #tpu.memory_space<vmem>>
        %dma_wait3A_1098 = tpu.memref_slice %arg3[%add3A_26] : memref<10000xi32, #tpu.memory_space<hbm>> -> memref<80xi32, #tpu.memory_space<hbm>>
        %dma_wait3A_1099 = arith.constant 0 : i32
        %dma_wait3A_1100 = tpu.memref_slice %arg6[%run_scoped3A, %dma_wait3A_1099] : memref<8x80xi32, #tpu.memory_space<vmem>> -> memref<1x80xi32, #tpu.memory_space<vmem>>
        %dma_wait3A_1101 = tpu.memref_squeeze %dma_wait3A_1100 : memref<1x80xi32, #tpu.memory_space<vmem>> -> memref<80xi32, #tpu.memory_space<vmem>>
        %dma_wait3A_1102 = tpu.memref_slice %arg3[%add3A_26] : memref<10000xi32, #tpu.memory_space<hbm>> -> memref<80xi32, #tpu.memory_space<hbm>>
        tpu.wait_dma2 semaphore(%run_scoped3A_1086 : memref<!tpu.dma_semaphore, #tpu.memory_space<semaphore_mem>>) src(%dma_wait3A_1102 : memref<80xi32, #tpu.memory_space<hbm>>) dst(%dma_wait3A_1101 : memref<80xi32, #tpu.memory_space<vmem>>)
        tpu.yield
      }) : () -> ()
      %mul3A_27 = arith.constant 640 : i32
      %mul3A_28 = arith.muli %arg1, %mul3A_27 : i32
      %add3A_29 = arith.constant 80 : i32
      %add3A_30 = arith.addi %mul3A_28, %add3A_29 : i32
      %run_scoped3A_31 = arith.constant 1 : i32
      "tpu.region"() ({
        %run_scoped3A_1086 = tpu.sem_alloc : memref<!tpu.dma_semaphore, #tpu.memory_space<semaphore_mem>>
        %dma_start3A_1087 = arith.constant 0 : i32
        %dma_start3A_1088 = tpu.memref_slice %arg6[%run_scoped3A_31, %dma_start3A_1087] : memref<8x80xi32, #tpu.memory_space<vmem>> -> memref<1x80xi32, #tpu.memory_space<vmem>>
        %dma_start3A_1089 = tpu.memref_squeeze %dma_start3A_1088 : memref<1x80xi32, #tpu.memory_space<vmem>> -> memref<80xi32, #tpu.memory_space<vmem>>
        %dma_start3A_1090 = tpu.memref_slice %arg3[%add3A_30] : memref<10000xi32, #tpu.memory_space<hbm>> -> memref<80xi32, #tpu.memory_space<hbm>>
        %dma_start3A_1091 = arith.constant 0 : i32
        %dma_start3A_1092 = tpu.memref_slice %arg6[%run_scoped3A_31, %dma_start3A_1091] : memref<8x80xi32, #tpu.memory_space<vmem>> -> memref<1x80xi32, #tpu.memory_space<vmem>>
        %dma_start3A_1093 = tpu.memref_squeeze %dma_start3A_1092 : memref<1x80xi32, #tpu.memory_space<vmem>> -> memref<80xi32, #tpu.memory_space<vmem>>
        %dma_start3A_1094 = tpu.memref_slice %arg3[%add3A_30] : memref<10000xi32, #tpu.memory_space<hbm>> -> memref<80xi32, #tpu.memory_space<hbm>>
        tpu.enqueue_dma source(%dma_start3A_1094 : memref<80xi32, #tpu.memory_space<hbm>>) target(%dma_start3A_1093 : memref<80xi32, #tpu.memory_space<vmem>>) target_semaphore(%run_scoped3A_1086 : memref<!tpu.dma_semaphore, #tpu.memory_space<semaphore_mem>>)
        %dma_wait3A_1095 = arith.constant 0 : i32
        %dma_wait3A_1096 = tpu.memref_slice %arg6[%run_scoped3A_31, %dma_wait3A_1095] : memref<8x80xi32, #tpu.memory_space<vmem>> -> memref<1x80xi32, #tpu.memory_space<vmem>>
        %dma_wait3A_1097 = tpu.memref_squeeze %dma_wait3A_1096 : memref<1x80xi32, #tpu.memory_space<vmem>> -> memref<80xi32, #tpu.memory_space<vmem>>
        %dma_wait3A_1098 = tpu.memref_slice %arg3[%add3A_30] : memref<10000xi32, #tpu.memory_space<hbm>> -> memref<80xi32, #tpu.memory_space<hbm>>
        %dma_wait3A_1099 = arith.constant 0 : i32
        %dma_wait3A_1100 = tpu.memref_slice %arg6[%run_scoped3A_31, %dma_wait3A_1099] : memref<8x80xi32, #tpu.memory_space<vmem>> -> memref<1x80xi32, #tpu.memory_space<vmem>>
        %dma_wait3A_1101 = tpu.memref_squeeze %dma_wait3A_1100 : memref<1x80xi32, #tpu.memory_space<vmem>> -> memref<80xi32, #tpu.memory_space<vmem>>
        %dma_wait3A_1102 = tpu.memref_slice %arg3[%add3A_30] : memref<10000xi32, #tpu.memory_space<hbm>> -> memref<80xi32, #tpu.memory_space<hbm>>
        tpu.wait_dma2 semaphore(%run_scoped3A_1086 : memref<!tpu.dma_semaphore, #tpu.memory_space<semaphore_mem>>) src(%dma_wait3A_1102 : memref<80xi32, #tpu.memory_space<hbm>>) dst(%dma_wait3A_1101 : memref<80xi32, #tpu.memory_space<vmem>>)
        tpu.yield
      }) : () -> ()
      %mul3A_32 = arith.constant 640 : i32
      %mul3A_33 = arith.muli %arg1, %mul3A_32 : i32
      %add3A_34 = arith.constant 160 : i32
      %add3A_35 = arith.addi %mul3A_33, %add3A_34 : i32
      %run_scoped3A_36 = arith.constant 2 : i32
      "tpu.region"() ({
        %run_scoped3A_1086 = tpu.sem_alloc : memref<!tpu.dma_semaphore, #tpu.memory_space<semaphore_mem>>
        %dma_start3A_1087 = arith.constant 0 : i32
        %dma_start3A_1088 = tpu.memref_slice %arg6[%run_scoped3A_36, %dma_start3A_1087] : memref<8x80xi32, #tpu.memory_space<vmem>> -> memref<1x80xi32, #tpu.memory_space<vmem>>
        %dma_start3A_1089 = tpu.memref_squeeze %dma_start3A_1088 : memref<1x80xi32, #tpu.memory_space<vmem>> -> memref<80xi32, #tpu.memory_space<vmem>>
        %dma_start3A_1090 = tpu.memref_slice %arg3[%add3A_35] : memref<10000xi32, #tpu.memory_space<hbm>> -> memref<80xi32, #tpu.memory_space<hbm>>
        %dma_start3A_1091 = arith.constant 0 : i32
        %dma_start3A_1092 = tpu.memref_slice %arg6[%run_scoped3A_36, %dma_start3A_1091] : memref<8x80xi32, #tpu.memory_space<vmem>> -> memref<1x80xi32, #tpu.memory_space<vmem>>
        %dma_start3A_1093 = tpu.memref_squeeze %dma_start3A_1092 : memref<1x80xi32, #tpu.memory_space<vmem>> -> memref<80xi32, #tpu.memory_space<vmem>>
        %dma_start3A_1094 = tpu.memref_slice %arg3[%add3A_35] : memref<10000xi32, #tpu.memory_space<hbm>> -> memref<80xi32, #tpu.memory_space<hbm>>
        tpu.enqueue_dma source(%dma_start3A_1094 : memref<80xi32, #tpu.memory_space<hbm>>) target(%dma_start3A_1093 : memref<80xi32, #tpu.memory_space<vmem>>) target_semaphore(%run_scoped3A_1086 : memref<!tpu.dma_semaphore, #tpu.memory_space<semaphore_mem>>)
        %dma_wait3A_1095 = arith.constant 0 : i32
        %dma_wait3A_1096 = tpu.memref_slice %arg6[%run_scoped3A_36, %dma_wait3A_1095] : memref<8x80xi32, #tpu.memory_space<vmem>> -> memref<1x80xi32, #tpu.memory_space<vmem>>
        %dma_wait3A_1097 = tpu.memref_squeeze %dma_wait3A_1096 : memref<1x80xi32, #tpu.memory_space<vmem>> -> memref<80xi32, #tpu.memory_space<vmem>>
        %dma_wait3A_1098 = tpu.memref_slice %arg3[%add3A_35] : memref<10000xi32, #tpu.memory_space<hbm>> -> memref<80xi32, #tpu.memory_space<hbm>>
        %dma_wait3A_1099 = arith.constant 0 : i32
        %dma_wait3A_1100 = tpu.memref_slice %arg6[%run_scoped3A_36, %dma_wait3A_1099] : memref<8x80xi32, #tpu.memory_space<vmem>> -> memref<1x80xi32, #tpu.memory_space<vmem>>
        %dma_wait3A_1101 = tpu.memref_squeeze %dma_wait3A_1100 : memref<1x80xi32, #tpu.memory_space<vmem>> -> memref<80xi32, #tpu.memory_space<vmem>>
        %dma_wait3A_1102 = tpu.memref_slice %arg3[%add3A_35] : memref<10000xi32, #tpu.memory_space<hbm>> -> memref<80xi32, #tpu.memory_space<hbm>>
        tpu.wait_dma2 semaphore(%run_scoped3A_1086 : memref<!tpu.dma_semaphore, #tpu.memory_space<semaphore_mem>>) src(%dma_wait3A_1102 : memref<80xi32, #tpu.memory_space<hbm>>) dst(%dma_wait3A_1101 : memref<80xi32, #tpu.memory_space<vmem>>)
        tpu.yield
      }) : () -> ()
      %mul3A_37 = arith.constant 640 : i32
      %mul3A_38 = arith.muli %arg1, %mul3A_37 : i32
      %add3A_39 = arith.constant 240 : i32
      %add3A_40 = arith.addi %mul3A_38, %add3A_39 : i32
      %run_scoped3A_41 = arith.constant 3 : i32
      "tpu.region"() ({
        %run_scoped3A_1086 = tpu.sem_alloc : memref<!tpu.dma_semaphore, #tpu.memory_space<semaphore_mem>>
        %dma_start3A_1087 = arith.constant 0 : i32
        %dma_start3A_1088 = tpu.memref_slice %arg6[%run_scoped3A_41, %dma_start3A_1087] : memref<8x80xi32, #tpu.memory_space<vmem>> -> memref<1x80xi32, #tpu.memory_space<vmem>>
        %dma_start3A_1089 = tpu.memref_squeeze %dma_start3A_1088 : memref<1x80xi32, #tpu.memory_space<vmem>> -> memref<80xi32, #tpu.memory_space<vmem>>
        %dma_start3A_1090 = tpu.memref_slice %arg3[%add3A_40] : memref<10000xi32, #tpu.memory_space<hbm>> -> memref<80xi32, #tpu.memory_space<hbm>>
        %dma_start3A_1091 = arith.constant 0 : i32
        %dma_start3A_1092 = tpu.memref_slice %arg6[%run_scoped3A_41, %dma_start3A_1091] : memref<8x80xi32, #tpu.memory_space<vmem>> -> memref<1x80xi32, #tpu.memory_space<vmem>>
        %dma_start3A_1093 = tpu.memref_squeeze %dma_start3A_1092 : memref<1x80xi32, #tpu.memory_space<vmem>> -> memref<80xi32, #tpu.memory_space<vmem>>
        %dma_start3A_1094 = tpu.memref_slice %arg3[%add3A_40] : memref<10000xi32, #tpu.memory_space<hbm>> -> memref<80xi32, #tpu.memory_space<hbm>>
        tpu.enqueue_dma source(%dma_start3A_1094 : memref<80xi32, #tpu.memory_space<hbm>>) target(%dma_start3A_1093 : memref<80xi32, #tpu.memory_space<vmem>>) target_semaphore(%run_scoped3A_1086 : memref<!tpu.dma_semaphore, #tpu.memory_space<semaphore_mem>>)
        %dma_wait3A_1095 = arith.constant 0 : i32
        %dma_wait3A_1096 = tpu.memref_slice %arg6[%run_scoped3A_41, %dma_wait3A_1095] : memref<8x80xi32, #tpu.memory_space<vmem>> -> memref<1x80xi32, #tpu.memory_space<vmem>>
        %dma_wait3A_1097 = tpu.memref_squeeze %dma_wait3A_1096 : memref<1x80xi32, #tpu.memory_space<vmem>> -> memref<80xi32, #tpu.memory_space<vmem>>
        %dma_wait3A_1098 = tpu.memref_slice %arg3[%add3A_40] : memref<10000xi32, #tpu.memory_space<hbm>> -> memref<80xi32, #tpu.memory_space<hbm>>
        %dma_wait3A_1099 = arith.constant 0 : i32
        %dma_wait3A_1100 = tpu.memref_slice %arg6[%run_scoped3A_41, %dma_wait3A_1099] : memref<8x80xi32, #tpu.memory_space<vmem>> -> memref<1x80xi32, #tpu.memory_space<vmem>>
        %dma_wait3A_1101 = tpu.memref_squeeze %dma_wait3A_1100 : memref<1x80xi32, #tpu.memory_space<vmem>> -> memref<80xi32, #tpu.memory_space<vmem>>
        %dma_wait3A_1102 = tpu.memref_slice %arg3[%add3A_40] : memref<10000xi32, #tpu.memory_space<hbm>> -> memref<80xi32, #tpu.memory_space<hbm>>
        tpu.wait_dma2 semaphore(%run_scoped3A_1086 : memref<!tpu.dma_semaphore, #tpu.memory_space<semaphore_mem>>) src(%dma_wait3A_1102 : memref<80xi32, #tpu.memory_space<hbm>>) dst(%dma_wait3A_1101 : memref<80xi32, #tpu.memory_space<vmem>>)
        tpu.yield
      }) : () -> ()
      %mul3A_42 = arith.constant 640 : i32
      %mul3A_43 = arith.muli %arg1, %mul3A_42 : i32
      %add3A_44 = arith.constant 320 : i32
      %add3A_45 = arith.addi %mul3A_43, %add3A_44 : i32
      %run_scoped3A_46 = arith.constant 4 : i32
      "tpu.region"() ({
        %run_scoped3A_1086 = tpu.sem_alloc : memref<!tpu.dma_semaphore, #tpu.memory_space<semaphore_mem>>
        %dma_start3A_1087 = arith.constant 0 : i32
        %dma_start3A_1088 = tpu.memref_slice %arg6[%run_scoped3A_46, %dma_start3A_1087] : memref<8x80xi32, #tpu.memory_space<vmem>> -> memref<1x80xi32, #tpu.memory_space<vmem>>
        %dma_start3A_1089 = tpu.memref_squeeze %dma_start3A_1088 : memref<1x80xi32, #tpu.memory_space<vmem>> -> memref<80xi32, #tpu.memory_space<vmem>>
        %dma_start3A_1090 = tpu.memref_slice %arg3[%add3A_45] : memref<10000xi32, #tpu.memory_space<hbm>> -> memref<80xi32, #tpu.memory_space<hbm>>
        %dma_start3A_1091 = arith.constant 0 : i32
        %dma_start3A_1092 = tpu.memref_slice %arg6[%run_scoped3A_46, %dma_start3A_1091] : memref<8x80xi32, #tpu.memory_space<vmem>> -> memref<1x80xi32, #tpu.memory_space<vmem>>
        %dma_start3A_1093 = tpu.memref_squeeze %dma_start3A_1092 : memref<1x80xi32, #tpu.memory_space<vmem>> -> memref<80xi32, #tpu.memory_space<vmem>>
        %dma_start3A_1094 = tpu.memref_slice %arg3[%add3A_45] : memref<10000xi32, #tpu.memory_space<hbm>> -> memref<80xi32, #tpu.memory_space<hbm>>
        tpu.enqueue_dma source(%dma_start3A_1094 : memref<80xi32, #tpu.memory_space<hbm>>) target(%dma_start3A_1093 : memref<80xi32, #tpu.memory_space<vmem>>) target_semaphore(%run_scoped3A_1086 : memref<!tpu.dma_semaphore, #tpu.memory_space<semaphore_mem>>)
        %dma_wait3A_1095 = arith.constant 0 : i32
        %dma_wait3A_1096 = tpu.memref_slice %arg6[%run_scoped3A_46, %dma_wait3A_1095] : memref<8x80xi32, #tpu.memory_space<vmem>> -> memref<1x80xi32, #tpu.memory_space<vmem>>
        %dma_wait3A_1097 = tpu.memref_squeeze %dma_wait3A_1096 : memref<1x80xi32, #tpu.memory_space<vmem>> -> memref<80xi32, #tpu.memory_space<vmem>>
        %dma_wait3A_1098 = tpu.memref_slice %arg3[%add3A_45] : memref<10000xi32, #tpu.memory_space<hbm>> -> memref<80xi32, #tpu.memory_space<hbm>>
        %dma_wait3A_1099 = arith.constant 0 : i32
        %dma_wait3A_1100 = tpu.memref_slice %arg6[%run_scoped3A_46, %dma_wait3A_1099] : memref<8x80xi32, #tpu.memory_space<vmem>> -> memref<1x80xi32, #tpu.memory_space<vmem>>
        %dma_wait3A_1101 = tpu.memref_squeeze %dma_wait3A_1100 : memref<1x80xi32, #tpu.memory_space<vmem>> -> memref<80xi32, #tpu.memory_space<vmem>>
        %dma_wait3A_1102 = tpu.memref_slice %arg3[%add3A_45] : memref<10000xi32, #tpu.memory_space<hbm>> -> memref<80xi32, #tpu.memory_space<hbm>>
        tpu.wait_dma2 semaphore(%run_scoped3A_1086 : memref<!tpu.dma_semaphore, #tpu.memory_space<semaphore_mem>>) src(%dma_wait3A_1102 : memref<80xi32, #tpu.memory_space<hbm>>) dst(%dma_wait3A_1101 : memref<80xi32, #tpu.memory_space<vmem>>)
        tpu.yield
      }) : () -> ()
      %broadcast_in_dim3A = arith.constant 0.000000e+00 : f32
      %broadcast_in_dim3A_47 = vector.broadcast %broadcast_in_dim3A : f32 to vector<16xf32>
      %swap3A = arith.constant 0 : i32
      %swap3A_48 = arith.index_cast %swap3A : i32 to index
      %swap3A_49 = arith.constant 0 : index
      %swap3A_50 = tpu.vector_load %arg8[%swap3A_48, %swap3A_49] {strides = array<i32>} : memref<16x128xf32, #tpu.memory_space<vmem>>, vector<1x16xf32>,
      %swap3A_51 = vector.shape_cast %swap3A_50 : vector<1x16xf32> to vector<16xf32>
      %swap3A_52 = vector.shape_cast %broadcast_in_dim3A_47 : vector<16xf32> to vector<1x16xf32>
      tpu.vector_store %arg8[%swap3A_48, %swap3A_49], %swap3A_52 {strides = array<i32>} : memref<16x128xf32, #tpu.memory_space<vmem>>, vector<1x16xf32>,
      %broadcast_in_dim3A_53 = arith.constant 0.000000e+00 : f32
      %broadcast_in_dim3A_54 = vector.broadcast %broadcast_in_dim3A_53 : f32 to vector<16xf32>
      %swap3A_55 = arith.constant 0 : i32
      %swap3A_56 = arith.index_cast %swap3A_55 : i32 to index
      %swap3A_57 = arith.constant 16 : index
      %swap3A_58 = tpu.vector_load %arg8[%swap3A_56, %swap3A_57] {strides = array<i32>} : memref<16x128xf32, #tpu.memory_space<vmem>>, vector<1x16xf32>,
      %swap3A_59 = vector.shape_cast %swap3A_58 : vector<1x16xf32> to vector<16xf32>
      %swap3A_60 = vector.shape_cast %broadcast_in_dim3A_54 : vector<16xf32> to vector<1x16xf32>
      tpu.vector_store %arg8[%swap3A_56, %swap3A_57], %swap3A_60 {strides = array<i32>} : memref<16x128xf32, #tpu.memory_space<vmem>>, vector<1x16xf32>,
      %broadcast_in_dim3A_61 = arith.constant 0.000000e+00 : f32
      %broadcast_in_dim3A_62 = vector.broadcast %broadcast_in_dim3A_61 : f32 to vector<16xf32>
      %swap3A_63 = arith.constant 0 : i32
      %swap3A_64 = arith.index_cast %swap3A_63 : i32 to index
      %swap3A_65 = arith.constant 32 : index
      %swap3A_66 = tpu.vector_load %arg8[%swap3A_64, %swap3A_65] {strides = array<i32>} : memref<16x128xf32, #tpu.memory_space<vmem>>, vector<1x16xf32>,
      %swap3A_67 = vector.shape_cast %swap3A_66 : vector<1x16xf32> to vector<16xf32>
      %swap3A_68 = vector.shape_cast %broadcast_in_dim3A_62 : vector<16xf32> to vector<1x16xf32>
      tpu.vector_store %arg8[%swap3A_64, %swap3A_65], %swap3A_68 {strides = array<i32>} : memref<16x128xf32, #tpu.memory_space<vmem>>, vector<1x16xf32>,
      %broadcast_in_dim3A_69 = arith.constant 0.000000e+00 : f32
      %broadcast_in_dim3A_70 = vector.broadcast %broadcast_in_dim3A_69 : f32 to vector<16xf32>
      %swap3A_71 = arith.constant 0 : i32
      %swap3A_72 = arith.index_cast %swap3A_71 : i32 to index
      %swap3A_73 = arith.constant 48 : index
      %swap3A_74 = tpu.vector_load %arg8[%swap3A_72, %swap3A_73] {strides = array<i32>} : memref<16x128xf32, #tpu.memory_space<vmem>>, vector<1x16xf32>,
      %swap3A_75 = vector.shape_cast %swap3A_74 : vector<1x16xf32> to vector<16xf32>
      %swap3A_76 = vector.shape_cast %broadcast_in_dim3A_70 : vector<16xf32> to vector<1x16xf32>
      tpu.vector_store %arg8[%swap3A_72, %swap3A_73], %swap3A_76 {strides = array<i32>} : memref<16x128xf32, #tpu.memory_space<vmem>>, vector<1x16xf32>,
      %broadcast_in_dim3A_77 = arith.constant 0.000000e+00 : f32
      %broadcast_in_dim3A_78 = vector.broadcast %broadcast_in_dim3A_77 : f32 to vector<16xf32>
      %swap3A_79 = arith.constant 0 : i32
      %swap3A_80 = arith.index_cast %swap3A_79 : i32 to index
      %swap3A_81 = arith.constant 64 : index
      %swap3A_82 = tpu.vector_load %arg8[%swap3A_80, %swap3A_81] {strides = array<i32>} : memref<16x128xf32, #tpu.memory_space<vmem>>, vector<1x16xf32>,
      %swap3A_83 = vector.shape_cast %swap3A_82 : vector<1x16xf32> to vector<16xf32>
      %swap3A_84 = vector.shape_cast %broadcast_in_dim3A_78 : vector<16xf32> to vector<1x16xf32>
      tpu.vector_store %arg8[%swap3A_80, %swap3A_81], %swap3A_84 {strides = array<i32>} : memref<16x128xf32, #tpu.memory_space<vmem>>, vector<1x16xf32>,
      %broadcast_in_dim3A_85 = arith.constant 0.000000e+00 : f32
      %broadcast_in_dim3A_86 = vector.broadcast %broadcast_in_dim3A_85 : f32 to vector<16xf32>
      %swap3A_87 = arith.constant 0 : i32
      %swap3A_88 = arith.index_cast %swap3A_87 : i32 to index
      %swap3A_89 = arith.constant 80 : index
      %swap3A_90 = tpu.vector_load %arg8[%swap3A_88, %swap3A_89] {strides = array<i32>} : memref<16x128xf32, #tpu.memory_space<vmem>>, vector<1x16xf32>,
      %swap3A_91 = vector.shape_cast %swap3A_90 : vector<1x16xf32> to vector<16xf32>
      %swap3A_92 = vector.shape_cast %broadcast_in_dim3A_86 : vector<16xf32> to vector<1x16xf32>
      tpu.vector_store %arg8[%swap3A_88, %swap3A_89], %swap3A_92 {strides = array<i32>} : memref<16x128xf32, #tpu.memory_space<vmem>>, vector<1x16xf32>,
      %broadcast_in_dim3A_93 = arith.constant 0.000000e+00 : f32
      %broadcast_in_dim3A_94 = vector.broadcast %broadcast_in_dim3A_93 : f32 to vector<16xf32>
      %swap3A_95 = arith.constant 0 : i32
      %swap3A_96 = arith.index_cast %swap3A_95 : i32 to index
      %swap3A_97 = arith.constant 96 : index
      %swap3A_98 = tpu.vector_load %arg8[%swap3A_96, %swap3A_97] {strides = array<i32>} : memref<16x128xf32, #tpu.memory_space<vmem>>, vector<1x16xf32>,
      %swap3A_99 = vector.shape_cast %swap3A_98 : vector<1x16xf32> to vector<16xf32>
      %swap3A_100 = vector.shape_cast %broadcast_in_dim3A_94 : vector<16xf32> to vector<1x16xf32>
      tpu.vector_store %arg8[%swap3A_96, %swap3A_97], %swap3A_100 {strides = array<i32>} : memref<16x128xf32, #tpu.memory_space<vmem>>, vector<1x16xf32>,
      %broadcast_in_dim3A_101 = arith.constant 0.000000e+00 : f32
      %broadcast_in_dim3A_102 = vector.broadcast %broadcast_in_dim3A_101 : f32 to vector<16xf32>
      %swap3A_103 = arith.constant 0 : i32
      %swap3A_104 = arith.index_cast %swap3A_103 : i32 to index
      %swap3A_105 = arith.constant 112 : index
      %swap3A_106 = tpu.vector_load %arg8[%swap3A_104, %swap3A_105] {strides = array<i32>} : memref<16x128xf32, #tpu.memory_space<vmem>>, vector<1x16xf32>,
      %swap3A_107 = vector.shape_cast %swap3A_106 : vector<1x16xf32> to vector<16xf32>
      %swap3A_108 = vector.shape_cast %broadcast_in_dim3A_102 : vector<16xf32> to vector<1x16xf32>
      tpu.vector_store %arg8[%swap3A_104, %swap3A_105], %swap3A_108 {strides = array<i32>} : memref<16x128xf32, #tpu.memory_space<vmem>>, vector<1x16xf32>,
      %broadcast_in_dim3A_109 = arith.constant 0.000000e+00 : f32
      %broadcast_in_dim3A_110 = vector.broadcast %broadcast_in_dim3A_109 : f32 to vector<16xf32>
      %swap3A_111 = arith.constant 1 : i32
      %swap3A_112 = arith.index_cast %swap3A_111 : i32 to index
      %swap3A_113 = arith.constant 0 : index
      %swap3A_114 = tpu.vector_load %arg8[%swap3A_112, %swap3A_113] {strides = array<i32>} : memref<16x128xf32, #tpu.memory_space<vmem>>, vector<1x16xf32>,
      %swap3A_115 = vector.shape_cast %swap3A_114 : vector<1x16xf32> to vector<16xf32>
      %swap3A_116 = vector.shape_cast %broadcast_in_dim3A_110 : vector<16xf32> to vector<1x16xf32>
      tpu.vector_store %arg8[%swap3A_112, %swap3A_113], %swap3A_116 {strides = array<i32>} : memref<16x128xf32, #tpu.memory_space<vmem>>, vector<1x16xf32>,
      %broadcast_in_dim3A_117 = arith.constant 0.000000e+00 : f32
      %broadcast_in_dim3A_118 = vector.broadcast %broadcast_in_dim3A_117 : f32 to vector<16xf32>
      %swap3A_119 = arith.constant 1 : i32
      %swap3A_120 = arith.index_cast %swap3A_119 : i32 to index
      %swap3A_121 = arith.constant 16 : index
      %swap3A_122 = tpu.vector_load %arg8[%swap3A_120, %swap3A_121] {strides = array<i32>} : memref<16x128xf32, #tpu.memory_space<vmem>>, vector<1x16xf32>,
      %swap3A_123 = vector.shape_cast %swap3A_122 : vector<1x16xf32> to vector<16xf32>
      %swap3A_124 = vector.shape_cast %broadcast_in_dim3A_118 : vector<16xf32> to vector<1x16xf32>
      tpu.vector_store %arg8[%swap3A_120, %swap3A_121], %swap3A_124 {strides = array<i32>} : memref<16x128xf32, #tpu.memory_space<vmem>>, vector<1x16xf32>,
      %broadcast_in_dim3A_125 = arith.constant 0.000000e+00 : f32
      %broadcast_in_dim3A_126 = vector.broadcast %broadcast_in_dim3A_125 : f32 to vector<16xf32>
      %swap3A_127 = arith.constant 1 : i32
      %swap3A_128 = arith.index_cast %swap3A_127 : i32 to index
      %swap3A_129 = arith.constant 32 : index
      %swap3A_130 = tpu.vector_load %arg8[%swap3A_128, %swap3A_129] {strides = array<i32>} : memref<16x128xf32, #tpu.memory_space<vmem>>, vector<1x16xf32>,
      %swap3A_131 = vector.shape_cast %swap3A_130 : vector<1x16xf32> to vector<16xf32>
      %swap3A_132 = vector.shape_cast %broadcast_in_dim3A_126 : vector<16xf32> to vector<1x16xf32>
      tpu.vector_store %arg8[%swap3A_128, %swap3A_129], %swap3A_132 {strides = array<i32>} : memref<16x128xf32, #tpu.memory_space<vmem>>, vector<1x16xf32>,
      %broadcast_in_dim3A_133 = arith.constant 0.000000e+00 : f32
      %broadcast_in_dim3A_134 = vector.broadcast %broadcast_in_dim3A_133 : f32 to vector<16xf32>
      %swap3A_135 = arith.constant 1 : i32
      %swap3A_136 = arith.index_cast %swap3A_135 : i32 to index
      %swap3A_137 = arith.constant 48 : index
      %swap3A_138 = tpu.vector_load %arg8[%swap3A_136, %swap3A_137] {strides = array<i32>} : memref<16x128xf32, #tpu.memory_space<vmem>>, vector<1x16xf32>,
      %swap3A_139 = vector.shape_cast %swap3A_138 : vector<1x16xf32> to vector<16xf32>
      %swap3A_140 = vector.shape_cast %broadcast_in_dim3A_134 : vector<16xf32> to vector<1x16xf32>
      tpu.vector_store %arg8[%swap3A_136, %swap3A_137], %swap3A_140 {strides = array<i32>} : memref<16x128xf32, #tpu.memory_space<vmem>>, vector<1x16xf32>,
      %broadcast_in_dim3A_141 = arith.constant 0.000000e+00 : f32
      %broadcast_in_dim3A_142 = vector.broadcast %broadcast_in_dim3A_141 : f32 to vector<16xf32>
      %swap3A_143 = arith.constant 1 : i32
      %swap3A_144 = arith.index_cast %swap3A_143 : i32 to index
      %swap3A_145 = arith.constant 64 : index
      %swap3A_146 = tpu.vector_load %arg8[%swap3A_144, %swap3A_145] {strides = array<i32>} : memref<16x128xf32, #tpu.memory_space<vmem>>, vector<1x16xf32>,
      %swap3A_147 = vector.shape_cast %swap3A_146 : vector<1x16xf32> to vector<16xf32>
      %swap3A_148 = vector.shape_cast %broadcast_in_dim3A_142 : vector<16xf32> to vector<1x16xf32>
      tpu.vector_store %arg8[%swap3A_144, %swap3A_145], %swap3A_148 {strides = array<i32>} : memref<16x128xf32, #tpu.memory_space<vmem>>, vector<1x16xf32>,
      %broadcast_in_dim3A_149 = arith.constant 0.000000e+00 : f32
      %broadcast_in_dim3A_150 = vector.broadcast %broadcast_in_dim3A_149 : f32 to vector<16xf32>
      %swap3A_151 = arith.constant 1 : i32
      %swap3A_152 = arith.index_cast %swap3A_151 : i32 to index
      %swap3A_153 = arith.constant 80 : index
      %swap3A_154 = tpu.vector_load %arg8[%swap3A_152, %swap3A_153] {strides = array<i32>} : memref<16x128xf32, #tpu.memory_space<vmem>>, vector<1x16xf32>,
      %swap3A_155 = vector.shape_cast %swap3A_154 : vector<1x16xf32> to vector<16xf32>
      %swap3A_156 = vector.shape_cast %broadcast_in_dim3A_150 : vector<16xf32> to vector<1x16xf32>
      tpu.vector_store %arg8[%swap3A_152, %swap3A_153], %swap3A_156 {strides = array<i32>} : memref<16x128xf32, #tpu.memory_space<vmem>>, vector<1x16xf32>,
      %broadcast_in_dim3A_157 = arith.constant 0.000000e+00 : f32
      %broadcast_in_dim3A_158 = vector.broadcast %broadcast_in_dim3A_157 : f32 to vector<16xf32>
      %swap3A_159 = arith.constant 1 : i32
      %swap3A_160 = arith.index_cast %swap3A_159 : i32 to index
      %swap3A_161 = arith.constant 96 : index
      %swap3A_162 = tpu.vector_load %arg8[%swap3A_160, %swap3A_161] {strides = array<i32>} : memref<16x128xf32, #tpu.memory_space<vmem>>, vector<1x16xf32>,
      %swap3A_163 = vector.shape_cast %swap3A_162 : vector<1x16xf32> to vector<16xf32>
      %swap3A_164 = vector.shape_cast %broadcast_in_dim3A_158 : vector<16xf32> to vector<1x16xf32>
      tpu.vector_store %arg8[%swap3A_160, %swap3A_161], %swap3A_164 {strides = array<i32>} : memref<16x128xf32, #tpu.memory_space<vmem>>, vector<1x16xf32>,
      %broadcast_in_dim3A_165 = arith.constant 0.000000e+00 : f32
      %broadcast_in_dim3A_166 = vector.broadcast %broadcast_in_dim3A_165 : f32 to vector<16xf32>
      %swap3A_167 = arith.constant 1 : i32
      %swap3A_168 = arith.index_cast %swap3A_167 : i32 to index
      %swap3A_169 = arith.constant 112 : index
      %swap3A_170 = tpu.vector_load %arg8[%swap3A_168, %swap3A_169] {strides = array<i32>} : memref<16x128xf32, #tpu.memory_space<vmem>>, vector<1x16xf32>,
      %swap3A_171 = vector.shape_cast %swap3A_170 : vector<1x16xf32> to vector<16xf32>
      %swap3A_172 = vector.shape_cast %broadcast_in_dim3A_166 : vector<16xf32> to vector<1x16xf32>
      tpu.vector_store %arg8[%swap3A_168, %swap3A_169], %swap3A_172 {strides = array<i32>} : memref<16x128xf32, #tpu.memory_space<vmem>>, vector<1x16xf32>,
      %broadcast_in_dim3A_173 = arith.constant 0.000000e+00 : f32
      %broadcast_in_dim3A_174 = vector.broadcast %broadcast_in_dim3A_173 : f32 to vector<16xf32>
      %swap3A_175 = arith.constant 2 : i32
      %swap3A_176 = arith.index_cast %swap3A_175 : i32 to index
      %swap3A_177 = arith.constant 0 : index
      %swap3A_178 = tpu.vector_load %arg8[%swap3A_176, %swap3A_177] {strides = array<i32>} : memref<16x128xf32, #tpu.memory_space<vmem>>, vector<1x16xf32>,
      %swap3A_179 = vector.shape_cast %swap3A_178 : vector<1x16xf32> to vector<16xf32>
      %swap3A_180 = vector.shape_cast %broadcast_in_dim3A_174 : vector<16xf32> to vector<1x16xf32>
      tpu.vector_store %arg8[%swap3A_176, %swap3A_177], %swap3A_180 {strides = array<i32>} : memref<16x128xf32, #tpu.memory_space<vmem>>, vector<1x16xf32>,
      %broadcast_in_dim3A_181 = arith.constant 0.000000e+00 : f32
      %broadcast_in_dim3A_182 = vector.broadcast %broadcast_in_dim3A_181 : f32 to vector<16xf32>
      %swap3A_183 = arith.constant 2 : i32
      %swap3A_184 = arith.index_cast %swap3A_183 : i32 to index
      %swap3A_185 = arith.constant 16 : index
      %swap3A_186 = tpu.vector_load %arg8[%swap3A_184, %swap3A_185] {strides = array<i32>} : memref<16x128xf32, #tpu.memory_space<vmem>>, vector<1x16xf32>,
      %swap3A_187 = vector.shape_cast %swap3A_186 : vector<1x16xf32> to vector<16xf32>
      %swap3A_188 = vector.shape_cast %broadcast_in_dim3A_182 : vector<16xf32> to vector<1x16xf32>
      tpu.vector_store %arg8[%swap3A_184, %swap3A_185], %swap3A_188 {strides = array<i32>} : memref<16x128xf32, #tpu.memory_space<vmem>>, vector<1x16xf32>,
      %broadcast_in_dim3A_189 = arith.constant 0.000000e+00 : f32
      %broadcast_in_dim3A_190 = vector.broadcast %broadcast_in_dim3A_189 : f32 to vector<16xf32>
      %swap3A_191 = arith.constant 2 : i32
      %swap3A_192 = arith.index_cast %swap3A_191 : i32 to index
      %swap3A_193 = arith.constant 32 : index
      %swap3A_194 = tpu.vector_load %arg8[%swap3A_192, %swap3A_193] {strides = array<i32>} : memref<16x128xf32, #tpu.memory_space<vmem>>, vector<1x16xf32>,
      %swap3A_195 = vector.shape_cast %swap3A_194 : vector<1x16xf32> to vector<16xf32>
      %swap3A_196 = vector.shape_cast %broadcast_in_dim3A_190 : vector<16xf32> to vector<1x16xf32>
      tpu.vector_store %arg8[%swap3A_192, %swap3A_193], %swap3A_196 {strides = array<i32>} : memref<16x128xf32, #tpu.memory_space<vmem>>, vector<1x16xf32>,
      %broadcast_in_dim3A_197 = arith.constant 0.000000e+00 : f32
      %broadcast_in_dim3A_198 = vector.broadcast %broadcast_in_dim3A_197 : f32 to vector<16xf32>
      %swap3A_199 = arith.constant 2 : i32
      %swap3A_200 = arith.index_cast %swap3A_199 : i32 to index
      %swap3A_201 = arith.constant 48 : index
      %swap3A_202 = tpu.vector_load %arg8[%swap3A_200, %swap3A_201] {strides = array<i32>} : memref<16x128xf32, #tpu.memory_space<vmem>>, vector<1x16xf32>,
      %swap3A_203 = vector.shape_cast %swap3A_202 : vector<1x16xf32> to vector<16xf32>
      %swap3A_204 = vector.shape_cast %broadcast_in_dim3A_198 : vector<16xf32> to vector<1x16xf32>
      tpu.vector_store %arg8[%swap3A_200, %swap3A_201], %swap3A_204 {strides = array<i32>} : memref<16x128xf32, #tpu.memory_space<vmem>>, vector<1x16xf32>,
      %broadcast_in_dim3A_205 = arith.constant 0.000000e+00 : f32
      %broadcast_in_dim3A_206 = vector.broadcast %broadcast_in_dim3A_205 : f32 to vector<16xf32>
      %swap3A_207 = arith.constant 2 : i32
      %swap3A_208 = arith.index_cast %swap3A_207 : i32 to index
      %swap3A_209 = arith.constant 64 : index
      %swap3A_210 = tpu.vector_load %arg8[%swap3A_208, %swap3A_209] {strides = array<i32>} : memref<16x128xf32, #tpu.memory_space<vmem>>, vector<1x16xf32>,
      %swap3A_211 = vector.shape_cast %swap3A_210 : vector<1x16xf32> to vector<16xf32>
      %swap3A_212 = vector.shape_cast %broadcast_in_dim3A_206 : vector<16xf32> to vector<1x16xf32>
      tpu.vector_store %arg8[%swap3A_208, %swap3A_209], %swap3A_212 {strides = array<i32>} : memref<16x128xf32, #tpu.memory_space<vmem>>, vector<1x16xf32>,
      %broadcast_in_dim3A_213 = arith.constant 0.000000e+00 : f32
      %broadcast_in_dim3A_214 = vector.broadcast %broadcast_in_dim3A_213 : f32 to vector<16xf32>
      %swap3A_215 = arith.constant 2 : i32
      %swap3A_216 = arith.index_cast %swap3A_215 : i32 to index
      %swap3A_217 = arith.constant 80 : index
      %swap3A_218 = tpu.vector_load %arg8[%swap3A_216, %swap3A_217] {strides = array<i32>} : memref<16x128xf32, #tpu.memory_space<vmem>>, vector<1x16xf32>,
      %swap3A_219 = vector.shape_cast %swap3A_218 : vector<1x16xf32> to vector<16xf32>
      %swap3A_220 = vector.shape_cast %broadcast_in_dim3A_214 : vector<16xf32> to vector<1x16xf32>
      tpu.vector_store %arg8[%swap3A_216, %swap3A_217], %swap3A_220 {strides = array<i32>} : memref<16x128xf32, #tpu.memory_space<vmem>>, vector<1x16xf32>,
      %broadcast_in_dim3A_221 = arith.constant 0.000000e+00 : f32
      %broadcast_in_dim3A_222 = vector.broadcast %broadcast_in_dim3A_221 : f32 to vector<16xf32>
      %swap3A_223 = arith.constant 2 : i32
      %swap3A_224 = arith.index_cast %swap3A_223 : i32 to index
      %swap3A_225 = arith.constant 96 : index
      %swap3A_226 = tpu.vector_load %arg8[%swap3A_224, %swap3A_225] {strides = array<i32>} : memref<16x128xf32, #tpu.memory_space<vmem>>, vector<1x16xf32>,
      %swap3A_227 = vector.shape_cast %swap3A_226 : vector<1x16xf32> to vector<16xf32>
      %swap3A_228 = vector.shape_cast %broadcast_in_dim3A_222 : vector<16xf32> to vector<1x16xf32>
      tpu.vector_store %arg8[%swap3A_224, %swap3A_225], %swap3A_228 {strides = array<i32>} : memref<16x128xf32, #tpu.memory_space<vmem>>, vector<1x16xf32>,
      %broadcast_in_dim3A_229 = arith.constant 0.000000e+00 : f32
      %broadcast_in_dim3A_230 = vector.broadcast %broadcast_in_dim3A_229 : f32 to vector<16xf32>
      %swap3A_231 = arith.constant 2 : i32
      %swap3A_232 = arith.index_cast %swap3A_231 : i32 to index
      %swap3A_233 = arith.constant 112 : index
      %swap3A_234 = tpu.vector_load %arg8[%swap3A_232, %swap3A_233] {strides = array<i32>} : memref<16x128xf32, #tpu.memory_space<vmem>>, vector<1x16xf32>,
      %swap3A_235 = vector.shape_cast %swap3A_234 : vector<1x16xf32> to vector<16xf32>
      %swap3A_236 = vector.shape_cast %broadcast_in_dim3A_230 : vector<16xf32> to vector<1x16xf32>
      tpu.vector_store %arg8[%swap3A_232, %swap3A_233], %swap3A_236 {strides = array<i32>} : memref<16x128xf32, #tpu.memory_space<vmem>>, vector<1x16xf32>,
      %broadcast_in_dim3A_237 = arith.constant 0.000000e+00 : f32
      %broadcast_in_dim3A_238 = vector.broadcast %broadcast_in_dim3A_237 : f32 to vector<16xf32>
      %swap3A_239 = arith.constant 3 : i32
      %swap3A_240 = arith.index_cast %swap3A_239 : i32 to index
      %swap3A_241 = arith.constant 0 : index
      %swap3A_242 = tpu.vector_load %arg8[%swap3A_240, %swap3A_241] {strides = array<i32>} : memref<16x128xf32, #tpu.memory_space<vmem>>, vector<1x16xf32>,
      %swap3A_243 = vector.shape_cast %swap3A_242 : vector<1x16xf32> to vector<16xf32>
      %swap3A_244 = vector.shape_cast %broadcast_in_dim3A_238 : vector<16xf32> to vector<1x16xf32>
      tpu.vector_store %arg8[%swap3A_240, %swap3A_241], %swap3A_244 {strides = array<i32>} : memref<16x128xf32, #tpu.memory_space<vmem>>, vector<1x16xf32>,
      %broadcast_in_dim3A_245 = arith.constant 0.000000e+00 : f32
      %broadcast_in_dim3A_246 = vector.broadcast %broadcast_in_dim3A_245 : f32 to vector<16xf32>
      %swap3A_247 = arith.constant 3 : i32
      %swap3A_248 = arith.index_cast %swap3A_247 : i32 to index
      %swap3A_249 = arith.constant 16 : index
      %swap3A_250 = tpu.vector_load %arg8[%swap3A_248, %swap3A_249] {strides = array<i32>} : memref<16x128xf32, #tpu.memory_space<vmem>>, vector<1x16xf32>,
      %swap3A_251 = vector.shape_cast %swap3A_250 : vector<1x16xf32> to vector<16xf32>
      %swap3A_252 = vector.shape_cast %broadcast_in_dim3A_246 : vector<16xf32> to vector<1x16xf32>
      tpu.vector_store %arg8[%swap3A_248, %swap3A_249], %swap3A_252 {strides = array<i32>} : memref<16x128xf32, #tpu.memory_space<vmem>>, vector<1x16xf32>,
      %broadcast_in_dim3A_253 = arith.constant 0.000000e+00 : f32
      %broadcast_in_dim3A_254 = vector.broadcast %broadcast_in_dim3A_253 : f32 to vector<16xf32>
      %swap3A_255 = arith.constant 3 : i32
      %swap3A_256 = arith.index_cast %swap3A_255 : i32 to index
      %swap3A_257 = arith.constant 32 : index
      %swap3A_258 = tpu.vector_load %arg8[%swap3A_256, %swap3A_257] {strides = array<i32>} : memref<16x128xf32, #tpu.memory_space<vmem>>, vector<1x16xf32>,
      %swap3A_259 = vector.shape_cast %swap3A_258 : vector<1x16xf32> to vector<16xf32>
      %swap3A_260 = vector.shape_cast %broadcast_in_dim3A_254 : vector<16xf32> to vector<1x16xf32>
      tpu.vector_store %arg8[%swap3A_256, %swap3A_257], %swap3A_260 {strides = array<i32>} : memref<16x128xf32, #tpu.memory_space<vmem>>, vector<1x16xf32>,
      %broadcast_in_dim3A_261 = arith.constant 0.000000e+00 : f32
      %broadcast_in_dim3A_262 = vector.broadcast %broadcast_in_dim3A_261 : f32 to vector<16xf32>
      %swap3A_263 = arith.constant 3 : i32
      %swap3A_264 = arith.index_cast %swap3A_263 : i32 to index
      %swap3A_265 = arith.constant 48 : index
      %swap3A_266 = tpu.vector_load %arg8[%swap3A_264, %swap3A_265] {strides = array<i32>} : memref<16x128xf32, #tpu.memory_space<vmem>>, vector<1x16xf32>,
      %swap3A_267 = vector.shape_cast %swap3A_266 : vector<1x16xf32> to vector<16xf32>
      %swap3A_268 = vector.shape_cast %broadcast_in_dim3A_262 : vector<16xf32> to vector<1x16xf32>
      tpu.vector_store %arg8[%swap3A_264, %swap3A_265], %swap3A_268 {strides = array<i32>} : memref<16x128xf32, #tpu.memory_space<vmem>>, vector<1x16xf32>,
      %broadcast_in_dim3A_269 = arith.constant 0.000000e+00 : f32
      %broadcast_in_dim3A_270 = vector.broadcast %broadcast_in_dim3A_269 : f32 to vector<16xf32>
      %swap3A_271 = arith.constant 3 : i32
      %swap3A_272 = arith.index_cast %swap3A_271 : i32 to index
      %swap3A_273 = arith.constant 64 : index
      %swap3A_274 = tpu.vector_load %arg8[%swap3A_272, %swap3A_273] {strides = array<i32>} : memref<16x128xf32, #tpu.memory_space<vmem>>, vector<1x16xf32>,
      %swap3A_275 = vector.shape_cast %swap3A_274 : vector<1x16xf32> to vector<16xf32>
      %swap3A_276 = vector.shape_cast %broadcast_in_dim3A_270 : vector<16xf32> to vector<1x16xf32>
      tpu.vector_store %arg8[%swap3A_272, %swap3A_273], %swap3A_276 {strides = array<i32>} : memref<16x128xf32, #tpu.memory_space<vmem>>, vector<1x16xf32>,
      %broadcast_in_dim3A_277 = arith.constant 0.000000e+00 : f32
      %broadcast_in_dim3A_278 = vector.broadcast %broadcast_in_dim3A_277 : f32 to vector<16xf32>
      %swap3A_279 = arith.constant 3 : i32
      %swap3A_280 = arith.index_cast %swap3A_279 : i32 to index
      %swap3A_281 = arith.constant 80 : index
      %swap3A_282 = tpu.vector_load %arg8[%swap3A_280, %swap3A_281] {strides = array<i32>} : memref<16x128xf32, #tpu.memory_space<vmem>>, vector<1x16xf32>,
      %swap3A_283 = vector.shape_cast %swap3A_282 : vector<1x16xf32> to vector<16xf32>
      %swap3A_284 = vector.shape_cast %broadcast_in_dim3A_278 : vector<16xf32> to vector<1x16xf32>
      tpu.vector_store %arg8[%swap3A_280, %swap3A_281], %swap3A_284 {strides = array<i32>} : memref<16x128xf32, #tpu.memory_space<vmem>>, vector<1x16xf32>,
      %broadcast_in_dim3A_285 = arith.constant 0.000000e+00 : f32
      %broadcast_in_dim3A_286 = vector.broadcast %broadcast_in_dim3A_285 : f32 to vector<16xf32>
      %swap3A_287 = arith.constant 3 : i32
      %swap3A_288 = arith.index_cast %swap3A_287 : i32 to index
      %swap3A_289 = arith.constant 96 : index
      %swap3A_290 = tpu.vector_load %arg8[%swap3A_288, %swap3A_289] {strides = array<i32>} : memref<16x128xf32, #tpu.memory_space<vmem>>, vector<1x16xf32>,
      %swap3A_291 = vector.shape_cast %swap3A_290 : vector<1x16xf32> to vector<16xf32>
      %swap3A_292 = vector.shape_cast %broadcast_in_dim3A_286 : vector<16xf32> to vector<1x16xf32>
      tpu.vector_store %arg8[%swap3A_288, %swap3A_289], %swap3A_292 {strides = array<i32>} : memref<16x128xf32, #tpu.memory_space<vmem>>, vector<1x16xf32>,
      %broadcast_in_dim3A_293 = arith.constant 0.000000e+00 : f32
      %broadcast_in_dim3A_294 = vector.broadcast %broadcast_in_dim3A_293 : f32 to vector<16xf32>
      %swap3A_295 = arith.constant 3 : i32
      %swap3A_296 = arith.index_cast %swap3A_295 : i32 to index
      %swap3A_297 = arith.constant 112 : index
      %swap3A_298 = tpu.vector_load %arg8[%swap3A_296, %swap3A_297] {strides = array<i32>} : memref<16x128xf32, #tpu.memory_space<vmem>>, vector<1x16xf32>,
      %swap3A_299 = vector.shape_cast %swap3A_298 : vector<1x16xf32> to vector<16xf32>
      %swap3A_300 = vector.shape_cast %broadcast_in_dim3A_294 : vector<16xf32> to vector<1x16xf32>
      tpu.vector_store %arg8[%swap3A_296, %swap3A_297], %swap3A_300 {strides = array<i32>} : memref<16x128xf32, #tpu.memory_space<vmem>>, vector<1x16xf32>,
      %broadcast_in_dim3A_301 = arith.constant 0.000000e+00 : f32
      %broadcast_in_dim3A_302 = vector.broadcast %broadcast_in_dim3A_301 : f32 to vector<16xf32>
      %swap3A_303 = arith.constant 4 : i32
      %swap3A_304 = arith.index_cast %swap3A_303 : i32 to index
      %swap3A_305 = arith.constant 0 : index
      %swap3A_306 = tpu.vector_load %arg8[%swap3A_304, %swap3A_305] {strides = array<i32>} : memref<16x128xf32, #tpu.memory_space<vmem>>, vector<1x16xf32>,
      %swap3A_307 = vector.shape_cast %swap3A_306 : vector<1x16xf32> to vector<16xf32>
      %swap3A_308 = vector.shape_cast %broadcast_in_dim3A_302 : vector<16xf32> to vector<1x16xf32>
      tpu.vector_store %arg8[%swap3A_304, %swap3A_305], %swap3A_308 {strides = array<i32>} : memref<16x128xf32, #tpu.memory_space<vmem>>, vector<1x16xf32>,
      %broadcast_in_dim3A_309 = arith.constant 0.000000e+00 : f32
      %broadcast_in_dim3A_310 = vector.broadcast %broadcast_in_dim3A_309 : f32 to vector<16xf32>
      %swap3A_311 = arith.constant 4 : i32
      %swap3A_312 = arith.index_cast %swap3A_311 : i32 to index
      %swap3A_313 = arith.constant 16 : index
      %swap3A_314 = tpu.vector_load %arg8[%swap3A_312, %swap3A_313] {strides = array<i32>} : memref<16x128xf32, #tpu.memory_space<vmem>>, vector<1x16xf32>,
      %swap3A_315 = vector.shape_cast %swap3A_314 : vector<1x16xf32> to vector<16xf32>
      %swap3A_316 = vector.shape_cast %broadcast_in_dim3A_310 : vector<16xf32> to vector<1x16xf32>
      tpu.vector_store %arg8[%swap3A_312, %swap3A_313], %swap3A_316 {strides = array<i32>} : memref<16x128xf32, #tpu.memory_space<vmem>>, vector<1x16xf32>,
      %broadcast_in_dim3A_317 = arith.constant 0.000000e+00 : f32
      %broadcast_in_dim3A_318 = vector.broadcast %broadcast_in_dim3A_317 : f32 to vector<16xf32>
      %swap3A_319 = arith.constant 4 : i32
      %swap3A_320 = arith.index_cast %swap3A_319 : i32 to index
      %swap3A_321 = arith.constant 32 : index
      %swap3A_322 = tpu.vector_load %arg8[%swap3A_320, %swap3A_321] {strides = array<i32>} : memref<16x128xf32, #tpu.memory_space<vmem>>, vector<1x16xf32>,
      %swap3A_323 = vector.shape_cast %swap3A_322 : vector<1x16xf32> to vector<16xf32>
      %swap3A_324 = vector.shape_cast %broadcast_in_dim3A_318 : vector<16xf32> to vector<1x16xf32>
      tpu.vector_store %arg8[%swap3A_320, %swap3A_321], %swap3A_324 {strides = array<i32>} : memref<16x128xf32, #tpu.memory_space<vmem>>, vector<1x16xf32>,
      %broadcast_in_dim3A_325 = arith.constant 0.000000e+00 : f32
      %broadcast_in_dim3A_326 = vector.broadcast %broadcast_in_dim3A_325 : f32 to vector<16xf32>
      %swap3A_327 = arith.constant 4 : i32
      %swap3A_328 = arith.index_cast %swap3A_327 : i32 to index
      %swap3A_329 = arith.constant 48 : index
      %swap3A_330 = tpu.vector_load %arg8[%swap3A_328, %swap3A_329] {strides = array<i32>} : memref<16x128xf32, #tpu.memory_space<vmem>>, vector<1x16xf32>,
      %swap3A_331 = vector.shape_cast %swap3A_330 : vector<1x16xf32> to vector<16xf32>
      %swap3A_332 = vector.shape_cast %broadcast_in_dim3A_326 : vector<16xf32> to vector<1x16xf32>
      tpu.vector_store %arg8[%swap3A_328, %swap3A_329], %swap3A_332 {strides = array<i32>} : memref<16x128xf32, #tpu.memory_space<vmem>>, vector<1x16xf32>,
      %broadcast_in_dim3A_333 = arith.constant 0.000000e+00 : f32
      %broadcast_in_dim3A_334 = vector.broadcast %broadcast_in_dim3A_333 : f32 to vector<16xf32>
      %swap3A_335 = arith.constant 4 : i32
      %swap3A_336 = arith.index_cast %swap3A_335 : i32 to index
      %swap3A_337 = arith.constant 64 : index
      %swap3A_338 = tpu.vector_load %arg8[%swap3A_336, %swap3A_337] {strides = array<i32>} : memref<16x128xf32, #tpu.memory_space<vmem>>, vector<1x16xf32>,
      %swap3A_339 = vector.shape_cast %swap3A_338 : vector<1x16xf32> to vector<16xf32>
      %swap3A_340 = vector.shape_cast %broadcast_in_dim3A_334 : vector<16xf32> to vector<1x16xf32>
      tpu.vector_store %arg8[%swap3A_336, %swap3A_337], %swap3A_340 {strides = array<i32>} : memref<16x128xf32, #tpu.memory_space<vmem>>, vector<1x16xf32>,
      %broadcast_in_dim3A_341 = arith.constant 0.000000e+00 : f32
      %broadcast_in_dim3A_342 = vector.broadcast %broadcast_in_dim3A_341 : f32 to vector<16xf32>
      %swap3A_343 = arith.constant 4 : i32
      %swap3A_344 = arith.index_cast %swap3A_343 : i32 to index
      %swap3A_345 = arith.constant 80 : index
      %swap3A_346 = tpu.vector_load %arg8[%swap3A_344, %swap3A_345] {strides = array<i32>} : memref<16x128xf32, #tpu.memory_space<vmem>>, vector<1x16xf32>,
      %swap3A_347 = vector.shape_cast %swap3A_346 : vector<1x16xf32> to vector<16xf32>
      %swap3A_348 = vector.shape_cast %broadcast_in_dim3A_342 : vector<16xf32> to vector<1x16xf32>
      tpu.vector_store %arg8[%swap3A_344, %swap3A_345], %swap3A_348 {strides = array<i32>} : memref<16x128xf32, #tpu.memory_space<vmem>>, vector<1x16xf32>,
      %broadcast_in_dim3A_349 = arith.constant 0.000000e+00 : f32
      %broadcast_in_dim3A_350 = vector.broadcast %broadcast_in_dim3A_349 : f32 to vector<16xf32>
      %swap3A_351 = arith.constant 4 : i32
      %swap3A_352 = arith.index_cast %swap3A_351 : i32 to index
      %swap3A_353 = arith.constant 96 : index
      %swap3A_354 = tpu.vector_load %arg8[%swap3A_352, %swap3A_353] {strides = array<i32>} : memref<16x128xf32, #tpu.memory_space<vmem>>, vector<1x16xf32>,
      %swap3A_355 = vector.shape_cast %swap3A_354 : vector<1x16xf32> to vector<16xf32>
      %swap3A_356 = vector.shape_cast %broadcast_in_dim3A_350 : vector<16xf32> to vector<1x16xf32>
      tpu.vector_store %arg8[%swap3A_352, %swap3A_353], %swap3A_356 {strides = array<i32>} : memref<16x128xf32, #tpu.memory_space<vmem>>, vector<1x16xf32>,
      %broadcast_in_dim3A_357 = arith.constant 0.000000e+00 : f32
      %broadcast_in_dim3A_358 = vector.broadcast %broadcast_in_dim3A_357 : f32 to vector<16xf32>
      %swap3A_359 = arith.constant 4 : i32
      %swap3A_360 = arith.index_cast %swap3A_359 : i32 to index
      %swap3A_361 = arith.constant 112 : index
      %swap3A_362 = tpu.vector_load %arg8[%swap3A_360, %swap3A_361] {strides = array<i32>} : memref<16x128xf32, #tpu.memory_space<vmem>>, vector<1x16xf32>,
      %swap3A_363 = vector.shape_cast %swap3A_362 : vector<1x16xf32> to vector<16xf32>
      %swap3A_364 = vector.shape_cast %broadcast_in_dim3A_358 : vector<16xf32> to vector<1x16xf32>
      tpu.vector_store %arg8[%swap3A_360, %swap3A_361], %swap3A_364 {strides = array<i32>} : memref<16x128xf32, #tpu.memory_space<vmem>>, vector<1x16xf32>,
      %broadcast_in_dim3A_365 = arith.constant 0.000000e+00 : f32
      %broadcast_in_dim3A_366 = vector.broadcast %broadcast_in_dim3A_365 : f32 to vector<16xf32>
      %swap3A_367 = arith.constant 5 : i32
      %swap3A_368 = arith.index_cast %swap3A_367 : i32 to index
      %swap3A_369 = arith.constant 0 : index
      %swap3A_370 = tpu.vector_load %arg8[%swap3A_368, %swap3A_369] {strides = array<i32>} : memref<16x128xf32, #tpu.memory_space<vmem>>, vector<1x16xf32>,
      %swap3A_371 = vector.shape_cast %swap3A_370 : vector<1x16xf32> to vector<16xf32>
      %swap3A_372 = vector.shape_cast %broadcast_in_dim3A_366 : vector<16xf32> to vector<1x16xf32>
      tpu.vector_store %arg8[%swap3A_368, %swap3A_369], %swap3A_372 {strides = array<i32>} : memref<16x128xf32, #tpu.memory_space<vmem>>, vector<1x16xf32>,
      %broadcast_in_dim3A_373 = arith.constant 0.000000e+00 : f32
      %broadcast_in_dim3A_374 = vector.broadcast %broadcast_in_dim3A_373 : f32 to vector<16xf32>
      %swap3A_375 = arith.constant 5 : i32
      %swap3A_376 = arith.index_cast %swap3A_375 : i32 to index
      %swap3A_377 = arith.constant 16 : index
      %swap3A_378 = tpu.vector_load %arg8[%swap3A_376, %swap3A_377] {strides = array<i32>} : memref<16x128xf32, #tpu.memory_space<vmem>>, vector<1x16xf32>,
      %swap3A_379 = vector.shape_cast %swap3A_378 : vector<1x16xf32> to vector<16xf32>
      %swap3A_380 = vector.shape_cast %broadcast_in_dim3A_374 : vector<16xf32> to vector<1x16xf32>
      tpu.vector_store %arg8[%swap3A_376, %swap3A_377], %swap3A_380 {strides = array<i32>} : memref<16x128xf32, #tpu.memory_space<vmem>>, vector<1x16xf32>,
      %broadcast_in_dim3A_381 = arith.constant 0.000000e+00 : f32
      %broadcast_in_dim3A_382 = vector.broadcast %broadcast_in_dim3A_381 : f32 to vector<16xf32>
      %swap3A_383 = arith.constant 5 : i32
      %swap3A_384 = arith.index_cast %swap3A_383 : i32 to index
      %swap3A_385 = arith.constant 32 : index
      %swap3A_386 = tpu.vector_load %arg8[%swap3A_384, %swap3A_385] {strides = array<i32>} : memref<16x128xf32, #tpu.memory_space<vmem>>, vector<1x16xf32>,
      %swap3A_387 = vector.shape_cast %swap3A_386 : vector<1x16xf32> to vector<16xf32>
      %swap3A_388 = vector.shape_cast %broadcast_in_dim3A_382 : vector<16xf32> to vector<1x16xf32>
      tpu.vector_store %arg8[%swap3A_384, %swap3A_385], %swap3A_388 {strides = array<i32>} : memref<16x128xf32, #tpu.memory_space<vmem>>, vector<1x16xf32>,
      %broadcast_in_dim3A_389 = arith.constant 0.000000e+00 : f32
      %broadcast_in_dim3A_390 = vector.broadcast %broadcast_in_dim3A_389 : f32 to vector<16xf32>
      %swap3A_391 = arith.constant 5 : i32
      %swap3A_392 = arith.index_cast %swap3A_391 : i32 to index
      %swap3A_393 = arith.constant 48 : index
      %swap3A_394 = tpu.vector_load %arg8[%swap3A_392, %swap3A_393] {strides = array<i32>} : memref<16x128xf32, #tpu.memory_space<vmem>>, vector<1x16xf32>,
      %swap3A_395 = vector.shape_cast %swap3A_394 : vector<1x16xf32> to vector<16xf32>
      %swap3A_396 = vector.shape_cast %broadcast_in_dim3A_390 : vector<16xf32> to vector<1x16xf32>
      tpu.vector_store %arg8[%swap3A_392, %swap3A_393], %swap3A_396 {strides = array<i32>} : memref<16x128xf32, #tpu.memory_space<vmem>>, vector<1x16xf32>,
      %broadcast_in_dim3A_397 = arith.constant 0.000000e+00 : f32
      %broadcast_in_dim3A_398 = vector.broadcast %broadcast_in_dim3A_397 : f32 to vector<16xf32>
      %swap3A_399 = arith.constant 5 : i32
      %swap3A_400 = arith.index_cast %swap3A_399 : i32 to index
      %swap3A_401 = arith.constant 64 : index
      %swap3A_402 = tpu.vector_load %arg8[%swap3A_400, %swap3A_401] {strides = array<i32>} : memref<16x128xf32, #tpu.memory_space<vmem>>, vector<1x16xf32>,
      %swap3A_403 = vector.shape_cast %swap3A_402 : vector<1x16xf32> to vector<16xf32>
      %swap3A_404 = vector.shape_cast %broadcast_in_dim3A_398 : vector<16xf32> to vector<1x16xf32>
      tpu.vector_store %arg8[%swap3A_400, %swap3A_401], %swap3A_404 {strides = array<i32>} : memref<16x128xf32, #tpu.memory_space<vmem>>, vector<1x16xf32>,
      %broadcast_in_dim3A_405 = arith.constant 0.000000e+00 : f32
      %broadcast_in_dim3A_406 = vector.broadcast %broadcast_in_dim3A_405 : f32 to vector<16xf32>
      %swap3A_407 = arith.constant 5 : i32
      %swap3A_408 = arith.index_cast %swap3A_407 : i32 to index
      %swap3A_409 = arith.constant 80 : index
      %swap3A_410 = tpu.vector_load %arg8[%swap3A_408, %swap3A_409] {strides = array<i32>} : memref<16x128xf32, #tpu.memory_space<vmem>>, vector<1x16xf32>,
      %swap3A_411 = vector.shape_cast %swap3A_410 : vector<1x16xf32> to vector<16xf32>
      %swap3A_412 = vector.shape_cast %broadcast_in_dim3A_406 : vector<16xf32> to vector<1x16xf32>
      tpu.vector_store %arg8[%swap3A_408, %swap3A_409], %swap3A_412 {strides = array<i32>} : memref<16x128xf32, #tpu.memory_space<vmem>>, vector<1x16xf32>,
      %broadcast_in_dim3A_413 = arith.constant 0.000000e+00 : f32
      %broadcast_in_dim3A_414 = vector.broadcast %broadcast_in_dim3A_413 : f32 to vector<16xf32>
      %swap3A_415 = arith.constant 5 : i32
      %swap3A_416 = arith.index_cast %swap3A_415 : i32 to index
      %swap3A_417 = arith.constant 96 : index
      %swap3A_418 = tpu.vector_load %arg8[%swap3A_416, %swap3A_417] {strides = array<i32>} : memref<16x128xf32, #tpu.memory_space<vmem>>, vector<1x16xf32>,
      %swap3A_419 = vector.shape_cast %swap3A_418 : vector<1x16xf32> to vector<16xf32>
      %swap3A_420 = vector.shape_cast %broadcast_in_dim3A_414 : vector<16xf32> to vector<1x16xf32>
      tpu.vector_store %arg8[%swap3A_416, %swap3A_417], %swap3A_420 {strides = array<i32>} : memref<16x128xf32, #tpu.memory_space<vmem>>, vector<1x16xf32>,
      %broadcast_in_dim3A_421 = arith.constant 0.000000e+00 : f32
      %broadcast_in_dim3A_422 = vector.broadcast %broadcast_in_dim3A_421 : f32 to vector<16xf32>
      %swap3A_423 = arith.constant 5 : i32
      %swap3A_424 = arith.index_cast %swap3A_423 : i32 to index
      %swap3A_425 = arith.constant 112 : index
      %swap3A_426 = tpu.vector_load %arg8[%swap3A_424, %swap3A_425] {strides = array<i32>} : memref<16x128xf32, #tpu.memory_space<vmem>>, vector<1x16xf32>,
      %swap3A_427 = vector.shape_cast %swap3A_426 : vector<1x16xf32> to vector<16xf32>
      %swap3A_428 = vector.shape_cast %broadcast_in_dim3A_422 : vector<16xf32> to vector<1x16xf32>
      tpu.vector_store %arg8[%swap3A_424, %swap3A_425], %swap3A_428 {strides = array<i32>} : memref<16x128xf32, #tpu.memory_space<vmem>>, vector<1x16xf32>,
      %broadcast_in_dim3A_429 = arith.constant 0.000000e+00 : f32
      %broadcast_in_dim3A_430 = vector.broadcast %broadcast_in_dim3A_429 : f32 to vector<16xf32>
      %swap3A_431 = arith.constant 6 : i32
      %swap3A_432 = arith.index_cast %swap3A_431 : i32 to index
      %swap3A_433 = arith.constant 0 : index
      %swap3A_434 = tpu.vector_load %arg8[%swap3A_432, %swap3A_433] {strides = array<i32>} : memref<16x128xf32, #tpu.memory_space<vmem>>, vector<1x16xf32>,
      %swap3A_435 = vector.shape_cast %swap3A_434 : vector<1x16xf32> to vector<16xf32>
      %swap3A_436 = vector.shape_cast %broadcast_in_dim3A_430 : vector<16xf32> to vector<1x16xf32>
      tpu.vector_store %arg8[%swap3A_432, %swap3A_433], %swap3A_436 {strides = array<i32>} : memref<16x128xf32, #tpu.memory_space<vmem>>, vector<1x16xf32>,
      %broadcast_in_dim3A_437 = arith.constant 0.000000e+00 : f32
      %broadcast_in_dim3A_438 = vector.broadcast %broadcast_in_dim3A_437 : f32 to vector<16xf32>
      %swap3A_439 = arith.constant 6 : i32
      %swap3A_440 = arith.index_cast %swap3A_439 : i32 to index
      %swap3A_441 = arith.constant 16 : index
      %swap3A_442 = tpu.vector_load %arg8[%swap3A_440, %swap3A_441] {strides = array<i32>} : memref<16x128xf32, #tpu.memory_space<vmem>>, vector<1x16xf32>,
      %swap3A_443 = vector.shape_cast %swap3A_442 : vector<1x16xf32> to vector<16xf32>
      %swap3A_444 = vector.shape_cast %broadcast_in_dim3A_438 : vector<16xf32> to vector<1x16xf32>
      tpu.vector_store %arg8[%swap3A_440, %swap3A_441], %swap3A_444 {strides = array<i32>} : memref<16x128xf32, #tpu.memory_space<vmem>>, vector<1x16xf32>,
      %broadcast_in_dim3A_445 = arith.constant 0.000000e+00 : f32
      %broadcast_in_dim3A_446 = vector.broadcast %broadcast_in_dim3A_445 : f32 to vector<16xf32>
      %swap3A_447 = arith.constant 6 : i32
      %swap3A_448 = arith.index_cast %swap3A_447 : i32 to index
      %swap3A_449 = arith.constant 32 : index
      %swap3A_450 = tpu.vector_load %arg8[%swap3A_448, %swap3A_449] {strides = array<i32>} : memref<16x128xf32, #tpu.memory_space<vmem>>, vector<1x16xf32>,
      %swap3A_451 = vector.shape_cast %swap3A_450 : vector<1x16xf32> to vector<16xf32>
      %swap3A_452 = vector.shape_cast %broadcast_in_dim3A_446 : vector<16xf32> to vector<1x16xf32>
      tpu.vector_store %arg8[%swap3A_448, %swap3A_449], %swap3A_452 {strides = array<i32>} : memref<16x128xf32, #tpu.memory_space<vmem>>, vector<1x16xf32>,
      %broadcast_in_dim3A_453 = arith.constant 0.000000e+00 : f32
      %broadcast_in_dim3A_454 = vector.broadcast %broadcast_in_dim3A_453 : f32 to vector<16xf32>
      %swap3A_455 = arith.constant 6 : i32
      %swap3A_456 = arith.index_cast %swap3A_455 : i32 to index
      %swap3A_457 = arith.constant 48 : index
      %swap3A_458 = tpu.vector_load %arg8[%swap3A_456, %swap3A_457] {strides = array<i32>} : memref<16x128xf32, #tpu.memory_space<vmem>>, vector<1x16xf32>,
      %swap3A_459 = vector.shape_cast %swap3A_458 : vector<1x16xf32> to vector<16xf32>
      %swap3A_460 = vector.shape_cast %broadcast_in_dim3A_454 : vector<16xf32> to vector<1x16xf32>
      tpu.vector_store %arg8[%swap3A_456, %swap3A_457], %swap3A_460 {strides = array<i32>} : memref<16x128xf32, #tpu.memory_space<vmem>>, vector<1x16xf32>,
      %broadcast_in_dim3A_461 = arith.constant 0.000000e+00 : f32
      %broadcast_in_dim3A_462 = vector.broadcast %broadcast_in_dim3A_461 : f32 to vector<16xf32>
      %swap3A_463 = arith.constant 6 : i32
      %swap3A_464 = arith.index_cast %swap3A_463 : i32 to index
      %swap3A_465 = arith.constant 64 : index
      %swap3A_466 = tpu.vector_load %arg8[%swap3A_464, %swap3A_465] {strides = array<i32>} : memref<16x128xf32, #tpu.memory_space<vmem>>, vector<1x16xf32>,
      %swap3A_467 = vector.shape_cast %swap3A_466 : vector<1x16xf32> to vector<16xf32>
      %swap3A_468 = vector.shape_cast %broadcast_in_dim3A_462 : vector<16xf32> to vector<1x16xf32>
      tpu.vector_store %arg8[%swap3A_464, %swap3A_465], %swap3A_468 {strides = array<i32>} : memref<16x128xf32, #tpu.memory_space<vmem>>, vector<1x16xf32>,
      %broadcast_in_dim3A_469 = arith.constant 0.000000e+00 : f32
      %broadcast_in_dim3A_470 = vector.broadcast %broadcast_in_dim3A_469 : f32 to vector<16xf32>
      %swap3A_471 = arith.constant 6 : i32
      %swap3A_472 = arith.index_cast %swap3A_471 : i32 to index
      %swap3A_473 = arith.constant 80 : index
      %swap3A_474 = tpu.vector_load %arg8[%swap3A_472, %swap3A_473] {strides = array<i32>} : memref<16x128xf32, #tpu.memory_space<vmem>>, vector<1x16xf32>,
      %swap3A_475 = vector.shape_cast %swap3A_474 : vector<1x16xf32> to vector<16xf32>
      %swap3A_476 = vector.shape_cast %broadcast_in_dim3A_470 : vector<16xf32> to vector<1x16xf32>
      tpu.vector_store %arg8[%swap3A_472, %swap3A_473], %swap3A_476 {strides = array<i32>} : memref<16x128xf32, #tpu.memory_space<vmem>>, vector<1x16xf32>,
      %broadcast_in_dim3A_477 = arith.constant 0.000000e+00 : f32
      %broadcast_in_dim3A_478 = vector.broadcast %broadcast_in_dim3A_477 : f32 to vector<16xf32>
      %swap3A_479 = arith.constant 6 : i32
      %swap3A_480 = arith.index_cast %swap3A_479 : i32 to index
      %swap3A_481 = arith.constant 96 : index
      %swap3A_482 = tpu.vector_load %arg8[%swap3A_480, %swap3A_481] {strides = array<i32>} : memref<16x128xf32, #tpu.memory_space<vmem>>, vector<1x16xf32>,
      %swap3A_483 = vector.shape_cast %swap3A_482 : vector<1x16xf32> to vector<16xf32>
      %swap3A_484 = vector.shape_cast %broadcast_in_dim3A_478 : vector<16xf32> to vector<1x16xf32>
      tpu.vector_store %arg8[%swap3A_480, %swap3A_481], %swap3A_484 {strides = array<i32>} : memref<16x128xf32, #tpu.memory_space<vmem>>, vector<1x16xf32>,
      %broadcast_in_dim3A_485 = arith.constant 0.000000e+00 : f32
      %broadcast_in_dim3A_486 = vector.broadcast %broadcast_in_dim3A_485 : f32 to vector<16xf32>
      %swap3A_487 = arith.constant 6 : i32
      %swap3A_488 = arith.index_cast %swap3A_487 : i32 to index
      %swap3A_489 = arith.constant 112 : index
      %swap3A_490 = tpu.vector_load %arg8[%swap3A_488, %swap3A_489] {strides = array<i32>} : memref<16x128xf32, #tpu.memory_space<vmem>>, vector<1x16xf32>,
      %swap3A_491 = vector.shape_cast %swap3A_490 : vector<1x16xf32> to vector<16xf32>
      %swap3A_492 = vector.shape_cast %broadcast_in_dim3A_486 : vector<16xf32> to vector<1x16xf32>
      tpu.vector_store %arg8[%swap3A_488, %swap3A_489], %swap3A_492 {strides = array<i32>} : memref<16x128xf32, #tpu.memory_space<vmem>>, vector<1x16xf32>,
      %broadcast_in_dim3A_493 = arith.constant 0.000000e+00 : f32
      %broadcast_in_dim3A_494 = vector.broadcast %broadcast_in_dim3A_493 : f32 to vector<16xf32>
      %swap3A_495 = arith.constant 7 : i32
      %swap3A_496 = arith.index_cast %swap3A_495 : i32 to index
      %swap3A_497 = arith.constant 0 : index
      %swap3A_498 = tpu.vector_load %arg8[%swap3A_496, %swap3A_497] {strides = array<i32>} : memref<16x128xf32, #tpu.memory_space<vmem>>, vector<1x16xf32>,
      %swap3A_499 = vector.shape_cast %swap3A_498 : vector<1x16xf32> to vector<16xf32>
      %swap3A_500 = vector.shape_cast %broadcast_in_dim3A_494 : vector<16xf32> to vector<1x16xf32>
      tpu.vector_store %arg8[%swap3A_496, %swap3A_497], %swap3A_500 {strides = array<i32>} : memref<16x128xf32, #tpu.memory_space<vmem>>, vector<1x16xf32>,
      %broadcast_in_dim3A_501 = arith.constant 0.000000e+00 : f32
      %broadcast_in_dim3A_502 = vector.broadcast %broadcast_in_dim3A_501 : f32 to vector<16xf32>
      %swap3A_503 = arith.constant 7 : i32
      %swap3A_504 = arith.index_cast %swap3A_503 : i32 to index
      %swap3A_505 = arith.constant 16 : index
      %swap3A_506 = tpu.vector_load %arg8[%swap3A_504, %swap3A_505] {strides = array<i32>} : memref<16x128xf32, #tpu.memory_space<vmem>>, vector<1x16xf32>,
      %swap3A_507 = vector.shape_cast %swap3A_506 : vector<1x16xf32> to vector<16xf32>
      %swap3A_508 = vector.shape_cast %broadcast_in_dim3A_502 : vector<16xf32> to vector<1x16xf32>
      tpu.vector_store %arg8[%swap3A_504, %swap3A_505], %swap3A_508 {strides = array<i32>} : memref<16x128xf32, #tpu.memory_space<vmem>>, vector<1x16xf32>,
      %broadcast_in_dim3A_509 = arith.constant 0.000000e+00 : f32
      %broadcast_in_dim3A_510 = vector.broadcast %broadcast_in_dim3A_509 : f32 to vector<16xf32>
      %swap3A_511 = arith.constant 7 : i32
      %swap3A_512 = arith.index_cast %swap3A_511 : i32 to index
      %swap3A_513 = arith.constant 32 : index
      %swap3A_514 = tpu.vector_load %arg8[%swap3A_512, %swap3A_513] {strides = array<i32>} : memref<16x128xf32, #tpu.memory_space<vmem>>, vector<1x16xf32>,
      %swap3A_515 = vector.shape_cast %swap3A_514 : vector<1x16xf32> to vector<16xf32>
      %swap3A_516 = vector.shape_cast %broadcast_in_dim3A_510 : vector<16xf32> to vector<1x16xf32>
      tpu.vector_store %arg8[%swap3A_512, %swap3A_513], %swap3A_516 {strides = array<i32>} : memref<16x128xf32, #tpu.memory_space<vmem>>, vector<1x16xf32>,
      %broadcast_in_dim3A_517 = arith.constant 0.000000e+00 : f32
      %broadcast_in_dim3A_518 = vector.broadcast %broadcast_in_dim3A_517 : f32 to vector<16xf32>
      %swap3A_519 = arith.constant 7 : i32
      %swap3A_520 = arith.index_cast %swap3A_519 : i32 to index
      %swap3A_521 = arith.constant 48 : index
      %swap3A_522 = tpu.vector_load %arg8[%swap3A_520, %swap3A_521] {strides = array<i32>} : memref<16x128xf32, #tpu.memory_space<vmem>>, vector<1x16xf32>,
      %swap3A_523 = vector.shape_cast %swap3A_522 : vector<1x16xf32> to vector<16xf32>
      %swap3A_524 = vector.shape_cast %broadcast_in_dim3A_518 : vector<16xf32> to vector<1x16xf32>
      tpu.vector_store %arg8[%swap3A_520, %swap3A_521], %swap3A_524 {strides = array<i32>} : memref<16x128xf32, #tpu.memory_space<vmem>>, vector<1x16xf32>,
      %broadcast_in_dim3A_525 = arith.constant 0.000000e+00 : f32
      %broadcast_in_dim3A_526 = vector.broadcast %broadcast_in_dim3A_525 : f32 to vector<16xf32>
      %swap3A_527 = arith.constant 7 : i32
      %swap3A_528 = arith.index_cast %swap3A_527 : i32 to index
      %swap3A_529 = arith.constant 64 : index
      %swap3A_530 = tpu.vector_load %arg8[%swap3A_528, %swap3A_529] {strides = array<i32>} : memref<16x128xf32, #tpu.memory_space<vmem>>, vector<1x16xf32>,
      %swap3A_531 = vector.shape_cast %swap3A_530 : vector<1x16xf32> to vector<16xf32>
      %swap3A_532 = vector.shape_cast %broadcast_in_dim3A_526 : vector<16xf32> to vector<1x16xf32>
      tpu.vector_store %arg8[%swap3A_528, %swap3A_529], %swap3A_532 {strides = array<i32>} : memref<16x128xf32, #tpu.memory_space<vmem>>, vector<1x16xf32>,
      %broadcast_in_dim3A_533 = arith.constant 0.000000e+00 : f32
      %broadcast_in_dim3A_534 = vector.broadcast %broadcast_in_dim3A_533 : f32 to vector<16xf32>
      %swap3A_535 = arith.constant 7 : i32
      %swap3A_536 = arith.index_cast %swap3A_535 : i32 to index
      %swap3A_537 = arith.constant 80 : index
      %swap3A_538 = tpu.vector_load %arg8[%swap3A_536, %swap3A_537] {strides = array<i32>} : memref<16x128xf32, #tpu.memory_space<vmem>>, vector<1x16xf32>,
      %swap3A_539 = vector.shape_cast %swap3A_538 : vector<1x16xf32> to vector<16xf32>
      %swap3A_540 = vector.shape_cast %broadcast_in_dim3A_534 : vector<16xf32> to vector<1x16xf32>
      tpu.vector_store %arg8[%swap3A_536, %swap3A_537], %swap3A_540 {strides = array<i32>} : memref<16x128xf32, #tpu.memory_space<vmem>>, vector<1x16xf32>,
      %broadcast_in_dim3A_541 = arith.constant 0.000000e+00 : f32
      %broadcast_in_dim3A_542 = vector.broadcast %broadcast_in_dim3A_541 : f32 to vector<16xf32>
      %swap3A_543 = arith.constant 7 : i32
      %swap3A_544 = arith.index_cast %swap3A_543 : i32 to index
      %swap3A_545 = arith.constant 96 : index
      %swap3A_546 = tpu.vector_load %arg8[%swap3A_544, %swap3A_545] {strides = array<i32>} : memref<16x128xf32, #tpu.memory_space<vmem>>, vector<1x16xf32>,
      %swap3A_547 = vector.shape_cast %swap3A_546 : vector<1x16xf32> to vector<16xf32>
      %swap3A_548 = vector.shape_cast %broadcast_in_dim3A_542 : vector<16xf32> to vector<1x16xf32>
      tpu.vector_store %arg8[%swap3A_544, %swap3A_545], %swap3A_548 {strides = array<i32>} : memref<16x128xf32, #tpu.memory_space<vmem>>, vector<1x16xf32>,
      %broadcast_in_dim3A_549 = arith.constant 0.000000e+00 : f32
      %broadcast_in_dim3A_550 = vector.broadcast %broadcast_in_dim3A_549 : f32 to vector<16xf32>
      %swap3A_551 = arith.constant 7 : i32
      %swap3A_552 = arith.index_cast %swap3A_551 : i32 to index
      %swap3A_553 = arith.constant 112 : index
      %swap3A_554 = tpu.vector_load %arg8[%swap3A_552, %swap3A_553] {strides = array<i32>} : memref<16x128xf32, #tpu.memory_space<vmem>>, vector<1x16xf32>,
      %swap3A_555 = vector.shape_cast %swap3A_554 : vector<1x16xf32> to vector<16xf32>
      %swap3A_556 = vector.shape_cast %broadcast_in_dim3A_550 : vector<16xf32> to vector<1x16xf32>
      tpu.vector_store %arg8[%swap3A_552, %swap3A_553], %swap3A_556 {strides = array<i32>} : memref<16x128xf32, #tpu.memory_space<vmem>>, vector<1x16xf32>,
      %broadcast_in_dim3A_557 = arith.constant 0.000000e+00 : f32
      %broadcast_in_dim3A_558 = vector.broadcast %broadcast_in_dim3A_557 : f32 to vector<16xf32>
      %swap3A_559 = arith.constant 8 : i32
      %swap3A_560 = arith.index_cast %swap3A_559 : i32 to index
      %swap3A_561 = arith.constant 0 : index
      %swap3A_562 = tpu.vector_load %arg8[%swap3A_560, %swap3A_561] {strides = array<i32>} : memref<16x128xf32, #tpu.memory_space<vmem>>, vector<1x16xf32>,
      %swap3A_563 = vector.shape_cast %swap3A_562 : vector<1x16xf32> to vector<16xf32>
      %swap3A_564 = vector.shape_cast %broadcast_in_dim3A_558 : vector<16xf32> to vector<1x16xf32>
      tpu.vector_store %arg8[%swap3A_560, %swap3A_561], %swap3A_564 {strides = array<i32>} : memref<16x128xf32, #tpu.memory_space<vmem>>, vector<1x16xf32>,
      %broadcast_in_dim3A_565 = arith.constant 0.000000e+00 : f32
      %broadcast_in_dim3A_566 = vector.broadcast %broadcast_in_dim3A_565 : f32 to vector<16xf32>
      %swap3A_567 = arith.constant 8 : i32
      %swap3A_568 = arith.index_cast %swap3A_567 : i32 to index
      %swap3A_569 = arith.constant 16 : index
      %swap3A_570 = tpu.vector_load %arg8[%swap3A_568, %swap3A_569] {strides = array<i32>} : memref<16x128xf32, #tpu.memory_space<vmem>>, vector<1x16xf32>,
      %swap3A_571 = vector.shape_cast %swap3A_570 : vector<1x16xf32> to vector<16xf32>
      %swap3A_572 = vector.shape_cast %broadcast_in_dim3A_566 : vector<16xf32> to vector<1x16xf32>
      tpu.vector_store %arg8[%swap3A_568, %swap3A_569], %swap3A_572 {strides = array<i32>} : memref<16x128xf32, #tpu.memory_space<vmem>>, vector<1x16xf32>,
      %broadcast_in_dim3A_573 = arith.constant 0.000000e+00 : f32
      %broadcast_in_dim3A_574 = vector.broadcast %broadcast_in_dim3A_573 : f32 to vector<16xf32>
      %swap3A_575 = arith.constant 8 : i32
      %swap3A_576 = arith.index_cast %swap3A_575 : i32 to index
      %swap3A_577 = arith.constant 32 : index
      %swap3A_578 = tpu.vector_load %arg8[%swap3A_576, %swap3A_577] {strides = array<i32>} : memref<16x128xf32, #tpu.memory_space<vmem>>, vector<1x16xf32>,
      %swap3A_579 = vector.shape_cast %swap3A_578 : vector<1x16xf32> to vector<16xf32>
      %swap3A_580 = vector.shape_cast %broadcast_in_dim3A_574 : vector<16xf32> to vector<1x16xf32>
      tpu.vector_store %arg8[%swap3A_576, %swap3A_577], %swap3A_580 {strides = array<i32>} : memref<16x128xf32, #tpu.memory_space<vmem>>, vector<1x16xf32>,
      %broadcast_in_dim3A_581 = arith.constant 0.000000e+00 : f32
      %broadcast_in_dim3A_582 = vector.broadcast %broadcast_in_dim3A_581 : f32 to vector<16xf32>
      %swap3A_583 = arith.constant 8 : i32
      %swap3A_584 = arith.index_cast %swap3A_583 : i32 to index
      %swap3A_585 = arith.constant 48 : index
      %swap3A_586 = tpu.vector_load %arg8[%swap3A_584, %swap3A_585] {strides = array<i32>} : memref<16x128xf32, #tpu.memory_space<vmem>>, vector<1x16xf32>,
      %swap3A_587 = vector.shape_cast %swap3A_586 : vector<1x16xf32> to vector<16xf32>
      %swap3A_588 = vector.shape_cast %broadcast_in_dim3A_582 : vector<16xf32> to vector<1x16xf32>
      tpu.vector_store %arg8[%swap3A_584, %swap3A_585], %swap3A_588 {strides = array<i32>} : memref<16x128xf32, #tpu.memory_space<vmem>>, vector<1x16xf32>,
      %broadcast_in_dim3A_589 = arith.constant 0.000000e+00 : f32
      %broadcast_in_dim3A_590 = vector.broadcast %broadcast_in_dim3A_589 : f32 to vector<16xf32>
      %swap3A_591 = arith.constant 8 : i32
      %swap3A_592 = arith.index_cast %swap3A_591 : i32 to index
      %swap3A_593 = arith.constant 64 : index
      %swap3A_594 = tpu.vector_load %arg8[%swap3A_592, %swap3A_593] {strides = array<i32>} : memref<16x128xf32, #tpu.memory_space<vmem>>, vector<1x16xf32>,
      %swap3A_595 = vector.shape_cast %swap3A_594 : vector<1x16xf32> to vector<16xf32>
      %swap3A_596 = vector.shape_cast %broadcast_in_dim3A_590 : vector<16xf32> to vector<1x16xf32>
      tpu.vector_store %arg8[%swap3A_592, %swap3A_593], %swap3A_596 {strides = array<i32>} : memref<16x128xf32, #tpu.memory_space<vmem>>, vector<1x16xf32>,
      %broadcast_in_dim3A_597 = arith.constant 0.000000e+00 : f32
      %broadcast_in_dim3A_598 = vector.broadcast %broadcast_in_dim3A_597 : f32 to vector<16xf32>
      %swap3A_599 = arith.constant 8 : i32
      %swap3A_600 = arith.index_cast %swap3A_599 : i32 to index
      %swap3A_601 = arith.constant 80 : index
      %swap3A_602 = tpu.vector_load %arg8[%swap3A_600, %swap3A_601] {strides = array<i32>} : memref<16x128xf32, #tpu.memory_space<vmem>>, vector<1x16xf32>,
      %swap3A_603 = vector.shape_cast %swap3A_602 : vector<1x16xf32> to vector<16xf32>
      %swap3A_604 = vector.shape_cast %broadcast_in_dim3A_598 : vector<16xf32> to vector<1x16xf32>
      tpu.vector_store %arg8[%swap3A_600, %swap3A_601], %swap3A_604 {strides = array<i32>} : memref<16x128xf32, #tpu.memory_space<vmem>>, vector<1x16xf32>,
      %broadcast_in_dim3A_605 = arith.constant 0.000000e+00 : f32
      %broadcast_in_dim3A_606 = vector.broadcast %broadcast_in_dim3A_605 : f32 to vector<16xf32>
      %swap3A_607 = arith.constant 8 : i32
      %swap3A_608 = arith.index_cast %swap3A_607 : i32 to index
      %swap3A_609 = arith.constant 96 : index
      %swap3A_610 = tpu.vector_load %arg8[%swap3A_608, %swap3A_609] {strides = array<i32>} : memref<16x128xf32, #tpu.memory_space<vmem>>, vector<1x16xf32>,
      %swap3A_611 = vector.shape_cast %swap3A_610 : vector<1x16xf32> to vector<16xf32>
      %swap3A_612 = vector.shape_cast %broadcast_in_dim3A_606 : vector<16xf32> to vector<1x16xf32>
      tpu.vector_store %arg8[%swap3A_608, %swap3A_609], %swap3A_612 {strides = array<i32>} : memref<16x128xf32, #tpu.memory_space<vmem>>, vector<1x16xf32>,
      %broadcast_in_dim3A_613 = arith.constant 0.000000e+00 : f32
      %broadcast_in_dim3A_614 = vector.broadcast %broadcast_in_dim3A_613 : f32 to vector<16xf32>
      %swap3A_615 = arith.constant 8 : i32
      %swap3A_616 = arith.index_cast %swap3A_615 : i32 to index
      %swap3A_617 = arith.constant 112 : index
      %swap3A_618 = tpu.vector_load %arg8[%swap3A_616, %swap3A_617] {strides = array<i32>} : memref<16x128xf32, #tpu.memory_space<vmem>>, vector<1x16xf32>,
      %swap3A_619 = vector.shape_cast %swap3A_618 : vector<1x16xf32> to vector<16xf32>
      %swap3A_620 = vector.shape_cast %broadcast_in_dim3A_614 : vector<16xf32> to vector<1x16xf32>
      tpu.vector_store %arg8[%swap3A_616, %swap3A_617], %swap3A_620 {strides = array<i32>} : memref<16x128xf32, #tpu.memory_space<vmem>>, vector<1x16xf32>,
      %broadcast_in_dim3A_621 = arith.constant 0.000000e+00 : f32
      %broadcast_in_dim3A_622 = vector.broadcast %broadcast_in_dim3A_621 : f32 to vector<16xf32>
      %swap3A_623 = arith.constant 9 : i32
      %swap3A_624 = arith.index_cast %swap3A_623 : i32 to index
      %swap3A_625 = arith.constant 0 : index
      %swap3A_626 = tpu.vector_load %arg8[%swap3A_624, %swap3A_625] {strides = array<i32>} : memref<16x128xf32, #tpu.memory_space<vmem>>, vector<1x16xf32>,
      %swap3A_627 = vector.shape_cast %swap3A_626 : vector<1x16xf32> to vector<16xf32>
      %swap3A_628 = vector.shape_cast %broadcast_in_dim3A_622 : vector<16xf32> to vector<1x16xf32>
      tpu.vector_store %arg8[%swap3A_624, %swap3A_625], %swap3A_628 {strides = array<i32>} : memref<16x128xf32, #tpu.memory_space<vmem>>, vector<1x16xf32>,
      %broadcast_in_dim3A_629 = arith.constant 0.000000e+00 : f32
      %broadcast_in_dim3A_630 = vector.broadcast %broadcast_in_dim3A_629 : f32 to vector<16xf32>
      %swap3A_631 = arith.constant 9 : i32
      %swap3A_632 = arith.index_cast %swap3A_631 : i32 to index
      %swap3A_633 = arith.constant 16 : index
      %swap3A_634 = tpu.vector_load %arg8[%swap3A_632, %swap3A_633] {strides = array<i32>} : memref<16x128xf32, #tpu.memory_space<vmem>>, vector<1x16xf32>,
      %swap3A_635 = vector.shape_cast %swap3A_634 : vector<1x16xf32> to vector<16xf32>
      %swap3A_636 = vector.shape_cast %broadcast_in_dim3A_630 : vector<16xf32> to vector<1x16xf32>
      tpu.vector_store %arg8[%swap3A_632, %swap3A_633], %swap3A_636 {strides = array<i32>} : memref<16x128xf32, #tpu.memory_space<vmem>>, vector<1x16xf32>,
      %broadcast_in_dim3A_637 = arith.constant 0.000000e+00 : f32
      %broadcast_in_dim3A_638 = vector.broadcast %broadcast_in_dim3A_637 : f32 to vector<16xf32>
      %swap3A_639 = arith.constant 9 : i32
      %swap3A_640 = arith.index_cast %swap3A_639 : i32 to index
      %swap3A_641 = arith.constant 32 : index
      %swap3A_642 = tpu.vector_load %arg8[%swap3A_640, %swap3A_641] {strides = array<i32>} : memref<16x128xf32, #tpu.memory_space<vmem>>, vector<1x16xf32>,
      %swap3A_643 = vector.shape_cast %swap3A_642 : vector<1x16xf32> to vector<16xf32>
      %swap3A_644 = vector.shape_cast %broadcast_in_dim3A_638 : vector<16xf32> to vector<1x16xf32>
      tpu.vector_store %arg8[%swap3A_640, %swap3A_641], %swap3A_644 {strides = array<i32>} : memref<16x128xf32, #tpu.memory_space<vmem>>, vector<1x16xf32>,
      %broadcast_in_dim3A_645 = arith.constant 0.000000e+00 : f32
      %broadcast_in_dim3A_646 = vector.broadcast %broadcast_in_dim3A_645 : f32 to vector<16xf32>
      %swap3A_647 = arith.constant 9 : i32
      %swap3A_648 = arith.index_cast %swap3A_647 : i32 to index
      %swap3A_649 = arith.constant 48 : index
      %swap3A_650 = tpu.vector_load %arg8[%swap3A_648, %swap3A_649] {strides = array<i32>} : memref<16x128xf32, #tpu.memory_space<vmem>>, vector<1x16xf32>,
      %swap3A_651 = vector.shape_cast %swap3A_650 : vector<1x16xf32> to vector<16xf32>
      %swap3A_652 = vector.shape_cast %broadcast_in_dim3A_646 : vector<16xf32> to vector<1x16xf32>
      tpu.vector_store %arg8[%swap3A_648, %swap3A_649], %swap3A_652 {strides = array<i32>} : memref<16x128xf32, #tpu.memory_space<vmem>>, vector<1x16xf32>,
      %broadcast_in_dim3A_653 = arith.constant 0.000000e+00 : f32
      %broadcast_in_dim3A_654 = vector.broadcast %broadcast_in_dim3A_653 : f32 to vector<16xf32>
      %swap3A_655 = arith.constant 9 : i32
      %swap3A_656 = arith.index_cast %swap3A_655 : i32 to index
      %swap3A_657 = arith.constant 64 : index
      %swap3A_658 = tpu.vector_load %arg8[%swap3A_656, %swap3A_657] {strides = array<i32>} : memref<16x128xf32, #tpu.memory_space<vmem>>, vector<1x16xf32>,
      %swap3A_659 = vector.shape_cast %swap3A_658 : vector<1x16xf32> to vector<16xf32>
      %swap3A_660 = vector.shape_cast %broadcast_in_dim3A_654 : vector<16xf32> to vector<1x16xf32>
      tpu.vector_store %arg8[%swap3A_656, %swap3A_657], %swap3A_660 {strides = array<i32>} : memref<16x128xf32, #tpu.memory_space<vmem>>, vector<1x16xf32>,
      %broadcast_in_dim3A_661 = arith.constant 0.000000e+00 : f32
      %broadcast_in_dim3A_662 = vector.broadcast %broadcast_in_dim3A_661 : f32 to vector<16xf32>
      %swap3A_663 = arith.constant 9 : i32
      %swap3A_664 = arith.index_cast %swap3A_663 : i32 to index
      %swap3A_665 = arith.constant 80 : index
      %swap3A_666 = tpu.vector_load %arg8[%swap3A_664, %swap3A_665] {strides = array<i32>} : memref<16x128xf32, #tpu.memory_space<vmem>>, vector<1x16xf32>,
      %swap3A_667 = vector.shape_cast %swap3A_666 : vector<1x16xf32> to vector<16xf32>
      %swap3A_668 = vector.shape_cast %broadcast_in_dim3A_662 : vector<16xf32> to vector<1x16xf32>
      tpu.vector_store %arg8[%swap3A_664, %swap3A_665], %swap3A_668 {strides = array<i32>} : memref<16x128xf32, #tpu.memory_space<vmem>>, vector<1x16xf32>,
      %broadcast_in_dim3A_669 = arith.constant 0.000000e+00 : f32
      %broadcast_in_dim3A_670 = vector.broadcast %broadcast_in_dim3A_669 : f32 to vector<16xf32>
      %swap3A_671 = arith.constant 9 : i32
      %swap3A_672 = arith.index_cast %swap3A_671 : i32 to index
      %swap3A_673 = arith.constant 96 : index
      %swap3A_674 = tpu.vector_load %arg8[%swap3A_672, %swap3A_673] {strides = array<i32>} : memref<16x128xf32, #tpu.memory_space<vmem>>, vector<1x16xf32>,
      %swap3A_675 = vector.shape_cast %swap3A_674 : vector<1x16xf32> to vector<16xf32>
      %swap3A_676 = vector.shape_cast %broadcast_in_dim3A_670 : vector<16xf32> to vector<1x16xf32>
      tpu.vector_store %arg8[%swap3A_672, %swap3A_673], %swap3A_676 {strides = array<i32>} : memref<16x128xf32, #tpu.memory_space<vmem>>, vector<1x16xf32>,
      %broadcast_in_dim3A_677 = arith.constant 0.000000e+00 : f32
      %broadcast_in_dim3A_678 = vector.broadcast %broadcast_in_dim3A_677 : f32 to vector<16xf32>
      %swap3A_679 = arith.constant 9 : i32
      %swap3A_680 = arith.index_cast %swap3A_679 : i32 to index
      %swap3A_681 = arith.constant 112 : index
      %swap3A_682 = tpu.vector_load %arg8[%swap3A_680, %swap3A_681] {strides = array<i32>} : memref<16x128xf32, #tpu.memory_space<vmem>>, vector<1x16xf32>,
      %swap3A_683 = vector.shape_cast %swap3A_682 : vector<1x16xf32> to vector<16xf32>
      %swap3A_684 = vector.shape_cast %broadcast_in_dim3A_678 : vector<16xf32> to vector<1x16xf32>
      tpu.vector_store %arg8[%swap3A_680, %swap3A_681], %swap3A_684 {strides = array<i32>} : memref<16x128xf32, #tpu.memory_space<vmem>>, vector<1x16xf32>,
      %broadcast_in_dim3A_685 = arith.constant 0.000000e+00 : f32
      %broadcast_in_dim3A_686 = vector.broadcast %broadcast_in_dim3A_685 : f32 to vector<16xf32>
      %swap3A_687 = arith.constant 10 : i32
      %swap3A_688 = arith.index_cast %swap3A_687 : i32 to index
      %swap3A_689 = arith.constant 0 : index
      %swap3A_690 = tpu.vector_load %arg8[%swap3A_688, %swap3A_689] {strides = array<i32>} : memref<16x128xf32, #tpu.memory_space<vmem>>, vector<1x16xf32>,
      %swap3A_691 = vector.shape_cast %swap3A_690 : vector<1x16xf32> to vector<16xf32>
      %swap3A_692 = vector.shape_cast %broadcast_in_dim3A_686 : vector<16xf32> to vector<1x16xf32>
      tpu.vector_store %arg8[%swap3A_688, %swap3A_689], %swap3A_692 {strides = array<i32>} : memref<16x128xf32, #tpu.memory_space<vmem>>, vector<1x16xf32>,
      %broadcast_in_dim3A_693 = arith.constant 0.000000e+00 : f32
      %broadcast_in_dim3A_694 = vector.broadcast %broadcast_in_dim3A_693 : f32 to vector<16xf32>
      %swap3A_695 = arith.constant 10 : i32
      %swap3A_696 = arith.index_cast %swap3A_695 : i32 to index
      %swap3A_697 = arith.constant 16 : index
      %swap3A_698 = tpu.vector_load %arg8[%swap3A_696, %swap3A_697] {strides = array<i32>} : memref<16x128xf32, #tpu.memory_space<vmem>>, vector<1x16xf32>,
      %swap3A_699 = vector.shape_cast %swap3A_698 : vector<1x16xf32> to vector<16xf32>
      %swap3A_700 = vector.shape_cast %broadcast_in_dim3A_694 : vector<16xf32> to vector<1x16xf32>
      tpu.vector_store %arg8[%swap3A_696, %swap3A_697], %swap3A_700 {strides = array<i32>} : memref<16x128xf32, #tpu.memory_space<vmem>>, vector<1x16xf32>,
      %broadcast_in_dim3A_701 = arith.constant 0.000000e+00 : f32
      %broadcast_in_dim3A_702 = vector.broadcast %broadcast_in_dim3A_701 : f32 to vector<16xf32>
      %swap3A_703 = arith.constant 10 : i32
      %swap3A_704 = arith.index_cast %swap3A_703 : i32 to index
      %swap3A_705 = arith.constant 32 : index
      %swap3A_706 = tpu.vector_load %arg8[%swap3A_704, %swap3A_705] {strides = array<i32>} : memref<16x128xf32, #tpu.memory_space<vmem>>, vector<1x16xf32>,
      %swap3A_707 = vector.shape_cast %swap3A_706 : vector<1x16xf32> to vector<16xf32>
      %swap3A_708 = vector.shape_cast %broadcast_in_dim3A_702 : vector<16xf32> to vector<1x16xf32>
      tpu.vector_store %arg8[%swap3A_704, %swap3A_705], %swap3A_708 {strides = array<i32>} : memref<16x128xf32, #tpu.memory_space<vmem>>, vector<1x16xf32>,
      %broadcast_in_dim3A_709 = arith.constant 0.000000e+00 : f32
      %broadcast_in_dim3A_710 = vector.broadcast %broadcast_in_dim3A_709 : f32 to vector<16xf32>
      %swap3A_711 = arith.constant 10 : i32
      %swap3A_712 = arith.index_cast %swap3A_711 : i32 to index
      %swap3A_713 = arith.constant 48 : index
      %swap3A_714 = tpu.vector_load %arg8[%swap3A_712, %swap3A_713] {strides = array<i32>} : memref<16x128xf32, #tpu.memory_space<vmem>>, vector<1x16xf32>,
      %swap3A_715 = vector.shape_cast %swap3A_714 : vector<1x16xf32> to vector<16xf32>
      %swap3A_716 = vector.shape_cast %broadcast_in_dim3A_710 : vector<16xf32> to vector<1x16xf32>
      tpu.vector_store %arg8[%swap3A_712, %swap3A_713], %swap3A_716 {strides = array<i32>} : memref<16x128xf32, #tpu.memory_space<vmem>>, vector<1x16xf32>,
      %broadcast_in_dim3A_717 = arith.constant 0.000000e+00 : f32
      %broadcast_in_dim3A_718 = vector.broadcast %broadcast_in_dim3A_717 : f32 to vector<16xf32>
      %swap3A_719 = arith.constant 10 : i32
      %swap3A_720 = arith.index_cast %swap3A_719 : i32 to index
      %swap3A_721 = arith.constant 64 : index
      %swap3A_722 = tpu.vector_load %arg8[%swap3A_720, %swap3A_721] {strides = array<i32>} : memref<16x128xf32, #tpu.memory_space<vmem>>, vector<1x16xf32>,
      %swap3A_723 = vector.shape_cast %swap3A_722 : vector<1x16xf32> to vector<16xf32>
      %swap3A_724 = vector.shape_cast %broadcast_in_dim3A_718 : vector<16xf32> to vector<1x16xf32>
      tpu.vector_store %arg8[%swap3A_720, %swap3A_721], %swap3A_724 {strides = array<i32>} : memref<16x128xf32, #tpu.memory_space<vmem>>, vector<1x16xf32>,
      %broadcast_in_dim3A_725 = arith.constant 0.000000e+00 : f32
      %broadcast_in_dim3A_726 = vector.broadcast %broadcast_in_dim3A_725 : f32 to vector<16xf32>
      %swap3A_727 = arith.constant 10 : i32
      %swap3A_728 = arith.index_cast %swap3A_727 : i32 to index
      %swap3A_729 = arith.constant 80 : index
      %swap3A_730 = tpu.vector_load %arg8[%swap3A_728, %swap3A_729] {strides = array<i32>} : memref<16x128xf32, #tpu.memory_space<vmem>>, vector<1x16xf32>,
      %swap3A_731 = vector.shape_cast %swap3A_730 : vector<1x16xf32> to vector<16xf32>
      %swap3A_732 = vector.shape_cast %broadcast_in_dim3A_726 : vector<16xf32> to vector<1x16xf32>
      tpu.vector_store %arg8[%swap3A_728, %swap3A_729], %swap3A_732 {strides = array<i32>} : memref<16x128xf32, #tpu.memory_space<vmem>>, vector<1x16xf32>,
      %broadcast_in_dim3A_733 = arith.constant 0.000000e+00 : f32
      %broadcast_in_dim3A_734 = vector.broadcast %broadcast_in_dim3A_733 : f32 to vector<16xf32>
      %swap3A_735 = arith.constant 10 : i32
      %swap3A_736 = arith.index_cast %swap3A_735 : i32 to index
      %swap3A_737 = arith.constant 96 : index
      %swap3A_738 = tpu.vector_load %arg8[%swap3A_736, %swap3A_737] {strides = array<i32>} : memref<16x128xf32, #tpu.memory_space<vmem>>, vector<1x16xf32>,
      %swap3A_739 = vector.shape_cast %swap3A_738 : vector<1x16xf32> to vector<16xf32>
      %swap3A_740 = vector.shape_cast %broadcast_in_dim3A_734 : vector<16xf32> to vector<1x16xf32>
      tpu.vector_store %arg8[%swap3A_736, %swap3A_737], %swap3A_740 {strides = array<i32>} : memref<16x128xf32, #tpu.memory_space<vmem>>, vector<1x16xf32>,
      %broadcast_in_dim3A_741 = arith.constant 0.000000e+00 : f32
      %broadcast_in_dim3A_742 = vector.broadcast %broadcast_in_dim3A_741 : f32 to vector<16xf32>
      %swap3A_743 = arith.constant 10 : i32
      %swap3A_744 = arith.index_cast %swap3A_743 : i32 to index
      %swap3A_745 = arith.constant 112 : index
      %swap3A_746 = tpu.vector_load %arg8[%swap3A_744, %swap3A_745] {strides = array<i32>} : memref<16x128xf32, #tpu.memory_space<vmem>>, vector<1x16xf32>,
      %swap3A_747 = vector.shape_cast %swap3A_746 : vector<1x16xf32> to vector<16xf32>
      %swap3A_748 = vector.shape_cast %broadcast_in_dim3A_742 : vector<16xf32> to vector<1x16xf32>
      tpu.vector_store %arg8[%swap3A_744, %swap3A_745], %swap3A_748 {strides = array<i32>} : memref<16x128xf32, #tpu.memory_space<vmem>>, vector<1x16xf32>,
      %broadcast_in_dim3A_749 = arith.constant 0.000000e+00 : f32
      %broadcast_in_dim3A_750 = vector.broadcast %broadcast_in_dim3A_749 : f32 to vector<16xf32>
      %swap3A_751 = arith.constant 11 : i32
      %swap3A_752 = arith.index_cast %swap3A_751 : i32 to index
      %swap3A_753 = arith.constant 0 : index
      %swap3A_754 = tpu.vector_load %arg8[%swap3A_752, %swap3A_753] {strides = array<i32>} : memref<16x128xf32, #tpu.memory_space<vmem>>, vector<1x16xf32>,
      %swap3A_755 = vector.shape_cast %swap3A_754 : vector<1x16xf32> to vector<16xf32>
      %swap3A_756 = vector.shape_cast %broadcast_in_dim3A_750 : vector<16xf32> to vector<1x16xf32>
      tpu.vector_store %arg8[%swap3A_752, %swap3A_753], %swap3A_756 {strides = array<i32>} : memref<16x128xf32, #tpu.memory_space<vmem>>, vector<1x16xf32>,
      %broadcast_in_dim3A_757 = arith.constant 0.000000e+00 : f32
      %broadcast_in_dim3A_758 = vector.broadcast %broadcast_in_dim3A_757 : f32 to vector<16xf32>
      %swap3A_759 = arith.constant 11 : i32
      %swap3A_760 = arith.index_cast %swap3A_759 : i32 to index
      %swap3A_761 = arith.constant 16 : index
      %swap3A_762 = tpu.vector_load %arg8[%swap3A_760, %swap3A_761] {strides = array<i32>} : memref<16x128xf32, #tpu.memory_space<vmem>>, vector<1x16xf32>,
      %swap3A_763 = vector.shape_cast %swap3A_762 : vector<1x16xf32> to vector<16xf32>
      %swap3A_764 = vector.shape_cast %broadcast_in_dim3A_758 : vector<16xf32> to vector<1x16xf32>
      tpu.vector_store %arg8[%swap3A_760, %swap3A_761], %swap3A_764 {strides = array<i32>} : memref<16x128xf32, #tpu.memory_space<vmem>>, vector<1x16xf32>,
      %broadcast_in_dim3A_765 = arith.constant 0.000000e+00 : f32
      %broadcast_in_dim3A_766 = vector.broadcast %broadcast_in_dim3A_765 : f32 to vector<16xf32>
      %swap3A_767 = arith.constant 11 : i32
      %swap3A_768 = arith.index_cast %swap3A_767 : i32 to index
      %swap3A_769 = arith.constant 32 : index
      %swap3A_770 = tpu.vector_load %arg8[%swap3A_768, %swap3A_769] {strides = array<i32>} : memref<16x128xf32, #tpu.memory_space<vmem>>, vector<1x16xf32>,
      %swap3A_771 = vector.shape_cast %swap3A_770 : vector<1x16xf32> to vector<16xf32>
      %swap3A_772 = vector.shape_cast %broadcast_in_dim3A_766 : vector<16xf32> to vector<1x16xf32>
      tpu.vector_store %arg8[%swap3A_768, %swap3A_769], %swap3A_772 {strides = array<i32>} : memref<16x128xf32, #tpu.memory_space<vmem>>, vector<1x16xf32>,
      %broadcast_in_dim3A_773 = arith.constant 0.000000e+00 : f32
      %broadcast_in_dim3A_774 = vector.broadcast %broadcast_in_dim3A_773 : f32 to vector<16xf32>
      %swap3A_775 = arith.constant 11 : i32
      %swap3A_776 = arith.index_cast %swap3A_775 : i32 to index
      %swap3A_777 = arith.constant 48 : index
      %swap3A_778 = tpu.vector_load %arg8[%swap3A_776, %swap3A_777] {strides = array<i32>} : memref<16x128xf32, #tpu.memory_space<vmem>>, vector<1x16xf32>,
      %swap3A_779 = vector.shape_cast %swap3A_778 : vector<1x16xf32> to vector<16xf32>
      %swap3A_780 = vector.shape_cast %broadcast_in_dim3A_774 : vector<16xf32> to vector<1x16xf32>
      tpu.vector_store %arg8[%swap3A_776, %swap3A_777], %swap3A_780 {strides = array<i32>} : memref<16x128xf32, #tpu.memory_space<vmem>>, vector<1x16xf32>,
      %broadcast_in_dim3A_781 = arith.constant 0.000000e+00 : f32
      %broadcast_in_dim3A_782 = vector.broadcast %broadcast_in_dim3A_781 : f32 to vector<16xf32>
      %swap3A_783 = arith.constant 11 : i32
      %swap3A_784 = arith.index_cast %swap3A_783 : i32 to index
      %swap3A_785 = arith.constant 64 : index
      %swap3A_786 = tpu.vector_load %arg8[%swap3A_784, %swap3A_785] {strides = array<i32>} : memref<16x128xf32, #tpu.memory_space<vmem>>, vector<1x16xf32>,
      %swap3A_787 = vector.shape_cast %swap3A_786 : vector<1x16xf32> to vector<16xf32>
      %swap3A_788 = vector.shape_cast %broadcast_in_dim3A_782 : vector<16xf32> to vector<1x16xf32>
      tpu.vector_store %arg8[%swap3A_784, %swap3A_785], %swap3A_788 {strides = array<i32>} : memref<16x128xf32, #tpu.memory_space<vmem>>, vector<1x16xf32>,
      %broadcast_in_dim3A_789 = arith.constant 0.000000e+00 : f32
      %broadcast_in_dim3A_790 = vector.broadcast %broadcast_in_dim3A_789 : f32 to vector<16xf32>
      %swap3A_791 = arith.constant 11 : i32
      %swap3A_792 = arith.index_cast %swap3A_791 : i32 to index
      %swap3A_793 = arith.constant 80 : index
      %swap3A_794 = tpu.vector_load %arg8[%swap3A_792, %swap3A_793] {strides = array<i32>} : memref<16x128xf32, #tpu.memory_space<vmem>>, vector<1x16xf32>,
      %swap3A_795 = vector.shape_cast %swap3A_794 : vector<1x16xf32> to vector<16xf32>
      %swap3A_796 = vector.shape_cast %broadcast_in_dim3A_790 : vector<16xf32> to vector<1x16xf32>
      tpu.vector_store %arg8[%swap3A_792, %swap3A_793], %swap3A_796 {strides = array<i32>} : memref<16x128xf32, #tpu.memory_space<vmem>>, vector<1x16xf32>,
      %broadcast_in_dim3A_797 = arith.constant 0.000000e+00 : f32
      %broadcast_in_dim3A_798 = vector.broadcast %broadcast_in_dim3A_797 : f32 to vector<16xf32>
      %swap3A_799 = arith.constant 11 : i32
      %swap3A_800 = arith.index_cast %swap3A_799 : i32 to index
      %swap3A_801 = arith.constant 96 : index
      %swap3A_802 = tpu.vector_load %arg8[%swap3A_800, %swap3A_801] {strides = array<i32>} : memref<16x128xf32, #tpu.memory_space<vmem>>, vector<1x16xf32>,
      %swap3A_803 = vector.shape_cast %swap3A_802 : vector<1x16xf32> to vector<16xf32>
      %swap3A_804 = vector.shape_cast %broadcast_in_dim3A_798 : vector<16xf32> to vector<1x16xf32>
      tpu.vector_store %arg8[%swap3A_800, %swap3A_801], %swap3A_804 {strides = array<i32>} : memref<16x128xf32, #tpu.memory_space<vmem>>, vector<1x16xf32>,
      %broadcast_in_dim3A_805 = arith.constant 0.000000e+00 : f32
      %broadcast_in_dim3A_806 = vector.broadcast %broadcast_in_dim3A_805 : f32 to vector<16xf32>
      %swap3A_807 = arith.constant 11 : i32
      %swap3A_808 = arith.index_cast %swap3A_807 : i32 to index
      %swap3A_809 = arith.constant 112 : index
      %swap3A_810 = tpu.vector_load %arg8[%swap3A_808, %swap3A_809] {strides = array<i32>} : memref<16x128xf32, #tpu.memory_space<vmem>>, vector<1x16xf32>,
      %swap3A_811 = vector.shape_cast %swap3A_810 : vector<1x16xf32> to vector<16xf32>
      %swap3A_812 = vector.shape_cast %broadcast_in_dim3A_806 : vector<16xf32> to vector<1x16xf32>
      tpu.vector_store %arg8[%swap3A_808, %swap3A_809], %swap3A_812 {strides = array<i32>} : memref<16x128xf32, #tpu.memory_space<vmem>>, vector<1x16xf32>,
      %broadcast_in_dim3A_813 = arith.constant 0.000000e+00 : f32
      %broadcast_in_dim3A_814 = vector.broadcast %broadcast_in_dim3A_813 : f32 to vector<16xf32>
      %swap3A_815 = arith.constant 12 : i32
      %swap3A_816 = arith.index_cast %swap3A_815 : i32 to index
      %swap3A_817 = arith.constant 0 : index
      %swap3A_818 = tpu.vector_load %arg8[%swap3A_816, %swap3A_817] {strides = array<i32>} : memref<16x128xf32, #tpu.memory_space<vmem>>, vector<1x16xf32>,
      %swap3A_819 = vector.shape_cast %swap3A_818 : vector<1x16xf32> to vector<16xf32>
      %swap3A_820 = vector.shape_cast %broadcast_in_dim3A_814 : vector<16xf32> to vector<1x16xf32>
      tpu.vector_store %arg8[%swap3A_816, %swap3A_817], %swap3A_820 {strides = array<i32>} : memref<16x128xf32, #tpu.memory_space<vmem>>, vector<1x16xf32>,
      %broadcast_in_dim3A_821 = arith.constant 0.000000e+00 : f32
      %broadcast_in_dim3A_822 = vector.broadcast %broadcast_in_dim3A_821 : f32 to vector<16xf32>
      %swap3A_823 = arith.constant 12 : i32
      %swap3A_824 = arith.index_cast %swap3A_823 : i32 to index
      %swap3A_825 = arith.constant 16 : index
      %swap3A_826 = tpu.vector_load %arg8[%swap3A_824, %swap3A_825] {strides = array<i32>} : memref<16x128xf32, #tpu.memory_space<vmem>>, vector<1x16xf32>,
      %swap3A_827 = vector.shape_cast %swap3A_826 : vector<1x16xf32> to vector<16xf32>
      %swap3A_828 = vector.shape_cast %broadcast_in_dim3A_822 : vector<16xf32> to vector<1x16xf32>
      tpu.vector_store %arg8[%swap3A_824, %swap3A_825], %swap3A_828 {strides = array<i32>} : memref<16x128xf32, #tpu.memory_space<vmem>>, vector<1x16xf32>,
      %broadcast_in_dim3A_829 = arith.constant 0.000000e+00 : f32
      %broadcast_in_dim3A_830 = vector.broadcast %broadcast_in_dim3A_829 : f32 to vector<16xf32>
      %swap3A_831 = arith.constant 12 : i32
      %swap3A_832 = arith.index_cast %swap3A_831 : i32 to index
      %swap3A_833 = arith.constant 32 : index
      %swap3A_834 = tpu.vector_load %arg8[%swap3A_832, %swap3A_833] {strides = array<i32>} : memref<16x128xf32, #tpu.memory_space<vmem>>, vector<1x16xf32>,
      %swap3A_835 = vector.shape_cast %swap3A_834 : vector<1x16xf32> to vector<16xf32>
      %swap3A_836 = vector.shape_cast %broadcast_in_dim3A_830 : vector<16xf32> to vector<1x16xf32>
      tpu.vector_store %arg8[%swap3A_832, %swap3A_833], %swap3A_836 {strides = array<i32>} : memref<16x128xf32, #tpu.memory_space<vmem>>, vector<1x16xf32>,
      %broadcast_in_dim3A_837 = arith.constant 0.000000e+00 : f32
      %broadcast_in_dim3A_838 = vector.broadcast %broadcast_in_dim3A_837 : f32 to vector<16xf32>
      %swap3A_839 = arith.constant 12 : i32
      %swap3A_840 = arith.index_cast %swap3A_839 : i32 to index
      %swap3A_841 = arith.constant 48 : index
      %swap3A_842 = tpu.vector_load %arg8[%swap3A_840, %swap3A_841] {strides = array<i32>} : memref<16x128xf32, #tpu.memory_space<vmem>>, vector<1x16xf32>,
      %swap3A_843 = vector.shape_cast %swap3A_842 : vector<1x16xf32> to vector<16xf32>
      %swap3A_844 = vector.shape_cast %broadcast_in_dim3A_838 : vector<16xf32> to vector<1x16xf32>
      tpu.vector_store %arg8[%swap3A_840, %swap3A_841], %swap3A_844 {strides = array<i32>} : memref<16x128xf32, #tpu.memory_space<vmem>>, vector<1x16xf32>,
      %broadcast_in_dim3A_845 = arith.constant 0.000000e+00 : f32
      %broadcast_in_dim3A_846 = vector.broadcast %broadcast_in_dim3A_845 : f32 to vector<16xf32>
      %swap3A_847 = arith.constant 12 : i32
      %swap3A_848 = arith.index_cast %swap3A_847 : i32 to index
      %swap3A_849 = arith.constant 64 : index
      %swap3A_850 = tpu.vector_load %arg8[%swap3A_848, %swap3A_849] {strides = array<i32>} : memref<16x128xf32, #tpu.memory_space<vmem>>, vector<1x16xf32>,
      %swap3A_851 = vector.shape_cast %swap3A_850 : vector<1x16xf32> to vector<16xf32>
      %swap3A_852 = vector.shape_cast %broadcast_in_dim3A_846 : vector<16xf32> to vector<1x16xf32>
      tpu.vector_store %arg8[%swap3A_848, %swap3A_849], %swap3A_852 {strides = array<i32>} : memref<16x128xf32, #tpu.memory_space<vmem>>, vector<1x16xf32>,
      %broadcast_in_dim3A_853 = arith.constant 0.000000e+00 : f32
      %broadcast_in_dim3A_854 = vector.broadcast %broadcast_in_dim3A_853 : f32 to vector<16xf32>
      %swap3A_855 = arith.constant 12 : i32
      %swap3A_856 = arith.index_cast %swap3A_855 : i32 to index
      %swap3A_857 = arith.constant 80 : index
      %swap3A_858 = tpu.vector_load %arg8[%swap3A_856, %swap3A_857] {strides = array<i32>} : memref<16x128xf32, #tpu.memory_space<vmem>>, vector<1x16xf32>,
      %swap3A_859 = vector.shape_cast %swap3A_858 : vector<1x16xf32> to vector<16xf32>
      %swap3A_860 = vector.shape_cast %broadcast_in_dim3A_854 : vector<16xf32> to vector<1x16xf32>
      tpu.vector_store %arg8[%swap3A_856, %swap3A_857], %swap3A_860 {strides = array<i32>} : memref<16x128xf32, #tpu.memory_space<vmem>>, vector<1x16xf32>,
      %broadcast_in_dim3A_861 = arith.constant 0.000000e+00 : f32
      %broadcast_in_dim3A_862 = vector.broadcast %broadcast_in_dim3A_861 : f32 to vector<16xf32>
      %swap3A_863 = arith.constant 12 : i32
      %swap3A_864 = arith.index_cast %swap3A_863 : i32 to index
      %swap3A_865 = arith.constant 96 : index
      %swap3A_866 = tpu.vector_load %arg8[%swap3A_864, %swap3A_865] {strides = array<i32>} : memref<16x128xf32, #tpu.memory_space<vmem>>, vector<1x16xf32>,
      %swap3A_867 = vector.shape_cast %swap3A_866 : vector<1x16xf32> to vector<16xf32>
      %swap3A_868 = vector.shape_cast %broadcast_in_dim3A_862 : vector<16xf32> to vector<1x16xf32>
      tpu.vector_store %arg8[%swap3A_864, %swap3A_865], %swap3A_868 {strides = array<i32>} : memref<16x128xf32, #tpu.memory_space<vmem>>, vector<1x16xf32>,
      %broadcast_in_dim3A_869 = arith.constant 0.000000e+00 : f32
      %broadcast_in_dim3A_870 = vector.broadcast %broadcast_in_dim3A_869 : f32 to vector<16xf32>
      %swap3A_871 = arith.constant 12 : i32
      %swap3A_872 = arith.index_cast %swap3A_871 : i32 to index
      %swap3A_873 = arith.constant 112 : index
      %swap3A_874 = tpu.vector_load %arg8[%swap3A_872, %swap3A_873] {strides = array<i32>} : memref<16x128xf32, #tpu.memory_space<vmem>>, vector<1x16xf32>,
      %swap3A_875 = vector.shape_cast %swap3A_874 : vector<1x16xf32> to vector<16xf32>
      %swap3A_876 = vector.shape_cast %broadcast_in_dim3A_870 : vector<16xf32> to vector<1x16xf32>
      tpu.vector_store %arg8[%swap3A_872, %swap3A_873], %swap3A_876 {strides = array<i32>} : memref<16x128xf32, #tpu.memory_space<vmem>>, vector<1x16xf32>,
      %broadcast_in_dim3A_877 = arith.constant 0.000000e+00 : f32
      %broadcast_in_dim3A_878 = vector.broadcast %broadcast_in_dim3A_877 : f32 to vector<16xf32>
      %swap3A_879 = arith.constant 13 : i32
      %swap3A_880 = arith.index_cast %swap3A_879 : i32 to index
      %swap3A_881 = arith.constant 0 : index
      %swap3A_882 = tpu.vector_load %arg8[%swap3A_880, %swap3A_881] {strides = array<i32>} : memref<16x128xf32, #tpu.memory_space<vmem>>, vector<1x16xf32>,
      %swap3A_883 = vector.shape_cast %swap3A_882 : vector<1x16xf32> to vector<16xf32>
      %swap3A_884 = vector.shape_cast %broadcast_in_dim3A_878 : vector<16xf32> to vector<1x16xf32>
      tpu.vector_store %arg8[%swap3A_880, %swap3A_881], %swap3A_884 {strides = array<i32>} : memref<16x128xf32, #tpu.memory_space<vmem>>, vector<1x16xf32>,
      %broadcast_in_dim3A_885 = arith.constant 0.000000e+00 : f32
      %broadcast_in_dim3A_886 = vector.broadcast %broadcast_in_dim3A_885 : f32 to vector<16xf32>
      %swap3A_887 = arith.constant 13 : i32
      %swap3A_888 = arith.index_cast %swap3A_887 : i32 to index
      %swap3A_889 = arith.constant 16 : index
      %swap3A_890 = tpu.vector_load %arg8[%swap3A_888, %swap3A_889] {strides = array<i32>} : memref<16x128xf32, #tpu.memory_space<vmem>>, vector<1x16xf32>,
      %swap3A_891 = vector.shape_cast %swap3A_890 : vector<1x16xf32> to vector<16xf32>
      %swap3A_892 = vector.shape_cast %broadcast_in_dim3A_886 : vector<16xf32> to vector<1x16xf32>
      tpu.vector_store %arg8[%swap3A_888, %swap3A_889], %swap3A_892 {strides = array<i32>} : memref<16x128xf32, #tpu.memory_space<vmem>>, vector<1x16xf32>,
      %broadcast_in_dim3A_893 = arith.constant 0.000000e+00 : f32
      %broadcast_in_dim3A_894 = vector.broadcast %broadcast_in_dim3A_893 : f32 to vector<16xf32>
      %swap3A_895 = arith.constant 13 : i32
      %swap3A_896 = arith.index_cast %swap3A_895 : i32 to index
      %swap3A_897 = arith.constant 32 : index
      %swap3A_898 = tpu.vector_load %arg8[%swap3A_896, %swap3A_897] {strides = array<i32>} : memref<16x128xf32, #tpu.memory_space<vmem>>, vector<1x16xf32>,
      %swap3A_899 = vector.shape_cast %swap3A_898 : vector<1x16xf32> to vector<16xf32>
      %swap3A_900 = vector.shape_cast %broadcast_in_dim3A_894 : vector<16xf32> to vector<1x16xf32>
      tpu.vector_store %arg8[%swap3A_896, %swap3A_897], %swap3A_900 {strides = array<i32>} : memref<16x128xf32, #tpu.memory_space<vmem>>, vector<1x16xf32>,
      %broadcast_in_dim3A_901 = arith.constant 0.000000e+00 : f32
      %broadcast_in_dim3A_902 = vector.broadcast %broadcast_in_dim3A_901 : f32 to vector<16xf32>
      %swap3A_903 = arith.constant 13 : i32
      %swap3A_904 = arith.index_cast %swap3A_903 : i32 to index
      %swap3A_905 = arith.constant 48 : index
      %swap3A_906 = tpu.vector_load %arg8[%swap3A_904, %swap3A_905] {strides = array<i32>} : memref<16x128xf32, #tpu.memory_space<vmem>>, vector<1x16xf32>,
      %swap3A_907 = vector.shape_cast %swap3A_906 : vector<1x16xf32> to vector<16xf32>
      %swap3A_908 = vector.shape_cast %broadcast_in_dim3A_902 : vector<16xf32> to vector<1x16xf32>
      tpu.vector_store %arg8[%swap3A_904, %swap3A_905], %swap3A_908 {strides = array<i32>} : memref<16x128xf32, #tpu.memory_space<vmem>>, vector<1x16xf32>,
      %broadcast_in_dim3A_909 = arith.constant 0.000000e+00 : f32
      %broadcast_in_dim3A_910 = vector.broadcast %broadcast_in_dim3A_909 : f32 to vector<16xf32>
      %swap3A_911 = arith.constant 13 : i32
      %swap3A_912 = arith.index_cast %swap3A_911 : i32 to index
      %swap3A_913 = arith.constant 64 : index
      %swap3A_914 = tpu.vector_load %arg8[%swap3A_912, %swap3A_913] {strides = array<i32>} : memref<16x128xf32, #tpu.memory_space<vmem>>, vector<1x16xf32>,
      %swap3A_915 = vector.shape_cast %swap3A_914 : vector<1x16xf32> to vector<16xf32>
      %swap3A_916 = vector.shape_cast %broadcast_in_dim3A_910 : vector<16xf32> to vector<1x16xf32>
      tpu.vector_store %arg8[%swap3A_912, %swap3A_913], %swap3A_916 {strides = array<i32>} : memref<16x128xf32, #tpu.memory_space<vmem>>, vector<1x16xf32>,
      %broadcast_in_dim3A_917 = arith.constant 0.000000e+00 : f32
      %broadcast_in_dim3A_918 = vector.broadcast %broadcast_in_dim3A_917 : f32 to vector<16xf32>
      %swap3A_919 = arith.constant 13 : i32
      %swap3A_920 = arith.index_cast %swap3A_919 : i32 to index
      %swap3A_921 = arith.constant 80 : index
      %swap3A_922 = tpu.vector_load %arg8[%swap3A_920, %swap3A_921] {strides = array<i32>} : memref<16x128xf32, #tpu.memory_space<vmem>>, vector<1x16xf32>,
      %swap3A_923 = vector.shape_cast %swap3A_922 : vector<1x16xf32> to vector<16xf32>
      %swap3A_924 = vector.shape_cast %broadcast_in_dim3A_918 : vector<16xf32> to vector<1x16xf32>
      tpu.vector_store %arg8[%swap3A_920, %swap3A_921], %swap3A_924 {strides = array<i32>} : memref<16x128xf32, #tpu.memory_space<vmem>>, vector<1x16xf32>,
      %broadcast_in_dim3A_925 = arith.constant 0.000000e+00 : f32
      %broadcast_in_dim3A_926 = vector.broadcast %broadcast_in_dim3A_925 : f32 to vector<16xf32>
      %swap3A_927 = arith.constant 13 : i32
      %swap3A_928 = arith.index_cast %swap3A_927 : i32 to index
      %swap3A_929 = arith.constant 96 : index
      %swap3A_930 = tpu.vector_load %arg8[%swap3A_928, %swap3A_929] {strides = array<i32>} : memref<16x128xf32, #tpu.memory_space<vmem>>, vector<1x16xf32>,
      %swap3A_931 = vector.shape_cast %swap3A_930 : vector<1x16xf32> to vector<16xf32>
      %swap3A_932 = vector.shape_cast %broadcast_in_dim3A_926 : vector<16xf32> to vector<1x16xf32>
      tpu.vector_store %arg8[%swap3A_928, %swap3A_929], %swap3A_932 {strides = array<i32>} : memref<16x128xf32, #tpu.memory_space<vmem>>, vector<1x16xf32>,
      %broadcast_in_dim3A_933 = arith.constant 0.000000e+00 : f32
      %broadcast_in_dim3A_934 = vector.broadcast %broadcast_in_dim3A_933 : f32 to vector<16xf32>
      %swap3A_935 = arith.constant 13 : i32
      %swap3A_936 = arith.index_cast %swap3A_935 : i32 to index
      %swap3A_937 = arith.constant 112 : index
      %swap3A_938 = tpu.vector_load %arg8[%swap3A_936, %swap3A_937] {strides = array<i32>} : memref<16x128xf32, #tpu.memory_space<vmem>>, vector<1x16xf32>,
      %swap3A_939 = vector.shape_cast %swap3A_938 : vector<1x16xf32> to vector<16xf32>
      %swap3A_940 = vector.shape_cast %broadcast_in_dim3A_934 : vector<16xf32> to vector<1x16xf32>
      tpu.vector_store %arg8[%swap3A_936, %swap3A_937], %swap3A_940 {strides = array<i32>} : memref<16x128xf32, #tpu.memory_space<vmem>>, vector<1x16xf32>,
      %broadcast_in_dim3A_941 = arith.constant 0.000000e+00 : f32
      %broadcast_in_dim3A_942 = vector.broadcast %broadcast_in_dim3A_941 : f32 to vector<16xf32>
      %swap3A_943 = arith.constant 14 : i32
      %swap3A_944 = arith.index_cast %swap3A_943 : i32 to index
      %swap3A_945 = arith.constant 0 : index
      %swap3A_946 = tpu.vector_load %arg8[%swap3A_944, %swap3A_945] {strides = array<i32>} : memref<16x128xf32, #tpu.memory_space<vmem>>, vector<1x16xf32>,
      %swap3A_947 = vector.shape_cast %swap3A_946 : vector<1x16xf32> to vector<16xf32>
      %swap3A_948 = vector.shape_cast %broadcast_in_dim3A_942 : vector<16xf32> to vector<1x16xf32>
      tpu.vector_store %arg8[%swap3A_944, %swap3A_945], %swap3A_948 {strides = array<i32>} : memref<16x128xf32, #tpu.memory_space<vmem>>, vector<1x16xf32>,
      %broadcast_in_dim3A_949 = arith.constant 0.000000e+00 : f32
      %broadcast_in_dim3A_950 = vector.broadcast %broadcast_in_dim3A_949 : f32 to vector<16xf32>
      %swap3A_951 = arith.constant 14 : i32
      %swap3A_952 = arith.index_cast %swap3A_951 : i32 to index
      %swap3A_953 = arith.constant 16 : index
      %swap3A_954 = tpu.vector_load %arg8[%swap3A_952, %swap3A_953] {strides = array<i32>} : memref<16x128xf32, #tpu.memory_space<vmem>>, vector<1x16xf32>,
      %swap3A_955 = vector.shape_cast %swap3A_954 : vector<1x16xf32> to vector<16xf32>
      %swap3A_956 = vector.shape_cast %broadcast_in_dim3A_950 : vector<16xf32> to vector<1x16xf32>
      tpu.vector_store %arg8[%swap3A_952, %swap3A_953], %swap3A_956 {strides = array<i32>} : memref<16x128xf32, #tpu.memory_space<vmem>>, vector<1x16xf32>,
      %broadcast_in_dim3A_957 = arith.constant 0.000000e+00 : f32
      %broadcast_in_dim3A_958 = vector.broadcast %broadcast_in_dim3A_957 : f32 to vector<16xf32>
      %swap3A_959 = arith.constant 14 : i32
      %swap3A_960 = arith.index_cast %swap3A_959 : i32 to index
      %swap3A_961 = arith.constant 32 : index
      %swap3A_962 = tpu.vector_load %arg8[%swap3A_960, %swap3A_961] {strides = array<i32>} : memref<16x128xf32, #tpu.memory_space<vmem>>, vector<1x16xf32>,
      %swap3A_963 = vector.shape_cast %swap3A_962 : vector<1x16xf32> to vector<16xf32>
      %swap3A_964 = vector.shape_cast %broadcast_in_dim3A_958 : vector<16xf32> to vector<1x16xf32>
      tpu.vector_store %arg8[%swap3A_960, %swap3A_961], %swap3A_964 {strides = array<i32>} : memref<16x128xf32, #tpu.memory_space<vmem>>, vector<1x16xf32>,
      %broadcast_in_dim3A_965 = arith.constant 0.000000e+00 : f32
      %broadcast_in_dim3A_966 = vector.broadcast %broadcast_in_dim3A_965 : f32 to vector<16xf32>
      %swap3A_967 = arith.constant 14 : i32
      %swap3A_968 = arith.index_cast %swap3A_967 : i32 to index
      %swap3A_969 = arith.constant 48 : index
      %swap3A_970 = tpu.vector_load %arg8[%swap3A_968, %swap3A_969] {strides = array<i32>} : memref<16x128xf32, #tpu.memory_space<vmem>>, vector<1x16xf32>,
      %swap3A_971 = vector.shape_cast %swap3A_970 : vector<1x16xf32> to vector<16xf32>
      %swap3A_972 = vector.shape_cast %broadcast_in_dim3A_966 : vector<16xf32> to vector<1x16xf32>
      tpu.vector_store %arg8[%swap3A_968, %swap3A_969], %swap3A_972 {strides = array<i32>} : memref<16x128xf32, #tpu.memory_space<vmem>>, vector<1x16xf32>,
      %broadcast_in_dim3A_973 = arith.constant 0.000000e+00 : f32
      %broadcast_in_dim3A_974 = vector.broadcast %broadcast_in_dim3A_973 : f32 to vector<16xf32>
      %swap3A_975 = arith.constant 14 : i32
      %swap3A_976 = arith.index_cast %swap3A_975 : i32 to index
      %swap3A_977 = arith.constant 64 : index
      %swap3A_978 = tpu.vector_load %arg8[%swap3A_976, %swap3A_977] {strides = array<i32>} : memref<16x128xf32, #tpu.memory_space<vmem>>, vector<1x16xf32>,
      %swap3A_979 = vector.shape_cast %swap3A_978 : vector<1x16xf32> to vector<16xf32>
      %swap3A_980 = vector.shape_cast %broadcast_in_dim3A_974 : vector<16xf32> to vector<1x16xf32>
      tpu.vector_store %arg8[%swap3A_976, %swap3A_977], %swap3A_980 {strides = array<i32>} : memref<16x128xf32, #tpu.memory_space<vmem>>, vector<1x16xf32>,
      %broadcast_in_dim3A_981 = arith.constant 0.000000e+00 : f32
      %broadcast_in_dim3A_982 = vector.broadcast %broadcast_in_dim3A_981 : f32 to vector<16xf32>
      %swap3A_983 = arith.constant 14 : i32
      %swap3A_984 = arith.index_cast %swap3A_983 : i32 to index
      %swap3A_985 = arith.constant 80 : index
      %swap3A_986 = tpu.vector_load %arg8[%swap3A_984, %swap3A_985] {strides = array<i32>} : memref<16x128xf32, #tpu.memory_space<vmem>>, vector<1x16xf32>,
      %swap3A_987 = vector.shape_cast %swap3A_986 : vector<1x16xf32> to vector<16xf32>
      %swap3A_988 = vector.shape_cast %broadcast_in_dim3A_982 : vector<16xf32> to vector<1x16xf32>
      tpu.vector_store %arg8[%swap3A_984, %swap3A_985], %swap3A_988 {strides = array<i32>} : memref<16x128xf32, #tpu.memory_space<vmem>>, vector<1x16xf32>,
      %broadcast_in_dim3A_989 = arith.constant 0.000000e+00 : f32
      %broadcast_in_dim3A_990 = vector.broadcast %broadcast_in_dim3A_989 : f32 to vector<16xf32>
      %swap3A_991 = arith.constant 14 : i32
      %swap3A_992 = arith.index_cast %swap3A_991 : i32 to index
      %swap3A_993 = arith.constant 96 : index
      %swap3A_994 = tpu.vector_load %arg8[%swap3A_992, %swap3A_993] {strides = array<i32>} : memref<16x128xf32, #tpu.memory_space<vmem>>, vector<1x16xf32>,
      %swap3A_995 = vector.shape_cast %swap3A_994 : vector<1x16xf32> to vector<16xf32>
      %swap3A_996 = vector.shape_cast %broadcast_in_dim3A_990 : vector<16xf32> to vector<1x16xf32>
      tpu.vector_store %arg8[%swap3A_992, %swap3A_993], %swap3A_996 {strides = array<i32>} : memref<16x128xf32, #tpu.memory_space<vmem>>, vector<1x16xf32>,
      %broadcast_in_dim3A_997 = arith.constant 0.000000e+00 : f32
      %broadcast_in_dim3A_998 = vector.broadcast %broadcast_in_dim3A_997 : f32 to vector<16xf32>
      %swap3A_999 = arith.constant 14 : i32
      %swap3A_1000 = arith.index_cast %swap3A_999 : i32 to index
      %swap3A_1001 = arith.constant 112 : index
      %swap3A_1002 = tpu.vector_load %arg8[%swap3A_1000, %swap3A_1001] {strides = array<i32>} : memref<16x128xf32, #tpu.memory_space<vmem>>, vector<1x16xf32>,
      %swap3A_1003 = vector.shape_cast %swap3A_1002 : vector<1x16xf32> to vector<16xf32>
      %swap3A_1004 = vector.shape_cast %broadcast_in_dim3A_998 : vector<16xf32> to vector<1x16xf32>
      tpu.vector_store %arg8[%swap3A_1000, %swap3A_1001], %swap3A_1004 {strides = array<i32>} : memref<16x128xf32, #tpu.memory_space<vmem>>, vector<1x16xf32>,
      %broadcast_in_dim3A_1005 = arith.constant 0.000000e+00 : f32
      %broadcast_in_dim3A_1006 = vector.broadcast %broadcast_in_dim3A_1005 : f32 to vector<16xf32>
      %swap3A_1007 = arith.constant 15 : i32
      %swap3A_1008 = arith.index_cast %swap3A_1007 : i32 to index
      %swap3A_1009 = arith.constant 0 : index
      %swap3A_1010 = tpu.vector_load %arg8[%swap3A_1008, %swap3A_1009] {strides = array<i32>} : memref<16x128xf32, #tpu.memory_space<vmem>>, vector<1x16xf32>,
      %swap3A_1011 = vector.shape_cast %swap3A_1010 : vector<1x16xf32> to vector<16xf32>
      %swap3A_1012 = vector.shape_cast %broadcast_in_dim3A_1006 : vector<16xf32> to vector<1x16xf32>
      tpu.vector_store %arg8[%swap3A_1008, %swap3A_1009], %swap3A_1012 {strides = array<i32>} : memref<16x128xf32, #tpu.memory_space<vmem>>, vector<1x16xf32>,
      %broadcast_in_dim3A_1013 = arith.constant 0.000000e+00 : f32
      %broadcast_in_dim3A_1014 = vector.broadcast %broadcast_in_dim3A_1013 : f32 to vector<16xf32>
      %swap3A_1015 = arith.constant 15 : i32
      %swap3A_1016 = arith.index_cast %swap3A_1015 : i32 to index
      %swap3A_1017 = arith.constant 16 : index
      %swap3A_1018 = tpu.vector_load %arg8[%swap3A_1016, %swap3A_1017] {strides = array<i32>} : memref<16x128xf32, #tpu.memory_space<vmem>>, vector<1x16xf32>,
      %swap3A_1019 = vector.shape_cast %swap3A_1018 : vector<1x16xf32> to vector<16xf32>
      %swap3A_1020 = vector.shape_cast %broadcast_in_dim3A_1014 : vector<16xf32> to vector<1x16xf32>
      tpu.vector_store %arg8[%swap3A_1016, %swap3A_1017], %swap3A_1020 {strides = array<i32>} : memref<16x128xf32, #tpu.memory_space<vmem>>, vector<1x16xf32>,
      %broadcast_in_dim3A_1021 = arith.constant 0.000000e+00 : f32
      %broadcast_in_dim3A_1022 = vector.broadcast %broadcast_in_dim3A_1021 : f32 to vector<16xf32>
      %swap3A_1023 = arith.constant 15 : i32
      %swap3A_1024 = arith.index_cast %swap3A_1023 : i32 to index
      %swap3A_1025 = arith.constant 32 : index
      %swap3A_1026 = tpu.vector_load %arg8[%swap3A_1024, %swap3A_1025] {strides = array<i32>} : memref<16x128xf32, #tpu.memory_space<vmem>>, vector<1x16xf32>,
      %swap3A_1027 = vector.shape_cast %swap3A_1026 : vector<1x16xf32> to vector<16xf32>
      %swap3A_1028 = vector.shape_cast %broadcast_in_dim3A_1022 : vector<16xf32> to vector<1x16xf32>
      tpu.vector_store %arg8[%swap3A_1024, %swap3A_1025], %swap3A_1028 {strides = array<i32>} : memref<16x128xf32, #tpu.memory_space<vmem>>, vector<1x16xf32>,
      %broadcast_in_dim3A_1029 = arith.constant 0.000000e+00 : f32
      %broadcast_in_dim3A_1030 = vector.broadcast %broadcast_in_dim3A_1029 : f32 to vector<16xf32>
      %swap3A_1031 = arith.constant 15 : i32
      %swap3A_1032 = arith.index_cast %swap3A_1031 : i32 to index
      %swap3A_1033 = arith.constant 48 : index
      %swap3A_1034 = tpu.vector_load %arg8[%swap3A_1032, %swap3A_1033] {strides = array<i32>} : memref<16x128xf32, #tpu.memory_space<vmem>>, vector<1x16xf32>,
      %swap3A_1035 = vector.shape_cast %swap3A_1034 : vector<1x16xf32> to vector<16xf32>
      %swap3A_1036 = vector.shape_cast %broadcast_in_dim3A_1030 : vector<16xf32> to vector<1x16xf32>
      tpu.vector_store %arg8[%swap3A_1032, %swap3A_1033], %swap3A_1036 {strides = array<i32>} : memref<16x128xf32, #tpu.memory_space<vmem>>, vector<1x16xf32>,
      %broadcast_in_dim3A_1037 = arith.constant 0.000000e+00 : f32
      %broadcast_in_dim3A_1038 = vector.broadcast %broadcast_in_dim3A_1037 : f32 to vector<16xf32>
      %swap3A_1039 = arith.constant 15 : i32
      %swap3A_1040 = arith.index_cast %swap3A_1039 : i32 to index
      %swap3A_1041 = arith.constant 64 : index
      %swap3A_1042 = tpu.vector_load %arg8[%swap3A_1040, %swap3A_1041] {strides = array<i32>} : memref<16x128xf32, #tpu.memory_space<vmem>>, vector<1x16xf32>,
      %swap3A_1043 = vector.shape_cast %swap3A_1042 : vector<1x16xf32> to vector<16xf32>
      %swap3A_1044 = vector.shape_cast %broadcast_in_dim3A_1038 : vector<16xf32> to vector<1x16xf32>
      tpu.vector_store %arg8[%swap3A_1040, %swap3A_1041], %swap3A_1044 {strides = array<i32>} : memref<16x128xf32, #tpu.memory_space<vmem>>, vector<1x16xf32>,
      %broadcast_in_dim3A_1045 = arith.constant 0.000000e+00 : f32
      %broadcast_in_dim3A_1046 = vector.broadcast %broadcast_in_dim3A_1045 : f32 to vector<16xf32>
      %swap3A_1047 = arith.constant 15 : i32
      %swap3A_1048 = arith.index_cast %swap3A_1047 : i32 to index
      %swap3A_1049 = arith.constant 80 : index
      %swap3A_1050 = tpu.vector_load %arg8[%swap3A_1048, %swap3A_1049] {strides = array<i32>} : memref<16x128xf32, #tpu.memory_space<vmem>>, vector<1x16xf32>,
      %swap3A_1051 = vector.shape_cast %swap3A_1050 : vector<1x16xf32> to vector<16xf32>
      %swap3A_1052 = vector.shape_cast %broadcast_in_dim3A_1046 : vector<16xf32> to vector<1x16xf32>
      tpu.vector_store %arg8[%swap3A_1048, %swap3A_1049], %swap3A_1052 {strides = array<i32>} : memref<16x128xf32, #tpu.memory_space<vmem>>, vector<1x16xf32>,
      %broadcast_in_dim3A_1053 = arith.constant 0.000000e+00 : f32
      %broadcast_in_dim3A_1054 = vector.broadcast %broadcast_in_dim3A_1053 : f32 to vector<16xf32>
      %swap3A_1055 = arith.constant 15 : i32
      %swap3A_1056 = arith.index_cast %swap3A_1055 : i32 to index
      %swap3A_1057 = arith.constant 96 : index
      %swap3A_1058 = tpu.vector_load %arg8[%swap3A_1056, %swap3A_1057] {strides = array<i32>} : memref<16x128xf32, #tpu.memory_space<vmem>>, vector<1x16xf32>,
      %swap3A_1059 = vector.shape_cast %swap3A_1058 : vector<1x16xf32> to vector<16xf32>
      %swap3A_1060 = vector.shape_cast %broadcast_in_dim3A_1054 : vector<16xf32> to vector<1x16xf32>
      tpu.vector_store %arg8[%swap3A_1056, %swap3A_1057], %swap3A_1060 {strides = array<i32>} : memref<16x128xf32, #tpu.memory_space<vmem>>, vector<1x16xf32>,
      %broadcast_in_dim3A_1061 = arith.constant 0.000000e+00 : f32
      %broadcast_in_dim3A_1062 = vector.broadcast %broadcast_in_dim3A_1061 : f32 to vector<16xf32>
      %swap3A_1063 = arith.constant 15 : i32
      %swap3A_1064 = arith.index_cast %swap3A_1063 : i32 to index
      %swap3A_1065 = arith.constant 112 : index
      %swap3A_1066 = tpu.vector_load %arg8[%swap3A_1064, %swap3A_1065] {strides = array<i32>} : memref<16x128xf32, #tpu.memory_space<vmem>>, vector<1x16xf32>,
      %swap3A_1067 = vector.shape_cast %swap3A_1066 : vector<1x16xf32> to vector<16xf32>
      %swap3A_1068 = vector.shape_cast %broadcast_in_dim3A_1062 : vector<16xf32> to vector<1x16xf32>
      tpu.vector_store %arg8[%swap3A_1064, %swap3A_1065], %swap3A_1068 {strides = array<i32>} : memref<16x128xf32, #tpu.memory_space<vmem>>, vector<1x16xf32>,
      %mul3A_1069 = arith.constant 16 : i32
      %mul3A_1070 = arith.muli %arg1, %mul3A_1069 : i32
      "tpu.region"() ({
        %run_scoped3A_1086 = tpu.sem_alloc : memref<!tpu.dma_semaphore, #tpu.memory_space<semaphore_mem>>
        %dma_start3A_1087 = arith.constant 0 : i32
        %dma_start3A_1088 = tpu.memref_slice %arg9[%mul3A_1070, %dma_start3A_1087] : memref<256x128xf32, #tpu.memory_space<vmem_shared>> -> memref<16x128xf32, #tpu.memory_space<vmem_shared>>
        %dma_start3A_1089 = arith.constant 0 : i32
        %dma_start3A_1090 = tpu.memref_slice %arg9[%mul3A_1070, %dma_start3A_1089] : memref<256x128xf32, #tpu.memory_space<vmem_shared>> -> memref<16x128xf32, #tpu.memory_space<vmem_shared>>
        tpu.enqueue_dma source(%arg8 : memref<16x128xf32, #tpu.memory_space<vmem>>) target(%dma_start3A_1090 : memref<16x128xf32, #tpu.memory_space<vmem_shared>>) target_semaphore(%run_scoped3A_1086 : memref<!tpu.dma_semaphore, #tpu.memory_space<semaphore_mem>>)
        %dma_wait3A_1091 = arith.constant 0 : i32
        %dma_wait3A_1092 = tpu.memref_slice %arg9[%mul3A_1070, %dma_wait3A_1091] : memref<256x128xf32, #tpu.memory_space<vmem_shared>> -> memref<16x128xf32, #tpu.memory_space<vmem_shared>>
        %dma_wait3A_1093 = arith.constant 0 : i32
        %dma_wait3A_1094 = tpu.memref_slice %arg9[%mul3A_1070, %dma_wait3A_1093] : memref<256x128xf32, #tpu.memory_space<vmem_shared>> -> memref<16x128xf32, #tpu.memory_space<vmem_shared>>
        tpu.wait_dma2 semaphore(%run_scoped3A_1086 : memref<!tpu.dma_semaphore, #tpu.memory_space<semaphore_mem>>) src(%arg8 : memref<16x128xf32, #tpu.memory_space<vmem>>) dst(%dma_wait3A_1094 : memref<16x128xf32, #tpu.memory_space<vmem_shared>>)
        tpu.yield
      }) : () -> ()
      %barrier3A_1071 = arith.constant 0 : index
      tpu.barrier barrier_id(%barrier3A_1071)
      %dma_wait3A = arith.constant 0 : i32
      %dma_wait3A_1072 = arith.constant 0 : i32
      %dma_wait3A_1073 = tpu.memref_slice %arg7[%dma_wait3A, %dma_wait3A_1072] : memref<640x128xf32, #tpu.memory_space<vmem>> -> memref<400x128xf32, #tpu.memory_space<vmem>>
      %dma_wait3A_1074 = arith.constant 0 : i32
      %dma_wait3A_1075 = tpu.memref_slice %arg2[%mul3A_10, %dma_wait3A_1074] : memref<10000x128xf32, #tpu.memory_space<hbm>> -> memref<400x128xf32, #tpu.memory_space<hbm>>
      %dma_wait3A_1076 = arith.constant 0 : i32
      %dma_wait3A_1077 = arith.constant 0 : i32
      %dma_wait3A_1078 = tpu.memref_slice %arg7[%dma_wait3A_1076, %dma_wait3A_1077] : memref<640x128xf32, #tpu.memory_space<vmem>> -> memref<400x128xf32, #tpu.memory_space<vmem>>
      %dma_wait3A_1079 = arith.constant 0 : i32
      %dma_wait3A_1080 = tpu.memref_slice %arg2[%mul3A_10, %dma_wait3A_1079] : memref<10000x128xf32, #tpu.memory_space<hbm>> -> memref<400x128xf32, #tpu.memory_space<hbm>>
      tpu.wait_dma2 semaphore(%arg10 : memref<!tpu.dma_semaphore, #tpu.memory_space<semaphore_mem>>) src(%dma_wait3A_1080 : memref<400x128xf32, #tpu.memory_space<hbm>>) dst(%dma_wait3A_1078 : memref<400x128xf32, #tpu.memory_space<vmem>>)
      %run_scoped3A_1081 = arith.constant 0 : i32
      "tpu.region"() ({
        %run_scoped3A_1086 = tpu.sem_alloc : memref<!tpu.dma_semaphore, #tpu.memory_space<semaphore_mem>>
        %dma_start3A_1087 = arith.constant 0 : i32
        %dma_start3A_1088 = arith.constant 0 : i32
        %dma_start3A_1089 = tpu.memref_slice %arg7[%dma_start3A_1087, %dma_start3A_1088] : memref<640x128xf32, #tpu.memory_space<vmem>> -> memref<80x128xf32, #tpu.memory_space<vmem>>
        %dma_start3A_1090 = arith.constant 0 : i32
        %dma_start3A_1091 = tpu.memref_slice %arg6[%run_scoped3A_1081, %dma_start3A_1090] : memref<8x80xi32, #tpu.memory_space<vmem>> -> memref<1x80xi32, #tpu.memory_space<vmem>>
        %dma_start3A_1092 = tpu.memref_squeeze %dma_start3A_1091 : memref<1x80xi32, #tpu.memory_space<vmem>> -> memref<80xi32, #tpu.memory_space<vmem>>
        %dma_start3A_1093 = arith.constant 0 : i32
        %dma_start3A_1094 = arith.constant 0 : i32
        %dma_start3A_1095 = tpu.memref_slice %arg9[%dma_start3A_1093, %dma_start3A_1094] : memref<256x128xf32, #tpu.memory_space<vmem_shared>> -> memref<256x128xf32, #tpu.memory_space<vmem_shared>>
        tpu.enqueue_indirect_dma source(%dma_start3A_1089 : memref<80x128xf32, #tpu.memory_space<vmem>>) target(%dma_start3A_1095 : memref<256x128xf32, #tpu.memory_space<vmem_shared>>) offsets(%dma_start3A_1092 : memref<80xi32, #tpu.memory_space<vmem>>) semaphore(%run_scoped3A_1086 : memref<!tpu.dma_semaphore, #tpu.memory_space<semaphore_mem>>) {add = true}
        %dma_wait3A_1096 = arith.constant 0 : i32
        %dma_wait3A_1097 = arith.constant 0 : i32
        %dma_wait3A_1098 = tpu.memref_slice %arg7[%dma_wait3A_1096, %dma_wait3A_1097] : memref<640x128xf32, #tpu.memory_space<vmem>> -> memref<80x128xf32, #tpu.memory_space<vmem>>
        %dma_wait3A_1099 = arith.constant 0 : i32
        %dma_wait3A_1100 = tpu.memref_slice %arg6[%run_scoped3A_1081, %dma_wait3A_1099] : memref<8x80xi32, #tpu.memory_space<vmem>> -> memref<1x80xi32, #tpu.memory_space<vmem>>
        %dma_wait3A_1101 = tpu.memref_squeeze %dma_wait3A_1100 : memref<1x80xi32, #tpu.memory_space<vmem>> -> memref<80xi32, #tpu.memory_space<vmem>>
        %dma_wait3A_1102 = arith.constant 0 : i32
        %dma_wait3A_1103 = arith.constant 0 : i32
        %dma_wait3A_1104 = tpu.memref_slice %arg9[%dma_wait3A_1102, %dma_wait3A_1103] : memref<256x128xf32, #tpu.memory_space<vmem_shared>> -> memref<256x128xf32, #tpu.memory_space<vmem_shared>>
        tpu.wait_indirect_dma semaphore(%run_scoped3A_1086 : memref<!tpu.dma_semaphore, #tpu.memory_space<semaphore_mem>>) src(%dma_wait3A_1098 : memref<80x128xf32, #tpu.memory_space<vmem>>) dst(%dma_wait3A_1104 : memref<256x128xf32, #tpu.memory_space<vmem_shared>>)
        tpu.yield
      }) : () -> ()
      %run_scoped3A_1082 = arith.constant 1 : i32
      "tpu.region"() ({
        %run_scoped3A_1086 = tpu.sem_alloc : memref<!tpu.dma_semaphore, #tpu.memory_space<semaphore_mem>>
        %dma_start3A_1087 = arith.constant 80 : i32
        %dma_start3A_1088 = arith.constant 0 : i32
        %dma_start3A_1089 = tpu.memref_slice %arg7[%dma_start3A_1087, %dma_start3A_1088] : memref<640x128xf32, #tpu.memory_space<vmem>> -> memref<80x128xf32, #tpu.memory_space<vmem>>
        %dma_start3A_1090 = arith.constant 0 : i32
        %dma_start3A_1091 = tpu.memref_slice %arg6[%run_scoped3A_1082, %dma_start3A_1090] : memref<8x80xi32, #tpu.memory_space<vmem>> -> memref<1x80xi32, #tpu.memory_space<vmem>>
        %dma_start3A_1092 = tpu.memref_squeeze %dma_start3A_1091 : memref<1x80xi32, #tpu.memory_space<vmem>> -> memref<80xi32, #tpu.memory_space<vmem>>
        %dma_start3A_1093 = arith.constant 0 : i32
        %dma_start3A_1094 = arith.constant 0 : i32
        %dma_start3A_1095 = tpu.memref_slice %arg9[%dma_start3A_1093, %dma_start3A_1094] : memref<256x128xf32, #tpu.memory_space<vmem_shared>> -> memref<256x128xf32, #tpu.memory_space<vmem_shared>>
        tpu.enqueue_indirect_dma source(%dma_start3A_1089 : memref<80x128xf32, #tpu.memory_space<vmem>>) target(%dma_start3A_1095 : memref<256x128xf32, #tpu.memory_space<vmem_shared>>) offsets(%dma_start3A_1092 : memref<80xi32, #tpu.memory_space<vmem>>) semaphore(%run_scoped3A_1086 : memref<!tpu.dma_semaphore, #tpu.memory_space<semaphore_mem>>) {add = true}
        %dma_wait3A_1096 = arith.constant 80 : i32
        %dma_wait3A_1097 = arith.constant 0 : i32
        %dma_wait3A_1098 = tpu.memref_slice %arg7[%dma_wait3A_1096, %dma_wait3A_1097] : memref<640x128xf32, #tpu.memory_space<vmem>> -> memref<80x128xf32, #tpu.memory_space<vmem>>
        %dma_wait3A_1099 = arith.constant 0 : i32
        %dma_wait3A_1100 = tpu.memref_slice %arg6[%run_scoped3A_1082, %dma_wait3A_1099] : memref<8x80xi32, #tpu.memory_space<vmem>> -> memref<1x80xi32, #tpu.memory_space<vmem>>
        %dma_wait3A_1101 = tpu.memref_squeeze %dma_wait3A_1100 : memref<1x80xi32, #tpu.memory_space<vmem>> -> memref<80xi32, #tpu.memory_space<vmem>>
        %dma_wait3A_1102 = arith.constant 0 : i32
        %dma_wait3A_1103 = arith.constant 0 : i32
        %dma_wait3A_1104 = tpu.memref_slice %arg9[%dma_wait3A_1102, %dma_wait3A_1103] : memref<256x128xf32, #tpu.memory_space<vmem_shared>> -> memref<256x128xf32, #tpu.memory_space<vmem_shared>>
        tpu.wait_indirect_dma semaphore(%run_scoped3A_1086 : memref<!tpu.dma_semaphore, #tpu.memory_space<semaphore_mem>>) src(%dma_wait3A_1098 : memref<80x128xf32, #tpu.memory_space<vmem>>) dst(%dma_wait3A_1104 : memref<256x128xf32, #tpu.memory_space<vmem_shared>>)
        tpu.yield
      }) : () -> ()
      %run_scoped3A_1083 = arith.constant 2 : i32
      "tpu.region"() ({
        %run_scoped3A_1086 = tpu.sem_alloc : memref<!tpu.dma_semaphore, #tpu.memory_space<semaphore_mem>>
        %dma_start3A_1087 = arith.constant 160 : i32
        %dma_start3A_1088 = arith.constant 0 : i32
        %dma_start3A_1089 = tpu.memref_slice %arg7[%dma_start3A_1087, %dma_start3A_1088] : memref<640x128xf32, #tpu.memory_space<vmem>> -> memref<80x128xf32, #tpu.memory_space<vmem>>
        %dma_start3A_1090 = arith.constant 0 : i32
        %dma_start3A_1091 = tpu.memref_slice %arg6[%run_scoped3A_1083, %dma_start3A_1090] : memref<8x80xi32, #tpu.memory_space<vmem>> -> memref<1x80xi32, #tpu.memory_space<vmem>>
        %dma_start3A_1092 = tpu.memref_squeeze %dma_start3A_1091 : memref<1x80xi32, #tpu.memory_space<vmem>> -> memref<80xi32, #tpu.memory_space<vmem>>
        %dma_start3A_1093 = arith.constant 0 : i32
        %dma_start3A_1094 = arith.constant 0 : i32
        %dma_start3A_1095 = tpu.memref_slice %arg9[%dma_start3A_1093, %dma_start3A_1094] : memref<256x128xf32, #tpu.memory_space<vmem_shared>> -> memref<256x128xf32, #tpu.memory_space<vmem_shared>>
        tpu.enqueue_indirect_dma source(%dma_start3A_1089 : memref<80x128xf32, #tpu.memory_space<vmem>>) target(%dma_start3A_1095 : memref<256x128xf32, #tpu.memory_space<vmem_shared>>) offsets(%dma_start3A_1092 : memref<80xi32, #tpu.memory_space<vmem>>) semaphore(%run_scoped3A_1086 : memref<!tpu.dma_semaphore, #tpu.memory_space<semaphore_mem>>) {add = true}
        %dma_wait3A_1096 = arith.constant 160 : i32
        %dma_wait3A_1097 = arith.constant 0 : i32
        %dma_wait3A_1098 = tpu.memref_slice %arg7[%dma_wait3A_1096, %dma_wait3A_1097] : memref<640x128xf32, #tpu.memory_space<vmem>> -> memref<80x128xf32, #tpu.memory_space<vmem>>
        %dma_wait3A_1099 = arith.constant 0 : i32
        %dma_wait3A_1100 = tpu.memref_slice %arg6[%run_scoped3A_1083, %dma_wait3A_1099] : memref<8x80xi32, #tpu.memory_space<vmem>> -> memref<1x80xi32, #tpu.memory_space<vmem>>
        %dma_wait3A_1101 = tpu.memref_squeeze %dma_wait3A_1100 : memref<1x80xi32, #tpu.memory_space<vmem>> -> memref<80xi32, #tpu.memory_space<vmem>>
        %dma_wait3A_1102 = arith.constant 0 : i32
        %dma_wait3A_1103 = arith.constant 0 : i32
        %dma_wait3A_1104 = tpu.memref_slice %arg9[%dma_wait3A_1102, %dma_wait3A_1103] : memref<256x128xf32, #tpu.memory_space<vmem_shared>> -> memref<256x128xf32, #tpu.memory_space<vmem_shared>>
        tpu.wait_indirect_dma semaphore(%run_scoped3A_1086 : memref<!tpu.dma_semaphore, #tpu.memory_space<semaphore_mem>>) src(%dma_wait3A_1098 : memref<80x128xf32, #tpu.memory_space<vmem>>) dst(%dma_wait3A_1104 : memref<256x128xf32, #tpu.memory_space<vmem_shared>>)
        tpu.yield
      }) : () -> ()
      %run_scoped3A_1084 = arith.constant 3 : i32
      "tpu.region"() ({
        %run_scoped3A_1086 = tpu.sem_alloc : memref<!tpu.dma_semaphore, #tpu.memory_space<semaphore_mem>>
        %dma_start3A_1087 = arith.constant 240 : i32
        %dma_start3A_1088 = arith.constant 0 : i32
        %dma_start3A_1089 = tpu.memref_slice %arg7[%dma_start3A_1087, %dma_start3A_1088] : memref<640x128xf32, #tpu.memory_space<vmem>> -> memref<80x128xf32, #tpu.memory_space<vmem>>
        %dma_start3A_1090 = arith.constant 0 : i32
        %dma_start3A_1091 = tpu.memref_slice %arg6[%run_scoped3A_1084, %dma_start3A_1090] : memref<8x80xi32, #tpu.memory_space<vmem>> -> memref<1x80xi32, #tpu.memory_space<vmem>>
        %dma_start3A_1092 = tpu.memref_squeeze %dma_start3A_1091 : memref<1x80xi32, #tpu.memory_space<vmem>> -> memref<80xi32, #tpu.memory_space<vmem>>
        %dma_start3A_1093 = arith.constant 0 : i32
        %dma_start3A_1094 = arith.constant 0 : i32
        %dma_start3A_1095 = tpu.memref_slice %arg9[%dma_start3A_1093, %dma_start3A_1094] : memref<256x128xf32, #tpu.memory_space<vmem_shared>> -> memref<256x128xf32, #tpu.memory_space<vmem_shared>>
        tpu.enqueue_indirect_dma source(%dma_start3A_1089 : memref<80x128xf32, #tpu.memory_space<vmem>>) target(%dma_start3A_1095 : memref<256x128xf32, #tpu.memory_space<vmem_shared>>) offsets(%dma_start3A_1092 : memref<80xi32, #tpu.memory_space<vmem>>) semaphore(%run_scoped3A_1086 : memref<!tpu.dma_semaphore, #tpu.memory_space<semaphore_mem>>) {add = true}
        %dma_wait3A_1096 = arith.constant 240 : i32
        %dma_wait3A_1097 = arith.constant 0 : i32
        %dma_wait3A_1098 = tpu.memref_slice %arg7[%dma_wait3A_1096, %dma_wait3A_1097] : memref<640x128xf32, #tpu.memory_space<vmem>> -> memref<80x128xf32, #tpu.memory_space<vmem>>
        %dma_wait3A_1099 = arith.constant 0 : i32
        %dma_wait3A_1100 = tpu.memref_slice %arg6[%run_scoped3A_1084, %dma_wait3A_1099] : memref<8x80xi32, #tpu.memory_space<vmem>> -> memref<1x80xi32, #tpu.memory_space<vmem>>
        %dma_wait3A_1101 = tpu.memref_squeeze %dma_wait3A_1100 : memref<1x80xi32, #tpu.memory_space<vmem>> -> memref<80xi32, #tpu.memory_space<vmem>>
        %dma_wait3A_1102 = arith.constant 0 : i32
        %dma_wait3A_1103 = arith.constant 0 : i32
        %dma_wait3A_1104 = tpu.memref_slice %arg9[%dma_wait3A_1102, %dma_wait3A_1103] : memref<256x128xf32, #tpu.memory_space<vmem_shared>> -> memref<256x128xf32, #tpu.memory_space<vmem_shared>>
        tpu.wait_indirect_dma semaphore(%run_scoped3A_1086 : memref<!tpu.dma_semaphore, #tpu.memory_space<semaphore_mem>>) src(%dma_wait3A_1098 : memref<80x128xf32, #tpu.memory_space<vmem>>) dst(%dma_wait3A_1104 : memref<256x128xf32, #tpu.memory_space<vmem_shared>>)
        tpu.yield
      }) : () -> ()
      %run_scoped3A_1085 = arith.constant 4 : i32
      "tpu.region"() ({
        %run_scoped3A_1086 = tpu.sem_alloc : memref<!tpu.dma_semaphore, #tpu.memory_space<semaphore_mem>>
        %dma_start3A_1087 = arith.constant 320 : i32
        %dma_start3A_1088 = arith.constant 0 : i32
        %dma_start3A_1089 = tpu.memref_slice %arg7[%dma_start3A_1087, %dma_start3A_1088] : memref<640x128xf32, #tpu.memory_space<vmem>> -> memref<80x128xf32, #tpu.memory_space<vmem>>
        %dma_start3A_1090 = arith.constant 0 : i32
        %dma_start3A_1091 = tpu.memref_slice %arg6[%run_scoped3A_1085, %dma_start3A_1090] : memref<8x80xi32, #tpu.memory_space<vmem>> -> memref<1x80xi32, #tpu.memory_space<vmem>>
        %dma_start3A_1092 = tpu.memref_squeeze %dma_start3A_1091 : memref<1x80xi32, #tpu.memory_space<vmem>> -> memref<80xi32, #tpu.memory_space<vmem>>
        %dma_start3A_1093 = arith.constant 0 : i32
        %dma_start3A_1094 = arith.constant 0 : i32
        %dma_start3A_1095 = tpu.memref_slice %arg9[%dma_start3A_1093, %dma_start3A_1094] : memref<256x128xf32, #tpu.memory_space<vmem_shared>> -> memref<256x128xf32, #tpu.memory_space<vmem_shared>>
        tpu.enqueue_indirect_dma source(%dma_start3A_1089 : memref<80x128xf32, #tpu.memory_space<vmem>>) target(%dma_start3A_1095 : memref<256x128xf32, #tpu.memory_space<vmem_shared>>) offsets(%dma_start3A_1092 : memref<80xi32, #tpu.memory_space<vmem>>) semaphore(%run_scoped3A_1086 : memref<!tpu.dma_semaphore, #tpu.memory_space<semaphore_mem>>) {add = true}
        %dma_wait3A_1096 = arith.constant 320 : i32
        %dma_wait3A_1097 = arith.constant 0 : i32
        %dma_wait3A_1098 = tpu.memref_slice %arg7[%dma_wait3A_1096, %dma_wait3A_1097] : memref<640x128xf32, #tpu.memory_space<vmem>> -> memref<80x128xf32, #tpu.memory_space<vmem>>
        %dma_wait3A_1099 = arith.constant 0 : i32
        %dma_wait3A_1100 = tpu.memref_slice %arg6[%run_scoped3A_1085, %dma_wait3A_1099] : memref<8x80xi32, #tpu.memory_space<vmem>> -> memref<1x80xi32, #tpu.memory_space<vmem>>
        %dma_wait3A_1101 = tpu.memref_squeeze %dma_wait3A_1100 : memref<1x80xi32, #tpu.memory_space<vmem>> -> memref<80xi32, #tpu.memory_space<vmem>>
        %dma_wait3A_1102 = arith.constant 0 : i32
        %dma_wait3A_1103 = arith.constant 0 : i32
        %dma_wait3A_1104 = tpu.memref_slice %arg9[%dma_wait3A_1102, %dma_wait3A_1103] : memref<256x128xf32, #tpu.memory_space<vmem_shared>> -> memref<256x128xf32, #tpu.memory_space<vmem_shared>>
        tpu.wait_indirect_dma semaphore(%run_scoped3A_1086 : memref<!tpu.dma_semaphore, #tpu.memory_space<semaphore_mem>>) src(%dma_wait3A_1098 : memref<80x128xf32, #tpu.memory_space<vmem>>) dst(%dma_wait3A_1104 : memref<256x128xf32, #tpu.memory_space<vmem_shared>>)
        tpu.yield
      }) : () -> ()
    } else {
    }
    %barrier3A = arith.constant 0 : index
    tpu.barrier barrier_id(%barrier3A)
    %mul3A = arith.constant 16 : i32
    %mul3A_6 = arith.muli %arg1, %mul3A : i32
    %mul3A_7 = arith.constant 16 : i32
    %mul3A_8 = arith.muli %arg1, %mul3A_7 : i32
    "tpu.region"() ({
      %run_scoped3A = tpu.sem_alloc : memref<!tpu.dma_semaphore, #tpu.memory_space<semaphore_mem>>
      %dma_start3A = arith.constant 0 : i32
      %dma_start3A_9 = tpu.memref_slice %arg5[%mul3A_8, %dma_start3A] : memref<256x256xf32, #tpu.memory_space<hbm>> -> memref<16x128xf32, #tpu.memory_space<hbm>>
      %dma_start3A_10 = arith.constant 0 : i32
      %dma_start3A_11 = tpu.memref_slice %arg9[%mul3A_6, %dma_start3A_10] : memref<256x128xf32, #tpu.memory_space<vmem_shared>> -> memref<16x128xf32, #tpu.memory_space<vmem_shared>>
      tpu.enqueue_dma source(%dma_start3A_11 : memref<16x128xf32, #tpu.memory_space<vmem_shared>>) target(%dma_start3A_9 : memref<16x128xf32, #tpu.memory_space<hbm>>) target_semaphore(%run_scoped3A : memref<!tpu.dma_semaphore, #tpu.memory_space<semaphore_mem>>)
      %dma_wait3A = arith.constant 0 : i32
      %dma_wait3A_12 = tpu.memref_slice %arg5[%mul3A_8, %dma_wait3A] : memref<256x256xf32, #tpu.memory_space<hbm>> -> memref<16x128xf32, #tpu.memory_space<hbm>>
      %dma_wait3A_13 = arith.constant 0 : i32
      %dma_wait3A_14 = tpu.memref_slice %arg9[%mul3A_6, %dma_wait3A_13] : memref<256x128xf32, #tpu.memory_space<vmem_shared>> -> memref<16x128xf32, #tpu.memory_space<vmem_shared>>
      tpu.wait_dma2 semaphore(%run_scoped3A : memref<!tpu.dma_semaphore, #tpu.memory_space<semaphore_mem>>) src(%dma_wait3A_14 : memref<16x128xf32, #tpu.memory_space<vmem_shared>>) dst(%dma_wait3A_12 : memref<16x128xf32, #tpu.memory_space<hbm>>)
      tpu.yield
    }) : () -> ()
    return
  }
}

module attributes {stable_mosaic.version = 14 : i64} {
  func.func @_gru_block(%arg0: i32, %arg1: memref<2000x128xf32, #tpu.memory_space<vmem>>, %arg2: memref<2000x128xf32, #tpu.memory_space<vmem>>, %arg3: memref<2000x256xf32, #tpu.memory_space<vmem>>, %arg4: memref<256x256xf32, #tpu.memory_space<vmem>>, %arg5: memref<256x256xf32, #tpu.memory_space<vmem>>, %arg6: memref<256x256xf32, #tpu.memory_space<vmem>>, %arg7: memref<256x256xf32, #tpu.memory_space<vmem>>, %arg8: memref<256x256xf32, #tpu.memory_space<vmem>>, %arg9: memref<256x256xf32, #tpu.memory_space<vmem>>, %arg10: memref<1x256xf32, #tpu.memory_space<vmem>>, %arg11: memref<1x256xf32, #tpu.memory_space<vmem>>, %arg12: memref<1x256xf32, #tpu.memory_space<vmem>>, %arg13: memref<1x256xf32, #tpu.memory_space<vmem>>, %arg14: memref<1x256xf32, #tpu.memory_space<vmem>>, %arg15: memref<1x256xf32, #tpu.memory_space<vmem>>, %arg16: memref<2000x256xf32, #tpu.memory_space<vmem>>) attributes {dimension_semantics = [#tpu.dimension_semantics<parallel>], iteration_bounds = array<i64: 5>, scalar_prefetch = 0 : i64, scratch_operands = 0 : i64, tpu.core_type = #tpu.core_type<tc>, window_params = [{transform_indices = @transform_0, window_bounds = array<i64: 2000, 128>}, {transform_indices = @transform_1, window_bounds = array<i64: 2000, 128>}, {transform_indices = @transform_2, window_bounds = array<i64: 2000, 256>}, {pipeline_mode = #tpu.pipeline_mode<synchronous>, transform_indices = @transform_3, window_bounds = array<i64: 256, 256>}, {pipeline_mode = #tpu.pipeline_mode<synchronous>, transform_indices = @transform_4, window_bounds = array<i64: 256, 256>}, {pipeline_mode = #tpu.pipeline_mode<synchronous>, transform_indices = @transform_5, window_bounds = array<i64: 256, 256>}, {pipeline_mode = #tpu.pipeline_mode<synchronous>, transform_indices = @transform_6, window_bounds = array<i64: 256, 256>}, {pipeline_mode = #tpu.pipeline_mode<synchronous>, transform_indices = @transform_7, window_bounds = array<i64: 256, 256>}, {pipeline_mode = #tpu.pipeline_mode<synchronous>, transform_indices = @transform_8, window_bounds = array<i64: 256, 256>}, {pipeline_mode = #tpu.pipeline_mode<synchronous>, transform_indices = @transform_9, window_bounds = array<i64: 1, 256>}, {pipeline_mode = #tpu.pipeline_mode<synchronous>, transform_indices = @transform_10, window_bounds = array<i64: 1, 256>}, {pipeline_mode = #tpu.pipeline_mode<synchronous>, transform_indices = @transform_11, window_bounds = array<i64: 1, 256>}, {pipeline_mode = #tpu.pipeline_mode<synchronous>, transform_indices = @transform_12, window_bounds = array<i64: 1, 256>}, {pipeline_mode = #tpu.pipeline_mode<synchronous>, transform_indices = @transform_13, window_bounds = array<i64: 1, 256>}, {pipeline_mode = #tpu.pipeline_mode<synchronous>, transform_indices = @transform_14, window_bounds = array<i64: 1, 256>}, {transform_indices = @transform_15, window_bounds = array<i64: 2000, 256>}]} {
    %get3A = arith.constant 0 : index
    %get3A_0 = arith.constant 0 : index
    %get3A_1 = vector.load %arg1[%get3A, %get3A_0] : memref<2000x128xf32, #tpu.memory_space<vmem>>, vector<2000x128xf32>
    %get3A_2 = arith.constant 0 : index
    %get3A_3 = arith.constant 0 : index
    %get3A_4 = vector.load %arg2[%get3A_2, %get3A_3] : memref<2000x128xf32, #tpu.memory_space<vmem>>, vector<2000x128xf32>
    %concatenate3A = tpu.concatenate %get3A_1, %get3A_4 in 1 : vector<2000x128xf32>, vector<2000x128xf32> -> vector<2000x256xf32>
    %get3A_5 = arith.constant 0 : index
    %get3A_6 = arith.constant 0 : index
    %get3A_7 = vector.load %arg3[%get3A_5, %get3A_6] : memref<2000x256xf32, #tpu.memory_space<vmem>>, vector<2000x256xf32>
    %get3A_8 = arith.constant 0 : index
    %get3A_9 = arith.constant 0 : index
    %get3A_10 = vector.load %arg4[%get3A_8, %get3A_9] : memref<256x256xf32, #tpu.memory_space<vmem>>, vector<256x256xf32>
    %dot_general3A = arith.constant dense<0.000000e+00> : vector<2000x256xf32>
    %dot_general3A_11 = tpu.matmul %concatenate3A, %get3A_10, %dot_general3A {dimension_numbers = #tpu.dot_dimension_numbers<[1], [0], [0], [1], [0, 0, 1, 1], [], []>, transpose_lhs_hint = false} : vector<2000x256xf32>, vector<256x256xf32>, vector<2000x256xf32> -> vector<2000x256xf32>
    %get3A_12 = arith.constant 0 : index
    %get3A_13 = arith.constant 0 : index
    %get3A_14 = vector.load %arg5[%get3A_12, %get3A_13] : memref<256x256xf32, #tpu.memory_space<vmem>>, vector<256x256xf32>
    %dot_general3A_15 = arith.constant dense<0.000000e+00> : vector<2000x256xf32>
    %dot_general3A_16 = tpu.matmul %get3A_7, %get3A_14, %dot_general3A_15 {dimension_numbers = #tpu.dot_dimension_numbers<[1], [0], [0], [1], [0, 0, 1, 1], [], []>, transpose_lhs_hint = false} : vector<2000x256xf32>, vector<256x256xf32>, vector<2000x256xf32> -> vector<2000x256xf32>
    %add3A = arith.addf %dot_general3A_11, %dot_general3A_16 : vector<2000x256xf32>
    %get3A_17 = arith.constant 0 : index
    %get3A_18 = arith.constant 0 : index
    %get3A_19 = vector.load %arg10[%get3A_17, %get3A_18] : memref<1x256xf32, #tpu.memory_space<vmem>>, vector<1x256xf32>
    %get3A_20 = arith.constant 0 : index
    %get3A_21 = arith.constant 0 : index
    %get3A_22 = vector.load %arg11[%get3A_20, %get3A_21] : memref<1x256xf32, #tpu.memory_space<vmem>>, vector<1x256xf32>
    %add3A_23 = arith.addf %get3A_19, %get3A_22 : vector<1x256xf32>
    %add3A_24 = vector.broadcast %add3A_23 : vector<1x256xf32> to vector<2000x256xf32>
    %add3A_25 = arith.addf %add3A, %add3A_24 : vector<2000x256xf32>
    %logistic3A = arith.negf %add3A_25 : vector<2000x256xf32>
    %logistic3A_26 = math.exp %logistic3A : vector<2000x256xf32>
    %logistic3A_27 = arith.constant 1.000000e+00 : f32
    %logistic3A_28 = vector.broadcast %logistic3A_27 : f32 to vector<2000x256xf32>
    %logistic3A_29 = arith.addf %logistic3A_28, %logistic3A_26 : vector<2000x256xf32>
    %logistic3A_30 = arith.divf %logistic3A_28, %logistic3A_29 : vector<2000x256xf32>
    %get3A_31 = arith.constant 0 : index
    %get3A_32 = arith.constant 0 : index
    %get3A_33 = vector.load %arg6[%get3A_31, %get3A_32] : memref<256x256xf32, #tpu.memory_space<vmem>>, vector<256x256xf32>
    %dot_general3A_34 = arith.constant dense<0.000000e+00> : vector<2000x256xf32>
    %dot_general3A_35 = tpu.matmul %concatenate3A, %get3A_33, %dot_general3A_34 {dimension_numbers = #tpu.dot_dimension_numbers<[1], [0], [0], [1], [0, 0, 1, 1], [], []>, transpose_lhs_hint = false} : vector<2000x256xf32>, vector<256x256xf32>, vector<2000x256xf32> -> vector<2000x256xf32>
    %get3A_36 = arith.constant 0 : index
    %get3A_37 = arith.constant 0 : index
    %get3A_38 = vector.load %arg7[%get3A_36, %get3A_37] : memref<256x256xf32, #tpu.memory_space<vmem>>, vector<256x256xf32>
    %dot_general3A_39 = arith.constant dense<0.000000e+00> : vector<2000x256xf32>
    %dot_general3A_40 = tpu.matmul %get3A_7, %get3A_38, %dot_general3A_39 {dimension_numbers = #tpu.dot_dimension_numbers<[1], [0], [0], [1], [0, 0, 1, 1], [], []>, transpose_lhs_hint = false} : vector<2000x256xf32>, vector<256x256xf32>, vector<2000x256xf32> -> vector<2000x256xf32>
    %add3A_41 = arith.addf %dot_general3A_35, %dot_general3A_40 : vector<2000x256xf32>
    %get3A_42 = arith.constant 0 : index
    %get3A_43 = arith.constant 0 : index
    %get3A_44 = vector.load %arg12[%get3A_42, %get3A_43] : memref<1x256xf32, #tpu.memory_space<vmem>>, vector<1x256xf32>
    %get3A_45 = arith.constant 0 : index
    %get3A_46 = arith.constant 0 : index
    %get3A_47 = vector.load %arg13[%get3A_45, %get3A_46] : memref<1x256xf32, #tpu.memory_space<vmem>>, vector<1x256xf32>
    %add3A_48 = arith.addf %get3A_44, %get3A_47 : vector<1x256xf32>
    %add3A_49 = vector.broadcast %add3A_48 : vector<1x256xf32> to vector<2000x256xf32>
    %add3A_50 = arith.addf %add3A_41, %add3A_49 : vector<2000x256xf32>
    %logistic3A_51 = arith.negf %add3A_50 : vector<2000x256xf32>
    %logistic3A_52 = math.exp %logistic3A_51 : vector<2000x256xf32>
    %logistic3A_53 = arith.constant 1.000000e+00 : f32
    %logistic3A_54 = vector.broadcast %logistic3A_53 : f32 to vector<2000x256xf32>
    %logistic3A_55 = arith.addf %logistic3A_54, %logistic3A_52 : vector<2000x256xf32>
    %logistic3A_56 = arith.divf %logistic3A_54, %logistic3A_55 : vector<2000x256xf32>
    %get3A_57 = arith.constant 0 : index
    %get3A_58 = arith.constant 0 : index
    %get3A_59 = vector.load %arg8[%get3A_57, %get3A_58] : memref<256x256xf32, #tpu.memory_space<vmem>>, vector<256x256xf32>
    %dot_general3A_60 = arith.constant dense<0.000000e+00> : vector<2000x256xf32>
    %dot_general3A_61 = tpu.matmul %concatenate3A, %get3A_59, %dot_general3A_60 {dimension_numbers = #tpu.dot_dimension_numbers<[1], [0], [0], [1], [0, 0, 1, 1], [], []>, transpose_lhs_hint = false} : vector<2000x256xf32>, vector<256x256xf32>, vector<2000x256xf32> -> vector<2000x256xf32>
    %mul3A = arith.mulf %get3A_7, %logistic3A_56 : vector<2000x256xf32>
    %get3A_62 = arith.constant 0 : index
    %get3A_63 = arith.constant 0 : index
    %get3A_64 = vector.load %arg9[%get3A_62, %get3A_63] : memref<256x256xf32, #tpu.memory_space<vmem>>, vector<256x256xf32>
    %dot_general3A_65 = arith.constant dense<0.000000e+00> : vector<2000x256xf32>
    %dot_general3A_66 = tpu.matmul %mul3A, %get3A_64, %dot_general3A_65 {dimension_numbers = #tpu.dot_dimension_numbers<[1], [0], [0], [1], [0, 0, 1, 1], [], []>, transpose_lhs_hint = false} : vector<2000x256xf32>, vector<256x256xf32>, vector<2000x256xf32> -> vector<2000x256xf32>
    %add3A_67 = arith.addf %dot_general3A_61, %dot_general3A_66 : vector<2000x256xf32>
    %get3A_68 = arith.constant 0 : index
    %get3A_69 = arith.constant 0 : index
    %get3A_70 = vector.load %arg14[%get3A_68, %get3A_69] : memref<1x256xf32, #tpu.memory_space<vmem>>, vector<1x256xf32>
    %get3A_71 = arith.constant 0 : index
    %get3A_72 = arith.constant 0 : index
    %get3A_73 = vector.load %arg15[%get3A_71, %get3A_72] : memref<1x256xf32, #tpu.memory_space<vmem>>, vector<1x256xf32>
    %add3A_74 = arith.addf %get3A_70, %get3A_73 : vector<1x256xf32>
    %add3A_75 = vector.broadcast %add3A_74 : vector<1x256xf32> to vector<2000x256xf32>
    %add3A_76 = arith.addf %add3A_67, %add3A_75 : vector<2000x256xf32>
    %tanh3A = math.tanh %add3A_76 : vector<2000x256xf32>
    %mul3A_77 = arith.mulf %logistic3A_30, %get3A_7 : vector<2000x256xf32>
    %sub3A = arith.constant 1.000000e+00 : f32
    %sub3A_78 = vector.broadcast %sub3A : f32 to vector<2000x256xf32>
    %sub3A_79 = arith.subf %sub3A_78, %logistic3A_30 : vector<2000x256xf32>
    %mul3A_80 = arith.mulf %sub3A_79, %tanh3A : vector<2000x256xf32>
    %add3A_81 = arith.addf %mul3A_77, %mul3A_80 : vector<2000x256xf32>
    %swap3A = arith.constant 0 : index
    %swap3A_82 = arith.constant 0 : index
    %swap3A_83 = vector.load %arg16[%swap3A, %swap3A_82] : memref<2000x256xf32, #tpu.memory_space<vmem>>, vector<2000x256xf32>
    tpu.vector_store %arg16[%swap3A, %swap3A_82], %add3A_81 {strides = array<i32>} : memref<2000x256xf32, #tpu.memory_space<vmem>>, vector<2000x256xf32>,
    return
  }
  func.func @transform_0(%arg0: i32) -> (i32, i32) {
    %c0_i32 = arith.constant 0 : i32
    %c0_i32_0 = arith.constant 0 : i32
    return %arg0, %c0_i32 : i32, i32
  }
  func.func @transform_1(%arg0: i32) -> (i32, i32) {
    %c0_i32 = arith.constant 0 : i32
    %c0_i32_0 = arith.constant 0 : i32
    return %arg0, %c0_i32 : i32, i32
  }
  func.func @transform_2(%arg0: i32) -> (i32, i32) {
    %c0_i32 = arith.constant 0 : i32
    %c0_i32_0 = arith.constant 0 : i32
    return %arg0, %c0_i32 : i32, i32
  }
  func.func @transform_3(%arg0: i32) -> (i32, i32) {
    %c0_i32 = arith.constant 0 : i32
    %c0_i32_0 = arith.constant 0 : i32
    %c0_i32_1 = arith.constant 0 : i32
    return %c0_i32, %c0_i32_0 : i32, i32
  }
  func.func @transform_4(%arg0: i32) -> (i32, i32) {
    %c0_i32 = arith.constant 0 : i32
    %c0_i32_0 = arith.constant 0 : i32
    %c0_i32_1 = arith.constant 0 : i32
    return %c0_i32, %c0_i32_0 : i32, i32
  }
  func.func @transform_5(%arg0: i32) -> (i32, i32) {
    %c0_i32 = arith.constant 0 : i32
    %c0_i32_0 = arith.constant 0 : i32
    %c0_i32_1 = arith.constant 0 : i32
    return %c0_i32, %c0_i32_0 : i32, i32
  }
  func.func @transform_6(%arg0: i32) -> (i32, i32) {
    %c0_i32 = arith.constant 0 : i32
    %c0_i32_0 = arith.constant 0 : i32
    %c0_i32_1 = arith.constant 0 : i32
    return %c0_i32, %c0_i32_0 : i32, i32
  }
  func.func @transform_7(%arg0: i32) -> (i32, i32) {
    %c0_i32 = arith.constant 0 : i32
    %c0_i32_0 = arith.constant 0 : i32
    %c0_i32_1 = arith.constant 0 : i32
    return %c0_i32, %c0_i32_0 : i32, i32
  }
  func.func @transform_8(%arg0: i32) -> (i32, i32) {
    %c0_i32 = arith.constant 0 : i32
    %c0_i32_0 = arith.constant 0 : i32
    %c0_i32_1 = arith.constant 0 : i32
    return %c0_i32, %c0_i32_0 : i32, i32
  }
  func.func @transform_9(%arg0: i32) -> (i32, i32) {
    %c0_i32 = arith.constant 0 : i32
    %c0_i32_0 = arith.constant 0 : i32
    %c0_i32_1 = arith.constant 0 : i32
    return %c0_i32, %c0_i32_0 : i32, i32
  }
  func.func @transform_10(%arg0: i32) -> (i32, i32) {
    %c0_i32 = arith.constant 0 : i32
    %c0_i32_0 = arith.constant 0 : i32
    %c0_i32_1 = arith.constant 0 : i32
    return %c0_i32, %c0_i32_0 : i32, i32
  }
  func.func @transform_11(%arg0: i32) -> (i32, i32) {
    %c0_i32 = arith.constant 0 : i32
    %c0_i32_0 = arith.constant 0 : i32
    %c0_i32_1 = arith.constant 0 : i32
    return %c0_i32, %c0_i32_0 : i32, i32
  }
  func.func @transform_12(%arg0: i32) -> (i32, i32) {
    %c0_i32 = arith.constant 0 : i32
    %c0_i32_0 = arith.constant 0 : i32
    %c0_i32_1 = arith.constant 0 : i32
    return %c0_i32, %c0_i32_0 : i32, i32
  }
  func.func @transform_13(%arg0: i32) -> (i32, i32) {
    %c0_i32 = arith.constant 0 : i32
    %c0_i32_0 = arith.constant 0 : i32
    %c0_i32_1 = arith.constant 0 : i32
    return %c0_i32, %c0_i32_0 : i32, i32
  }
  func.func @transform_14(%arg0: i32) -> (i32, i32) {
    %c0_i32 = arith.constant 0 : i32
    %c0_i32_0 = arith.constant 0 : i32
    %c0_i32_1 = arith.constant 0 : i32
    return %c0_i32, %c0_i32_0 : i32, i32
  }
  func.func @transform_15(%arg0: i32) -> (i32, i32) {
    %c0_i32 = arith.constant 0 : i32
    %c0_i32_0 = arith.constant 0 : i32
    return %arg0, %c0_i32 : i32, i32
  }
}

module attributes {stable_mosaic.version = 14 : i64} {
  func.func @_glob_block(%arg0: memref<256x64xf32, #tpu.memory_space<vmem>>, %arg1: memref<64x128xf32, #tpu.memory_space<vmem>>, %arg2: memref<1x128xf32, #tpu.memory_space<vmem>>, %arg3: memref<256x128xf32, #tpu.memory_space<vmem>>) attributes {dimension_semantics = [], scalar_prefetch = 0 : i64, scratch_operands = 0 : i64, tpu.core_type = #tpu.core_type<tc>} {
    %get3A = arith.constant 0 : index
    %get3A_0 = arith.constant 0 : index
    %get3A_1 = vector.load %arg0[%get3A, %get3A_0] : memref<256x64xf32, #tpu.memory_space<vmem>>, vector<256x64xf32>
    %get3A_2 = arith.constant 0 : index
    %get3A_3 = arith.constant 0 : index
    %get3A_4 = vector.load %arg1[%get3A_2, %get3A_3] : memref<64x128xf32, #tpu.memory_space<vmem>>, vector<64x128xf32>
    %dot_general3A = arith.constant dense<0.000000e+00> : vector<256x128xf32>
    %dot_general3A_5 = tpu.matmul %get3A_1, %get3A_4, %dot_general3A {dimension_numbers = #tpu.dot_dimension_numbers<[1], [0], [0], [1], [0, 0, 1, 1], [], []>, transpose_lhs_hint = false} : vector<256x64xf32>, vector<64x128xf32>, vector<256x128xf32> -> vector<256x128xf32>
    %get3A_6 = arith.constant 0 : index
    %get3A_7 = arith.constant 0 : index
    %get3A_8 = vector.load %arg2[%get3A_6, %get3A_7] : memref<1x128xf32, #tpu.memory_space<vmem>>, vector<1x128xf32>
    %add3A = vector.broadcast %get3A_8 : vector<1x128xf32> to vector<256x128xf32>
    %add3A_9 = arith.addf %dot_general3A_5, %add3A : vector<256x128xf32>
    %max3A = arith.constant 0.000000e+00 : f32
    %max3A_10 = vector.broadcast %max3A : f32 to vector<256x128xf32>
    %max3A_11 = arith.maximumf %add3A_9, %max3A_10 : vector<256x128xf32>
    %swap3A = arith.constant 0 : index
    %swap3A_12 = arith.constant 0 : index
    %swap3A_13 = vector.load %arg3[%swap3A, %swap3A_12] : memref<256x128xf32, #tpu.memory_space<vmem>>, vector<256x128xf32>
    tpu.vector_store %arg3[%swap3A, %swap3A_12], %max3A_11 {strides = array<i32>} : memref<256x128xf32, #tpu.memory_space<vmem>>, vector<256x128xf32>,
    return
  }
}

</mosaic_0001>

<sc_bundles>
// kernel: kernel.5.cloned.1.call-start
scs
__scs_entry_jumppad:
0x0: {  	(pc) =	sbr.rel $0x88, $3  }
0x1: {  	(tag) =	ssettag $0x0;
	lr =	simm.s32 $0x1  }
0x2: {  	[smem:$0x3F8E] =	sst lr;
	_ =	strace $0xD0000000  }
0x3: {  	_ = 	snop  }
0x4: {  	_ = 	snop  }
0x5: {  	_ = 	snop  }
0x6: {  	_ = 	snop  }
0x7: {  	_ = 	snop  }
__scs_overlays_trampoline_lowered:
0x8: {  	[smem:$0x3F9D] =	sst s0  }
0x9: {  	[smem:$0x3F9E] =	sst s1  }
0xa: {  	[smem:$0x3F9F] =	sst s2  }
0xb: {  	[smem:$0x3FA0] =	sst s3  }
0xc: {  	[smem:$0x3FA1] =	sst s4  }
0xd: {  	[smem:$0x3FA2] =	sst s5  }
0xe: {  	[smem:$0x3FA3] =	sst s6  }
0xf: {  	[smem:$0x3FA4] =	sst s7  }
0x10: {  	[smem:$0x3FA5] =	sst s8  }
0x11: {  	[smem:$0x3FA6] =	sst s9;
	s0 =	simm.s32 @!p0 $0x0  }
0x12: {  	s1 =	sld [smem:$0x3F8C];
	s0 =	simm.s32 @p0 $0x1  }
0x13: {  	[smem:$0x3FA7] =	sst s0;
	s0 =	simm.s32 @!p1 $0x0  }
0x14: {  	s2 =	sld [smem:$0x3F8B];
	s0 =	simm.s32 @p1 $0x1  }
0x15: {  	[smem:$0x3FA8] =	sst s0;
	s0 =	simm.s32 @!p2 $0x0  }
0x16: {  	s3 =	sld [smem:$0x3FDB];
	s0 =	simm.s32 @p2 $0x1  }
0x17: {  	s4 =	simm.s32 $0x1BF5;
	[smem:$0x3FAA] =	sst s0  }
0x18: {  	s0 =	sld [smem:$0x3F8D];
	_ =	swait.ge [sflag:s4], $0x0  }
0x19: {  	s7 =	sld [smem:$0x3F8E]  }
0x1a: {  	s8 =	sadd.s32 $0xFFFFE003, lr  }
0x1b: {  	s9 =	sadd.s32 $0xFFFFFEF7, lr;
	s5 =	simm.s32 $0xFFFFFFFF;
	p2 =	slt.u32 s8, $0xFFFFF086  }
0x1c: {  	p1 =	slt.u32 s9, $0xF7A;
	s5 =	simm.s32 @!p2 $0x0  }
0x1d: {  	s5 =	simm.s32 @p1 $0x1;
	p0 =	seq.s32 s7, s2  }
0x1e: {  	s7 =	smul.u32 @!p0 $0xF7A, s2;
	p2 =	seq.s32 @!p0 s5, $0x0  }
0x1f: {  	s9 =	smul.u32 $0xF7A, s1;
	s8 =	simm.s32 @!p0 $0x1BF5;
	p2 =	por !p2, p0  }
0x20: {  	[sflag:s8] =	ssyncset.s32 @!p0 $0xFFFFF086;
	s6 =	sadd.s32 @!p0 s3, s7;
	s7 =	simm.s32 @!p0 $0x108  }
0x21: {  	s3 =	sadd.s32 s3, s9;
	s6 =	sadd.s32 @!p0 $0x88, s6;
	s7 =	simm.s32 @p2 $0x1082  }
0x22: {  	[simem:s7], [sflag:s8] =	dma.local @!p0 [hbm:s6], $0xF7A  }
0x23: {  	s9 =	sor.u32 $0xD0000000, s2;
	s6 =	simm.s32 $0x108;
	_ =	swait.ge @!p0 [sflag:s8], $0x0  }
0x24: {  	s3 =	sadd.s32 $0x88, s3;
	s6 =	simm.s32 @!p1 $0x1082;
	[sflag:s4] =	ssyncset.s32 $0xFFFFF086  }
0x25: {  	[simem:s6], [sflag:s4] =	dma.local [hbm:s3], $0xF7A  }
0x26: {  	[smem:$0x3F8E] =	sst s1;
	(tag) =	ssettag s2;
	_ =	strace s9  }
0x27: {  	s1 =	sld [smem:$0x3F9E]  }
0x28: {  	s2 =	sld [smem:$0x3F9F]  }
0x29: {  	s4 =	sld [smem:$0x3FA1]  }
0x2a: {  	p0 =	seq.s32 s5, $0x0;
	s5 =	sld [smem:$0x3FA2]  }
0x2b: {  	s6 =	sld [smem:$0x3FA3]  }
0x2c: {  	s7 =	sld [smem:$0x3FA4]  }
0x2d: {  	s3 =	simm.s32 $0x108;
	s8 =	sld [smem:$0x3FA5]  }
0x2e: {  	s3 =	simm.s32 @!p0 $0x1082;
	s9 =	sld [smem:$0x3FA6]  }
0x2f: {  	lr =	sadd.s32 s0, s3;
	s0 =	sld [smem:$0x3F9D]  }
0x30: {  	s3 =	sld [smem:$0x3FA0]  }
0x31: {  	[smem:$0x3FA9] =	sst s10  }
0x32: {  	s10 =	sld [smem:$0x3FA7];
	_ =	sdelay $0x3  }
0x33: {  	p0 =	seq.s32 s10, $0x1;
	s10 =	sld [smem:$0x3FA9];
	_ =	sdelay $0x3  }
0x34: {  	[smem:$0x3FA9] =	sst s10  }
0x35: {  	s10 =	sld [smem:$0x3FA8];
	_ =	sdelay $0x3  }
0x36: {  	p1 =	seq.s32 s10, $0x1;
	s10 =	sld [smem:$0x3FA9];
	_ =	sdelay $0x3  }
0x37: {  	[smem:$0x3FA9] =	sst s10  }
0x38: {  	s10 =	sld [smem:$0x3FAA]  }
0x39: {  	_ = 	snop;
	(pc) =	sbr.ind lr, $3  }
0x3a: {  	_ = 	snop  }
0x3b: {  	_ = 	snop  }
0x3c: {  	p2 =	seq.s32 s10, $0x1;
	s10 =	sld [smem:$0x3FA9]  }
0x3d: {  	_ =	shalt  }
0x3e: {  	_ =	shalt  }
0x3f: {  	_ =	shalt  }
0x40: {  	_ =	shalt  }
0x41: {  	_ =	shalt  }
0x42: {  	_ =	shalt  }
0x43: {  	_ =	shalt  }
0x44: {  	_ =	shalt  }
0x45: {  	_ =	shalt  }
0x46: {  	_ =	shalt  }
0x47: {  	_ =	shalt  }
0x48: {  	_ =	shalt  }
0x49: {  	_ =	shalt  }
0x4a: {  	_ =	shalt  }
0x4b: {  	_ =	shalt  }
0x4c: {  	_ =	shalt  }
0x4d: {  	_ =	shalt  }
0x4e: {  	_ =	shalt  }
0x4f: {  	_ =	shalt  }
0x50: {  	_ =	shalt  }
0x51: {  	_ =	shalt  }
0x52: {  	_ =	shalt  }
0x53: {  	_ =	shalt  }
0x54: {  	_ =	shalt  }
0x55: {  	_ =	shalt  }
0x56: {  	_ =	shalt  }
0x57: {  	_ =	shalt  }
0x58: {  	_ =	shalt  }
0x59: {  	_ =	shalt  }
0x5a: {  	_ =	shalt  }
0x5b: {  	_ =	shalt  }
0x5c: {  	_ =	shalt  }
0x5d: {  	_ =	shalt  }
0x5e: {  	_ =	shalt  }
0x5f: {  	_ =	shalt  }
0x60: {  	_ =	shalt  }
0x61: {  	_ =	shalt  }
0x62: {  	_ =	shalt  }
0x63: {  	_ =	shalt  }
0x64: {  	_ =	shalt  }
0x65: {  	_ =	shalt  }
0x66: {  	_ =	shalt  }
0x67: {  	_ =	shalt  }
0x68: {  	_ =	shalt  }
0x69: {  	_ =	shalt  }
0x6a: {  	_ =	shalt  }
0x6b: {  	_ =	shalt  }
0x6c: {  	_ =	shalt  }
0x6d: {  	_ =	shalt  }
0x6e: {  	_ =	shalt  }
0x6f: {  	_ =	shalt  }
0x70: {  	_ =	shalt  }
0x71: {  	_ =	shalt  }
0x72: {  	_ =	shalt  }
0x73: {  	_ =	shalt  }
0x74: {  	_ =	shalt  }
0x75: {  	_ =	shalt  }
0x76: {  	_ =	shalt  }
0x77: {  	_ =	shalt  }
0x78: {  	_ =	shalt  }
0x79: {  	_ =	shalt  }
0x7a: {  	_ =	shalt  }
0x7b: {  	_ =	shalt  }
0x7c: {  	_ =	shalt  }
0x7d: {  	_ =	shalt  }
0x7e: {  	_ =	shalt  }
0x7f: {  	_ =	shalt  }
0x80: {  	_ =	shalt  }
0x81: {  	_ =	shalt  }
0x82: {  	_ =	shalt  }
0x83: {  	_ =	shalt  }
0x84: {  	_ =	shalt  }
0x85: {  	_ =	shalt  }
0x86: {  	_ =	shalt  }
0x87: {  	_ =	shalt  }
.Lfunc_end0:
.L_simem_size_0:
called_computation_lowered:
.L_overlay_start_0:
0x88: {  	s0 =	sld [smem:$0x3FD9]  }
0x89: {  	s1 =	sld [smem:$0x3FFE];
	_ =	sdelay $0x3  }
0x8a: {  	s0 =	sadd.s32 s1, s0  }
0x8b: {  	[smem:$0x3FB5] =	sst s0  }
0x8c: {  	_ = 	snop  }
0x8d: {  	s0 =	sld [smem:$0x3FD0];
	_ =	sdelay $0x1  }
0x8e: {  	s13 =	sld [smem:$0x3FC9]  }
0x8f: {  	s3 =	simm.s32 $0xA;
	s4 =	simm.s32 $0x10;
	s2 =	sld [smem:$0x3FC6]  }
0x90: {  	[smem:s4], [sflag:s3] =	dma.local [hbm:s0], $0x1  }
0x91: {  	_ =	swait.eq [sflag:s3], $0x1  }
0x92: {  	[sflag:s3] =	ssyncset.done $0x0  }
0x93: {  	[sflag:s3] =	ssyncadd.s32 $0xFFFFFFFF  }
0x94: {  	s14 =	sld [smem:$0x10];
	(tm) =	ssettm $0x1  }
0x95: {  	s15 =	sld [smem:$0x3FFB];
	_ =	sdelay $0x3  }
0x96: {  	_ =	strace s15  }
0x97: {  	s3 =	sld [smem:$0x3FFC];
	_ =	sdelay $0x3  }
0x98: {  	_ =	strace s3  }
0x99: {  	s3 =	sld [smem:$0x3FFD];
	_ =	sdelay $0x3  }
0x9a: {  	_ =	strace s3  }
0x9b: {  	_ =	strace $0x8FFFFFFF  }
0x9c: {  	s16 =	sld [smem:$0x3FDB];
	_ =	sdelay $0x1  }
0x9d: {  	s17 =	simm.s32 $_scs_section_size  }
0x9e: {  	s5 =	simm.s32 $_size__tile_overlayer_lowered;
	s6 =	simm.s32 $_tile_overlayer_lowered  }
0x9f: {  	s20 =	simm.s32 $0x1BFF;
	s19 =	sshll.u32 s6, $0x1;
	s3 =	sadd.s32 s17, s16  }
0xa0: {  	s7 =	simm.s32 $0x0;
	s18 =	sshll.u32 s5, $0x1;
	s5 =	sadd.s32 s19, s3  }
0xa1: {  	[timem:s7], [sflag:s20] =	dma.local [hbm:s5], s18  }
0xa2: {  	_ =	swait.ge [sflag:s20], s18  }
0xa3: {  	s4 =	ssub.s32 $0x0, s18;
	[sflag:s20] =	ssyncset.done $0x0  }
0xa4: {  	[sflag:s20] =	ssyncadd.s32 s4;
	_ =	sdelay $0x1  }
0xa5: {  	s21 =	simm.s32 $0x1B8B  }
0xa6: {  	_ =	swait.ge [sflag:s21], $0x1  }
0xa7: {  	[sflag:s21] =	ssyncset.done $0x0  }
0xa8: {  	s23 =	simm.s32 $0x1B8E;
	s22 =	sld [smem:$0x3FFE];
	[sflag:s21] =	ssyncadd.s32 $0xFFFFFFFF  }
0xa9: {  	s24 =	simm.s32 $execute0_lowered;
	[smem:$0x3FD2] =	sst s23  }
0xaa: {  	s5 =	sshll.u32 s24, $0x1;
	_ =	strace $0x80000046;
	[dreg:$0x1] =	wrdreg $0xFFFFFFFF  }
0xab: {  	s25 =	simm.s32 $_size_execute0_lowered;
	s3 =	sadd.s32 s3, s5;
	[dreg:$0x0] =	wrdreg $0x0  }
0xac: {  	s5 =	sshll.u32 s25, $0x1;
	[dreg:$0x2] =	wrdreg s3  }
0xad: {  	[dreg:$0x3] =	wrdreg s5  }
0xae: {  	[dreg:$0x4] =	wrdreg $0xC0  }
0xaf: {  	_ =	task [dreg:s7], $0x5FFFF  }
0xb0: {  	[dreg:$0x1] =	wrdreg $0xFFFFFFFF  }
0xb1: {  	[dreg:$0x0] =	wrdreg $0x60  }
0xb2: {  	[dreg:$0x2] =	wrdreg s13  }
0xb3: {  	[dreg:$0x3] =	wrdreg s2  }
0xb4: {  	[dreg:$0x4] =	wrdreg s22  }
0xb5: {  	[dreg:$0x5] =	wrdreg s14  }
0xb6: {  	[dreg:$0x6] =	wrdreg $0x14C000  }
0xb7: {  	[dreg:$0x7] =	wrdreg $0x9  }
0xb8: {  	_ =	task.clear_ibuf [dreg:s7], $0x8FFFF;
	_ =	strace $0x90000046  }
0xb9: {  	s26 =	simm.s32 $0x9;
	_ =	strace $0x80000048  }
0xba: {  	_ =	swait.ge [sflag:s26], $0x1  }
0xbb: {  	[sflag:s26] =	ssyncadd.s32 $0xFFFFFFFF  }
0xbc: {  	_ =	strace $0x90000048  }
0xbd: {  	_ =	sfence  }
0xbe: {  	s28 =	sld [smem:$0x0];
	_ =	sdelay $0x1  }
0xbf: {  	s29 =	srdreg.scid  }
0xc0: {  	s30 =	sshll.u32 s29, $0xD;
	s31 =	sshrl.u32 s29, $0x2  }
0xc1: {  	s1 =	sand.u32 $0x1, s29;
	s2 =	sand.u32 $0x4000, s30;
	s0 =	sadd.s32 s31, s28  }
0xc2: {  	s1 =	sor.u32 s2, s1;
	s0 =	sshll.u32 s0, $0x11  }
0xc3: {  	s0 =	sor.u32 s0, s1  }
0xc4: {  	s0 =	sadd.s32 $0x8F2B, s0  }
0xc5: {  	[sflag:s0] =	ssyncadd.remote.s32 $0x1  }
0xc6: {  	_ =	sfence.sel $0xFFFF  }
0xc7: {  	[dreg:$0x0] =	wrdreg $0xFFFFFFFF;
	(pc) =	sbr.abs _section_cstart, $3  }
0xc8: {  	[dreg:$0x1] =	wrdreg $0xFFFFFFFF  }
0xc9: {  	_ =	task.clear_ibuf [dreg:s7], $0x2FFFF;
	_ =	strace $0x9FFFFFFF  }
0xca: {  	(tm) =	ssettm $0x7FFFFFFF  }
0xcb: {  	_ =	shalt  }
tec
execute0_lowered:
.L_overlay_start_1:
0x0: {  	(tag) =	ssettag $0x1  }
0x1: {  	s7 =	rddreg [dreg:$0x0]  }
0x2: {  	s11 =	rddreg [dreg:$0x1]  }
0x3: {  	s2 =	rddreg [dreg:$0x2];
	s1 =	stileid.u32  }
0x4: {  	s6 =	rddreg [dreg:$0x3];
	p0 =	seq.s32 s1, $0xF  }
.Ltmp0:
0x5: {  	s4 =	rddreg [dreg:$0x4];
	(pc) =	sbr.rel @!p0 .LBB2_1-.Ltmp0, $4  }
0x6: {  	s0 =	rddreg [dreg:$0x5];
	s5 =	simm.s32 $0x0  }
0x7: {  	[smem:$0x7FF] =	sst s5  }
0x8: {  	s3 =	sshll.u32 s1, $0xB;
	s10 =	sshll.u32 s1, $0x9;
	s9 =	sadd.s32 $0x2E00, s2  }
0x9: {  	_ =	strace $0x80000047;
	s3 =	sadd.s32 s3, s4;
	s2 =	sadd.s32 s6, s10  }
0xa: {  	s7 =	sadd.s32 $0x25800, s7;
	s8 =	simm.s32 $0x400;
	s6 =	sadd.s32 $0x1E80, s6  }
0xb: {  	s10 =	sadd.s32 $0xF00, s9;
	s12 =	simm.s32 $0x8;
	s31 =	simm.s32 $0x100  }
0xc: {  	s14 =	simm.s32 $0x80;
	s13 =	simm.s32 $0x1FC2;
	s15 =	simm.s32 $0x2  }
0xd: {  	[tilespmem:s8], [sflag:$0x1] =	stream.linear.gather [hbm4b:s7+s5], $0xC800, $0x38;
	[tilespmem:$0x15400] =	vst v63  }
0xe: {  	[hbm:s6@s31], [sflag:s13] =	dma.strided [hbm:s10@s14], $0x100, s12, $0x10   }
0xf: {  	_ =	swait.ge [sflag:s15], $0x100  }
0x10: {  	[sflag:s15] =	ssyncset.done $0x0  }
0x11: {  	s16 =	sadd.s32 $0x4B0, s11;
	[sflag:s15] =	ssyncadd.s32 $0xFFFFFF00  }
0x12: {  	[tilespmem:s5], [sflag:$0x2] =	stream.linear.gather [hbm4b:s16+s5], $0x50, $0x38;
	[tilespmem:$0x15400] =	vst v63  }
0x13: {  	_ =	swait.ge [sflag:s15], $0x50  }
0x14: {  	[sflag:s15] =	ssyncset.done $0x0  }
0x15: {  	s17 =	sadd.s32 $0x4BA, s11;
	[sflag:s15] =	ssyncadd.s32 $0xFFFFFFB0  }
0x16: {  	[tilespmem:s14], [sflag:$0x2] =	stream.linear.gather [hbm4b:s17+s5], $0x50, $0x38;
	[tilespmem:$0x15400] =	vst v63  }
0x17: {  	_ =	swait.ge [sflag:s15], $0x50  }
0x18: {  	[sflag:s15] =	ssyncset.done $0x0  }
0x19: {  	s18 =	sadd.s32 $0x4C4, s11;
	[sflag:s15] =	ssyncadd.s32 $0xFFFFFFB0  }
0x1a: {  	[tilespmem:s31], [sflag:$0x2] =	stream.linear.gather [hbm4b:s18+s5], $0x50, $0x38;
	[tilespmem:$0x15400] =	vst v63  }
0x1b: {  	_ =	swait.ge [sflag:s15], $0x50  }
0x1c: {  	[sflag:s15] =	ssyncset.done $0x0  }
0x1d: {  	s19 =	sadd.s32 $0x4CE, s11;
	s20 =	simm.s32 $0x180;
	[sflag:s15] =	ssyncadd.s32 $0xFFFFFFB0  }
0x1e: {  	[tilespmem:s20], [sflag:$0x2] =	stream.linear.gather [hbm4b:s19+s5], $0x50, $0x38;
	[tilespmem:$0x15400] =	vst v63  }
0x1f: {  	_ =	swait.ge [sflag:s15], $0x50  }
0x20: {  	[sflag:s15] =	ssyncset.done $0x0  }
0x21: {  	s21 =	sadd.s32 $0x4D8, s11;
	s22 =	simm.s32 $0x200;
	[sflag:s15] =	ssyncadd.s32 $0xFFFFFFB0  }
0x22: {  	[tilespmem:s22], [sflag:$0x2] =	stream.linear.gather [hbm4b:s21+s5], $0x50, $0x38;
	[tilespmem:$0x15400] =	vst v63  }
0x23: {  	_ =	swait.ge [sflag:s15], $0x50  }
0x24: {  	[sflag:s15] =	ssyncset.done $0x0  }
0x25: {  	v0 =	vimm.f32 $0.0e+00;
	[sflag:s15] =	ssyncadd.s32 $0xFFFFFFB0  }
0x26: {  	[tilespmem:$0x14400] =	vst v0  }
0x27: {  	[tilespmem:$0x14410] =	vst v0  }
0x28: {  	[tilespmem:$0x14420] =	vst v0  }
0x29: {  	[tilespmem:$0x14430] =	vst v0  }
0x2a: {  	[tilespmem:$0x14440] =	vst v0  }
0x2b: {  	[tilespmem:$0x14450] =	vst v0  }
0x2c: {  	[tilespmem:$0x14460] =	vst v0  }
0x2d: {  	[tilespmem:$0x14470] =	vst v0  }
0x2e: {  	[tilespmem:$0x14480] =	vst v0  }
0x2f: {  	[tilespmem:$0x14490] =	vst v0  }
0x30: {  	[tilespmem:$0x144A0] =	vst v0  }
0x31: {  	[tilespmem:$0x144B0] =	vst v0  }
0x32: {  	[tilespmem:$0x144C0] =	vst v0  }
0x33: {  	[tilespmem:$0x144D0] =	vst v0  }
0x34: {  	[tilespmem:$0x144E0] =	vst v0  }
0x35: {  	[tilespmem:$0x144F0] =	vst v0  }
0x36: {  	[tilespmem:$0x14500] =	vst v0  }
0x37: {  	[tilespmem:$0x14510] =	vst v0  }
0x38: {  	[tilespmem:$0x14520] =	vst v0  }
0x39: {  	[tilespmem:$0x14530] =	vst v0  }
0x3a: {  	[tilespmem:$0x14540] =	vst v0  }
0x3b: {  	[tilespmem:$0x14550] =	vst v0  }
0x3c: {  	[tilespmem:$0x14560] =	vst v0  }
0x3d: {  	[tilespmem:$0x14570] =	vst v0  }
0x3e: {  	[tilespmem:$0x14580] =	vst v0  }
0x3f: {  	[tilespmem:$0x14590] =	vst v0  }
0x40: {  	[tilespmem:$0x145A0] =	vst v0  }
0x41: {  	[tilespmem:$0x145B0] =	vst v0  }
0x42: {  	[tilespmem:$0x145C0] =	vst v0  }
0x43: {  	[tilespmem:$0x145D0] =	vst v0  }
0x44: {  	[tilespmem:$0x145E0] =	vst v0  }
0x45: {  	[tilespmem:$0x145F0] =	vst v0  }
0x46: {  	[tilespmem:$0x14600] =	vst v0  }
0x47: {  	[tilespmem:$0x14610] =	vst v0  }
0x48: {  	[tilespmem:$0x14620] =	vst v0  }
0x49: {  	[tilespmem:$0x14630] =	vst v0  }
0x4a: {  	[tilespmem:$0x14640] =	vst v0  }
0x4b: {  	[tilespmem:$0x14650] =	vst v0  }
0x4c: {  	[tilespmem:$0x14660] =	vst v0  }
0x4d: {  	[tilespmem:$0x14670] =	vst v0  }
0x4e: {  	[tilespmem:$0x14680] =	vst v0  }
0x4f: {  	[tilespmem:$0x14690] =	vst v0  }
0x50: {  	[tilespmem:$0x146A0] =	vst v0  }
0x51: {  	[tilespmem:$0x146B0] =	vst v0  }
0x52: {  	[tilespmem:$0x146C0] =	vst v0  }
0x53: {  	[tilespmem:$0x146D0] =	vst v0  }
0x54: {  	[tilespmem:$0x146E0] =	vst v0  }
0x55: {  	[tilespmem:$0x146F0] =	vst v0  }
0x56: {  	[tilespmem:$0x14700] =	vst v0  }
0x57: {  	[tilespmem:$0x14710] =	vst v0  }
0x58: {  	[tilespmem:$0x14720] =	vst v0  }
0x59: {  	[tilespmem:$0x14730] =	vst v0  }
0x5a: {  	[tilespmem:$0x14740] =	vst v0  }
0x5b: {  	[tilespmem:$0x14750] =	vst v0  }
0x5c: {  	[tilespmem:$0x14760] =	vst v0  }
0x5d: {  	[tilespmem:$0x14770] =	vst v0  }
0x5e: {  	[tilespmem:$0x14780] =	vst v0  }
0x5f: {  	[tilespmem:$0x14790] =	vst v0  }
0x60: {  	[tilespmem:$0x147A0] =	vst v0  }
0x61: {  	[tilespmem:$0x147B0] =	vst v0  }
0x62: {  	[tilespmem:$0x147C0] =	vst v0  }
0x63: {  	[tilespmem:$0x147D0] =	vst v0  }
0x64: {  	[tilespmem:$0x147E0] =	vst v0  }
0x65: {  	[tilespmem:$0x147F0] =	vst v0  }
0x66: {  	[tilespmem:$0x14800] =	vst v0  }
0x67: {  	[tilespmem:$0x14810] =	vst v0  }
0x68: {  	[tilespmem:$0x14820] =	vst v0  }
0x69: {  	[tilespmem:$0x14830] =	vst v0  }
0x6a: {  	[tilespmem:$0x14840] =	vst v0  }
0x6b: {  	[tilespmem:$0x14850] =	vst v0  }
0x6c: {  	[tilespmem:$0x14860] =	vst v0  }
0x6d: {  	[tilespmem:$0x14870] =	vst v0  }
0x6e: {  	[tilespmem:$0x14880] =	vst v0  }
0x6f: {  	[tilespmem:$0x14890] =	vst v0  }
0x70: {  	[tilespmem:$0x148A0] =	vst v0  }
0x71: {  	[tilespmem:$0x148B0] =	vst v0  }
0x72: {  	[tilespmem:$0x148C0] =	vst v0  }
0x73: {  	[tilespmem:$0x148D0] =	vst v0  }
0x74: {  	[tilespmem:$0x148E0] =	vst v0  }
0x75: {  	[tilespmem:$0x148F0] =	vst v0  }
0x76: {  	[tilespmem:$0x14900] =	vst v0  }
0x77: {  	[tilespmem:$0x14910] =	vst v0  }
0x78: {  	[tilespmem:$0x14920] =	vst v0  }
0x79: {  	[tilespmem:$0x14930] =	vst v0  }
0x7a: {  	[tilespmem:$0x14940] =	vst v0  }
0x7b: {  	[tilespmem:$0x14950] =	vst v0  }
0x7c: {  	[tilespmem:$0x14960] =	vst v0  }
0x7d: {  	[tilespmem:$0x14970] =	vst v0  }
0x7e: {  	[tilespmem:$0x14980] =	vst v0  }
0x7f: {  	[tilespmem:$0x14990] =	vst v0  }
0x80: {  	[tilespmem:$0x149A0] =	vst v0  }
0x81: {  	[tilespmem:$0x149B0] =	vst v0  }
0x82: {  	[tilespmem:$0x149C0] =	vst v0  }
0x83: {  	[tilespmem:$0x149D0] =	vst v0  }
0x84: {  	[tilespmem:$0x149E0] =	vst v0  }
0x85: {  	[tilespmem:$0x149F0] =	vst v0  }
0x86: {  	[tilespmem:$0x14A00] =	vst v0  }
0x87: {  	[tilespmem:$0x14A10] =	vst v0  }
0x88: {  	[tilespmem:$0x14A20] =	vst v0  }
0x89: {  	[tilespmem:$0x14A30] =	vst v0  }
0x8a: {  	[tilespmem:$0x14A40] =	vst v0  }
0x8b: {  	[tilespmem:$0x14A50] =	vst v0  }
0x8c: {  	[tilespmem:$0x14A60] =	vst v0  }
0x8d: {  	[tilespmem:$0x14A70] =	vst v0  }
0x8e: {  	[tilespmem:$0x14A80] =	vst v0  }
0x8f: {  	[tilespmem:$0x14A90] =	vst v0  }
0x90: {  	[tilespmem:$0x14AA0] =	vst v0  }
0x91: {  	[tilespmem:$0x14AB0] =	vst v0  }
0x92: {  	[tilespmem:$0x14AC0] =	vst v0  }
0x93: {  	[tilespmem:$0x14AD0] =	vst v0  }
0x94: {  	[tilespmem:$0x14AE0] =	vst v0  }
0x95: {  	[tilespmem:$0x14AF0] =	vst v0  }
0x96: {  	[tilespmem:$0x14B00] =	vst v0  }
0x97: {  	[tilespmem:$0x14B10] =	vst v0  }
0x98: {  	[tilespmem:$0x14B20] =	vst v0  }
0x99: {  	[tilespmem:$0x14B30] =	vst v0  }
0x9a: {  	[tilespmem:$0x14B40] =	vst v0  }
0x9b: {  	[tilespmem:$0x14B50] =	vst v0  }
0x9c: {  	[tilespmem:$0x14B60] =	vst v0  }
0x9d: {  	[tilespmem:$0x14B70] =	vst v0  }
0x9e: {  	[tilespmem:$0x14B80] =	vst v0  }
0x9f: {  	[tilespmem:$0x14B90] =	vst v0  }
0xa0: {  	[tilespmem:$0x14BA0] =	vst v0  }
0xa1: {  	[tilespmem:$0x14BB0] =	vst v0  }
0xa2: {  	[tilespmem:$0x14BC0] =	vst v0  }
0xa3: {  	[tilespmem:$0x14BD0] =	vst v0  }
0xa4: {  	[tilespmem:$0x14BE0] =	vst v0  }
0xa5: {  	s23 =	sadd.s32 $0x7800, s4;
	s24 =	simm.s32 $0x14400;
	[tilespmem:$0x14BF0] =	vst v0  }
0xa6: {  	[spmem:s23] =	stream.linear.scatter [tilespmem:s24], [sflag:$0x2], $0x800, $0x38;
	[tilespmem:$0x15400] =	vst v63  }
0xa7: {  	_ =	swait.ge [sflag:s15], $0x800  }
0xa8: {  	[sflag:s15] =	ssyncset.done $0x0  }
0xa9: {  	[sflag:s15] =	ssyncadd.s32 $0xFFFFF800  }
0xaa: {  	s25 =	simm.s32 $0x1;
	[bflag:$0x0] =	sbarrier.arrive $0xFFFF  }
0xab: {  	_ =	swait.ge [sflag:s25], $0xC800  }
0xac: {  	[sflag:s25] =	ssyncset.done $0x0  }
0xad: {  	s26 =	simm.s32 $0x50;
	[sflag:s25] =	ssyncadd.s32 $0xFFFF3800  }
0xae: {  	[spmem:s4] =	stream.indirect.scatter.add.f32 [tilespmem:s8], [sflag:$0x2], $0x80, s5, s26, $0xb8;
	[tilespmem:$0x15400] =	vst v63  }
0xaf: {  	_ =	swait.ge [sflag:s15], $0x2800  }
0xb0: {  	[sflag:s15] =	ssyncset.done $0x0  }
0xb1: {  	s28 =	simm.s32 $0x2C00;
	[sflag:s15] =	ssyncadd.s32 $0xFFFFD800  }
0xb2: {  	[spmem:s4] =	stream.indirect.scatter.add.f32 [tilespmem:s28], [sflag:$0x2], $0x80, s14, s26, $0xb8;
	[tilespmem:$0x15400] =	vst v63  }
0xb3: {  	_ =	swait.ge [sflag:s15], $0x2800  }
0xb4: {  	[sflag:s15] =	ssyncset.done $0x0  }
0xb5: {  	s29 =	simm.s32 $0x5400;
	[sflag:s15] =	ssyncadd.s32 $0xFFFFD800  }
0xb6: {  	[spmem:s4] =	stream.indirect.scatter.add.f32 [tilespmem:s29], [sflag:$0x2], $0x80, s31, s26, $0xb8;
	[tilespmem:$0x15400] =	vst v63  }
0xb7: {  	_ =	swait.ge [sflag:s15], $0x2800  }
0xb8: {  	[sflag:s15] =	ssyncset.done $0x0  }
0xb9: {  	s30 =	simm.s32 $0x7C00;
	[sflag:s15] =	ssyncadd.s32 $0xFFFFD800  }
0xba: {  	[spmem:s4] =	stream.indirect.scatter.add.f32 [tilespmem:s30], [sflag:$0x2], $0x80, s20, s26, $0xb8;
	[tilespmem:$0x15400] =	vst v63  }
.Ltmp1:
0xbb: {  	_ = 	snop;
	(pc) =	sbr.rel .LBB2_3-.Ltmp1, $4  }
0xbc: {  	_ =	swait.ge [sflag:s15], $0x2800  }
0xbd: {  	[sflag:s15] =	ssyncset.done $0x0  }
0xbe: {  	s31 =	simm.s32 $0xA400;
	[sflag:s15] =	ssyncadd.s32 $0xFFFFD800  }
0xbf: {  	[spmem:s4] =	stream.indirect.scatter.add.f32 [tilespmem:s31], [sflag:$0x2], $0x80, s22, s26, $0xb8;
	[tilespmem:$0x15400] =	vst v63  }
.LBB2_1:
0xc0: {  	s8 =	smul.u32 $0x2800, s1;
	s6 =	sadd.s32 s10, s6;
	s23 =	sshll.u32 s1, $0x8  }
0xc1: {  	s24 =	sshll.u32 s1, $0x6;
	s13 =	simm.s32 $0x8;
	s25 =	simm.s32 $0x80  }
0xc2: {  	s6 =	sadd.s32 $0x80, s6;
	s7 =	sadd.s32 s7, s8;
	s8 =	simm.s32 $0x400  }
0xc3: {  	[tilespmem:s8], [sflag:$0x1] =	stream.linear.gather [hbm4b:s7+s5], $0x14000, $0x38;
	[tilespmem:$0x15400] =	vst v63  }
0xc4: {  	s12 =	sadd.s32 s9, s23;
	s10 =	sor.u32 $0x1C02, s24;
	s7 =	simm.s32 $0x100  }
0xc5: {  	[hbm:s6@s7], [sflag:s10] =	dma.strided [hbm:s12@s25], $0x100, s13, $0x10   }
0xc6: {  	s26 =	smul.u32 $0x280, s1;
	s6 =	simm.s32 $0x2  }
0xc7: {  	_ =	swait.ge [sflag:s6], $0x100  }
0xc8: {  	s10 =	sshrl.u32 s26, $0x3;
	[sflag:s6] =	ssyncset.done $0x0  }
0xc9: {  	s14 =	sadd.s32 s11, s10;
	[sflag:s6] =	ssyncadd.s32 $0xFFFFFF00  }
0xca: {  	[tilespmem:s5], [sflag:$0x2] =	stream.linear.gather [hbm4b:s14+s5], $0x50, $0x38;
	[tilespmem:$0x15400] =	vst v63  }
0xcb: {  	_ =	swait.ge [sflag:s6], $0x50  }
0xcc: {  	[sflag:s6] =	ssyncset.done $0x0  }
0xcd: {  	s10 =	sadd.s32 $0xA, s14;
	[sflag:s6] =	ssyncadd.s32 $0xFFFFFFB0  }
0xce: {  	[tilespmem:s25], [sflag:$0x2] =	stream.linear.gather [hbm4b:s10+s5], $0x50, $0x38;
	[tilespmem:$0x15400] =	vst v63  }
0xcf: {  	_ =	swait.ge [sflag:s6], $0x50  }
0xd0: {  	[sflag:s6] =	ssyncset.done $0x0  }
0xd1: {  	s28 =	sadd.s32 $0x14, s14;
	[sflag:s6] =	ssyncadd.s32 $0xFFFFFFB0  }
0xd2: {  	[tilespmem:s7], [sflag:$0x2] =	stream.linear.gather [hbm4b:s28+s5], $0x50, $0x38;
	[tilespmem:$0x15400] =	vst v63  }
0xd3: {  	_ =	swait.ge [sflag:s6], $0x50  }
0xd4: {  	[sflag:s6] =	ssyncset.done $0x0  }
0xd5: {  	s29 =	simm.s32 $0x180;
	s11 =	sadd.s32 $0x1E, s14;
	[sflag:s6] =	ssyncadd.s32 $0xFFFFFFB0  }
0xd6: {  	[tilespmem:s29], [sflag:$0x2] =	stream.linear.gather [hbm4b:s11+s5], $0x50, $0x38;
	[tilespmem:$0x15400] =	vst v63  }
0xd7: {  	_ =	swait.ge [sflag:s6], $0x50  }
0xd8: {  	[sflag:s6] =	ssyncset.done $0x0  }
0xd9: {  	s31 =	simm.s32 $0x200;
	s30 =	sadd.s32 $0x28, s14;
	[sflag:s6] =	ssyncadd.s32 $0xFFFFFFB0  }
0xda: {  	[tilespmem:s31], [sflag:$0x2] =	stream.linear.gather [hbm4b:s30+s5], $0x50, $0x38;
	[tilespmem:$0x15400] =	vst v63  }
0xdb: {  	_ =	swait.ge [sflag:s6], $0x50  }
0xdc: {  	[sflag:s6] =	ssyncset.done $0x0  }
0xdd: {  	s17 =	simm.s32 $0x280;
	s16 =	sadd.s32 $0x32, s14;
	[sflag:s6] =	ssyncadd.s32 $0xFFFFFFB0  }
0xde: {  	[tilespmem:s17], [sflag:$0x2] =	stream.linear.gather [hbm4b:s16+s5], $0x50, $0x38;
	[tilespmem:$0x15400] =	vst v63  }
0xdf: {  	_ =	swait.ge [sflag:s6], $0x50  }
0xe0: {  	[sflag:s6] =	ssyncset.done $0x0  }
0xe1: {  	s18 =	simm.s32 $0x300;
	s15 =	sadd.s32 $0x3C, s14;
	[sflag:s6] =	ssyncadd.s32 $0xFFFFFFB0  }
0xe2: {  	[tilespmem:s18], [sflag:$0x2] =	stream.linear.gather [hbm4b:s15+s5], $0x50, $0x38;
	[tilespmem:$0x15400] =	vst v63  }
0xe3: {  	_ =	swait.ge [sflag:s6], $0x50  }
0xe4: {  	[sflag:s6] =	ssyncset.done $0x0  }
0xe5: {  	s20 =	simm.s32 $0x380;
	s19 =	sadd.s32 $0x46, s14;
	[sflag:s6] =	ssyncadd.s32 $0xFFFFFFB0  }
0xe6: {  	[tilespmem:s20], [sflag:$0x2] =	stream.linear.gather [hbm4b:s19+s5], $0x50, $0x38;
	[tilespmem:$0x15400] =	vst v63  }
0xe7: {  	_ =	swait.ge [sflag:s6], $0x50  }
0xe8: {  	[sflag:s6] =	ssyncset.done $0x0  }
0xe9: {  	v0 =	vimm.f32 $0.0e+00;
	[sflag:s6] =	ssyncadd.s32 $0xFFFFFFB0  }
0xea: {  	[tilespmem:$0x14400] =	vst v0  }
0xeb: {  	[tilespmem:$0x14410] =	vst v0  }
0xec: {  	[tilespmem:$0x14420] =	vst v0  }
0xed: {  	[tilespmem:$0x14430] =	vst v0  }
0xee: {  	[tilespmem:$0x14440] =	vst v0  }
0xef: {  	[tilespmem:$0x14450] =	vst v0  }
0xf0: {  	[tilespmem:$0x14460] =	vst v0  }
0xf1: {  	[tilespmem:$0x14470] =	vst v0  }
0xf2: {  	[tilespmem:$0x14480] =	vst v0  }
0xf3: {  	[tilespmem:$0x14490] =	vst v0  }
0xf4: {  	[tilespmem:$0x144A0] =	vst v0  }
0xf5: {  	[tilespmem:$0x144B0] =	vst v0  }
0xf6: {  	[tilespmem:$0x144C0] =	vst v0  }
0xf7: {  	[tilespmem:$0x144D0] =	vst v0  }
0xf8: {  	[tilespmem:$0x144E0] =	vst v0  }
0xf9: {  	[tilespmem:$0x144F0] =	vst v0  }
0xfa: {  	[tilespmem:$0x14500] =	vst v0  }
0xfb: {  	[tilespmem:$0x14510] =	vst v0  }
0xfc: {  	[tilespmem:$0x14520] =	vst v0  }
0xfd: {  	[tilespmem:$0x14530] =	vst v0  }
0xfe: {  	[tilespmem:$0x14540] =	vst v0  }
0xff: {  	[tilespmem:$0x14550] =	vst v0  }
0x100: {  	[tilespmem:$0x14560] =	vst v0  }
0x101: {  	[tilespmem:$0x14570] =	vst v0  }
0x102: {  	[tilespmem:$0x14580] =	vst v0  }
0x103: {  	[tilespmem:$0x14590] =	vst v0  }
0x104: {  	[tilespmem:$0x145A0] =	vst v0  }
0x105: {  	[tilespmem:$0x145B0] =	vst v0  }
0x106: {  	[tilespmem:$0x145C0] =	vst v0  }
0x107: {  	[tilespmem:$0x145D0] =	vst v0  }
0x108: {  	[tilespmem:$0x145E0] =	vst v0  }
0x109: {  	[tilespmem:$0x145F0] =	vst v0  }
0x10a: {  	[tilespmem:$0x14600] =	vst v0  }
0x10b: {  	[tilespmem:$0x14610] =	vst v0  }
0x10c: {  	[tilespmem:$0x14620] =	vst v0  }
0x10d: {  	[tilespmem:$0x14630] =	vst v0  }
0x10e: {  	[tilespmem:$0x14640] =	vst v0  }
0x10f: {  	[tilespmem:$0x14650] =	vst v0  }
0x110: {  	[tilespmem:$0x14660] =	vst v0  }
0x111: {  	[tilespmem:$0x14670] =	vst v0  }
0x112: {  	[tilespmem:$0x14680] =	vst v0  }
0x113: {  	[tilespmem:$0x14690] =	vst v0  }
0x114: {  	[tilespmem:$0x146A0] =	vst v0  }
0x115: {  	[tilespmem:$0x146B0] =	vst v0  }
0x116: {  	[tilespmem:$0x146C0] =	vst v0  }
0x117: {  	[tilespmem:$0x146D0] =	vst v0  }
0x118: {  	[tilespmem:$0x146E0] =	vst v0  }
0x119: {  	[tilespmem:$0x146F0] =	vst v0  }
0x11a: {  	[tilespmem:$0x14700] =	vst v0  }
0x11b: {  	[tilespmem:$0x14710] =	vst v0  }
0x11c: {  	[tilespmem:$0x14720] =	vst v0  }
0x11d: {  	[tilespmem:$0x14730] =	vst v0  }
0x11e: {  	[tilespmem:$0x14740] =	vst v0  }
0x11f: {  	[tilespmem:$0x14750] =	vst v0  }
0x120: {  	[tilespmem:$0x14760] =	vst v0  }
0x121: {  	[tilespmem:$0x14770] =	vst v0  }
0x122: {  	[tilespmem:$0x14780] =	vst v0  }
0x123: {  	[tilespmem:$0x14790] =	vst v0  }
0x124: {  	[tilespmem:$0x147A0] =	vst v0  }
0x125: {  	[tilespmem:$0x147B0] =	vst v0  }
0x126: {  	[tilespmem:$0x147C0] =	vst v0  }
0x127: {  	[tilespmem:$0x147D0] =	vst v0  }
0x128: {  	[tilespmem:$0x147E0] =	vst v0  }
0x129: {  	[tilespmem:$0x147F0] =	vst v0  }
0x12a: {  	[tilespmem:$0x14800] =	vst v0  }
0x12b: {  	[tilespmem:$0x14810] =	vst v0  }
0x12c: {  	[tilespmem:$0x14820] =	vst v0  }
0x12d: {  	[tilespmem:$0x14830] =	vst v0  }
0x12e: {  	[tilespmem:$0x14840] =	vst v0  }
0x12f: {  	[tilespmem:$0x14850] =	vst v0  }
0x130: {  	[tilespmem:$0x14860] =	vst v0  }
0x131: {  	[tilespmem:$0x14870] =	vst v0  }
0x132: {  	[tilespmem:$0x14880] =	vst v0  }
0x133: {  	[tilespmem:$0x14890] =	vst v0  }
0x134: {  	[tilespmem:$0x148A0] =	vst v0  }
0x135: {  	[tilespmem:$0x148B0] =	vst v0  }
0x136: {  	[tilespmem:$0x148C0] =	vst v0  }
0x137: {  	[tilespmem:$0x148D0] =	vst v0  }
0x138: {  	[tilespmem:$0x148E0] =	vst v0  }
0x139: {  	[tilespmem:$0x148F0] =	vst v0  }
0x13a: {  	[tilespmem:$0x14900] =	vst v0  }
0x13b: {  	[tilespmem:$0x14910] =	vst v0  }
0x13c: {  	[tilespmem:$0x14920] =	vst v0  }
0x13d: {  	[tilespmem:$0x14930] =	vst v0  }
0x13e: {  	[tilespmem:$0x14940] =	vst v0  }
0x13f: {  	[tilespmem:$0x14950] =	vst v0  }
0x140: {  	[tilespmem:$0x14960] =	vst v0  }
0x141: {  	[tilespmem:$0x14970] =	vst v0  }
0x142: {  	[tilespmem:$0x14980] =	vst v0  }
0x143: {  	[tilespmem:$0x14990] =	vst v0  }
0x144: {  	[tilespmem:$0x149A0] =	vst v0  }
0x145: {  	[tilespmem:$0x149B0] =	vst v0  }
0x146: {  	[tilespmem:$0x149C0] =	vst v0  }
0x147: {  	[tilespmem:$0x149D0] =	vst v0  }
0x148: {  	[tilespmem:$0x149E0] =	vst v0  }
0x149: {  	[tilespmem:$0x149F0] =	vst v0  }
0x14a: {  	[tilespmem:$0x14A00] =	vst v0  }
0x14b: {  	[tilespmem:$0x14A10] =	vst v0  }
0x14c: {  	[tilespmem:$0x14A20] =	vst v0  }
0x14d: {  	[tilespmem:$0x14A30] =	vst v0  }
0x14e: {  	[tilespmem:$0x14A40] =	vst v0  }
0x14f: {  	[tilespmem:$0x14A50] =	vst v0  }
0x150: {  	[tilespmem:$0x14A60] =	vst v0  }
0x151: {  	[tilespmem:$0x14A70] =	vst v0  }
0x152: {  	[tilespmem:$0x14A80] =	vst v0  }
0x153: {  	[tilespmem:$0x14A90] =	vst v0  }
0x154: {  	[tilespmem:$0x14AA0] =	vst v0  }
0x155: {  	[tilespmem:$0x14AB0] =	vst v0  }
0x156: {  	[tilespmem:$0x14AC0] =	vst v0  }
0x157: {  	[tilespmem:$0x14AD0] =	vst v0  }
0x158: {  	[tilespmem:$0x14AE0] =	vst v0  }
0x159: {  	[tilespmem:$0x14AF0] =	vst v0  }
0x15a: {  	[tilespmem:$0x14B00] =	vst v0  }
0x15b: {  	[tilespmem:$0x14B10] =	vst v0  }
0x15c: {  	[tilespmem:$0x14B20] =	vst v0  }
0x15d: {  	[tilespmem:$0x14B30] =	vst v0  }
0x15e: {  	[tilespmem:$0x14B40] =	vst v0  }
0x15f: {  	[tilespmem:$0x14B50] =	vst v0  }
0x160: {  	[tilespmem:$0x14B60] =	vst v0  }
0x161: {  	[tilespmem:$0x14B70] =	vst v0  }
0x162: {  	[tilespmem:$0x14B80] =	vst v0  }
0x163: {  	[tilespmem:$0x14B90] =	vst v0  }
0x164: {  	[tilespmem:$0x14BA0] =	vst v0  }
0x165: {  	[tilespmem:$0x14BB0] =	vst v0  }
0x166: {  	[tilespmem:$0x14BC0] =	vst v0  }
0x167: {  	[tilespmem:$0x14BD0] =	vst v0  }
0x168: {  	[tilespmem:$0x14BE0] =	vst v0  }
0x169: {  	s21 =	simm.s32 $0x14400;
	[tilespmem:$0x14BF0] =	vst v0  }
0x16a: {  	[spmem:s3] =	stream.linear.scatter [tilespmem:s21], [sflag:$0x2], $0x800, $0x38;
	[tilespmem:$0x15400] =	vst v63  }
0x16b: {  	_ =	swait.ge [sflag:s6], $0x800  }
0x16c: {  	[sflag:s6] =	ssyncset.done $0x0  }
0x16d: {  	[sflag:s6] =	ssyncadd.s32 $0xFFFFF800  }
0x16e: {  	s22 =	simm.s32 $0x1;
	[bflag:$0x0] =	sbarrier.arrive $0xFFFF  }
0x16f: {  	_ =	swait.ge [sflag:s22], $0x14000  }
0x170: {  	[sflag:s22] =	ssyncset.done $0x0  }
0x171: {  	s23 =	simm.s32 $0x50;
	[sflag:s22] =	ssyncadd.s32 $0xFFFEC000  }
0x172: {  	[spmem:s4] =	stream.indirect.scatter.add.f32 [tilespmem:s8], [sflag:$0x2], $0x80, s5, s23, $0xb8;
	[tilespmem:$0x15400] =	vst v63  }
0x173: {  	_ =	swait.ge [sflag:s6], $0x2800  }
0x174: {  	[sflag:s6] =	ssyncset.done $0x0  }
0x175: {  	s24 =	simm.s32 $0x2C00;
	[sflag:s6] =	ssyncadd.s32 $0xFFFFD800  }
0x176: {  	[spmem:s4] =	stream.indirect.scatter.add.f32 [tilespmem:s24], [sflag:$0x2], $0x80, s25, s23, $0xb8;
	[tilespmem:$0x15400] =	vst v63  }
0x177: {  	_ =	swait.ge [sflag:s6], $0x2800  }
0x178: {  	[sflag:s6] =	ssyncset.done $0x0  }
0x179: {  	s25 =	simm.s32 $0x5400;
	[sflag:s6] =	ssyncadd.s32 $0xFFFFD800  }
0x17a: {  	[spmem:s4] =	stream.indirect.scatter.add.f32 [tilespmem:s25], [sflag:$0x2], $0x80, s7, s23, $0xb8;
	[tilespmem:$0x15400] =	vst v63  }
0x17b: {  	_ =	swait.ge [sflag:s6], $0x2800  }
0x17c: {  	[sflag:s6] =	ssyncset.done $0x0  }
0x17d: {  	s26 =	simm.s32 $0x7C00;
	[sflag:s6] =	ssyncadd.s32 $0xFFFFD800  }
0x17e: {  	[spmem:s4] =	stream.indirect.scatter.add.f32 [tilespmem:s26], [sflag:$0x2], $0x80, s29, s23, $0xb8;
	[tilespmem:$0x15400] =	vst v63  }
0x17f: {  	_ =	swait.ge [sflag:s6], $0x2800  }
0x180: {  	[sflag:s6] =	ssyncset.done $0x0  }
0x181: {  	s28 =	simm.s32 $0xA400;
	[sflag:s6] =	ssyncadd.s32 $0xFFFFD800  }
0x182: {  	[spmem:s4] =	stream.indirect.scatter.add.f32 [tilespmem:s28], [sflag:$0x2], $0x80, s31, s23, $0xb8;
	[tilespmem:$0x15400] =	vst v63  }
0x183: {  	_ =	swait.ge [sflag:s6], $0x2800  }
0x184: {  	[sflag:s6] =	ssyncset.done $0x0  }
0x185: {  	s29 =	simm.s32 $0xCC00;
	[sflag:s6] =	ssyncadd.s32 $0xFFFFD800  }
0x186: {  	[spmem:s4] =	stream.indirect.scatter.add.f32 [tilespmem:s29], [sflag:$0x2], $0x80, s17, s23, $0xb8;
	[tilespmem:$0x15400] =	vst v63  }
0x187: {  	_ =	swait.ge [sflag:s6], $0x2800  }
0x188: {  	[sflag:s6] =	ssyncset.done $0x0  }
0x189: {  	s30 =	simm.s32 $0xF400;
	[sflag:s6] =	ssyncadd.s32 $0xFFFFD800  }
0x18a: {  	[spmem:s4] =	stream.indirect.scatter.add.f32 [tilespmem:s30], [sflag:$0x2], $0x80, s18, s23, $0xb8;
	[tilespmem:$0x15400] =	vst v63  }
0x18b: {  	_ =	swait.ge [sflag:s6], $0x2800  }
0x18c: {  	[sflag:s6] =	ssyncset.done $0x0  }
0x18d: {  	s31 =	simm.s32 $0x11C00;
	[sflag:s6] =	ssyncadd.s32 $0xFFFFD800  }
0x18e: {  	[spmem:s4] =	stream.indirect.scatter.add.f32 [tilespmem:s31], [sflag:$0x2], $0x80, s20, s23, $0xb8;
	[tilespmem:$0x15400] =	vst v63  }
.LBB2_3:
0x18f: {  	s4 =	simm.s32 $0x2  }
0x190: {  	_ =	swait.ge [sflag:s4], $0x2800  }
0x191: {  	s5 =	sshll.u32 s1, $0x6;
	s3 =	sshrl.u32 s3, $0x3;
	[sflag:s4] =	ssyncset.done $0x0  }
0x192: {  	s6 =	simm.s32 $0x8;
	s7 =	simm.s32 $0x100;
	[sflag:s4] =	ssyncadd.s32 $0xFFFFD800  }
0x193: {  	s8 =	simm.s32 $0x80;
	s5 =	sor.u32 $0x1C02, s5;
	[bflag:$0x0] =	sbarrier.arrive $0xFFFF  }
0x194: {  	[hbm:s2@s7], [sflag:s5] =	dma.strided [spmem:s3@s8], $0x100, s6, $0x10   }
0x195: {  	_ =	swait.ge [sflag:s4], $0x100  }
0x196: {  	[sflag:s4] =	ssyncset.done $0x0  }
0x197: {  	[sflag:s4] =	ssyncadd.s32 $0xFFFFFF00  }
0x198: {  	_ =	sfence.sel $0x180000  }
0x199: {  	[bflag:$0x0] =	sbarrier.arrive $0xFFFF  }
0x19a: {  	p0 =	sne.s32 s1, $0x0;
	_ =	strace $0x90000047  }
0x19b: {  	s0 =	sadd.s32 @!p0 $0x100000, s0;
	[bflag:$0x2] =	sbarrier.arrive $0xFFFF  }
0x19c: {  	[sflag:s0] =	ssyncadd.tile.s32 @!p0 $0x1;
	_ =	shalt  }
.Lfunc_end2:
_tile_overlayer_lowered:
.L_overlay_start_2:
0x19d: {  	(tag) =	ssettag $0x2  }
0x19e: {  	s0 =	rddreg [dreg:$0x0];
	s2 =	stileid.u32  }
0x19f: {  	s1 =	rddreg [dreg:$0x1];
	p0 =	sne.s32 s2, $0x0  }
0x1a0: {  	s3 =	rddreg [dreg:$0x2];
	[bflag:$0x3] =	sbarrier.arrive $0xFFFF;
	s2 =	simm.s32 @!p0 $0x1C02  }
0x1a1: {  	[timem:s3], [sflag:s2] =	dma.local @!p0 [hbm:s0], s1  }
0x1a2: {  	s0 =	simm.s32 @!p0 $0x2  }
0x1a3: {  	_ =	swait.ge @!p0 [sflag:s0], s1  }
0x1a4: {  	s1 =	ssub.s32 @!p0 $0x0, s1;
	[sflag:s0] =	ssyncset.done @!p0 $0x0  }
0x1a5: {  	[sflag:s0] =	ssyncadd.s32 @!p0 s1  }
0x1a6: {  	[bflag:$0x3] =	sbarrier.arrive $0xFFFF  }
0x1a7: {  	_ =	shalt  }

</sc_bundles>
